<compile_context>
chip_gen: v7x
topology: tpu7x:2x2x1
jax: 0.10.2.dev20260603
libtpu: 0.0.44.dev20260713+nightly
codegen_flags: <defaults>
</compile_context>

<pallas_src>
import jax
import jax.numpy as jnp
from jax import lax
from jax.experimental import pallas as pl
from jax.experimental.pallas import tpu as pltpu
from jax.experimental.pallas import tpu_sc as plsc

N = 3200000
NUM_SEGMENTS = 100000
NW = 32
S_W = NUM_SEGMENTS // NW
C = 1024
G = C // 16
SA = (S_W + 1) // 2
SB = S_W - SA
A_ROWS = 1568
SUBK = 1024
NSUB = 3200


def _pool_body(xs_hbm, ys_hbm, zs_hbm, ids_hbm, sub_hbm, wpack_hbm,
               out_hbm,
               sub_v, w1_v,
               xa0, ya0, za0, ia0, xa1, ya1, za1, ia1,
               xb0, yb0, zb0, ib0, xb1, yb1, zb1, ib1,
               accA0, accA1, accB0, accB1, sem0, sem1):
    c = lax.axis_index("c")
    s = lax.axis_index("s")
    w = s * 2 + c
    segA = w * S_W
    segB = segA + SA

    pltpu.sync_copy(sub_hbm, sub_v)
    pltpu.sync_copy(wpack_hbm, w1_v)
    w1x = w1_v[0]
    w1y = w1_v[1]
    w1z = w1_v[2]
    b1v = w1_v[3]
    iota = lax.iota(jnp.int32, 16)

    zeros = jnp.zeros((16,), jnp.float32)

    def zbody(r, carry):
        for u in range(4):
            o = (4 * r + u) * 16
            accA0[pl.ds(o, 16)] = zeros
            accA1[pl.ds(o, 16)] = zeros
            accB0[pl.ds(o, 16)] = zeros
            accB1[pl.ds(o, 16)] = zeros
        return carry

    lax.fori_loop(0, A_ROWS // 4, zbody, 0)

    bA = segA
    bB = segB
    bE = segA + S_W
    czero = jnp.zeros((16,), jnp.int32)
    ones = jnp.full((16,), 1, jnp.int32)

    def cbody(i, cs):
        cA, cB, cE = cs
        sv16 = sub_v[pl.ds(i * 16, 16)]
        cA = cA + jnp.where(sv16 < bA, ones, czero)
        cB = cB + jnp.where(sv16 < bB, ones, czero)
        cE = cE + jnp.where(sv16 < bE, ones, czero)
        return (cA, cB, cE)

    cA, cB, cE = lax.fori_loop(0, NSUB // 16, cbody, (czero, czero, czero))
    cntA = jnp.sum(cA)
    cntB = jnp.sum(cB)
    cntE = jnp.sum(cE)
    baseA = jnp.maximum(cntA - 1, 0) * SUBK
    endA = jnp.minimum(cntB * SUBK, N)
    baseB = jnp.maximum(cntB - 1, 0) * SUBK
    endB = jnp.minimum(cntE * SUBK, N)
    baseA = pl.multiple_of(baseA, 8)
    baseB = pl.multiple_of(baseB, 8)
    ncA = (endA - baseA + C - 1) // C
    ncB = (endB - baseB + C - 1) // C
    nchunks = jnp.maximum(ncA, ncB)
    nhalf = (nchunks + 1) // 2

    def issue(i, bufs, sem):
        xa, ya, za, ia, xb, yb, zb, ib = bufs
        offA = pl.multiple_of(jnp.minimum(baseA + i * C, N - C), 8)
        offB = pl.multiple_of(jnp.minimum(baseB + i * C, N - C), 8)
        for off, bx, by, bz, bi in ((offA, xa, ya, za, ia),
                                    (offB, xb, yb, zb, ib)):
            pltpu.async_copy(xs_hbm.at[pl.ds(off, C)], bx.at[pl.ds(0, C)], sem)
            pltpu.async_copy(ys_hbm.at[pl.ds(off, C)], by.at[pl.ds(0, C)], sem)
            pltpu.async_copy(zs_hbm.at[pl.ds(off, C)], bz.at[pl.ds(0, C)], sem)
            pltpu.async_copy(ids_hbm.at[pl.ds(off, C)], bi.at[pl.ds(0, C)], sem)

    def drain(sem, bufs):
        for buf in bufs:
            src_ref = ids_hbm if buf.dtype == jnp.int32 else xs_hbm
            pltpu.make_async_copy(
                src_ref.at[pl.ds(0, C)], buf.at[pl.ds(0, C)], sem).wait()

    def process(bufs):
        xa, ya, za, ia, xb, yb, zb, ib = bufs

        def gbody(g, carry):
            go = g * 16
            loaded = []
            for (bx, by, bz, bi, sb, ns, a0, a1) in (
                    (xa, ya, za, ia, segA, SA, accA0, accA1),
                    (xb, yb, zb, ib, segB, SB, accB0, accB1)):
                idv = bi[pl.ds(go, 16)]
                lid = idv - sb
                ok = (lid >= 0) & (lid < ns)
                addrv = jnp.where(ok, lid, A_ROWS - 1) * 16
                xv = bx[pl.ds(go, 16)]
                yv = by[pl.ds(go, 16)]
                zv = bz[pl.ds(go, 16)]
                loaded.append((xv, yv, zv, addrv, a0, a1))
            for half in (0, 1):
                work = []
                for p in range(half * 8, half * 8 + 8):
                    for xv, yv, zv, addrv, a0, a1 in loaded:
                        v = ((xv[p] * w1x + yv[p] * w1y)
                             + (zv[p] * w1z + b1v))
                        work.append((v, addrv[p] + iota,
                                     a0 if p % 2 == 0 else a1))
                for v, ix, a in work:
                    cur = plsc.load_gather(a, [ix])
                    plsc.store_scatter(a, [ix], jnp.maximum(cur, v))
            return carry

        lax.fori_loop(0, G, gbody, 0)

    bufs0 = (xa0, ya0, za0, ia0, xb0, yb0, zb0, ib0)
    bufs1 = (xa1, ya1, za1, ia1, xb1, yb1, zb1, ib1)

    issue(0, bufs0, sem0)

    def pair_body(h, carry):
        i = 2 * h
        issue(i + 1, bufs1, sem1)
        drain(sem0, bufs0)
        process(bufs0)
        issue(i + 2, bufs0, sem0)
        drain(sem1, bufs1)
        process(bufs1)
        return carry

    lax.fori_loop(0, nhalf, pair_body, 0)

    drain(sem0, bufs0)

    def mbody(r, carry):
        for u in range(4):
            o = (4 * r + u) * 16
            accA0[pl.ds(o, 16)] = jnp.maximum(accA0[pl.ds(o, 16)],
                                              accA1[pl.ds(o, 16)])
            accB0[pl.ds(o, 16)] = jnp.maximum(accB0[pl.ds(o, 16)],
                                              accB1[pl.ds(o, 16)])
        return carry

    lax.fori_loop(0, A_ROWS // 4, mbody, 0)

    offA = pl.multiple_of(segA * 16, 8)
    offB = pl.multiple_of(segB * 16, 8)
    pltpu.sync_copy(accA0.at[pl.ds(0, SA * 16)], out_hbm.at[pl.ds(offA, SA * 16)])
    pltpu.sync_copy(accB0.at[pl.ds(0, SB * 16)], out_hbm.at[pl.ds(offB, SB * 16)])


def _sc_pool(xs, ys, zs, ids, sub, wpack):
    mesh = plsc.VectorSubcoreMesh(
        core_axis_name="c", subcore_axis_name="s", num_cores=2, num_subcores=16
    )
    fbuf = pltpu.VMEM((C + 16,), jnp.float32)
    ibuf = pltpu.VMEM((C + 16,), jnp.int32)
    abuf = pltpu.VMEM((A_ROWS * 16,), jnp.float32)
    return pl.kernel(
        _pool_body,
        out_type=jax.ShapeDtypeStruct((NUM_SEGMENTS * 16,), jnp.float32),
        mesh=mesh,
        compiler_params=pltpu.CompilerParams(needs_layout_passes=False),
        scratch_types=[
            pltpu.VMEM((NSUB,), jnp.int32),
            pltpu.VMEM((4, 16), jnp.float32),
            fbuf, fbuf, fbuf, ibuf, fbuf, fbuf, fbuf, ibuf,
            fbuf, fbuf, fbuf, ibuf, fbuf, fbuf, fbuf, ibuf,
            abuf, abuf, abuf, abuf,
            pltpu.SemaphoreType.DMA,
            pltpu.SemaphoreType.DMA,
        ],
    )(xs, ys, zs, ids, sub, wpack)


def _mlp_body(pool_ref, w2_ref, b2_ref, w3_ref, b3_ref, out_ref):
    pr = pool_ref[...].astype(jnp.bfloat16)
    h = jnp.dot(pr, w2_ref[...], preferred_element_type=jnp.float32)
    h = jnp.maximum(h + b2_ref[...], 0.0)
    o = jnp.dot(h.astype(jnp.bfloat16), w3_ref[...],
                preferred_element_type=jnp.float32)
    out_ref[...] = jnp.maximum(o + b3_ref[...], 0.0)


def _tc_mlp(pool, W2, b2, W3, b3):
    rb = 10000
    grid = NUM_SEGMENTS // rb
    return pl.pallas_call(
        _mlp_body,
        grid=(grid,),
        in_specs=[
            pl.BlockSpec((rb, 16), lambda i: (i, 0)),
            pl.BlockSpec((16, 16), lambda i: (0, 0)),
            pl.BlockSpec((1, 16), lambda i: (0, 0)),
            pl.BlockSpec((16, 16), lambda i: (0, 0)),
            pl.BlockSpec((1, 16), lambda i: (0, 0)),
        ],
        out_specs=pl.BlockSpec((rb, 16), lambda i: (i, 0)),
        out_shape=jax.ShapeDtypeStruct((NUM_SEGMENTS, 16), jnp.float32),
    )(pool, W2.astype(jnp.bfloat16), b2.reshape(1, 16),
      W3.astype(jnp.bfloat16), b3.reshape(1, 16))


def kernel(points, cluster, W1, b1, W2, b2, W3, b3):
    ids = cluster.astype(jnp.int32)
    xs = points[:, 0].astype(jnp.bfloat16).astype(jnp.float32)
    ys = points[:, 1].astype(jnp.bfloat16).astype(jnp.float32)
    zs = points[:, 2].astype(jnp.bfloat16).astype(jnp.float32)
    sub = jnp.concatenate([ids[::SUBK],
                           jnp.full((NSUB - N // SUBK,), 1 << 30, jnp.int32)])
    W1_r = W1.astype(jnp.bfloat16).astype(jnp.float32)
    wpack = jnp.concatenate([W1_r, b1[None, :]], axis=0)
    pool = _sc_pool(xs, ys, zs, ids, sub, wpack).reshape(NUM_SEGMENTS, 16)
    return _tc_mlp(pool, W2, b2, W3, b3)

# --- scband reference (transcript-rebuilt; emitter-appended) ---
"""Pipeline reference for scband-neighborhood-encoder-67723044323928 (READ-ONLY COPY).

The authoritative reference and input builder live on the scoring server;
editing this copy changes nothing except your own understanding.
"""

import jax, jax.numpy as jnp
import numpy as np

N = 3200000
NUM_SEGMENTS = 100000
F1, F2, F3 = 16, 16, 16


def setup_inputs(seed: int = 0) -> dict:
    key = jax.random.key(seed)
    k_pts, k_cl, k1, k2, k3, k4, k5, k6 = jax.random.split(key, 8)
    points = jax.random.normal(k_pts, (N, 3), dtype=jnp.float32)
    cluster = jnp.sort(jax.random.randint(k_cl, (N,), 0, NUM_SEGMENTS, dtype=jnp.int64))
    # Linear layers: torch nn.Linear(in, out) -> W[in, out], b[out]
    W1 = jax.random.normal(k1, (3, F1), dtype=jnp.float32) * (1.0 / np.sqrt(3.0))
    b1 = jax.random.normal(k2, (F1,), dtype=jnp.float32) * 0.01
    W2 = jax.random.normal(k3, (F1, F2), dtype=jnp.float32) * (1.0 / np.sqrt(F1))
    b2 = jax.random.normal(k4, (F2,), dtype=jnp.float32) * 0.01
    W3 = jax.random.normal(k5, (F2, F3), dtype=jnp.float32) * (1.0 / np.sqrt(F2))
    b3 = jax.random.normal(k6, (F3,), dtype=jnp.float32) * 0.01
    return {"points": points, "cluster": cluster, "W1": W1, "b1": b1, "W2": W2, "b2": b2, "W3": W3, "b3": b3}


def reference(points, cluster, W1, b1, W2, b2, W3, b3):
    # fc1 applied pointwise
    fc1 = jax.nn.relu(points @ W1 + b1)
    # global_max_pool == segment max over cluster ids
    pool = jax.ops.segment_max(fc1, cluster, num_segments=NUM_SEGMENTS, indices_are_sorted=True)
    # empty segments -> 0 (matches scatter-max with zero-initialized output)
    pool = jnp.where(jnp.isfinite(pool), pool, 0.0)
    fc2 = jax.nn.relu(pool @ W2 + b2)
    return jax.nn.relu(fc2 @ W3 + b3)

if __name__ == "__main__":
    import jax
    _d = setup_inputs()
    print(jax.jit(kernel)(*tuple(_d.values())))

</pallas_src>

<mosaic_0001>
#map = affine_map<(d0, d1) -> (0)>
#map1 = affine_map<(d0, d1) -> (0, 0)>
module attributes {stable_mosaic.version = 14 : i64} {
  func.func @_pool_body(%arg0: i32, %arg1: i32, %arg2: memref<3200000xf32, #tpu.memory_space<hbm>>, %arg3: memref<3200000xf32, #tpu.memory_space<hbm>>, %arg4: memref<3200000xf32, #tpu.memory_space<hbm>>, %arg5: memref<3200000xi32, #tpu.memory_space<hbm>>, %arg6: memref<3200xi32, #tpu.memory_space<hbm>>, %arg7: memref<4x16xf32, #tpu.memory_space<hbm>>, %arg8: memref<1600000xf32, #tpu.memory_space<hbm>>, %arg9: memref<3200xi32, #tpu.memory_space<vmem>>, %arg10: memref<4x16xf32, #tpu.memory_space<vmem>>, %arg11: memref<1040xf32, #tpu.memory_space<vmem>>, %arg12: memref<1040xf32, #tpu.memory_space<vmem>>, %arg13: memref<1040xf32, #tpu.memory_space<vmem>>, %arg14: memref<1040xi32, #tpu.memory_space<vmem>>, %arg15: memref<1040xf32, #tpu.memory_space<vmem>>, %arg16: memref<1040xf32, #tpu.memory_space<vmem>>, %arg17: memref<1040xf32, #tpu.memory_space<vmem>>, %arg18: memref<1040xi32, #tpu.memory_space<vmem>>, %arg19: memref<1040xf32, #tpu.memory_space<vmem>>, %arg20: memref<1040xf32, #tpu.memory_space<vmem>>, %arg21: memref<1040xf32, #tpu.memory_space<vmem>>, %arg22: memref<1040xi32, #tpu.memory_space<vmem>>, %arg23: memref<1040xf32, #tpu.memory_space<vmem>>, %arg24: memref<1040xf32, #tpu.memory_space<vmem>>, %arg25: memref<1040xf32, #tpu.memory_space<vmem>>, %arg26: memref<1040xi32, #tpu.memory_space<vmem>>, %arg27: memref<25088xf32, #tpu.memory_space<vmem>>, %arg28: memref<25088xf32, #tpu.memory_space<vmem>>, %arg29: memref<25088xf32, #tpu.memory_space<vmem>>, %arg30: memref<25088xf32, #tpu.memory_space<vmem>>, %arg31: memref<!tpu.dma_semaphore, #tpu.memory_space<semaphore_mem>>, %arg32: memref<!tpu.dma_semaphore, #tpu.memory_space<semaphore_mem>>) attributes {dimension_semantics = [#tpu.dimension_semantics<core_parallel>, #tpu.dimension_semantics<subcore_parallel>], iteration_bounds = array<i64: 2, 16>, scalar_prefetch = 0 : i64, scratch_operands = 24 : i64, tpu.core_type = #tpu.core_type<sc_vector_subcore>, window_params = [{transform_indices = #map}, {transform_indices = #map}, {transform_indices = #map}, {transform_indices = #map}, {transform_indices = #map}, {transform_indices = #map1}, {transform_indices = #map}]} {
    %mul3A = arith.constant 2 : i32
    %mul3A_0 = arith.muli %arg1, %mul3A : i32
    %add3A = arith.addi %mul3A_0, %arg0 : i32
    %mul3A_1 = arith.constant 3125 : i32
    %mul3A_2 = arith.muli %add3A, %mul3A_1 : i32
    %add3A_3 = arith.constant 1563 : i32
    %add3A_4 = arith.addi %mul3A_2, %add3A_3 : i32
    "tpu.region"() ({
      %run_scoped3A = tpu.sem_alloc : memref<!tpu.dma_semaphore, #tpu.memory_space<semaphore_mem>>
      tpu.enqueue_dma source(%arg6 : memref<3200xi32, #tpu.memory_space<hbm>>) target(%arg9 : memref<3200xi32, #tpu.memory_space<vmem>>) target_semaphore(%run_scoped3A : memref<!tpu.dma_semaphore, #tpu.memory_space<semaphore_mem>>)
      tpu.wait_dma2 semaphore(%run_scoped3A : memref<!tpu.dma_semaphore, #tpu.memory_space<semaphore_mem>>) src(%arg6 : memref<3200xi32, #tpu.memory_space<hbm>>) dst(%arg9 : memref<3200xi32, #tpu.memory_space<vmem>>)
      tpu.yield
    }) : () -> ()
    "tpu.region"() ({
      %run_scoped3A = tpu.sem_alloc : memref<!tpu.dma_semaphore, #tpu.memory_space<semaphore_mem>>
      tpu.enqueue_dma source(%arg7 : memref<4x16xf32, #tpu.memory_space<hbm>>) target(%arg10 : memref<4x16xf32, #tpu.memory_space<vmem>>) target_semaphore(%run_scoped3A : memref<!tpu.dma_semaphore, #tpu.memory_space<semaphore_mem>>)
      tpu.wait_dma2 semaphore(%run_scoped3A : memref<!tpu.dma_semaphore, #tpu.memory_space<semaphore_mem>>) src(%arg7 : memref<4x16xf32, #tpu.memory_space<hbm>>) dst(%arg10 : memref<4x16xf32, #tpu.memory_space<vmem>>)
      tpu.yield
    }) : () -> ()
    %get3A = arith.constant 0 : i32
    %get3A_5 = arith.index_cast %get3A : i32 to index
    %get3A_6 = arith.constant 0 : index
    %get3A_7 = tpu.vector_load %arg10[%get3A_5, %get3A_6] {strides = array<i32>} : memref<4x16xf32, #tpu.memory_space<vmem>>, vector<16xf32>,
    %get3A_8 = arith.constant 1 : i32
    %get3A_9 = arith.index_cast %get3A_8 : i32 to index
    %get3A_10 = arith.constant 0 : index
    %get3A_11 = tpu.vector_load %arg10[%get3A_9, %get3A_10] {strides = array<i32>} : memref<4x16xf32, #tpu.memory_space<vmem>>, vector<16xf32>,
    %get3A_12 = arith.constant 2 : i32
    %get3A_13 = arith.index_cast %get3A_12 : i32 to index
    %get3A_14 = arith.constant 0 : index
    %get3A_15 = tpu.vector_load %arg10[%get3A_13, %get3A_14] {strides = array<i32>} : memref<4x16xf32, #tpu.memory_space<vmem>>, vector<16xf32>,
    %get3A_16 = arith.constant 3 : i32
    %get3A_17 = arith.index_cast %get3A_16 : i32 to index
    %get3A_18 = arith.constant 0 : index
    %get3A_19 = tpu.vector_load %arg10[%get3A_17, %get3A_18] {strides = array<i32>} : memref<4x16xf32, #tpu.memory_space<vmem>>, vector<16xf32>,
    %iota3A = tpu.iota {dimensions = array<i32: 0>} : vector<16xi32>
    %broadcast_in_dim3A = arith.constant 0.000000e+00 : f32
    %broadcast_in_dim3A_20 = vector.broadcast %broadcast_in_dim3A : f32 to vector<16xf32>
    %scan3A = arith.constant 0 : i32
    %scan3A_21 = arith.constant 0 : i32
    %scan3A_22 = arith.constant 392 : i32
    %scan3A_23 = arith.addi %scan3A_21, %scan3A_22 : i32
    %scan3A_24 = arith.constant 1 : i32
    scf.for %scan3A_286 = %scan3A_21 to %scan3A_23 step %scan3A_24  : i32 {
      %mul3A_287 = arith.constant 4 : i32
      %mul3A_288 = arith.muli %mul3A_287, %scan3A_286 : i32
      %add3A_289 = arith.constant 0 : i32
      %add3A_290 = arith.addi %mul3A_288, %add3A_289 : i32
      %mul3A_291 = arith.constant 16 : i32
      %mul3A_292 = arith.muli %add3A_290, %mul3A_291 : i32
      %swap3A = arith.index_cast %mul3A_292 : i32 to index
      %swap3A_293 = tpu.vector_load %arg27[%swap3A] {strides = array<i32>} : memref<25088xf32, #tpu.memory_space<vmem>>, vector<16xf32>,
      tpu.vector_store %arg27[%swap3A], %broadcast_in_dim3A_20 {strides = array<i32>} : memref<25088xf32, #tpu.memory_space<vmem>>, vector<16xf32>,
      %swap3A_294 = arith.index_cast %mul3A_292 : i32 to index
      %swap3A_295 = tpu.vector_load %arg28[%swap3A_294] {strides = array<i32>} : memref<25088xf32, #tpu.memory_space<vmem>>, vector<16xf32>,
      tpu.vector_store %arg28[%swap3A_294], %broadcast_in_dim3A_20 {strides = array<i32>} : memref<25088xf32, #tpu.memory_space<vmem>>, vector<16xf32>,
      %swap3A_296 = arith.index_cast %mul3A_292 : i32 to index
      %swap3A_297 = tpu.vector_load %arg29[%swap3A_296] {strides = array<i32>} : memref<25088xf32, #tpu.memory_space<vmem>>, vector<16xf32>,
      tpu.vector_store %arg29[%swap3A_296], %broadcast_in_dim3A_20 {strides = array<i32>} : memref<25088xf32, #tpu.memory_space<vmem>>, vector<16xf32>,
      %swap3A_298 = arith.index_cast %mul3A_292 : i32 to index
      %swap3A_299 = tpu.vector_load %arg30[%swap3A_298] {strides = array<i32>} : memref<25088xf32, #tpu.memory_space<vmem>>, vector<16xf32>,
      tpu.vector_store %arg30[%swap3A_298], %broadcast_in_dim3A_20 {strides = array<i32>} : memref<25088xf32, #tpu.memory_space<vmem>>, vector<16xf32>,
      %mul3A_300 = arith.constant 4 : i32
      %mul3A_301 = arith.muli %mul3A_300, %scan3A_286 : i32
      %add3A_302 = arith.constant 1 : i32
      %add3A_303 = arith.addi %mul3A_301, %add3A_302 : i32
      %mul3A_304 = arith.constant 16 : i32
      %mul3A_305 = arith.muli %add3A_303, %mul3A_304 : i32
      %swap3A_306 = arith.index_cast %mul3A_305 : i32 to index
      %swap3A_307 = tpu.vector_load %arg27[%swap3A_306] {strides = array<i32>} : memref<25088xf32, #tpu.memory_space<vmem>>, vector<16xf32>,
      tpu.vector_store %arg27[%swap3A_306], %broadcast_in_dim3A_20 {strides = array<i32>} : memref<25088xf32, #tpu.memory_space<vmem>>, vector<16xf32>,
      %swap3A_308 = arith.index_cast %mul3A_305 : i32 to index
      %swap3A_309 = tpu.vector_load %arg28[%swap3A_308] {strides = array<i32>} : memref<25088xf32, #tpu.memory_space<vmem>>, vector<16xf32>,
      tpu.vector_store %arg28[%swap3A_308], %broadcast_in_dim3A_20 {strides = array<i32>} : memref<25088xf32, #tpu.memory_space<vmem>>, vector<16xf32>,
      %swap3A_310 = arith.index_cast %mul3A_305 : i32 to index
      %swap3A_311 = tpu.vector_load %arg29[%swap3A_310] {strides = array<i32>} : memref<25088xf32, #tpu.memory_space<vmem>>, vector<16xf32>,
      tpu.vector_store %arg29[%swap3A_310], %broadcast_in_dim3A_20 {strides = array<i32>} : memref<25088xf32, #tpu.memory_space<vmem>>, vector<16xf32>,
      %swap3A_312 = arith.index_cast %mul3A_305 : i32 to index
      %swap3A_313 = tpu.vector_load %arg30[%swap3A_312] {strides = array<i32>} : memref<25088xf32, #tpu.memory_space<vmem>>, vector<16xf32>,
      tpu.vector_store %arg30[%swap3A_312], %broadcast_in_dim3A_20 {strides = array<i32>} : memref<25088xf32, #tpu.memory_space<vmem>>, vector<16xf32>,
      %mul3A_314 = arith.constant 4 : i32
      %mul3A_315 = arith.muli %mul3A_314, %scan3A_286 : i32
      %add3A_316 = arith.constant 2 : i32
      %add3A_317 = arith.addi %mul3A_315, %add3A_316 : i32
      %mul3A_318 = arith.constant 16 : i32
      %mul3A_319 = arith.muli %add3A_317, %mul3A_318 : i32
      %swap3A_320 = arith.index_cast %mul3A_319 : i32 to index
      %swap3A_321 = tpu.vector_load %arg27[%swap3A_320] {strides = array<i32>} : memref<25088xf32, #tpu.memory_space<vmem>>, vector<16xf32>,
      tpu.vector_store %arg27[%swap3A_320], %broadcast_in_dim3A_20 {strides = array<i32>} : memref<25088xf32, #tpu.memory_space<vmem>>, vector<16xf32>,
      %swap3A_322 = arith.index_cast %mul3A_319 : i32 to index
      %swap3A_323 = tpu.vector_load %arg28[%swap3A_322] {strides = array<i32>} : memref<25088xf32, #tpu.memory_space<vmem>>, vector<16xf32>,
      tpu.vector_store %arg28[%swap3A_322], %broadcast_in_dim3A_20 {strides = array<i32>} : memref<25088xf32, #tpu.memory_space<vmem>>, vector<16xf32>,
      %swap3A_324 = arith.index_cast %mul3A_319 : i32 to index
      %swap3A_325 = tpu.vector_load %arg29[%swap3A_324] {strides = array<i32>} : memref<25088xf32, #tpu.memory_space<vmem>>, vector<16xf32>,
      tpu.vector_store %arg29[%swap3A_324], %broadcast_in_dim3A_20 {strides = array<i32>} : memref<25088xf32, #tpu.memory_space<vmem>>, vector<16xf32>,
      %swap3A_326 = arith.index_cast %mul3A_319 : i32 to index
      %swap3A_327 = tpu.vector_load %arg30[%swap3A_326] {strides = array<i32>} : memref<25088xf32, #tpu.memory_space<vmem>>, vector<16xf32>,
      tpu.vector_store %arg30[%swap3A_326], %broadcast_in_dim3A_20 {strides = array<i32>} : memref<25088xf32, #tpu.memory_space<vmem>>, vector<16xf32>,
      %mul3A_328 = arith.constant 4 : i32
      %mul3A_329 = arith.muli %mul3A_328, %scan3A_286 : i32
      %add3A_330 = arith.constant 3 : i32
      %add3A_331 = arith.addi %mul3A_329, %add3A_330 : i32
      %mul3A_332 = arith.constant 16 : i32
      %mul3A_333 = arith.muli %add3A_331, %mul3A_332 : i32
      %swap3A_334 = arith.index_cast %mul3A_333 : i32 to index
      %swap3A_335 = tpu.vector_load %arg27[%swap3A_334] {strides = array<i32>} : memref<25088xf32, #tpu.memory_space<vmem>>, vector<16xf32>,
      tpu.vector_store %arg27[%swap3A_334], %broadcast_in_dim3A_20 {strides = array<i32>} : memref<25088xf32, #tpu.memory_space<vmem>>, vector<16xf32>,
      %swap3A_336 = arith.index_cast %mul3A_333 : i32 to index
      %swap3A_337 = tpu.vector_load %arg28[%swap3A_336] {strides = array<i32>} : memref<25088xf32, #tpu.memory_space<vmem>>, vector<16xf32>,
      tpu.vector_store %arg28[%swap3A_336], %broadcast_in_dim3A_20 {strides = array<i32>} : memref<25088xf32, #tpu.memory_space<vmem>>, vector<16xf32>,
      %swap3A_338 = arith.index_cast %mul3A_333 : i32 to index
      %swap3A_339 = tpu.vector_load %arg29[%swap3A_338] {strides = array<i32>} : memref<25088xf32, #tpu.memory_space<vmem>>, vector<16xf32>,
      tpu.vector_store %arg29[%swap3A_338], %broadcast_in_dim3A_20 {strides = array<i32>} : memref<25088xf32, #tpu.memory_space<vmem>>, vector<16xf32>,
      %swap3A_340 = arith.index_cast %mul3A_333 : i32 to index
      %swap3A_341 = tpu.vector_load %arg30[%swap3A_340] {strides = array<i32>} : memref<25088xf32, #tpu.memory_space<vmem>>, vector<16xf32>,
      tpu.vector_store %arg30[%swap3A_340], %broadcast_in_dim3A_20 {strides = array<i32>} : memref<25088xf32, #tpu.memory_space<vmem>>, vector<16xf32>,
    }
    %scan3A_25 = arith.constant 392 : i32
    %add3A_26 = arith.constant 3125 : i32
    %add3A_27 = arith.addi %mul3A_2, %add3A_26 : i32
    %broadcast_in_dim3A_28 = arith.constant 0 : i32
    %broadcast_in_dim3A_29 = vector.broadcast %broadcast_in_dim3A_28 : i32 to vector<16xi32>
    %broadcast_in_dim3A_30 = arith.constant 1 : i32
    %broadcast_in_dim3A_31 = vector.broadcast %broadcast_in_dim3A_30 : i32 to vector<16xi32>
    %scan3A_32 = arith.constant 0 : i32
    %scan3A_33 = arith.constant 200 : i32
    %scan3A_34 = arith.addi %scan3A_32, %scan3A_33 : i32
    %scan3A_35 = arith.constant 1 : i32
    %scan3A_36:3 = scf.for %scan3A_286 = %scan3A_32 to %scan3A_34 step %scan3A_35 iter_args(%scan3A_287 = %broadcast_in_dim3A_29, %scan3A_288 = %broadcast_in_dim3A_29, %scan3A_289 = %broadcast_in_dim3A_29) -> (vector<16xi32>, vector<16xi32>, vector<16xi32>)  : i32 {
      %mul3A_290 = arith.constant 16 : i32
      %mul3A_291 = arith.muli %scan3A_286, %mul3A_290 : i32
      %get3A_292 = arith.index_cast %mul3A_291 : i32 to index
      %get3A_293 = tpu.vector_load %arg9[%get3A_292] {strides = array<i32>} : memref<3200xi32, #tpu.memory_space<vmem>>, vector<16xi32>,
      %lt3A = vector.broadcast %mul3A_2 : i32 to vector<16xi32>
      %lt3A_294 = arith.cmpi slt, %get3A_293, %lt3A : vector<16xi32>
      %select_n3A_295 = arith.select %lt3A_294, %broadcast_in_dim3A_31, %broadcast_in_dim3A_29 : vector<16xi1>, vector<16xi32>
      %add3A_296 = arith.addi %scan3A_287, %select_n3A_295 : vector<16xi32>
      %lt3A_297 = vector.broadcast %add3A_4 : i32 to vector<16xi32>
      %lt3A_298 = arith.cmpi slt, %get3A_293, %lt3A_297 : vector<16xi32>
      %select_n3A_299 = arith.select %lt3A_298, %broadcast_in_dim3A_31, %broadcast_in_dim3A_29 : vector<16xi1>, vector<16xi32>
      %add3A_300 = arith.addi %scan3A_288, %select_n3A_299 : vector<16xi32>
      %lt3A_301 = vector.broadcast %add3A_27 : i32 to vector<16xi32>
      %lt3A_302 = arith.cmpi slt, %get3A_293, %lt3A_301 : vector<16xi32>
      %select_n3A_303 = arith.select %lt3A_302, %broadcast_in_dim3A_31, %broadcast_in_dim3A_29 : vector<16xi1>, vector<16xi32>
      %add3A_304 = arith.addi %scan3A_289, %select_n3A_303 : vector<16xi32>
      scf.yield %add3A_296, %add3A_300, %add3A_304 : vector<16xi32>, vector<16xi32>, vector<16xi32>
    }
    %scan3A_37 = arith.constant 200 : i32
    %reduce_sum3A = arith.constant true
    %reduce_sum3A_38 = vector.broadcast %reduce_sum3A : i1 to vector<16xi1>
    %reduce_sum3A_39 = tpu.scan <sum>, %scan3A_36#0 masked %reduce_sum3A_38 : vector<16xi32>, vector<16xi1> -> vector<16xi32>
    %reduce_sum3A_40 = vector.extract %reduce_sum3A_39[15] : i32 from vector<16xi32>
    %reduce_sum3A_41 = arith.constant true
    %reduce_sum3A_42 = vector.broadcast %reduce_sum3A_41 : i1 to vector<16xi1>
    %reduce_sum3A_43 = tpu.scan <sum>, %scan3A_36#1 masked %reduce_sum3A_42 : vector<16xi32>, vector<16xi1> -> vector<16xi32>
    %reduce_sum3A_44 = vector.extract %reduce_sum3A_43[15] : i32 from vector<16xi32>
    %reduce_sum3A_45 = arith.constant true
    %reduce_sum3A_46 = vector.broadcast %reduce_sum3A_45 : i1 to vector<16xi1>
    %reduce_sum3A_47 = tpu.scan <sum>, %scan3A_36#2 masked %reduce_sum3A_46 : vector<16xi32>, vector<16xi1> -> vector<16xi32>
    %reduce_sum3A_48 = vector.extract %reduce_sum3A_47[15] : i32 from vector<16xi32>
    %sub3A = arith.constant 1 : i32
    %sub3A_49 = arith.subi %reduce_sum3A_40, %sub3A : i32
    %max3A = arith.constant 0 : i32
    %max3A_50 = arith.maxsi %sub3A_49, %max3A : i32
    %mul3A_51 = arith.constant 1024 : i32
    %mul3A_52 = arith.muli %max3A_50, %mul3A_51 : i32
    %mul3A_53 = arith.constant 1024 : i32
    %mul3A_54 = arith.muli %reduce_sum3A_44, %mul3A_53 : i32
    %min3A = arith.constant 3200000 : i32
    %min3A_55 = arith.minsi %mul3A_54, %min3A : i32
    %sub3A_56 = arith.constant 1 : i32
    %sub3A_57 = arith.subi %reduce_sum3A_44, %sub3A_56 : i32
    %max3A_58 = arith.constant 0 : i32
    %max3A_59 = arith.maxsi %sub3A_57, %max3A_58 : i32
    %mul3A_60 = arith.constant 1024 : i32
    %mul3A_61 = arith.muli %max3A_59, %mul3A_60 : i32
    %mul3A_62 = arith.constant 1024 : i32
    %mul3A_63 = arith.muli %reduce_sum3A_48, %mul3A_62 : i32
    %min3A_64 = arith.constant 3200000 : i32
    %min3A_65 = arith.minsi %mul3A_63, %min3A_64 : i32
    %multiple_of3A = tpu.assume_multiple %mul3A_52, 8 : i32
    %multiple_of3A_66 = tpu.assume_multiple %mul3A_61, 8 : i32
    %sub3A_67 = arith.subi %min3A_55, %multiple_of3A : i32
    %add3A_68 = arith.constant 1024 : i32
    %add3A_69 = arith.addi %sub3A_67, %add3A_68 : i32
    %sub3A_70 = arith.constant 1 : i32
    %sub3A_71 = arith.subi %add3A_69, %sub3A_70 : i32
    %jit3A = arith.constant 1024 : i32
    %div3A = arith.divsi %sub3A_71, %jit3A : i32
    %sign3A = arith.constant 0 : i32
    %sign3A_72 = arith.cmpi sgt, %sub3A_71, %sign3A : i32
    %sign3A_73 = arith.extui %sign3A_72 : i1 to i32
    %sign3A_74 = arith.constant 0 : i32
    %sign3A_75 = arith.cmpi slt, %sub3A_71, %sign3A_74 : i32
    %sign3A_76 = arith.extui %sign3A_75 : i1 to i32
    %sign3A_77 = arith.subi %sign3A_73, %sign3A_76 : i32
    %sign3A_78 = arith.constant 0 : i32
    %sign3A_79 = arith.cmpi sgt, %jit3A, %sign3A_78 : i32
    %sign3A_80 = arith.extui %sign3A_79 : i1 to i32
    %sign3A_81 = arith.constant 0 : i32
    %sign3A_82 = arith.cmpi slt, %jit3A, %sign3A_81 : i32
    %sign3A_83 = arith.extui %sign3A_82 : i1 to i32
    %sign3A_84 = arith.subi %sign3A_80, %sign3A_83 : i32
    %ne3A = arith.cmpi ne, %sign3A_77, %sign3A_84 : i32
    %rem3A = arith.remsi %sub3A_71, %jit3A : i32
    %ne3A_85 = arith.constant 0 : i32
    %ne3A_86 = arith.cmpi ne, %rem3A, %ne3A_85 : i32
    %and3A = arith.andi %ne3A, %ne3A_86 : i1
    %sub3A_87 = arith.constant 1 : i32
    %sub3A_88 = arith.subi %div3A, %sub3A_87 : i32
    %select_n3A = arith.select %and3A, %sub3A_88, %div3A : i32
    %sub3A_89 = arith.subi %min3A_65, %multiple_of3A_66 : i32
    %add3A_90 = arith.constant 1024 : i32
    %add3A_91 = arith.addi %sub3A_89, %add3A_90 : i32
    %sub3A_92 = arith.constant 1 : i32
    %sub3A_93 = arith.subi %add3A_91, %sub3A_92 : i32
    %jit3A_94 = arith.constant 1024 : i32
    %div3A_95 = arith.divsi %sub3A_93, %jit3A_94 : i32
    %sign3A_96 = arith.constant 0 : i32
    %sign3A_97 = arith.cmpi sgt, %sub3A_93, %sign3A_96 : i32
    %sign3A_98 = arith.extui %sign3A_97 : i1 to i32
    %sign3A_99 = arith.constant 0 : i32
    %sign3A_100 = arith.cmpi slt, %sub3A_93, %sign3A_99 : i32
    %sign3A_101 = arith.extui %sign3A_100 : i1 to i32
    %sign3A_102 = arith.subi %sign3A_98, %sign3A_101 : i32
    %sign3A_103 = arith.constant 0 : i32
    %sign3A_104 = arith.cmpi sgt, %jit3A_94, %sign3A_103 : i32
    %sign3A_105 = arith.extui %sign3A_104 : i1 to i32
    %sign3A_106 = arith.constant 0 : i32
    %sign3A_107 = arith.cmpi slt, %jit3A_94, %sign3A_106 : i32
    %sign3A_108 = arith.extui %sign3A_107 : i1 to i32
    %sign3A_109 = arith.subi %sign3A_105, %sign3A_108 : i32
    %ne3A_110 = arith.cmpi ne, %sign3A_102, %sign3A_109 : i32
    %rem3A_111 = arith.remsi %sub3A_93, %jit3A_94 : i32
    %ne3A_112 = arith.constant 0 : i32
    %ne3A_113 = arith.cmpi ne, %rem3A_111, %ne3A_112 : i32
    %and3A_114 = arith.andi %ne3A_110, %ne3A_113 : i1
    %sub3A_115 = arith.constant 1 : i32
    %sub3A_116 = arith.subi %div3A_95, %sub3A_115 : i32
    %select_n3A_117 = arith.select %and3A_114, %sub3A_116, %div3A_95 : i32
    %max3A_118 = arith.maxsi %select_n3A, %select_n3A_117 : i32
    %add3A_119 = arith.constant 1 : i32
    %add3A_120 = arith.addi %max3A_118, %add3A_119 : i32
    %jit3A_121 = arith.constant 2 : i32
    %div3A_122 = arith.divsi %add3A_120, %jit3A_121 : i32
    %sign3A_123 = arith.constant 0 : i32
    %sign3A_124 = arith.cmpi sgt, %add3A_120, %sign3A_123 : i32
    %sign3A_125 = arith.extui %sign3A_124 : i1 to i32
    %sign3A_126 = arith.constant 0 : i32
    %sign3A_127 = arith.cmpi slt, %add3A_120, %sign3A_126 : i32
    %sign3A_128 = arith.extui %sign3A_127 : i1 to i32
    %sign3A_129 = arith.subi %sign3A_125, %sign3A_128 : i32
    %sign3A_130 = arith.constant 0 : i32
    %sign3A_131 = arith.cmpi sgt, %jit3A_121, %sign3A_130 : i32
    %sign3A_132 = arith.extui %sign3A_131 : i1 to i32
    %sign3A_133 = arith.constant 0 : i32
    %sign3A_134 = arith.cmpi slt, %jit3A_121, %sign3A_133 : i32
    %sign3A_135 = arith.extui %sign3A_134 : i1 to i32
    %sign3A_136 = arith.subi %sign3A_132, %sign3A_135 : i32
    %ne3A_137 = arith.cmpi ne, %sign3A_129, %sign3A_136 : i32
    %rem3A_138 = arith.remsi %add3A_120, %jit3A_121 : i32
    %ne3A_139 = arith.constant 0 : i32
    %ne3A_140 = arith.cmpi ne, %rem3A_138, %ne3A_139 : i32
    %and3A_141 = arith.andi %ne3A_137, %ne3A_140 : i1
    %sub3A_142 = arith.constant 1 : i32
    %sub3A_143 = arith.subi %div3A_122, %sub3A_142 : i32
    %select_n3A_144 = arith.select %and3A_141, %sub3A_143, %div3A_122 : i32
    %add3A_145 = arith.constant 0 : i32
    %add3A_146 = arith.addi %multiple_of3A, %add3A_145 : i32
    %min3A_147 = arith.constant 3198976 : i32
    %min3A_148 = arith.minsi %add3A_146, %min3A_147 : i32
    %multiple_of3A_149 = tpu.assume_multiple %min3A_148, 8 : i32
    %add3A_150 = arith.constant 0 : i32
    %add3A_151 = arith.addi %multiple_of3A_66, %add3A_150 : i32
    %min3A_152 = arith.constant 3198976 : i32
    %min3A_153 = arith.minsi %add3A_151, %min3A_152 : i32
    %multiple_of3A_154 = tpu.assume_multiple %min3A_153, 8 : i32
    %dma_start3A = arith.constant 0 : i32
    %dma_start3A_155 = tpu.memref_slice %arg11[%dma_start3A] : memref<1040xf32, #tpu.memory_space<vmem>> -> memref<1024xf32, #tpu.memory_space<vmem>>
    %dma_start3A_156 = tpu.memref_slice %arg2[%multiple_of3A_149] : memref<3200000xf32, #tpu.memory_space<hbm>> -> memref<1024xf32, #tpu.memory_space<hbm>>
    %dma_start3A_157 = arith.constant 0 : i32
    %dma_start3A_158 = tpu.memref_slice %arg11[%dma_start3A_157] : memref<1040xf32, #tpu.memory_space<vmem>> -> memref<1024xf32, #tpu.memory_space<vmem>>
    %dma_start3A_159 = tpu.memref_slice %arg2[%multiple_of3A_149] : memref<3200000xf32, #tpu.memory_space<hbm>> -> memref<1024xf32, #tpu.memory_space<hbm>>
    tpu.enqueue_dma source(%dma_start3A_159 : memref<1024xf32, #tpu.memory_space<hbm>>) target(%dma_start3A_158 : memref<1024xf32, #tpu.memory_space<vmem>>) target_semaphore(%arg31 : memref<!tpu.dma_semaphore, #tpu.memory_space<semaphore_mem>>)
    %dma_start3A_160 = arith.constant 0 : i32
    %dma_start3A_161 = tpu.memref_slice %arg12[%dma_start3A_160] : memref<1040xf32, #tpu.memory_space<vmem>> -> memref<1024xf32, #tpu.memory_space<vmem>>
    %dma_start3A_162 = tpu.memref_slice %arg3[%multiple_of3A_149] : memref<3200000xf32, #tpu.memory_space<hbm>> -> memref<1024xf32, #tpu.memory_space<hbm>>
    %dma_start3A_163 = arith.constant 0 : i32
    %dma_start3A_164 = tpu.memref_slice %arg12[%dma_start3A_163] : memref<1040xf32, #tpu.memory_space<vmem>> -> memref<1024xf32, #tpu.memory_space<vmem>>
    %dma_start3A_165 = tpu.memref_slice %arg3[%multiple_of3A_149] : memref<3200000xf32, #tpu.memory_space<hbm>> -> memref<1024xf32, #tpu.memory_space<hbm>>
    tpu.enqueue_dma source(%dma_start3A_165 : memref<1024xf32, #tpu.memory_space<hbm>>) target(%dma_start3A_164 : memref<1024xf32, #tpu.memory_space<vmem>>) target_semaphore(%arg31 : memref<!tpu.dma_semaphore, #tpu.memory_space<semaphore_mem>>)
    %dma_start3A_166 = arith.constant 0 : i32
    %dma_start3A_167 = tpu.memref_slice %arg13[%dma_start3A_166] : memref<1040xf32, #tpu.memory_space<vmem>> -> memref<1024xf32, #tpu.memory_space<vmem>>
    %dma_start3A_168 = tpu.memref_slice %arg4[%multiple_of3A_149] : memref<3200000xf32, #tpu.memory_space<hbm>> -> memref<1024xf32, #tpu.memory_space<hbm>>
    %dma_start3A_169 = arith.constant 0 : i32
    %dma_start3A_170 = tpu.memref_slice %arg13[%dma_start3A_169] : memref<1040xf32, #tpu.memory_space<vmem>> -> memref<1024xf32, #tpu.memory_space<vmem>>
    %dma_start3A_171 = tpu.memref_slice %arg4[%multiple_of3A_149] : memref<3200000xf32, #tpu.memory_space<hbm>> -> memref<1024xf32, #tpu.memory_space<hbm>>
    tpu.enqueue_dma source(%dma_start3A_171 : memref<1024xf32, #tpu.memory_space<hbm>>) target(%dma_start3A_170 : memref<1024xf32, #tpu.memory_space<vmem>>) target_semaphore(%arg31 : memref<!tpu.dma_semaphore, #tpu.memory_space<semaphore_mem>>)
    %dma_start3A_172 = arith.constant 0 : i32
    %dma_start3A_173 = tpu.memref_slice %arg14[%dma_start3A_172] : memref<1040xi32, #tpu.memory_space<vmem>> -> memref<1024xi32, #tpu.memory_space<vmem>>
    %dma_start3A_174 = tpu.memref_slice %arg5[%multiple_of3A_149] : memref<3200000xi32, #tpu.memory_space<hbm>> -> memref<1024xi32, #tpu.memory_space<hbm>>
    %dma_start3A_175 = arith.constant 0 : i32
    %dma_start3A_176 = tpu.memref_slice %arg14[%dma_start3A_175] : memref<1040xi32, #tpu.memory_space<vmem>> -> memref<1024xi32, #tpu.memory_space<vmem>>
    %dma_start3A_177 = tpu.memref_slice %arg5[%multiple_of3A_149] : memref<3200000xi32, #tpu.memory_space<hbm>> -> memref<1024xi32, #tpu.memory_space<hbm>>
    tpu.enqueue_dma source(%dma_start3A_177 : memref<1024xi32, #tpu.memory_space<hbm>>) target(%dma_start3A_176 : memref<1024xi32, #tpu.memory_space<vmem>>) target_semaphore(%arg31 : memref<!tpu.dma_semaphore, #tpu.memory_space<semaphore_mem>>)
    %dma_start3A_178 = arith.constant 0 : i32
    %dma_start3A_179 = tpu.memref_slice %arg19[%dma_start3A_178] : memref<1040xf32, #tpu.memory_space<vmem>> -> memref<1024xf32, #tpu.memory_space<vmem>>
    %dma_start3A_180 = tpu.memref_slice %arg2[%multiple_of3A_154] : memref<3200000xf32, #tpu.memory_space<hbm>> -> memref<1024xf32, #tpu.memory_space<hbm>>
    %dma_start3A_181 = arith.constant 0 : i32
    %dma_start3A_182 = tpu.memref_slice %arg19[%dma_start3A_181] : memref<1040xf32, #tpu.memory_space<vmem>> -> memref<1024xf32, #tpu.memory_space<vmem>>
    %dma_start3A_183 = tpu.memref_slice %arg2[%multiple_of3A_154] : memref<3200000xf32, #tpu.memory_space<hbm>> -> memref<1024xf32, #tpu.memory_space<hbm>>
    tpu.enqueue_dma source(%dma_start3A_183 : memref<1024xf32, #tpu.memory_space<hbm>>) target(%dma_start3A_182 : memref<1024xf32, #tpu.memory_space<vmem>>) target_semaphore(%arg31 : memref<!tpu.dma_semaphore, #tpu.memory_space<semaphore_mem>>)
    %dma_start3A_184 = arith.constant 0 : i32
    %dma_start3A_185 = tpu.memref_slice %arg20[%dma_start3A_184] : memref<1040xf32, #tpu.memory_space<vmem>> -> memref<1024xf32, #tpu.memory_space<vmem>>
    %dma_start3A_186 = tpu.memref_slice %arg3[%multiple_of3A_154] : memref<3200000xf32, #tpu.memory_space<hbm>> -> memref<1024xf32, #tpu.memory_space<hbm>>
    %dma_start3A_187 = arith.constant 0 : i32
    %dma_start3A_188 = tpu.memref_slice %arg20[%dma_start3A_187] : memref<1040xf32, #tpu.memory_space<vmem>> -> memref<1024xf32, #tpu.memory_space<vmem>>
    %dma_start3A_189 = tpu.memref_slice %arg3[%multiple_of3A_154] : memref<3200000xf32, #tpu.memory_space<hbm>> -> memref<1024xf32, #tpu.memory_space<hbm>>
    tpu.enqueue_dma source(%dma_start3A_189 : memref<1024xf32, #tpu.memory_space<hbm>>) target(%dma_start3A_188 : memref<1024xf32, #tpu.memory_space<vmem>>) target_semaphore(%arg31 : memref<!tpu.dma_semaphore, #tpu.memory_space<semaphore_mem>>)
    %dma_start3A_190 = arith.constant 0 : i32
    %dma_start3A_191 = tpu.memref_slice %arg21[%dma_start3A_190] : memref<1040xf32, #tpu.memory_space<vmem>> -> memref<1024xf32, #tpu.memory_space<vmem>>
    %dma_start3A_192 = tpu.memref_slice %arg4[%multiple_of3A_154] : memref<3200000xf32, #tpu.memory_space<hbm>> -> memref<1024xf32, #tpu.memory_space<hbm>>
    %dma_start3A_193 = arith.constant 0 : i32
    %dma_start3A_194 = tpu.memref_slice %arg21[%dma_start3A_193] : memref<1040xf32, #tpu.memory_space<vmem>> -> memref<1024xf32, #tpu.memory_space<vmem>>
    %dma_start3A_195 = tpu.memref_slice %arg4[%multiple_of3A_154] : memref<3200000xf32, #tpu.memory_space<hbm>> -> memref<1024xf32, #tpu.memory_space<hbm>>
    tpu.enqueue_dma source(%dma_start3A_195 : memref<1024xf32, #tpu.memory_space<hbm>>) target(%dma_start3A_194 : memref<1024xf32, #tpu.memory_space<vmem>>) target_semaphore(%arg31 : memref<!tpu.dma_semaphore, #tpu.memory_space<semaphore_mem>>)
    %dma_start3A_196 = arith.constant 0 : i32
    %dma_start3A_197 = tpu.memref_slice %arg22[%dma_start3A_196] : memref<1040xi32, #tpu.memory_space<vmem>> -> memref<1024xi32, #tpu.memory_space<vmem>>
    %dma_start3A_198 = tpu.memref_slice %arg5[%multiple_of3A_154] : memref<3200000xi32, #tpu.memory_space<hbm>> -> memref<1024xi32, #tpu.memory_space<hbm>>
    %dma_start3A_199 = arith.constant 0 : i32
    %dma_start3A_200 = tpu.memref_slice %arg22[%dma_start3A_199] : memref<1040xi32, #tpu.memory_space<vmem>> -> memref<1024xi32, #tpu.memory_space<vmem>>
    %dma_start3A_201 = tpu.memref_slice %arg5[%multiple_of3A_154] : memref<3200000xi32, #tpu.memory_space<hbm>> -> memref<1024xi32, #tpu.memory_space<hbm>>
    tpu.enqueue_dma source(%dma_start3A_201 : memref<1024xi32, #tpu.memory_space<hbm>>) target(%dma_start3A_200 : memref<1024xi32, #tpu.memory_space<vmem>>) target_semaphore(%arg31 : memref<!tpu.dma_semaphore, #tpu.memory_space<semaphore_mem>>)
    %while3A = arith.constant 0 : i32
    %while3A_202 = arith.constant 0 : i32
    %while3A_203 = arith.subi %select_n3A_144, %while3A_202 : i32
    %while3A_204 = arith.addi %while3A_202, %while3A_203 : i32
    %while3A_205 = arith.constant 1 : i32
    %while3A_206 = arith.divsi %while3A_203, %while3A_205 : i32
    %while3A_207 = arith.muli %while3A_206, %while3A_205 : i32
    %while3A_208 = arith.addi %while3A_202, %while3A_207 : i32
    %while3A_209 = arith.constant 1 : i32
    scf.for %while3A_286 = %while3A_202 to %while3A_208 step %while3A_209  : i32 {
      %mul3A_287 = arith.constant 2 : i32
      %mul3A_288 = arith.muli %mul3A_287, %while3A_286 : i32
      %add3A_289 = arith.constant 1 : i32
      %add3A_290 = arith.addi %mul3A_288, %add3A_289 : i32
      %mul3A_291 = arith.constant 1024 : i32
      %mul3A_292 = arith.muli %add3A_290, %mul3A_291 : i32
      %add3A_293 = arith.addi %multiple_of3A, %mul3A_292 : i32
      %min3A_294 = arith.constant 3198976 : i32
      %min3A_295 = arith.minsi %add3A_293, %min3A_294 : i32
      %multiple_of3A_296 = tpu.assume_multiple %min3A_295, 8 : i32
      %mul3A_297 = arith.constant 1024 : i32
      %mul3A_298 = arith.muli %add3A_290, %mul3A_297 : i32
      %add3A_299 = arith.addi %multiple_of3A_66, %mul3A_298 : i32
      %min3A_300 = arith.constant 3198976 : i32
      %min3A_301 = arith.minsi %add3A_299, %min3A_300 : i32
      %multiple_of3A_302 = tpu.assume_multiple %min3A_301, 8 : i32
      %dma_start3A_303 = arith.constant 0 : i32
      %dma_start3A_304 = tpu.memref_slice %arg15[%dma_start3A_303] : memref<1040xf32, #tpu.memory_space<vmem>> -> memref<1024xf32, #tpu.memory_space<vmem>>
      %dma_start3A_305 = tpu.memref_slice %arg2[%multiple_of3A_296] : memref<3200000xf32, #tpu.memory_space<hbm>> -> memref<1024xf32, #tpu.memory_space<hbm>>
      %dma_start3A_306 = arith.constant 0 : i32
      %dma_start3A_307 = tpu.memref_slice %arg15[%dma_start3A_306] : memref<1040xf32, #tpu.memory_space<vmem>> -> memref<1024xf32, #tpu.memory_space<vmem>>
      %dma_start3A_308 = tpu.memref_slice %arg2[%multiple_of3A_296] : memref<3200000xf32, #tpu.memory_space<hbm>> -> memref<1024xf32, #tpu.memory_space<hbm>>
      tpu.enqueue_dma source(%dma_start3A_308 : memref<1024xf32, #tpu.memory_space<hbm>>) target(%dma_start3A_307 : memref<1024xf32, #tpu.memory_space<vmem>>) target_semaphore(%arg32 : memref<!tpu.dma_semaphore, #tpu.memory_space<semaphore_mem>>)
      %dma_start3A_309 = arith.constant 0 : i32
      %dma_start3A_310 = tpu.memref_slice %arg16[%dma_start3A_309] : memref<1040xf32, #tpu.memory_space<vmem>> -> memref<1024xf32, #tpu.memory_space<vmem>>
      %dma_start3A_311 = tpu.memref_slice %arg3[%multiple_of3A_296] : memref<3200000xf32, #tpu.memory_space<hbm>> -> memref<1024xf32, #tpu.memory_space<hbm>>
      %dma_start3A_312 = arith.constant 0 : i32
      %dma_start3A_313 = tpu.memref_slice %arg16[%dma_start3A_312] : memref<1040xf32, #tpu.memory_space<vmem>> -> memref<1024xf32, #tpu.memory_space<vmem>>
      %dma_start3A_314 = tpu.memref_slice %arg3[%multiple_of3A_296] : memref<3200000xf32, #tpu.memory_space<hbm>> -> memref<1024xf32, #tpu.memory_space<hbm>>
      tpu.enqueue_dma source(%dma_start3A_314 : memref<1024xf32, #tpu.memory_space<hbm>>) target(%dma_start3A_313 : memref<1024xf32, #tpu.memory_space<vmem>>) target_semaphore(%arg32 : memref<!tpu.dma_semaphore, #tpu.memory_space<semaphore_mem>>)
      %dma_start3A_315 = arith.constant 0 : i32
      %dma_start3A_316 = tpu.memref_slice %arg17[%dma_start3A_315] : memref<1040xf32, #tpu.memory_space<vmem>> -> memref<1024xf32, #tpu.memory_space<vmem>>
      %dma_start3A_317 = tpu.memref_slice %arg4[%multiple_of3A_296] : memref<3200000xf32, #tpu.memory_space<hbm>> -> memref<1024xf32, #tpu.memory_space<hbm>>
      %dma_start3A_318 = arith.constant 0 : i32
      %dma_start3A_319 = tpu.memref_slice %arg17[%dma_start3A_318] : memref<1040xf32, #tpu.memory_space<vmem>> -> memref<1024xf32, #tpu.memory_space<vmem>>
      %dma_start3A_320 = tpu.memref_slice %arg4[%multiple_of3A_296] : memref<3200000xf32, #tpu.memory_space<hbm>> -> memref<1024xf32, #tpu.memory_space<hbm>>
      tpu.enqueue_dma source(%dma_start3A_320 : memref<1024xf32, #tpu.memory_space<hbm>>) target(%dma_start3A_319 : memref<1024xf32, #tpu.memory_space<vmem>>) target_semaphore(%arg32 : memref<!tpu.dma_semaphore, #tpu.memory_space<semaphore_mem>>)
      %dma_start3A_321 = arith.constant 0 : i32
      %dma_start3A_322 = tpu.memref_slice %arg18[%dma_start3A_321] : memref<1040xi32, #tpu.memory_space<vmem>> -> memref<1024xi32, #tpu.memory_space<vmem>>
      %dma_start3A_323 = tpu.memref_slice %arg5[%multiple_of3A_296] : memref<3200000xi32, #tpu.memory_space<hbm>> -> memref<1024xi32, #tpu.memory_space<hbm>>
      %dma_start3A_324 = arith.constant 0 : i32
      %dma_start3A_325 = tpu.memref_slice %arg18[%dma_start3A_324] : memref<1040xi32, #tpu.memory_space<vmem>> -> memref<1024xi32, #tpu.memory_space<vmem>>
      %dma_start3A_326 = tpu.memref_slice %arg5[%multiple_of3A_296] : memref<3200000xi32, #tpu.memory_space<hbm>> -> memref<1024xi32, #tpu.memory_space<hbm>>
      tpu.enqueue_dma source(%dma_start3A_326 : memref<1024xi32, #tpu.memory_space<hbm>>) target(%dma_start3A_325 : memref<1024xi32, #tpu.memory_space<vmem>>) target_semaphore(%arg32 : memref<!tpu.dma_semaphore, #tpu.memory_space<semaphore_mem>>)
      %dma_start3A_327 = arith.constant 0 : i32
      %dma_start3A_328 = tpu.memref_slice %arg23[%dma_start3A_327] : memref<1040xf32, #tpu.memory_space<vmem>> -> memref<1024xf32, #tpu.memory_space<vmem>>
      %dma_start3A_329 = tpu.memref_slice %arg2[%multiple_of3A_302] : memref<3200000xf32, #tpu.memory_space<hbm>> -> memref<1024xf32, #tpu.memory_space<hbm>>
      %dma_start3A_330 = arith.constant 0 : i32
      %dma_start3A_331 = tpu.memref_slice %arg23[%dma_start3A_330] : memref<1040xf32, #tpu.memory_space<vmem>> -> memref<1024xf32, #tpu.memory_space<vmem>>
      %dma_start3A_332 = tpu.memref_slice %arg2[%multiple_of3A_302] : memref<3200000xf32, #tpu.memory_space<hbm>> -> memref<1024xf32, #tpu.memory_space<hbm>>
      tpu.enqueue_dma source(%dma_start3A_332 : memref<1024xf32, #tpu.memory_space<hbm>>) target(%dma_start3A_331 : memref<1024xf32, #tpu.memory_space<vmem>>) target_semaphore(%arg32 : memref<!tpu.dma_semaphore, #tpu.memory_space<semaphore_mem>>)
      %dma_start3A_333 = arith.constant 0 : i32
      %dma_start3A_334 = tpu.memref_slice %arg24[%dma_start3A_333] : memref<1040xf32, #tpu.memory_space<vmem>> -> memref<1024xf32, #tpu.memory_space<vmem>>
      %dma_start3A_335 = tpu.memref_slice %arg3[%multiple_of3A_302] : memref<3200000xf32, #tpu.memory_space<hbm>> -> memref<1024xf32, #tpu.memory_space<hbm>>
      %dma_start3A_336 = arith.constant 0 : i32
      %dma_start3A_337 = tpu.memref_slice %arg24[%dma_start3A_336] : memref<1040xf32, #tpu.memory_space<vmem>> -> memref<1024xf32, #tpu.memory_space<vmem>>
      %dma_start3A_338 = tpu.memref_slice %arg3[%multiple_of3A_302] : memref<3200000xf32, #tpu.memory_space<hbm>> -> memref<1024xf32, #tpu.memory_space<hbm>>
      tpu.enqueue_dma source(%dma_start3A_338 : memref<1024xf32, #tpu.memory_space<hbm>>) target(%dma_start3A_337 : memref<1024xf32, #tpu.memory_space<vmem>>) target_semaphore(%arg32 : memref<!tpu.dma_semaphore, #tpu.memory_space<semaphore_mem>>)
      %dma_start3A_339 = arith.constant 0 : i32
      %dma_start3A_340 = tpu.memref_slice %arg25[%dma_start3A_339] : memref<1040xf32, #tpu.memory_space<vmem>> -> memref<1024xf32, #tpu.memory_space<vmem>>
      %dma_start3A_341 = tpu.memref_slice %arg4[%multiple_of3A_302] : memref<3200000xf32, #tpu.memory_space<hbm>> -> memref<1024xf32, #tpu.memory_space<hbm>>
      %dma_start3A_342 = arith.constant 0 : i32
      %dma_start3A_343 = tpu.memref_slice %arg25[%dma_start3A_342] : memref<1040xf32, #tpu.memory_space<vmem>> -> memref<1024xf32, #tpu.memory_space<vmem>>
      %dma_start3A_344 = tpu.memref_slice %arg4[%multiple_of3A_302] : memref<3200000xf32, #tpu.memory_space<hbm>> -> memref<1024xf32, #tpu.memory_space<hbm>>
      tpu.enqueue_dma source(%dma_start3A_344 : memref<1024xf32, #tpu.memory_space<hbm>>) target(%dma_start3A_343 : memref<1024xf32, #tpu.memory_space<vmem>>) target_semaphore(%arg32 : memref<!tpu.dma_semaphore, #tpu.memory_space<semaphore_mem>>)
      %dma_start3A_345 = arith.constant 0 : i32
      %dma_start3A_346 = tpu.memref_slice %arg26[%dma_start3A_345] : memref<1040xi32, #tpu.memory_space<vmem>> -> memref<1024xi32, #tpu.memory_space<vmem>>
      %dma_start3A_347 = tpu.memref_slice %arg5[%multiple_of3A_302] : memref<3200000xi32, #tpu.memory_space<hbm>> -> memref<1024xi32, #tpu.memory_space<hbm>>
      %dma_start3A_348 = arith.constant 0 : i32
      %dma_start3A_349 = tpu.memref_slice %arg26[%dma_start3A_348] : memref<1040xi32, #tpu.memory_space<vmem>> -> memref<1024xi32, #tpu.memory_space<vmem>>
      %dma_start3A_350 = tpu.memref_slice %arg5[%multiple_of3A_302] : memref<3200000xi32, #tpu.memory_space<hbm>> -> memref<1024xi32, #tpu.memory_space<hbm>>
      tpu.enqueue_dma source(%dma_start3A_350 : memref<1024xi32, #tpu.memory_space<hbm>>) target(%dma_start3A_349 : memref<1024xi32, #tpu.memory_space<vmem>>) target_semaphore(%arg32 : memref<!tpu.dma_semaphore, #tpu.memory_space<semaphore_mem>>)
      %dma_wait3A_351 = arith.constant 0 : i32
      %dma_wait3A_352 = tpu.memref_slice %arg11[%dma_wait3A_351] : memref<1040xf32, #tpu.memory_space<vmem>> -> memref<1024xf32, #tpu.memory_space<vmem>>
      %dma_wait3A_353 = arith.constant 0 : i32
      %dma_wait3A_354 = tpu.memref_slice %arg2[%dma_wait3A_353] : memref<3200000xf32, #tpu.memory_space<hbm>> -> memref<1024xf32, #tpu.memory_space<hbm>>
      %dma_wait3A_355 = arith.constant 0 : i32
      %dma_wait3A_356 = tpu.memref_slice %arg11[%dma_wait3A_355] : memref<1040xf32, #tpu.memory_space<vmem>> -> memref<1024xf32, #tpu.memory_space<vmem>>
      %dma_wait3A_357 = arith.constant 0 : i32
      %dma_wait3A_358 = tpu.memref_slice %arg2[%dma_wait3A_357] : memref<3200000xf32, #tpu.memory_space<hbm>> -> memref<1024xf32, #tpu.memory_space<hbm>>
      tpu.wait_dma2 semaphore(%arg31 : memref<!tpu.dma_semaphore, #tpu.memory_space<semaphore_mem>>) src(%dma_wait3A_358 : memref<1024xf32, #tpu.memory_space<hbm>>) dst(%dma_wait3A_356 : memref<1024xf32, #tpu.memory_space<vmem>>)
      %dma_wait3A_359 = arith.constant 0 : i32
      %dma_wait3A_360 = tpu.memref_slice %arg12[%dma_wait3A_359] : memref<1040xf32, #tpu.memory_space<vmem>> -> memref<1024xf32, #tpu.memory_space<vmem>>
      %dma_wait3A_361 = arith.constant 0 : i32
      %dma_wait3A_362 = tpu.memref_slice %arg2[%dma_wait3A_361] : memref<3200000xf32, #tpu.memory_space<hbm>> -> memref<1024xf32, #tpu.memory_space<hbm>>
      %dma_wait3A_363 = arith.constant 0 : i32
      %dma_wait3A_364 = tpu.memref_slice %arg12[%dma_wait3A_363] : memref<1040xf32, #tpu.memory_space<vmem>> -> memref<1024xf32, #tpu.memory_space<vmem>>
      %dma_wait3A_365 = arith.constant 0 : i32
      %dma_wait3A_366 = tpu.memref_slice %arg2[%dma_wait3A_365] : memref<3200000xf32, #tpu.memory_space<hbm>> -> memref<1024xf32, #tpu.memory_space<hbm>>
      tpu.wait_dma2 semaphore(%arg31 : memref<!tpu.dma_semaphore, #tpu.memory_space<semaphore_mem>>) src(%dma_wait3A_366 : memref<1024xf32, #tpu.memory_space<hbm>>) dst(%dma_wait3A_364 : memref<1024xf32, #tpu.memory_space<vmem>>)
      %dma_wait3A_367 = arith.constant 0 : i32
      %dma_wait3A_368 = tpu.memref_slice %arg13[%dma_wait3A_367] : memref<1040xf32, #tpu.memory_space<vmem>> -> memref<1024xf32, #tpu.memory_space<vmem>>
      %dma_wait3A_369 = arith.constant 0 : i32
      %dma_wait3A_370 = tpu.memref_slice %arg2[%dma_wait3A_369] : memref<3200000xf32, #tpu.memory_space<hbm>> -> memref<1024xf32, #tpu.memory_space<hbm>>
      %dma_wait3A_371 = arith.constant 0 : i32
      %dma_wait3A_372 = tpu.memref_slice %arg13[%dma_wait3A_371] : memref<1040xf32, #tpu.memory_space<vmem>> -> memref<1024xf32, #tpu.memory_space<vmem>>
      %dma_wait3A_373 = arith.constant 0 : i32
      %dma_wait3A_374 = tpu.memref_slice %arg2[%dma_wait3A_373] : memref<3200000xf32, #tpu.memory_space<hbm>> -> memref<1024xf32, #tpu.memory_space<hbm>>
      tpu.wait_dma2 semaphore(%arg31 : memref<!tpu.dma_semaphore, #tpu.memory_space<semaphore_mem>>) src(%dma_wait3A_374 : memref<1024xf32, #tpu.memory_space<hbm>>) dst(%dma_wait3A_372 : memref<1024xf32, #tpu.memory_space<vmem>>)
      %dma_wait3A_375 = arith.constant 0 : i32
      %dma_wait3A_376 = tpu.memref_slice %arg14[%dma_wait3A_375] : memref<1040xi32, #tpu.memory_space<vmem>> -> memref<1024xi32, #tpu.memory_space<vmem>>
      %dma_wait3A_377 = arith.constant 0 : i32
      %dma_wait3A_378 = tpu.memref_slice %arg5[%dma_wait3A_377] : memref<3200000xi32, #tpu.memory_space<hbm>> -> memref<1024xi32, #tpu.memory_space<hbm>>
      %dma_wait3A_379 = arith.constant 0 : i32
      %dma_wait3A_380 = tpu.memref_slice %arg14[%dma_wait3A_379] : memref<1040xi32, #tpu.memory_space<vmem>> -> memref<1024xi32, #tpu.memory_space<vmem>>
      %dma_wait3A_381 = arith.constant 0 : i32
      %dma_wait3A_382 = tpu.memref_slice %arg5[%dma_wait3A_381] : memref<3200000xi32, #tpu.memory_space<hbm>> -> memref<1024xi32, #tpu.memory_space<hbm>>
      tpu.wait_dma2 semaphore(%arg31 : memref<!tpu.dma_semaphore, #tpu.memory_space<semaphore_mem>>) src(%dma_wait3A_382 : memref<1024xi32, #tpu.memory_space<hbm>>) dst(%dma_wait3A_380 : memref<1024xi32, #tpu.memory_space<vmem>>)
      %dma_wait3A_383 = arith.constant 0 : i32
      %dma_wait3A_384 = tpu.memref_slice %arg19[%dma_wait3A_383] : memref<1040xf32, #tpu.memory_space<vmem>> -> memref<1024xf32, #tpu.memory_space<vmem>>
      %dma_wait3A_385 = arith.constant 0 : i32
      %dma_wait3A_386 = tpu.memref_slice %arg2[%dma_wait3A_385] : memref<3200000xf32, #tpu.memory_space<hbm>> -> memref<1024xf32, #tpu.memory_space<hbm>>
      %dma_wait3A_387 = arith.constant 0 : i32
      %dma_wait3A_388 = tpu.memref_slice %arg19[%dma_wait3A_387] : memref<1040xf32, #tpu.memory_space<vmem>> -> memref<1024xf32, #tpu.memory_space<vmem>>
      %dma_wait3A_389 = arith.constant 0 : i32
      %dma_wait3A_390 = tpu.memref_slice %arg2[%dma_wait3A_389] : memref<3200000xf32, #tpu.memory_space<hbm>> -> memref<1024xf32, #tpu.memory_space<hbm>>
      tpu.wait_dma2 semaphore(%arg31 : memref<!tpu.dma_semaphore, #tpu.memory_space<semaphore_mem>>) src(%dma_wait3A_390 : memref<1024xf32, #tpu.memory_space<hbm>>) dst(%dma_wait3A_388 : memref<1024xf32, #tpu.memory_space<vmem>>)
      %dma_wait3A_391 = arith.constant 0 : i32
      %dma_wait3A_392 = tpu.memref_slice %arg20[%dma_wait3A_391] : memref<1040xf32, #tpu.memory_space<vmem>> -> memref<1024xf32, #tpu.memory_space<vmem>>
      %dma_wait3A_393 = arith.constant 0 : i32
      %dma_wait3A_394 = tpu.memref_slice %arg2[%dma_wait3A_393] : memref<3200000xf32, #tpu.memory_space<hbm>> -> memref<1024xf32, #tpu.memory_space<hbm>>
      %dma_wait3A_395 = arith.constant 0 : i32
      %dma_wait3A_396 = tpu.memref_slice %arg20[%dma_wait3A_395] : memref<1040xf32, #tpu.memory_space<vmem>> -> memref<1024xf32, #tpu.memory_space<vmem>>
      %dma_wait3A_397 = arith.constant 0 : i32
      %dma_wait3A_398 = tpu.memref_slice %arg2[%dma_wait3A_397] : memref<3200000xf32, #tpu.memory_space<hbm>> -> memref<1024xf32, #tpu.memory_space<hbm>>
      tpu.wait_dma2 semaphore(%arg31 : memref<!tpu.dma_semaphore, #tpu.memory_space<semaphore_mem>>) src(%dma_wait3A_398 : memref<1024xf32, #tpu.memory_space<hbm>>) dst(%dma_wait3A_396 : memref<1024xf32, #tpu.memory_space<vmem>>)
      %dma_wait3A_399 = arith.constant 0 : i32
      %dma_wait3A_400 = tpu.memref_slice %arg21[%dma_wait3A_399] : memref<1040xf32, #tpu.memory_space<vmem>> -> memref<1024xf32, #tpu.memory_space<vmem>>
      %dma_wait3A_401 = arith.constant 0 : i32
      %dma_wait3A_402 = tpu.memref_slice %arg2[%dma_wait3A_401] : memref<3200000xf32, #tpu.memory_space<hbm>> -> memref<1024xf32, #tpu.memory_space<hbm>>
      %dma_wait3A_403 = arith.constant 0 : i32
      %dma_wait3A_404 = tpu.memref_slice %arg21[%dma_wait3A_403] : memref<1040xf32, #tpu.memory_space<vmem>> -> memref<1024xf32, #tpu.memory_space<vmem>>
      %dma_wait3A_405 = arith.constant 0 : i32
      %dma_wait3A_406 = tpu.memref_slice %arg2[%dma_wait3A_405] : memref<3200000xf32, #tpu.memory_space<hbm>> -> memref<1024xf32, #tpu.memory_space<hbm>>
      tpu.wait_dma2 semaphore(%arg31 : memref<!tpu.dma_semaphore, #tpu.memory_space<semaphore_mem>>) src(%dma_wait3A_406 : memref<1024xf32, #tpu.memory_space<hbm>>) dst(%dma_wait3A_404 : memref<1024xf32, #tpu.memory_space<vmem>>)
      %dma_wait3A_407 = arith.constant 0 : i32
      %dma_wait3A_408 = tpu.memref_slice %arg22[%dma_wait3A_407] : memref<1040xi32, #tpu.memory_space<vmem>> -> memref<1024xi32, #tpu.memory_space<vmem>>
      %dma_wait3A_409 = arith.constant 0 : i32
      %dma_wait3A_410 = tpu.memref_slice %arg5[%dma_wait3A_409] : memref<3200000xi32, #tpu.memory_space<hbm>> -> memref<1024xi32, #tpu.memory_space<hbm>>
      %dma_wait3A_411 = arith.constant 0 : i32
      %dma_wait3A_412 = tpu.memref_slice %arg22[%dma_wait3A_411] : memref<1040xi32, #tpu.memory_space<vmem>> -> memref<1024xi32, #tpu.memory_space<vmem>>
      %dma_wait3A_413 = arith.constant 0 : i32
      %dma_wait3A_414 = tpu.memref_slice %arg5[%dma_wait3A_413] : memref<3200000xi32, #tpu.memory_space<hbm>> -> memref<1024xi32, #tpu.memory_space<hbm>>
      tpu.wait_dma2 semaphore(%arg31 : memref<!tpu.dma_semaphore, #tpu.memory_space<semaphore_mem>>) src(%dma_wait3A_414 : memref<1024xi32, #tpu.memory_space<hbm>>) dst(%dma_wait3A_412 : memref<1024xi32, #tpu.memory_space<vmem>>)
      %scan3A_415 = arith.constant 0 : i32
      %scan3A_416 = arith.constant 0 : i32
      %scan3A_417 = arith.constant 64 : i32
      %scan3A_418 = arith.addi %scan3A_416, %scan3A_417 : i32
      %scan3A_419 = arith.constant 1 : i32
      scf.for %scan3A_553 = %scan3A_416 to %scan3A_418 step %scan3A_419  : i32 {
        %mul3A_554 = arith.constant 16 : i32
        %mul3A_555 = arith.muli %scan3A_553, %mul3A_554 : i32
        %get3A_556 = arith.index_cast %mul3A_555 : i32 to index
        %get3A_557 = tpu.vector_load %arg14[%get3A_556] {strides = array<i32>} : memref<1040xi32, #tpu.memory_space<vmem>>, vector<16xi32>,
        %sub3A_558 = vector.broadcast %mul3A_2 : i32 to vector<16xi32>
        %sub3A_559 = arith.subi %get3A_557, %sub3A_558 : vector<16xi32>
        %ge3A = arith.constant 0 : i32
        %ge3A_560 = vector.broadcast %ge3A : i32 to vector<16xi32>
        %ge3A_561 = arith.cmpi sge, %sub3A_559, %ge3A_560 : vector<16xi32>
        %lt3A = arith.constant 1563 : i32
        %lt3A_562 = vector.broadcast %lt3A : i32 to vector<16xi32>
        %lt3A_563 = arith.cmpi slt, %sub3A_559, %lt3A_562 : vector<16xi32>
        %and3A_564 = arith.andi %ge3A_561, %lt3A_563 : vector<16xi1>
        %jit3A_565 = arith.constant 1567 : i32
        %broadcast_in_dim3A_566 = vector.broadcast %jit3A_565 : i32 to vector<16xi32>
        %select_n3A_567 = arith.select %and3A_564, %sub3A_559, %broadcast_in_dim3A_566 : vector<16xi1>, vector<16xi32>
        %mul3A_568 = arith.constant 16 : i32
        %mul3A_569 = vector.broadcast %mul3A_568 : i32 to vector<16xi32>
        %mul3A_570 = arith.muli %select_n3A_567, %mul3A_569 : vector<16xi32>
        %get3A_571 = arith.index_cast %mul3A_555 : i32 to index
        %get3A_572 = tpu.vector_load %arg11[%get3A_571] {strides = array<i32>} : memref<1040xf32, #tpu.memory_space<vmem>>, vector<16xf32>,
        %get3A_573 = arith.index_cast %mul3A_555 : i32 to index
        %get3A_574 = tpu.vector_load %arg12[%get3A_573] {strides = array<i32>} : memref<1040xf32, #tpu.memory_space<vmem>>, vector<16xf32>,
        %get3A_575 = arith.index_cast %mul3A_555 : i32 to index
        %get3A_576 = tpu.vector_load %arg13[%get3A_575] {strides = array<i32>} : memref<1040xf32, #tpu.memory_space<vmem>>, vector<16xf32>,
        %get3A_577 = arith.index_cast %mul3A_555 : i32 to index
        %get3A_578 = tpu.vector_load %arg22[%get3A_577] {strides = array<i32>} : memref<1040xi32, #tpu.memory_space<vmem>>, vector<16xi32>,
        %sub3A_579 = vector.broadcast %add3A_4 : i32 to vector<16xi32>
        %sub3A_580 = arith.subi %get3A_578, %sub3A_579 : vector<16xi32>
        %ge3A_581 = arith.constant 0 : i32
        %ge3A_582 = vector.broadcast %ge3A_581 : i32 to vector<16xi32>
        %ge3A_583 = arith.cmpi sge, %sub3A_580, %ge3A_582 : vector<16xi32>
        %lt3A_584 = arith.constant 1562 : i32
        %lt3A_585 = vector.broadcast %lt3A_584 : i32 to vector<16xi32>
        %lt3A_586 = arith.cmpi slt, %sub3A_580, %lt3A_585 : vector<16xi32>
        %and3A_587 = arith.andi %ge3A_583, %lt3A_586 : vector<16xi1>
        %jit3A_588 = arith.constant 1567 : i32
        %broadcast_in_dim3A_589 = vector.broadcast %jit3A_588 : i32 to vector<16xi32>
        %select_n3A_590 = arith.select %and3A_587, %sub3A_580, %broadcast_in_dim3A_589 : vector<16xi1>, vector<16xi32>
        %mul3A_591 = arith.constant 16 : i32
        %mul3A_592 = vector.broadcast %mul3A_591 : i32 to vector<16xi32>
        %mul3A_593 = arith.muli %select_n3A_590, %mul3A_592 : vector<16xi32>
        %get3A_594 = arith.index_cast %mul3A_555 : i32 to index
        %get3A_595 = tpu.vector_load %arg19[%get3A_594] {strides = array<i32>} : memref<1040xf32, #tpu.memory_space<vmem>>, vector<16xf32>,
        %get3A_596 = arith.index_cast %mul3A_555 : i32 to index
        %get3A_597 = tpu.vector_load %arg20[%get3A_596] {strides = array<i32>} : memref<1040xf32, #tpu.memory_space<vmem>>, vector<16xf32>,
        %get3A_598 = arith.index_cast %mul3A_555 : i32 to index
        %get3A_599 = tpu.vector_load %arg21[%get3A_598] {strides = array<i32>} : memref<1040xf32, #tpu.memory_space<vmem>>, vector<16xf32>,
        %slice3A = vector.extract_strided_slice %get3A_572 {offsets = [0], sizes = [1], strides = [1]} : vector<16xf32> to vector<1xf32>
        %squeeze3A = vector.extract %slice3A[0] : f32 from vector<1xf32>
        %mul3A_600 = vector.broadcast %squeeze3A : f32 to vector<16xf32>
        %mul3A_601 = arith.mulf %mul3A_600, %get3A_7 : vector<16xf32>
        %slice3A_602 = vector.extract_strided_slice %get3A_574 {offsets = [0], sizes = [1], strides = [1]} : vector<16xf32> to vector<1xf32>
        %squeeze3A_603 = vector.extract %slice3A_602[0] : f32 from vector<1xf32>
        %mul3A_604 = vector.broadcast %squeeze3A_603 : f32 to vector<16xf32>
        %mul3A_605 = arith.mulf %mul3A_604, %get3A_11 : vector<16xf32>
        %add3A_606 = arith.addf %mul3A_601, %mul3A_605 : vector<16xf32>
        %slice3A_607 = vector.extract_strided_slice %get3A_576 {offsets = [0], sizes = [1], strides = [1]} : vector<16xf32> to vector<1xf32>
        %squeeze3A_608 = vector.extract %slice3A_607[0] : f32 from vector<1xf32>
        %mul3A_609 = vector.broadcast %squeeze3A_608 : f32 to vector<16xf32>
        %mul3A_610 = arith.mulf %mul3A_609, %get3A_15 : vector<16xf32>
        %add3A_611 = arith.addf %mul3A_610, %get3A_19 : vector<16xf32>
        %add3A_612 = arith.addf %add3A_606, %add3A_611 : vector<16xf32>
        %slice3A_613 = vector.extract_strided_slice %mul3A_570 {offsets = [0], sizes = [1], strides = [1]} : vector<16xi32> to vector<1xi32>
        %squeeze3A_614 = vector.extract %slice3A_613[0] : i32 from vector<1xi32>
        %add3A_615 = vector.broadcast %squeeze3A_614 : i32 to vector<16xi32>
        %add3A_616 = arith.addi %add3A_615, %iota3A : vector<16xi32>
        %slice3A_617 = vector.extract_strided_slice %get3A_595 {offsets = [0], sizes = [1], strides = [1]} : vector<16xf32> to vector<1xf32>
        %squeeze3A_618 = vector.extract %slice3A_617[0] : f32 from vector<1xf32>
        %mul3A_619 = vector.broadcast %squeeze3A_618 : f32 to vector<16xf32>
        %mul3A_620 = arith.mulf %mul3A_619, %get3A_7 : vector<16xf32>
        %slice3A_621 = vector.extract_strided_slice %get3A_597 {offsets = [0], sizes = [1], strides = [1]} : vector<16xf32> to vector<1xf32>
        %squeeze3A_622 = vector.extract %slice3A_621[0] : f32 from vector<1xf32>
        %mul3A_623 = vector.broadcast %squeeze3A_622 : f32 to vector<16xf32>
        %mul3A_624 = arith.mulf %mul3A_623, %get3A_11 : vector<16xf32>
        %add3A_625 = arith.addf %mul3A_620, %mul3A_624 : vector<16xf32>
        %slice3A_626 = vector.extract_strided_slice %get3A_599 {offsets = [0], sizes = [1], strides = [1]} : vector<16xf32> to vector<1xf32>
        %squeeze3A_627 = vector.extract %slice3A_626[0] : f32 from vector<1xf32>
        %mul3A_628 = vector.broadcast %squeeze3A_627 : f32 to vector<16xf32>
        %mul3A_629 = arith.mulf %mul3A_628, %get3A_15 : vector<16xf32>
        %add3A_630 = arith.addf %mul3A_629, %get3A_19 : vector<16xf32>
        %add3A_631 = arith.addf %add3A_625, %add3A_630 : vector<16xf32>
        %slice3A_632 = vector.extract_strided_slice %mul3A_593 {offsets = [0], sizes = [1], strides = [1]} : vector<16xi32> to vector<1xi32>
        %squeeze3A_633 = vector.extract %slice3A_632[0] : i32 from vector<1xi32>
        %add3A_634 = vector.broadcast %squeeze3A_633 : i32 to vector<16xi32>
        %add3A_635 = arith.addi %add3A_634, %iota3A : vector<16xi32>
        %slice3A_636 = vector.extract_strided_slice %get3A_572 {offsets = [1], sizes = [1], strides = [1]} : vector<16xf32> to vector<1xf32>
        %squeeze3A_637 = vector.extract %slice3A_636[0] : f32 from vector<1xf32>
        %mul3A_638 = vector.broadcast %squeeze3A_637 : f32 to vector<16xf32>
        %mul3A_639 = arith.mulf %mul3A_638, %get3A_7 : vector<16xf32>
        %slice3A_640 = vector.extract_strided_slice %get3A_574 {offsets = [1], sizes = [1], strides = [1]} : vector<16xf32> to vector<1xf32>
        %squeeze3A_641 = vector.extract %slice3A_640[0] : f32 from vector<1xf32>
        %mul3A_642 = vector.broadcast %squeeze3A_641 : f32 to vector<16xf32>
        %mul3A_643 = arith.mulf %mul3A_642, %get3A_11 : vector<16xf32>
        %add3A_644 = arith.addf %mul3A_639, %mul3A_643 : vector<16xf32>
        %slice3A_645 = vector.extract_strided_slice %get3A_576 {offsets = [1], sizes = [1], strides = [1]} : vector<16xf32> to vector<1xf32>
        %squeeze3A_646 = vector.extract %slice3A_645[0] : f32 from vector<1xf32>
        %mul3A_647 = vector.broadcast %squeeze3A_646 : f32 to vector<16xf32>
        %mul3A_648 = arith.mulf %mul3A_647, %get3A_15 : vector<16xf32>
        %add3A_649 = arith.addf %mul3A_648, %get3A_19 : vector<16xf32>
        %add3A_650 = arith.addf %add3A_644, %add3A_649 : vector<16xf32>
        %slice3A_651 = vector.extract_strided_slice %mul3A_570 {offsets = [1], sizes = [1], strides = [1]} : vector<16xi32> to vector<1xi32>
        %squeeze3A_652 = vector.extract %slice3A_651[0] : i32 from vector<1xi32>
        %add3A_653 = vector.broadcast %squeeze3A_652 : i32 to vector<16xi32>
        %add3A_654 = arith.addi %add3A_653, %iota3A : vector<16xi32>
        %slice3A_655 = vector.extract_strided_slice %get3A_595 {offsets = [1], sizes = [1], strides = [1]} : vector<16xf32> to vector<1xf32>
        %squeeze3A_656 = vector.extract %slice3A_655[0] : f32 from vector<1xf32>
        %mul3A_657 = vector.broadcast %squeeze3A_656 : f32 to vector<16xf32>
        %mul3A_658 = arith.mulf %mul3A_657, %get3A_7 : vector<16xf32>
        %slice3A_659 = vector.extract_strided_slice %get3A_597 {offsets = [1], sizes = [1], strides = [1]} : vector<16xf32> to vector<1xf32>
        %squeeze3A_660 = vector.extract %slice3A_659[0] : f32 from vector<1xf32>
        %mul3A_661 = vector.broadcast %squeeze3A_660 : f32 to vector<16xf32>
        %mul3A_662 = arith.mulf %mul3A_661, %get3A_11 : vector<16xf32>
        %add3A_663 = arith.addf %mul3A_658, %mul3A_662 : vector<16xf32>
        %slice3A_664 = vector.extract_strided_slice %get3A_599 {offsets = [1], sizes = [1], strides = [1]} : vector<16xf32> to vector<1xf32>
        %squeeze3A_665 = vector.extract %slice3A_664[0] : f32 from vector<1xf32>
        %mul3A_666 = vector.broadcast %squeeze3A_665 : f32 to vector<16xf32>
        %mul3A_667 = arith.mulf %mul3A_666, %get3A_15 : vector<16xf32>
        %add3A_668 = arith.addf %mul3A_667, %get3A_19 : vector<16xf32>
        %add3A_669 = arith.addf %add3A_663, %add3A_668 : vector<16xf32>
        %slice3A_670 = vector.extract_strided_slice %mul3A_593 {offsets = [1], sizes = [1], strides = [1]} : vector<16xi32> to vector<1xi32>
        %squeeze3A_671 = vector.extract %slice3A_670[0] : i32 from vector<1xi32>
        %add3A_672 = vector.broadcast %squeeze3A_671 : i32 to vector<16xi32>
        %add3A_673 = arith.addi %add3A_672, %iota3A : vector<16xi32>
        %slice3A_674 = vector.extract_strided_slice %get3A_572 {offsets = [2], sizes = [1], strides = [1]} : vector<16xf32> to vector<1xf32>
        %squeeze3A_675 = vector.extract %slice3A_674[0] : f32 from vector<1xf32>
        %mul3A_676 = vector.broadcast %squeeze3A_675 : f32 to vector<16xf32>
        %mul3A_677 = arith.mulf %mul3A_676, %get3A_7 : vector<16xf32>
        %slice3A_678 = vector.extract_strided_slice %get3A_574 {offsets = [2], sizes = [1], strides = [1]} : vector<16xf32> to vector<1xf32>
        %squeeze3A_679 = vector.extract %slice3A_678[0] : f32 from vector<1xf32>
        %mul3A_680 = vector.broadcast %squeeze3A_679 : f32 to vector<16xf32>
        %mul3A_681 = arith.mulf %mul3A_680, %get3A_11 : vector<16xf32>
        %add3A_682 = arith.addf %mul3A_677, %mul3A_681 : vector<16xf32>
        %slice3A_683 = vector.extract_strided_slice %get3A_576 {offsets = [2], sizes = [1], strides = [1]} : vector<16xf32> to vector<1xf32>
        %squeeze3A_684 = vector.extract %slice3A_683[0] : f32 from vector<1xf32>
        %mul3A_685 = vector.broadcast %squeeze3A_684 : f32 to vector<16xf32>
        %mul3A_686 = arith.mulf %mul3A_685, %get3A_15 : vector<16xf32>
        %add3A_687 = arith.addf %mul3A_686, %get3A_19 : vector<16xf32>
        %add3A_688 = arith.addf %add3A_682, %add3A_687 : vector<16xf32>
        %slice3A_689 = vector.extract_strided_slice %mul3A_570 {offsets = [2], sizes = [1], strides = [1]} : vector<16xi32> to vector<1xi32>
        %squeeze3A_690 = vector.extract %slice3A_689[0] : i32 from vector<1xi32>
        %add3A_691 = vector.broadcast %squeeze3A_690 : i32 to vector<16xi32>
        %add3A_692 = arith.addi %add3A_691, %iota3A : vector<16xi32>
        %slice3A_693 = vector.extract_strided_slice %get3A_595 {offsets = [2], sizes = [1], strides = [1]} : vector<16xf32> to vector<1xf32>
        %squeeze3A_694 = vector.extract %slice3A_693[0] : f32 from vector<1xf32>
        %mul3A_695 = vector.broadcast %squeeze3A_694 : f32 to vector<16xf32>
        %mul3A_696 = arith.mulf %mul3A_695, %get3A_7 : vector<16xf32>
        %slice3A_697 = vector.extract_strided_slice %get3A_597 {offsets = [2], sizes = [1], strides = [1]} : vector<16xf32> to vector<1xf32>
        %squeeze3A_698 = vector.extract %slice3A_697[0] : f32 from vector<1xf32>
        %mul3A_699 = vector.broadcast %squeeze3A_698 : f32 to vector<16xf32>
        %mul3A_700 = arith.mulf %mul3A_699, %get3A_11 : vector<16xf32>
        %add3A_701 = arith.addf %mul3A_696, %mul3A_700 : vector<16xf32>
        %slice3A_702 = vector.extract_strided_slice %get3A_599 {offsets = [2], sizes = [1], strides = [1]} : vector<16xf32> to vector<1xf32>
        %squeeze3A_703 = vector.extract %slice3A_702[0] : f32 from vector<1xf32>
        %mul3A_704 = vector.broadcast %squeeze3A_703 : f32 to vector<16xf32>
        %mul3A_705 = arith.mulf %mul3A_704, %get3A_15 : vector<16xf32>
        %add3A_706 = arith.addf %mul3A_705, %get3A_19 : vector<16xf32>
        %add3A_707 = arith.addf %add3A_701, %add3A_706 : vector<16xf32>
        %slice3A_708 = vector.extract_strided_slice %mul3A_593 {offsets = [2], sizes = [1], strides = [1]} : vector<16xi32> to vector<1xi32>
        %squeeze3A_709 = vector.extract %slice3A_708[0] : i32 from vector<1xi32>
        %add3A_710 = vector.broadcast %squeeze3A_709 : i32 to vector<16xi32>
        %add3A_711 = arith.addi %add3A_710, %iota3A : vector<16xi32>
        %slice3A_712 = vector.extract_strided_slice %get3A_572 {offsets = [3], sizes = [1], strides = [1]} : vector<16xf32> to vector<1xf32>
        %squeeze3A_713 = vector.extract %slice3A_712[0] : f32 from vector<1xf32>
        %mul3A_714 = vector.broadcast %squeeze3A_713 : f32 to vector<16xf32>
        %mul3A_715 = arith.mulf %mul3A_714, %get3A_7 : vector<16xf32>
        %slice3A_716 = vector.extract_strided_slice %get3A_574 {offsets = [3], sizes = [1], strides = [1]} : vector<16xf32> to vector<1xf32>
        %squeeze3A_717 = vector.extract %slice3A_716[0] : f32 from vector<1xf32>
        %mul3A_718 = vector.broadcast %squeeze3A_717 : f32 to vector<16xf32>
        %mul3A_719 = arith.mulf %mul3A_718, %get3A_11 : vector<16xf32>
        %add3A_720 = arith.addf %mul3A_715, %mul3A_719 : vector<16xf32>
        %slice3A_721 = vector.extract_strided_slice %get3A_576 {offsets = [3], sizes = [1], strides = [1]} : vector<16xf32> to vector<1xf32>
        %squeeze3A_722 = vector.extract %slice3A_721[0] : f32 from vector<1xf32>
        %mul3A_723 = vector.broadcast %squeeze3A_722 : f32 to vector<16xf32>
        %mul3A_724 = arith.mulf %mul3A_723, %get3A_15 : vector<16xf32>
        %add3A_725 = arith.addf %mul3A_724, %get3A_19 : vector<16xf32>
        %add3A_726 = arith.addf %add3A_720, %add3A_725 : vector<16xf32>
        %slice3A_727 = vector.extract_strided_slice %mul3A_570 {offsets = [3], sizes = [1], strides = [1]} : vector<16xi32> to vector<1xi32>
        %squeeze3A_728 = vector.extract %slice3A_727[0] : i32 from vector<1xi32>
        %add3A_729 = vector.broadcast %squeeze3A_728 : i32 to vector<16xi32>
        %add3A_730 = arith.addi %add3A_729, %iota3A : vector<16xi32>
        %slice3A_731 = vector.extract_strided_slice %get3A_595 {offsets = [3], sizes = [1], strides = [1]} : vector<16xf32> to vector<1xf32>
        %squeeze3A_732 = vector.extract %slice3A_731[0] : f32 from vector<1xf32>
        %mul3A_733 = vector.broadcast %squeeze3A_732 : f32 to vector<16xf32>
        %mul3A_734 = arith.mulf %mul3A_733, %get3A_7 : vector<16xf32>
        %slice3A_735 = vector.extract_strided_slice %get3A_597 {offsets = [3], sizes = [1], strides = [1]} : vector<16xf32> to vector<1xf32>
        %squeeze3A_736 = vector.extract %slice3A_735[0] : f32 from vector<1xf32>
        %mul3A_737 = vector.broadcast %squeeze3A_736 : f32 to vector<16xf32>
        %mul3A_738 = arith.mulf %mul3A_737, %get3A_11 : vector<16xf32>
        %add3A_739 = arith.addf %mul3A_734, %mul3A_738 : vector<16xf32>
        %slice3A_740 = vector.extract_strided_slice %get3A_599 {offsets = [3], sizes = [1], strides = [1]} : vector<16xf32> to vector<1xf32>
        %squeeze3A_741 = vector.extract %slice3A_740[0] : f32 from vector<1xf32>
        %mul3A_742 = vector.broadcast %squeeze3A_741 : f32 to vector<16xf32>
        %mul3A_743 = arith.mulf %mul3A_742, %get3A_15 : vector<16xf32>
        %add3A_744 = arith.addf %mul3A_743, %get3A_19 : vector<16xf32>
        %add3A_745 = arith.addf %add3A_739, %add3A_744 : vector<16xf32>
        %slice3A_746 = vector.extract_strided_slice %mul3A_593 {offsets = [3], sizes = [1], strides = [1]} : vector<16xi32> to vector<1xi32>
        %squeeze3A_747 = vector.extract %slice3A_746[0] : i32 from vector<1xi32>
        %add3A_748 = vector.broadcast %squeeze3A_747 : i32 to vector<16xi32>
        %add3A_749 = arith.addi %add3A_748, %iota3A : vector<16xi32>
        %slice3A_750 = vector.extract_strided_slice %get3A_572 {offsets = [4], sizes = [1], strides = [1]} : vector<16xf32> to vector<1xf32>
        %squeeze3A_751 = vector.extract %slice3A_750[0] : f32 from vector<1xf32>
        %mul3A_752 = vector.broadcast %squeeze3A_751 : f32 to vector<16xf32>
        %mul3A_753 = arith.mulf %mul3A_752, %get3A_7 : vector<16xf32>
        %slice3A_754 = vector.extract_strided_slice %get3A_574 {offsets = [4], sizes = [1], strides = [1]} : vector<16xf32> to vector<1xf32>
        %squeeze3A_755 = vector.extract %slice3A_754[0] : f32 from vector<1xf32>
        %mul3A_756 = vector.broadcast %squeeze3A_755 : f32 to vector<16xf32>
        %mul3A_757 = arith.mulf %mul3A_756, %get3A_11 : vector<16xf32>
        %add3A_758 = arith.addf %mul3A_753, %mul3A_757 : vector<16xf32>
        %slice3A_759 = vector.extract_strided_slice %get3A_576 {offsets = [4], sizes = [1], strides = [1]} : vector<16xf32> to vector<1xf32>
        %squeeze3A_760 = vector.extract %slice3A_759[0] : f32 from vector<1xf32>
        %mul3A_761 = vector.broadcast %squeeze3A_760 : f32 to vector<16xf32>
        %mul3A_762 = arith.mulf %mul3A_761, %get3A_15 : vector<16xf32>
        %add3A_763 = arith.addf %mul3A_762, %get3A_19 : vector<16xf32>
        %add3A_764 = arith.addf %add3A_758, %add3A_763 : vector<16xf32>
        %slice3A_765 = vector.extract_strided_slice %mul3A_570 {offsets = [4], sizes = [1], strides = [1]} : vector<16xi32> to vector<1xi32>
        %squeeze3A_766 = vector.extract %slice3A_765[0] : i32 from vector<1xi32>
        %add3A_767 = vector.broadcast %squeeze3A_766 : i32 to vector<16xi32>
        %add3A_768 = arith.addi %add3A_767, %iota3A : vector<16xi32>
        %slice3A_769 = vector.extract_strided_slice %get3A_595 {offsets = [4], sizes = [1], strides = [1]} : vector<16xf32> to vector<1xf32>
        %squeeze3A_770 = vector.extract %slice3A_769[0] : f32 from vector<1xf32>
        %mul3A_771 = vector.broadcast %squeeze3A_770 : f32 to vector<16xf32>
        %mul3A_772 = arith.mulf %mul3A_771, %get3A_7 : vector<16xf32>
        %slice3A_773 = vector.extract_strided_slice %get3A_597 {offsets = [4], sizes = [1], strides = [1]} : vector<16xf32> to vector<1xf32>
        %squeeze3A_774 = vector.extract %slice3A_773[0] : f32 from vector<1xf32>
        %mul3A_775 = vector.broadcast %squeeze3A_774 : f32 to vector<16xf32>
        %mul3A_776 = arith.mulf %mul3A_775, %get3A_11 : vector<16xf32>
        %add3A_777 = arith.addf %mul3A_772, %mul3A_776 : vector<16xf32>
        %slice3A_778 = vector.extract_strided_slice %get3A_599 {offsets = [4], sizes = [1], strides = [1]} : vector<16xf32> to vector<1xf32>
        %squeeze3A_779 = vector.extract %slice3A_778[0] : f32 from vector<1xf32>
        %mul3A_780 = vector.broadcast %squeeze3A_779 : f32 to vector<16xf32>
        %mul3A_781 = arith.mulf %mul3A_780, %get3A_15 : vector<16xf32>
        %add3A_782 = arith.addf %mul3A_781, %get3A_19 : vector<16xf32>
        %add3A_783 = arith.addf %add3A_777, %add3A_782 : vector<16xf32>
        %slice3A_784 = vector.extract_strided_slice %mul3A_593 {offsets = [4], sizes = [1], strides = [1]} : vector<16xi32> to vector<1xi32>
        %squeeze3A_785 = vector.extract %slice3A_784[0] : i32 from vector<1xi32>
        %add3A_786 = vector.broadcast %squeeze3A_785 : i32 to vector<16xi32>
        %add3A_787 = arith.addi %add3A_786, %iota3A : vector<16xi32>
        %slice3A_788 = vector.extract_strided_slice %get3A_572 {offsets = [5], sizes = [1], strides = [1]} : vector<16xf32> to vector<1xf32>
        %squeeze3A_789 = vector.extract %slice3A_788[0] : f32 from vector<1xf32>
        %mul3A_790 = vector.broadcast %squeeze3A_789 : f32 to vector<16xf32>
        %mul3A_791 = arith.mulf %mul3A_790, %get3A_7 : vector<16xf32>
        %slice3A_792 = vector.extract_strided_slice %get3A_574 {offsets = [5], sizes = [1], strides = [1]} : vector<16xf32> to vector<1xf32>
        %squeeze3A_793 = vector.extract %slice3A_792[0] : f32 from vector<1xf32>
        %mul3A_794 = vector.broadcast %squeeze3A_793 : f32 to vector<16xf32>
        %mul3A_795 = arith.mulf %mul3A_794, %get3A_11 : vector<16xf32>
        %add3A_796 = arith.addf %mul3A_791, %mul3A_795 : vector<16xf32>
        %slice3A_797 = vector.extract_strided_slice %get3A_576 {offsets = [5], sizes = [1], strides = [1]} : vector<16xf32> to vector<1xf32>
        %squeeze3A_798 = vector.extract %slice3A_797[0] : f32 from vector<1xf32>
        %mul3A_799 = vector.broadcast %squeeze3A_798 : f32 to vector<16xf32>
        %mul3A_800 = arith.mulf %mul3A_799, %get3A_15 : vector<16xf32>
        %add3A_801 = arith.addf %mul3A_800, %get3A_19 : vector<16xf32>
        %add3A_802 = arith.addf %add3A_796, %add3A_801 : vector<16xf32>
        %slice3A_803 = vector.extract_strided_slice %mul3A_570 {offsets = [5], sizes = [1], strides = [1]} : vector<16xi32> to vector<1xi32>
        %squeeze3A_804 = vector.extract %slice3A_803[0] : i32 from vector<1xi32>
        %add3A_805 = vector.broadcast %squeeze3A_804 : i32 to vector<16xi32>
        %add3A_806 = arith.addi %add3A_805, %iota3A : vector<16xi32>
        %slice3A_807 = vector.extract_strided_slice %get3A_595 {offsets = [5], sizes = [1], strides = [1]} : vector<16xf32> to vector<1xf32>
        %squeeze3A_808 = vector.extract %slice3A_807[0] : f32 from vector<1xf32>
        %mul3A_809 = vector.broadcast %squeeze3A_808 : f32 to vector<16xf32>
        %mul3A_810 = arith.mulf %mul3A_809, %get3A_7 : vector<16xf32>
        %slice3A_811 = vector.extract_strided_slice %get3A_597 {offsets = [5], sizes = [1], strides = [1]} : vector<16xf32> to vector<1xf32>
        %squeeze3A_812 = vector.extract %slice3A_811[0] : f32 from vector<1xf32>
        %mul3A_813 = vector.broadcast %squeeze3A_812 : f32 to vector<16xf32>
        %mul3A_814 = arith.mulf %mul3A_813, %get3A_11 : vector<16xf32>
        %add3A_815 = arith.addf %mul3A_810, %mul3A_814 : vector<16xf32>
        %slice3A_816 = vector.extract_strided_slice %get3A_599 {offsets = [5], sizes = [1], strides = [1]} : vector<16xf32> to vector<1xf32>
        %squeeze3A_817 = vector.extract %slice3A_816[0] : f32 from vector<1xf32>
        %mul3A_818 = vector.broadcast %squeeze3A_817 : f32 to vector<16xf32>
        %mul3A_819 = arith.mulf %mul3A_818, %get3A_15 : vector<16xf32>
        %add3A_820 = arith.addf %mul3A_819, %get3A_19 : vector<16xf32>
        %add3A_821 = arith.addf %add3A_815, %add3A_820 : vector<16xf32>
        %slice3A_822 = vector.extract_strided_slice %mul3A_593 {offsets = [5], sizes = [1], strides = [1]} : vector<16xi32> to vector<1xi32>
        %squeeze3A_823 = vector.extract %slice3A_822[0] : i32 from vector<1xi32>
        %add3A_824 = vector.broadcast %squeeze3A_823 : i32 to vector<16xi32>
        %add3A_825 = arith.addi %add3A_824, %iota3A : vector<16xi32>
        %slice3A_826 = vector.extract_strided_slice %get3A_572 {offsets = [6], sizes = [1], strides = [1]} : vector<16xf32> to vector<1xf32>
        %squeeze3A_827 = vector.extract %slice3A_826[0] : f32 from vector<1xf32>
        %mul3A_828 = vector.broadcast %squeeze3A_827 : f32 to vector<16xf32>
        %mul3A_829 = arith.mulf %mul3A_828, %get3A_7 : vector<16xf32>
        %slice3A_830 = vector.extract_strided_slice %get3A_574 {offsets = [6], sizes = [1], strides = [1]} : vector<16xf32> to vector<1xf32>
        %squeeze3A_831 = vector.extract %slice3A_830[0] : f32 from vector<1xf32>
        %mul3A_832 = vector.broadcast %squeeze3A_831 : f32 to vector<16xf32>
        %mul3A_833 = arith.mulf %mul3A_832, %get3A_11 : vector<16xf32>
        %add3A_834 = arith.addf %mul3A_829, %mul3A_833 : vector<16xf32>
        %slice3A_835 = vector.extract_strided_slice %get3A_576 {offsets = [6], sizes = [1], strides = [1]} : vector<16xf32> to vector<1xf32>
        %squeeze3A_836 = vector.extract %slice3A_835[0] : f32 from vector<1xf32>
        %mul3A_837 = vector.broadcast %squeeze3A_836 : f32 to vector<16xf32>
        %mul3A_838 = arith.mulf %mul3A_837, %get3A_15 : vector<16xf32>
        %add3A_839 = arith.addf %mul3A_838, %get3A_19 : vector<16xf32>
        %add3A_840 = arith.addf %add3A_834, %add3A_839 : vector<16xf32>
        %slice3A_841 = vector.extract_strided_slice %mul3A_570 {offsets = [6], sizes = [1], strides = [1]} : vector<16xi32> to vector<1xi32>
        %squeeze3A_842 = vector.extract %slice3A_841[0] : i32 from vector<1xi32>
        %add3A_843 = vector.broadcast %squeeze3A_842 : i32 to vector<16xi32>
        %add3A_844 = arith.addi %add3A_843, %iota3A : vector<16xi32>
        %slice3A_845 = vector.extract_strided_slice %get3A_595 {offsets = [6], sizes = [1], strides = [1]} : vector<16xf32> to vector<1xf32>
        %squeeze3A_846 = vector.extract %slice3A_845[0] : f32 from vector<1xf32>
        %mul3A_847 = vector.broadcast %squeeze3A_846 : f32 to vector<16xf32>
        %mul3A_848 = arith.mulf %mul3A_847, %get3A_7 : vector<16xf32>
        %slice3A_849 = vector.extract_strided_slice %get3A_597 {offsets = [6], sizes = [1], strides = [1]} : vector<16xf32> to vector<1xf32>
        %squeeze3A_850 = vector.extract %slice3A_849[0] : f32 from vector<1xf32>
        %mul3A_851 = vector.broadcast %squeeze3A_850 : f32 to vector<16xf32>
        %mul3A_852 = arith.mulf %mul3A_851, %get3A_11 : vector<16xf32>
        %add3A_853 = arith.addf %mul3A_848, %mul3A_852 : vector<16xf32>
        %slice3A_854 = vector.extract_strided_slice %get3A_599 {offsets = [6], sizes = [1], strides = [1]} : vector<16xf32> to vector<1xf32>
        %squeeze3A_855 = vector.extract %slice3A_854[0] : f32 from vector<1xf32>
        %mul3A_856 = vector.broadcast %squeeze3A_855 : f32 to vector<16xf32>
        %mul3A_857 = arith.mulf %mul3A_856, %get3A_15 : vector<16xf32>
        %add3A_858 = arith.addf %mul3A_857, %get3A_19 : vector<16xf32>
        %add3A_859 = arith.addf %add3A_853, %add3A_858 : vector<16xf32>
        %slice3A_860 = vector.extract_strided_slice %mul3A_593 {offsets = [6], sizes = [1], strides = [1]} : vector<16xi32> to vector<1xi32>
        %squeeze3A_861 = vector.extract %slice3A_860[0] : i32 from vector<1xi32>
        %add3A_862 = vector.broadcast %squeeze3A_861 : i32 to vector<16xi32>
        %add3A_863 = arith.addi %add3A_862, %iota3A : vector<16xi32>
        %slice3A_864 = vector.extract_strided_slice %get3A_572 {offsets = [7], sizes = [1], strides = [1]} : vector<16xf32> to vector<1xf32>
        %squeeze3A_865 = vector.extract %slice3A_864[0] : f32 from vector<1xf32>
        %mul3A_866 = vector.broadcast %squeeze3A_865 : f32 to vector<16xf32>
        %mul3A_867 = arith.mulf %mul3A_866, %get3A_7 : vector<16xf32>
        %slice3A_868 = vector.extract_strided_slice %get3A_574 {offsets = [7], sizes = [1], strides = [1]} : vector<16xf32> to vector<1xf32>
        %squeeze3A_869 = vector.extract %slice3A_868[0] : f32 from vector<1xf32>
        %mul3A_870 = vector.broadcast %squeeze3A_869 : f32 to vector<16xf32>
        %mul3A_871 = arith.mulf %mul3A_870, %get3A_11 : vector<16xf32>
        %add3A_872 = arith.addf %mul3A_867, %mul3A_871 : vector<16xf32>
        %slice3A_873 = vector.extract_strided_slice %get3A_576 {offsets = [7], sizes = [1], strides = [1]} : vector<16xf32> to vector<1xf32>
        %squeeze3A_874 = vector.extract %slice3A_873[0] : f32 from vector<1xf32>
        %mul3A_875 = vector.broadcast %squeeze3A_874 : f32 to vector<16xf32>
        %mul3A_876 = arith.mulf %mul3A_875, %get3A_15 : vector<16xf32>
        %add3A_877 = arith.addf %mul3A_876, %get3A_19 : vector<16xf32>
        %add3A_878 = arith.addf %add3A_872, %add3A_877 : vector<16xf32>
        %slice3A_879 = vector.extract_strided_slice %mul3A_570 {offsets = [7], sizes = [1], strides = [1]} : vector<16xi32> to vector<1xi32>
        %squeeze3A_880 = vector.extract %slice3A_879[0] : i32 from vector<1xi32>
        %add3A_881 = vector.broadcast %squeeze3A_880 : i32 to vector<16xi32>
        %add3A_882 = arith.addi %add3A_881, %iota3A : vector<16xi32>
        %slice3A_883 = vector.extract_strided_slice %get3A_595 {offsets = [7], sizes = [1], strides = [1]} : vector<16xf32> to vector<1xf32>
        %squeeze3A_884 = vector.extract %slice3A_883[0] : f32 from vector<1xf32>
        %mul3A_885 = vector.broadcast %squeeze3A_884 : f32 to vector<16xf32>
        %mul3A_886 = arith.mulf %mul3A_885, %get3A_7 : vector<16xf32>
        %slice3A_887 = vector.extract_strided_slice %get3A_597 {offsets = [7], sizes = [1], strides = [1]} : vector<16xf32> to vector<1xf32>
        %squeeze3A_888 = vector.extract %slice3A_887[0] : f32 from vector<1xf32>
        %mul3A_889 = vector.broadcast %squeeze3A_888 : f32 to vector<16xf32>
        %mul3A_890 = arith.mulf %mul3A_889, %get3A_11 : vector<16xf32>
        %add3A_891 = arith.addf %mul3A_886, %mul3A_890 : vector<16xf32>
        %slice3A_892 = vector.extract_strided_slice %get3A_599 {offsets = [7], sizes = [1], strides = [1]} : vector<16xf32> to vector<1xf32>
        %squeeze3A_893 = vector.extract %slice3A_892[0] : f32 from vector<1xf32>
        %mul3A_894 = vector.broadcast %squeeze3A_893 : f32 to vector<16xf32>
        %mul3A_895 = arith.mulf %mul3A_894, %get3A_15 : vector<16xf32>
        %add3A_896 = arith.addf %mul3A_895, %get3A_19 : vector<16xf32>
        %add3A_897 = arith.addf %add3A_891, %add3A_896 : vector<16xf32>
        %slice3A_898 = vector.extract_strided_slice %mul3A_593 {offsets = [7], sizes = [1], strides = [1]} : vector<16xi32> to vector<1xi32>
        %squeeze3A_899 = vector.extract %slice3A_898[0] : i32 from vector<1xi32>
        %add3A_900 = vector.broadcast %squeeze3A_899 : i32 to vector<16xi32>
        %add3A_901 = arith.addi %add3A_900, %iota3A : vector<16xi32>
        %gather3A = tpu.vector_load_idx %arg27[%add3A_616] : memref<25088xf32, #tpu.memory_space<vmem>>[vector<16xi32>], vector<16xf32>,
        %max3A_902 = arith.maximumf %gather3A, %add3A_612 : vector<16xf32>
        tpu.vector_store_idx %arg27[%add3A_616], %max3A_902 : memref<25088xf32, #tpu.memory_space<vmem>>[vector<16xi32>], vector<16xf32>,
        %gather3A_903 = tpu.vector_load_idx %arg29[%add3A_635] : memref<25088xf32, #tpu.memory_space<vmem>>[vector<16xi32>], vector<16xf32>,
        %max3A_904 = arith.maximumf %gather3A_903, %add3A_631 : vector<16xf32>
        tpu.vector_store_idx %arg29[%add3A_635], %max3A_904 : memref<25088xf32, #tpu.memory_space<vmem>>[vector<16xi32>], vector<16xf32>,
        %gather3A_905 = tpu.vector_load_idx %arg28[%add3A_654] : memref<25088xf32, #tpu.memory_space<vmem>>[vector<16xi32>], vector<16xf32>,
        %max3A_906 = arith.maximumf %gather3A_905, %add3A_650 : vector<16xf32>
        tpu.vector_store_idx %arg28[%add3A_654], %max3A_906 : memref<25088xf32, #tpu.memory_space<vmem>>[vector<16xi32>], vector<16xf32>,
        %gather3A_907 = tpu.vector_load_idx %arg30[%add3A_673] : memref<25088xf32, #tpu.memory_space<vmem>>[vector<16xi32>], vector<16xf32>,
        %max3A_908 = arith.maximumf %gather3A_907, %add3A_669 : vector<16xf32>
        tpu.vector_store_idx %arg30[%add3A_673], %max3A_908 : memref<25088xf32, #tpu.memory_space<vmem>>[vector<16xi32>], vector<16xf32>,
        %gather3A_909 = tpu.vector_load_idx %arg27[%add3A_692] : memref<25088xf32, #tpu.memory_space<vmem>>[vector<16xi32>], vector<16xf32>,
        %max3A_910 = arith.maximumf %gather3A_909, %add3A_688 : vector<16xf32>
        tpu.vector_store_idx %arg27[%add3A_692], %max3A_910 : memref<25088xf32, #tpu.memory_space<vmem>>[vector<16xi32>], vector<16xf32>,
        %gather3A_911 = tpu.vector_load_idx %arg29[%add3A_711] : memref<25088xf32, #tpu.memory_space<vmem>>[vector<16xi32>], vector<16xf32>,
        %max3A_912 = arith.maximumf %gather3A_911, %add3A_707 : vector<16xf32>
        tpu.vector_store_idx %arg29[%add3A_711], %max3A_912 : memref<25088xf32, #tpu.memory_space<vmem>>[vector<16xi32>], vector<16xf32>,
        %gather3A_913 = tpu.vector_load_idx %arg28[%add3A_730] : memref<25088xf32, #tpu.memory_space<vmem>>[vector<16xi32>], vector<16xf32>,
        %max3A_914 = arith.maximumf %gather3A_913, %add3A_726 : vector<16xf32>
        tpu.vector_store_idx %arg28[%add3A_730], %max3A_914 : memref<25088xf32, #tpu.memory_space<vmem>>[vector<16xi32>], vector<16xf32>,
        %gather3A_915 = tpu.vector_load_idx %arg30[%add3A_749] : memref<25088xf32, #tpu.memory_space<vmem>>[vector<16xi32>], vector<16xf32>,
        %max3A_916 = arith.maximumf %gather3A_915, %add3A_745 : vector<16xf32>
        tpu.vector_store_idx %arg30[%add3A_749], %max3A_916 : memref<25088xf32, #tpu.memory_space<vmem>>[vector<16xi32>], vector<16xf32>,
        %gather3A_917 = tpu.vector_load_idx %arg27[%add3A_768] : memref<25088xf32, #tpu.memory_space<vmem>>[vector<16xi32>], vector<16xf32>,
        %max3A_918 = arith.maximumf %gather3A_917, %add3A_764 : vector<16xf32>
        tpu.vector_store_idx %arg27[%add3A_768], %max3A_918 : memref<25088xf32, #tpu.memory_space<vmem>>[vector<16xi32>], vector<16xf32>,
        %gather3A_919 = tpu.vector_load_idx %arg29[%add3A_787] : memref<25088xf32, #tpu.memory_space<vmem>>[vector<16xi32>], vector<16xf32>,
        %max3A_920 = arith.maximumf %gather3A_919, %add3A_783 : vector<16xf32>
        tpu.vector_store_idx %arg29[%add3A_787], %max3A_920 : memref<25088xf32, #tpu.memory_space<vmem>>[vector<16xi32>], vector<16xf32>,
        %gather3A_921 = tpu.vector_load_idx %arg28[%add3A_806] : memref<25088xf32, #tpu.memory_space<vmem>>[vector<16xi32>], vector<16xf32>,
        %max3A_922 = arith.maximumf %gather3A_921, %add3A_802 : vector<16xf32>
        tpu.vector_store_idx %arg28[%add3A_806], %max3A_922 : memref<25088xf32, #tpu.memory_space<vmem>>[vector<16xi32>], vector<16xf32>,
        %gather3A_923 = tpu.vector_load_idx %arg30[%add3A_825] : memref<25088xf32, #tpu.memory_space<vmem>>[vector<16xi32>], vector<16xf32>,
        %max3A_924 = arith.maximumf %gather3A_923, %add3A_821 : vector<16xf32>
        tpu.vector_store_idx %arg30[%add3A_825], %max3A_924 : memref<25088xf32, #tpu.memory_space<vmem>>[vector<16xi32>], vector<16xf32>,
        %gather3A_925 = tpu.vector_load_idx %arg27[%add3A_844] : memref<25088xf32, #tpu.memory_space<vmem>>[vector<16xi32>], vector<16xf32>,
        %max3A_926 = arith.maximumf %gather3A_925, %add3A_840 : vector<16xf32>
        tpu.vector_store_idx %arg27[%add3A_844], %max3A_926 : memref<25088xf32, #tpu.memory_space<vmem>>[vector<16xi32>], vector<16xf32>,
        %gather3A_927 = tpu.vector_load_idx %arg29[%add3A_863] : memref<25088xf32, #tpu.memory_space<vmem>>[vector<16xi32>], vector<16xf32>,
        %max3A_928 = arith.maximumf %gather3A_927, %add3A_859 : vector<16xf32>
        tpu.vector_store_idx %arg29[%add3A_863], %max3A_928 : memref<25088xf32, #tpu.memory_space<vmem>>[vector<16xi32>], vector<16xf32>,
        %gather3A_929 = tpu.vector_load_idx %arg28[%add3A_882] : memref<25088xf32, #tpu.memory_space<vmem>>[vector<16xi32>], vector<16xf32>,
        %max3A_930 = arith.maximumf %gather3A_929, %add3A_878 : vector<16xf32>
        tpu.vector_store_idx %arg28[%add3A_882], %max3A_930 : memref<25088xf32, #tpu.memory_space<vmem>>[vector<16xi32>], vector<16xf32>,
        %gather3A_931 = tpu.vector_load_idx %arg30[%add3A_901] : memref<25088xf32, #tpu.memory_space<vmem>>[vector<16xi32>], vector<16xf32>,
        %max3A_932 = arith.maximumf %gather3A_931, %add3A_897 : vector<16xf32>
        tpu.vector_store_idx %arg30[%add3A_901], %max3A_932 : memref<25088xf32, #tpu.memory_space<vmem>>[vector<16xi32>], vector<16xf32>,
        %slice3A_933 = vector.extract_strided_slice %get3A_572 {offsets = [8], sizes = [1], strides = [1]} : vector<16xf32> to vector<1xf32>
        %squeeze3A_934 = vector.extract %slice3A_933[0] : f32 from vector<1xf32>
        %mul3A_935 = vector.broadcast %squeeze3A_934 : f32 to vector<16xf32>
        %mul3A_936 = arith.mulf %mul3A_935, %get3A_7 : vector<16xf32>
        %slice3A_937 = vector.extract_strided_slice %get3A_574 {offsets = [8], sizes = [1], strides = [1]} : vector<16xf32> to vector<1xf32>
        %squeeze3A_938 = vector.extract %slice3A_937[0] : f32 from vector<1xf32>
        %mul3A_939 = vector.broadcast %squeeze3A_938 : f32 to vector<16xf32>
        %mul3A_940 = arith.mulf %mul3A_939, %get3A_11 : vector<16xf32>
        %add3A_941 = arith.addf %mul3A_936, %mul3A_940 : vector<16xf32>
        %slice3A_942 = vector.extract_strided_slice %get3A_576 {offsets = [8], sizes = [1], strides = [1]} : vector<16xf32> to vector<1xf32>
        %squeeze3A_943 = vector.extract %slice3A_942[0] : f32 from vector<1xf32>
        %mul3A_944 = vector.broadcast %squeeze3A_943 : f32 to vector<16xf32>
        %mul3A_945 = arith.mulf %mul3A_944, %get3A_15 : vector<16xf32>
        %add3A_946 = arith.addf %mul3A_945, %get3A_19 : vector<16xf32>
        %add3A_947 = arith.addf %add3A_941, %add3A_946 : vector<16xf32>
        %slice3A_948 = vector.extract_strided_slice %mul3A_570 {offsets = [8], sizes = [1], strides = [1]} : vector<16xi32> to vector<1xi32>
        %squeeze3A_949 = vector.extract %slice3A_948[0] : i32 from vector<1xi32>
        %add3A_950 = vector.broadcast %squeeze3A_949 : i32 to vector<16xi32>
        %add3A_951 = arith.addi %add3A_950, %iota3A : vector<16xi32>
        %slice3A_952 = vector.extract_strided_slice %get3A_595 {offsets = [8], sizes = [1], strides = [1]} : vector<16xf32> to vector<1xf32>
        %squeeze3A_953 = vector.extract %slice3A_952[0] : f32 from vector<1xf32>
        %mul3A_954 = vector.broadcast %squeeze3A_953 : f32 to vector<16xf32>
        %mul3A_955 = arith.mulf %mul3A_954, %get3A_7 : vector<16xf32>
        %slice3A_956 = vector.extract_strided_slice %get3A_597 {offsets = [8], sizes = [1], strides = [1]} : vector<16xf32> to vector<1xf32>
        %squeeze3A_957 = vector.extract %slice3A_956[0] : f32 from vector<1xf32>
        %mul3A_958 = vector.broadcast %squeeze3A_957 : f32 to vector<16xf32>
        %mul3A_959 = arith.mulf %mul3A_958, %get3A_11 : vector<16xf32>
        %add3A_960 = arith.addf %mul3A_955, %mul3A_959 : vector<16xf32>
        %slice3A_961 = vector.extract_strided_slice %get3A_599 {offsets = [8], sizes = [1], strides = [1]} : vector<16xf32> to vector<1xf32>
        %squeeze3A_962 = vector.extract %slice3A_961[0] : f32 from vector<1xf32>
        %mul3A_963 = vector.broadcast %squeeze3A_962 : f32 to vector<16xf32>
        %mul3A_964 = arith.mulf %mul3A_963, %get3A_15 : vector<16xf32>
        %add3A_965 = arith.addf %mul3A_964, %get3A_19 : vector<16xf32>
        %add3A_966 = arith.addf %add3A_960, %add3A_965 : vector<16xf32>
        %slice3A_967 = vector.extract_strided_slice %mul3A_593 {offsets = [8], sizes = [1], strides = [1]} : vector<16xi32> to vector<1xi32>
        %squeeze3A_968 = vector.extract %slice3A_967[0] : i32 from vector<1xi32>
        %add3A_969 = vector.broadcast %squeeze3A_968 : i32 to vector<16xi32>
        %add3A_970 = arith.addi %add3A_969, %iota3A : vector<16xi32>
        %slice3A_971 = vector.extract_strided_slice %get3A_572 {offsets = [9], sizes = [1], strides = [1]} : vector<16xf32> to vector<1xf32>
        %squeeze3A_972 = vector.extract %slice3A_971[0] : f32 from vector<1xf32>
        %mul3A_973 = vector.broadcast %squeeze3A_972 : f32 to vector<16xf32>
        %mul3A_974 = arith.mulf %mul3A_973, %get3A_7 : vector<16xf32>
        %slice3A_975 = vector.extract_strided_slice %get3A_574 {offsets = [9], sizes = [1], strides = [1]} : vector<16xf32> to vector<1xf32>
        %squeeze3A_976 = vector.extract %slice3A_975[0] : f32 from vector<1xf32>
        %mul3A_977 = vector.broadcast %squeeze3A_976 : f32 to vector<16xf32>
        %mul3A_978 = arith.mulf %mul3A_977, %get3A_11 : vector<16xf32>
        %add3A_979 = arith.addf %mul3A_974, %mul3A_978 : vector<16xf32>
        %slice3A_980 = vector.extract_strided_slice %get3A_576 {offsets = [9], sizes = [1], strides = [1]} : vector<16xf32> to vector<1xf32>
        %squeeze3A_981 = vector.extract %slice3A_980[0] : f32 from vector<1xf32>
        %mul3A_982 = vector.broadcast %squeeze3A_981 : f32 to vector<16xf32>
        %mul3A_983 = arith.mulf %mul3A_982, %get3A_15 : vector<16xf32>
        %add3A_984 = arith.addf %mul3A_983, %get3A_19 : vector<16xf32>
        %add3A_985 = arith.addf %add3A_979, %add3A_984 : vector<16xf32>
        %slice3A_986 = vector.extract_strided_slice %mul3A_570 {offsets = [9], sizes = [1], strides = [1]} : vector<16xi32> to vector<1xi32>
        %squeeze3A_987 = vector.extract %slice3A_986[0] : i32 from vector<1xi32>
        %add3A_988 = vector.broadcast %squeeze3A_987 : i32 to vector<16xi32>
        %add3A_989 = arith.addi %add3A_988, %iota3A : vector<16xi32>
        %slice3A_990 = vector.extract_strided_slice %get3A_595 {offsets = [9], sizes = [1], strides = [1]} : vector<16xf32> to vector<1xf32>
        %squeeze3A_991 = vector.extract %slice3A_990[0] : f32 from vector<1xf32>
        %mul3A_992 = vector.broadcast %squeeze3A_991 : f32 to vector<16xf32>
        %mul3A_993 = arith.mulf %mul3A_992, %get3A_7 : vector<16xf32>
        %slice3A_994 = vector.extract_strided_slice %get3A_597 {offsets = [9], sizes = [1], strides = [1]} : vector<16xf32> to vector<1xf32>
        %squeeze3A_995 = vector.extract %slice3A_994[0] : f32 from vector<1xf32>
        %mul3A_996 = vector.broadcast %squeeze3A_995 : f32 to vector<16xf32>
        %mul3A_997 = arith.mulf %mul3A_996, %get3A_11 : vector<16xf32>
        %add3A_998 = arith.addf %mul3A_993, %mul3A_997 : vector<16xf32>
        %slice3A_999 = vector.extract_strided_slice %get3A_599 {offsets = [9], sizes = [1], strides = [1]} : vector<16xf32> to vector<1xf32>
        %squeeze3A_1000 = vector.extract %slice3A_999[0] : f32 from vector<1xf32>
        %mul3A_1001 = vector.broadcast %squeeze3A_1000 : f32 to vector<16xf32>
        %mul3A_1002 = arith.mulf %mul3A_1001, %get3A_15 : vector<16xf32>
        %add3A_1003 = arith.addf %mul3A_1002, %get3A_19 : vector<16xf32>
        %add3A_1004 = arith.addf %add3A_998, %add3A_1003 : vector<16xf32>
        %slice3A_1005 = vector.extract_strided_slice %mul3A_593 {offsets = [9], sizes = [1], strides = [1]} : vector<16xi32> to vector<1xi32>
        %squeeze3A_1006 = vector.extract %slice3A_1005[0] : i32 from vector<1xi32>
        %add3A_1007 = vector.broadcast %squeeze3A_1006 : i32 to vector<16xi32>
        %add3A_1008 = arith.addi %add3A_1007, %iota3A : vector<16xi32>
        %slice3A_1009 = vector.extract_strided_slice %get3A_572 {offsets = [10], sizes = [1], strides = [1]} : vector<16xf32> to vector<1xf32>
        %squeeze3A_1010 = vector.extract %slice3A_1009[0] : f32 from vector<1xf32>
        %mul3A_1011 = vector.broadcast %squeeze3A_1010 : f32 to vector<16xf32>
        %mul3A_1012 = arith.mulf %mul3A_1011, %get3A_7 : vector<16xf32>
        %slice3A_1013 = vector.extract_strided_slice %get3A_574 {offsets = [10], sizes = [1], strides = [1]} : vector<16xf32> to vector<1xf32>
        %squeeze3A_1014 = vector.extract %slice3A_1013[0] : f32 from vector<1xf32>
        %mul3A_1015 = vector.broadcast %squeeze3A_1014 : f32 to vector<16xf32>
        %mul3A_1016 = arith.mulf %mul3A_1015, %get3A_11 : vector<16xf32>
        %add3A_1017 = arith.addf %mul3A_1012, %mul3A_1016 : vector<16xf32>
        %slice3A_1018 = vector.extract_strided_slice %get3A_576 {offsets = [10], sizes = [1], strides = [1]} : vector<16xf32> to vector<1xf32>
        %squeeze3A_1019 = vector.extract %slice3A_1018[0] : f32 from vector<1xf32>
        %mul3A_1020 = vector.broadcast %squeeze3A_1019 : f32 to vector<16xf32>
        %mul3A_1021 = arith.mulf %mul3A_1020, %get3A_15 : vector<16xf32>
        %add3A_1022 = arith.addf %mul3A_1021, %get3A_19 : vector<16xf32>
        %add3A_1023 = arith.addf %add3A_1017, %add3A_1022 : vector<16xf32>
        %slice3A_1024 = vector.extract_strided_slice %mul3A_570 {offsets = [10], sizes = [1], strides = [1]} : vector<16xi32> to vector<1xi32>
        %squeeze3A_1025 = vector.extract %slice3A_1024[0] : i32 from vector<1xi32>
        %add3A_1026 = vector.broadcast %squeeze3A_1025 : i32 to vector<16xi32>
        %add3A_1027 = arith.addi %add3A_1026, %iota3A : vector<16xi32>
        %slice3A_1028 = vector.extract_strided_slice %get3A_595 {offsets = [10], sizes = [1], strides = [1]} : vector<16xf32> to vector<1xf32>
        %squeeze3A_1029 = vector.extract %slice3A_1028[0] : f32 from vector<1xf32>
        %mul3A_1030 = vector.broadcast %squeeze3A_1029 : f32 to vector<16xf32>
        %mul3A_1031 = arith.mulf %mul3A_1030, %get3A_7 : vector<16xf32>
        %slice3A_1032 = vector.extract_strided_slice %get3A_597 {offsets = [10], sizes = [1], strides = [1]} : vector<16xf32> to vector<1xf32>
        %squeeze3A_1033 = vector.extract %slice3A_1032[0] : f32 from vector<1xf32>
        %mul3A_1034 = vector.broadcast %squeeze3A_1033 : f32 to vector<16xf32>
        %mul3A_1035 = arith.mulf %mul3A_1034, %get3A_11 : vector<16xf32>
        %add3A_1036 = arith.addf %mul3A_1031, %mul3A_1035 : vector<16xf32>
        %slice3A_1037 = vector.extract_strided_slice %get3A_599 {offsets = [10], sizes = [1], strides = [1]} : vector<16xf32> to vector<1xf32>
        %squeeze3A_1038 = vector.extract %slice3A_1037[0] : f32 from vector<1xf32>
        %mul3A_1039 = vector.broadcast %squeeze3A_1038 : f32 to vector<16xf32>
        %mul3A_1040 = arith.mulf %mul3A_1039, %get3A_15 : vector<16xf32>
        %add3A_1041 = arith.addf %mul3A_1040, %get3A_19 : vector<16xf32>
        %add3A_1042 = arith.addf %add3A_1036, %add3A_1041 : vector<16xf32>
        %slice3A_1043 = vector.extract_strided_slice %mul3A_593 {offsets = [10], sizes = [1], strides = [1]} : vector<16xi32> to vector<1xi32>
        %squeeze3A_1044 = vector.extract %slice3A_1043[0] : i32 from vector<1xi32>
        %add3A_1045 = vector.broadcast %squeeze3A_1044 : i32 to vector<16xi32>
        %add3A_1046 = arith.addi %add3A_1045, %iota3A : vector<16xi32>
        %slice3A_1047 = vector.extract_strided_slice %get3A_572 {offsets = [11], sizes = [1], strides = [1]} : vector<16xf32> to vector<1xf32>
        %squeeze3A_1048 = vector.extract %slice3A_1047[0] : f32 from vector<1xf32>
        %mul3A_1049 = vector.broadcast %squeeze3A_1048 : f32 to vector<16xf32>
        %mul3A_1050 = arith.mulf %mul3A_1049, %get3A_7 : vector<16xf32>
        %slice3A_1051 = vector.extract_strided_slice %get3A_574 {offsets = [11], sizes = [1], strides = [1]} : vector<16xf32> to vector<1xf32>
        %squeeze3A_1052 = vector.extract %slice3A_1051[0] : f32 from vector<1xf32>
        %mul3A_1053 = vector.broadcast %squeeze3A_1052 : f32 to vector<16xf32>
        %mul3A_1054 = arith.mulf %mul3A_1053, %get3A_11 : vector<16xf32>
        %add3A_1055 = arith.addf %mul3A_1050, %mul3A_1054 : vector<16xf32>
        %slice3A_1056 = vector.extract_strided_slice %get3A_576 {offsets = [11], sizes = [1], strides = [1]} : vector<16xf32> to vector<1xf32>
        %squeeze3A_1057 = vector.extract %slice3A_1056[0] : f32 from vector<1xf32>
        %mul3A_1058 = vector.broadcast %squeeze3A_1057 : f32 to vector<16xf32>
        %mul3A_1059 = arith.mulf %mul3A_1058, %get3A_15 : vector<16xf32>
        %add3A_1060 = arith.addf %mul3A_1059, %get3A_19 : vector<16xf32>
        %add3A_1061 = arith.addf %add3A_1055, %add3A_1060 : vector<16xf32>
        %slice3A_1062 = vector.extract_strided_slice %mul3A_570 {offsets = [11], sizes = [1], strides = [1]} : vector<16xi32> to vector<1xi32>
        %squeeze3A_1063 = vector.extract %slice3A_1062[0] : i32 from vector<1xi32>
        %add3A_1064 = vector.broadcast %squeeze3A_1063 : i32 to vector<16xi32>
        %add3A_1065 = arith.addi %add3A_1064, %iota3A : vector<16xi32>
        %slice3A_1066 = vector.extract_strided_slice %get3A_595 {offsets = [11], sizes = [1], strides = [1]} : vector<16xf32> to vector<1xf32>
        %squeeze3A_1067 = vector.extract %slice3A_1066[0] : f32 from vector<1xf32>
        %mul3A_1068 = vector.broadcast %squeeze3A_1067 : f32 to vector<16xf32>
        %mul3A_1069 = arith.mulf %mul3A_1068, %get3A_7 : vector<16xf32>
        %slice3A_1070 = vector.extract_strided_slice %get3A_597 {offsets = [11], sizes = [1], strides = [1]} : vector<16xf32> to vector<1xf32>
        %squeeze3A_1071 = vector.extract %slice3A_1070[0] : f32 from vector<1xf32>
        %mul3A_1072 = vector.broadcast %squeeze3A_1071 : f32 to vector<16xf32>
        %mul3A_1073 = arith.mulf %mul3A_1072, %get3A_11 : vector<16xf32>
        %add3A_1074 = arith.addf %mul3A_1069, %mul3A_1073 : vector<16xf32>
        %slice3A_1075 = vector.extract_strided_slice %get3A_599 {offsets = [11], sizes = [1], strides = [1]} : vector<16xf32> to vector<1xf32>
        %squeeze3A_1076 = vector.extract %slice3A_1075[0] : f32 from vector<1xf32>
        %mul3A_1077 = vector.broadcast %squeeze3A_1076 : f32 to vector<16xf32>
        %mul3A_1078 = arith.mulf %mul3A_1077, %get3A_15 : vector<16xf32>
        %add3A_1079 = arith.addf %mul3A_1078, %get3A_19 : vector<16xf32>
        %add3A_1080 = arith.addf %add3A_1074, %add3A_1079 : vector<16xf32>
        %slice3A_1081 = vector.extract_strided_slice %mul3A_593 {offsets = [11], sizes = [1], strides = [1]} : vector<16xi32> to vector<1xi32>
        %squeeze3A_1082 = vector.extract %slice3A_1081[0] : i32 from vector<1xi32>
        %add3A_1083 = vector.broadcast %squeeze3A_1082 : i32 to vector<16xi32>
        %add3A_1084 = arith.addi %add3A_1083, %iota3A : vector<16xi32>
        %slice3A_1085 = vector.extract_strided_slice %get3A_572 {offsets = [12], sizes = [1], strides = [1]} : vector<16xf32> to vector<1xf32>
        %squeeze3A_1086 = vector.extract %slice3A_1085[0] : f32 from vector<1xf32>
        %mul3A_1087 = vector.broadcast %squeeze3A_1086 : f32 to vector<16xf32>
        %mul3A_1088 = arith.mulf %mul3A_1087, %get3A_7 : vector<16xf32>
        %slice3A_1089 = vector.extract_strided_slice %get3A_574 {offsets = [12], sizes = [1], strides = [1]} : vector<16xf32> to vector<1xf32>
        %squeeze3A_1090 = vector.extract %slice3A_1089[0] : f32 from vector<1xf32>
        %mul3A_1091 = vector.broadcast %squeeze3A_1090 : f32 to vector<16xf32>
        %mul3A_1092 = arith.mulf %mul3A_1091, %get3A_11 : vector<16xf32>
        %add3A_1093 = arith.addf %mul3A_1088, %mul3A_1092 : vector<16xf32>
        %slice3A_1094 = vector.extract_strided_slice %get3A_576 {offsets = [12], sizes = [1], strides = [1]} : vector<16xf32> to vector<1xf32>
        %squeeze3A_1095 = vector.extract %slice3A_1094[0] : f32 from vector<1xf32>
        %mul3A_1096 = vector.broadcast %squeeze3A_1095 : f32 to vector<16xf32>
        %mul3A_1097 = arith.mulf %mul3A_1096, %get3A_15 : vector<16xf32>
        %add3A_1098 = arith.addf %mul3A_1097, %get3A_19 : vector<16xf32>
        %add3A_1099 = arith.addf %add3A_1093, %add3A_1098 : vector<16xf32>
        %slice3A_1100 = vector.extract_strided_slice %mul3A_570 {offsets = [12], sizes = [1], strides = [1]} : vector<16xi32> to vector<1xi32>
        %squeeze3A_1101 = vector.extract %slice3A_1100[0] : i32 from vector<1xi32>
        %add3A_1102 = vector.broadcast %squeeze3A_1101 : i32 to vector<16xi32>
        %add3A_1103 = arith.addi %add3A_1102, %iota3A : vector<16xi32>
        %slice3A_1104 = vector.extract_strided_slice %get3A_595 {offsets = [12], sizes = [1], strides = [1]} : vector<16xf32> to vector<1xf32>
        %squeeze3A_1105 = vector.extract %slice3A_1104[0] : f32 from vector<1xf32>
        %mul3A_1106 = vector.broadcast %squeeze3A_1105 : f32 to vector<16xf32>
        %mul3A_1107 = arith.mulf %mul3A_1106, %get3A_7 : vector<16xf32>
        %slice3A_1108 = vector.extract_strided_slice %get3A_597 {offsets = [12], sizes = [1], strides = [1]} : vector<16xf32> to vector<1xf32>
        %squeeze3A_1109 = vector.extract %slice3A_1108[0] : f32 from vector<1xf32>
        %mul3A_1110 = vector.broadcast %squeeze3A_1109 : f32 to vector<16xf32>
        %mul3A_1111 = arith.mulf %mul3A_1110, %get3A_11 : vector<16xf32>
        %add3A_1112 = arith.addf %mul3A_1107, %mul3A_1111 : vector<16xf32>
        %slice3A_1113 = vector.extract_strided_slice %get3A_599 {offsets = [12], sizes = [1], strides = [1]} : vector<16xf32> to vector<1xf32>
        %squeeze3A_1114 = vector.extract %slice3A_1113[0] : f32 from vector<1xf32>
        %mul3A_1115 = vector.broadcast %squeeze3A_1114 : f32 to vector<16xf32>
        %mul3A_1116 = arith.mulf %mul3A_1115, %get3A_15 : vector<16xf32>
        %add3A_1117 = arith.addf %mul3A_1116, %get3A_19 : vector<16xf32>
        %add3A_1118 = arith.addf %add3A_1112, %add3A_1117 : vector<16xf32>
        %slice3A_1119 = vector.extract_strided_slice %mul3A_593 {offsets = [12], sizes = [1], strides = [1]} : vector<16xi32> to vector<1xi32>
        %squeeze3A_1120 = vector.extract %slice3A_1119[0] : i32 from vector<1xi32>
        %add3A_1121 = vector.broadcast %squeeze3A_1120 : i32 to vector<16xi32>
        %add3A_1122 = arith.addi %add3A_1121, %iota3A : vector<16xi32>
        %slice3A_1123 = vector.extract_strided_slice %get3A_572 {offsets = [13], sizes = [1], strides = [1]} : vector<16xf32> to vector<1xf32>
        %squeeze3A_1124 = vector.extract %slice3A_1123[0] : f32 from vector<1xf32>
        %mul3A_1125 = vector.broadcast %squeeze3A_1124 : f32 to vector<16xf32>
        %mul3A_1126 = arith.mulf %mul3A_1125, %get3A_7 : vector<16xf32>
        %slice3A_1127 = vector.extract_strided_slice %get3A_574 {offsets = [13], sizes = [1], strides = [1]} : vector<16xf32> to vector<1xf32>
        %squeeze3A_1128 = vector.extract %slice3A_1127[0] : f32 from vector<1xf32>
        %mul3A_1129 = vector.broadcast %squeeze3A_1128 : f32 to vector<16xf32>
        %mul3A_1130 = arith.mulf %mul3A_1129, %get3A_11 : vector<16xf32>
        %add3A_1131 = arith.addf %mul3A_1126, %mul3A_1130 : vector<16xf32>
        %slice3A_1132 = vector.extract_strided_slice %get3A_576 {offsets = [13], sizes = [1], strides = [1]} : vector<16xf32> to vector<1xf32>
        %squeeze3A_1133 = vector.extract %slice3A_1132[0] : f32 from vector<1xf32>
        %mul3A_1134 = vector.broadcast %squeeze3A_1133 : f32 to vector<16xf32>
        %mul3A_1135 = arith.mulf %mul3A_1134, %get3A_15 : vector<16xf32>
        %add3A_1136 = arith.addf %mul3A_1135, %get3A_19 : vector<16xf32>
        %add3A_1137 = arith.addf %add3A_1131, %add3A_1136 : vector<16xf32>
        %slice3A_1138 = vector.extract_strided_slice %mul3A_570 {offsets = [13], sizes = [1], strides = [1]} : vector<16xi32> to vector<1xi32>
        %squeeze3A_1139 = vector.extract %slice3A_1138[0] : i32 from vector<1xi32>
        %add3A_1140 = vector.broadcast %squeeze3A_1139 : i32 to vector<16xi32>
        %add3A_1141 = arith.addi %add3A_1140, %iota3A : vector<16xi32>
        %slice3A_1142 = vector.extract_strided_slice %get3A_595 {offsets = [13], sizes = [1], strides = [1]} : vector<16xf32> to vector<1xf32>
        %squeeze3A_1143 = vector.extract %slice3A_1142[0] : f32 from vector<1xf32>
        %mul3A_1144 = vector.broadcast %squeeze3A_1143 : f32 to vector<16xf32>
        %mul3A_1145 = arith.mulf %mul3A_1144, %get3A_7 : vector<16xf32>
        %slice3A_1146 = vector.extract_strided_slice %get3A_597 {offsets = [13], sizes = [1], strides = [1]} : vector<16xf32> to vector<1xf32>
        %squeeze3A_1147 = vector.extract %slice3A_1146[0] : f32 from vector<1xf32>
        %mul3A_1148 = vector.broadcast %squeeze3A_1147 : f32 to vector<16xf32>
        %mul3A_1149 = arith.mulf %mul3A_1148, %get3A_11 : vector<16xf32>
        %add3A_1150 = arith.addf %mul3A_1145, %mul3A_1149 : vector<16xf32>
        %slice3A_1151 = vector.extract_strided_slice %get3A_599 {offsets = [13], sizes = [1], strides = [1]} : vector<16xf32> to vector<1xf32>
        %squeeze3A_1152 = vector.extract %slice3A_1151[0] : f32 from vector<1xf32>
        %mul3A_1153 = vector.broadcast %squeeze3A_1152 : f32 to vector<16xf32>
        %mul3A_1154 = arith.mulf %mul3A_1153, %get3A_15 : vector<16xf32>
        %add3A_1155 = arith.addf %mul3A_1154, %get3A_19 : vector<16xf32>
        %add3A_1156 = arith.addf %add3A_1150, %add3A_1155 : vector<16xf32>
        %slice3A_1157 = vector.extract_strided_slice %mul3A_593 {offsets = [13], sizes = [1], strides = [1]} : vector<16xi32> to vector<1xi32>
        %squeeze3A_1158 = vector.extract %slice3A_1157[0] : i32 from vector<1xi32>
        %add3A_1159 = vector.broadcast %squeeze3A_1158 : i32 to vector<16xi32>
        %add3A_1160 = arith.addi %add3A_1159, %iota3A : vector<16xi32>
        %slice3A_1161 = vector.extract_strided_slice %get3A_572 {offsets = [14], sizes = [1], strides = [1]} : vector<16xf32> to vector<1xf32>
        %squeeze3A_1162 = vector.extract %slice3A_1161[0] : f32 from vector<1xf32>
        %mul3A_1163 = vector.broadcast %squeeze3A_1162 : f32 to vector<16xf32>
        %mul3A_1164 = arith.mulf %mul3A_1163, %get3A_7 : vector<16xf32>
        %slice3A_1165 = vector.extract_strided_slice %get3A_574 {offsets = [14], sizes = [1], strides = [1]} : vector<16xf32> to vector<1xf32>
        %squeeze3A_1166 = vector.extract %slice3A_1165[0] : f32 from vector<1xf32>
        %mul3A_1167 = vector.broadcast %squeeze3A_1166 : f32 to vector<16xf32>
        %mul3A_1168 = arith.mulf %mul3A_1167, %get3A_11 : vector<16xf32>
        %add3A_1169 = arith.addf %mul3A_1164, %mul3A_1168 : vector<16xf32>
        %slice3A_1170 = vector.extract_strided_slice %get3A_576 {offsets = [14], sizes = [1], strides = [1]} : vector<16xf32> to vector<1xf32>
        %squeeze3A_1171 = vector.extract %slice3A_1170[0] : f32 from vector<1xf32>
        %mul3A_1172 = vector.broadcast %squeeze3A_1171 : f32 to vector<16xf32>
        %mul3A_1173 = arith.mulf %mul3A_1172, %get3A_15 : vector<16xf32>
        %add3A_1174 = arith.addf %mul3A_1173, %get3A_19 : vector<16xf32>
        %add3A_1175 = arith.addf %add3A_1169, %add3A_1174 : vector<16xf32>
        %slice3A_1176 = vector.extract_strided_slice %mul3A_570 {offsets = [14], sizes = [1], strides = [1]} : vector<16xi32> to vector<1xi32>
        %squeeze3A_1177 = vector.extract %slice3A_1176[0] : i32 from vector<1xi32>
        %add3A_1178 = vector.broadcast %squeeze3A_1177 : i32 to vector<16xi32>
        %add3A_1179 = arith.addi %add3A_1178, %iota3A : vector<16xi32>
        %slice3A_1180 = vector.extract_strided_slice %get3A_595 {offsets = [14], sizes = [1], strides = [1]} : vector<16xf32> to vector<1xf32>
        %squeeze3A_1181 = vector.extract %slice3A_1180[0] : f32 from vector<1xf32>
        %mul3A_1182 = vector.broadcast %squeeze3A_1181 : f32 to vector<16xf32>
        %mul3A_1183 = arith.mulf %mul3A_1182, %get3A_7 : vector<16xf32>
        %slice3A_1184 = vector.extract_strided_slice %get3A_597 {offsets = [14], sizes = [1], strides = [1]} : vector<16xf32> to vector<1xf32>
        %squeeze3A_1185 = vector.extract %slice3A_1184[0] : f32 from vector<1xf32>
        %mul3A_1186 = vector.broadcast %squeeze3A_1185 : f32 to vector<16xf32>
        %mul3A_1187 = arith.mulf %mul3A_1186, %get3A_11 : vector<16xf32>
        %add3A_1188 = arith.addf %mul3A_1183, %mul3A_1187 : vector<16xf32>
        %slice3A_1189 = vector.extract_strided_slice %get3A_599 {offsets = [14], sizes = [1], strides = [1]} : vector<16xf32> to vector<1xf32>
        %squeeze3A_1190 = vector.extract %slice3A_1189[0] : f32 from vector<1xf32>
        %mul3A_1191 = vector.broadcast %squeeze3A_1190 : f32 to vector<16xf32>
        %mul3A_1192 = arith.mulf %mul3A_1191, %get3A_15 : vector<16xf32>
        %add3A_1193 = arith.addf %mul3A_1192, %get3A_19 : vector<16xf32>
        %add3A_1194 = arith.addf %add3A_1188, %add3A_1193 : vector<16xf32>
        %slice3A_1195 = vector.extract_strided_slice %mul3A_593 {offsets = [14], sizes = [1], strides = [1]} : vector<16xi32> to vector<1xi32>
        %squeeze3A_1196 = vector.extract %slice3A_1195[0] : i32 from vector<1xi32>
        %add3A_1197 = vector.broadcast %squeeze3A_1196 : i32 to vector<16xi32>
        %add3A_1198 = arith.addi %add3A_1197, %iota3A : vector<16xi32>
        %slice3A_1199 = vector.extract_strided_slice %get3A_572 {offsets = [15], sizes = [1], strides = [1]} : vector<16xf32> to vector<1xf32>
        %squeeze3A_1200 = vector.extract %slice3A_1199[0] : f32 from vector<1xf32>
        %mul3A_1201 = vector.broadcast %squeeze3A_1200 : f32 to vector<16xf32>
        %mul3A_1202 = arith.mulf %mul3A_1201, %get3A_7 : vector<16xf32>
        %slice3A_1203 = vector.extract_strided_slice %get3A_574 {offsets = [15], sizes = [1], strides = [1]} : vector<16xf32> to vector<1xf32>
        %squeeze3A_1204 = vector.extract %slice3A_1203[0] : f32 from vector<1xf32>
        %mul3A_1205 = vector.broadcast %squeeze3A_1204 : f32 to vector<16xf32>
        %mul3A_1206 = arith.mulf %mul3A_1205, %get3A_11 : vector<16xf32>
        %add3A_1207 = arith.addf %mul3A_1202, %mul3A_1206 : vector<16xf32>
        %slice3A_1208 = vector.extract_strided_slice %get3A_576 {offsets = [15], sizes = [1], strides = [1]} : vector<16xf32> to vector<1xf32>
        %squeeze3A_1209 = vector.extract %slice3A_1208[0] : f32 from vector<1xf32>
        %mul3A_1210 = vector.broadcast %squeeze3A_1209 : f32 to vector<16xf32>
        %mul3A_1211 = arith.mulf %mul3A_1210, %get3A_15 : vector<16xf32>
        %add3A_1212 = arith.addf %mul3A_1211, %get3A_19 : vector<16xf32>
        %add3A_1213 = arith.addf %add3A_1207, %add3A_1212 : vector<16xf32>
        %slice3A_1214 = vector.extract_strided_slice %mul3A_570 {offsets = [15], sizes = [1], strides = [1]} : vector<16xi32> to vector<1xi32>
        %squeeze3A_1215 = vector.extract %slice3A_1214[0] : i32 from vector<1xi32>
        %add3A_1216 = vector.broadcast %squeeze3A_1215 : i32 to vector<16xi32>
        %add3A_1217 = arith.addi %add3A_1216, %iota3A : vector<16xi32>
        %slice3A_1218 = vector.extract_strided_slice %get3A_595 {offsets = [15], sizes = [1], strides = [1]} : vector<16xf32> to vector<1xf32>
        %squeeze3A_1219 = vector.extract %slice3A_1218[0] : f32 from vector<1xf32>
        %mul3A_1220 = vector.broadcast %squeeze3A_1219 : f32 to vector<16xf32>
        %mul3A_1221 = arith.mulf %mul3A_1220, %get3A_7 : vector<16xf32>
        %slice3A_1222 = vector.extract_strided_slice %get3A_597 {offsets = [15], sizes = [1], strides = [1]} : vector<16xf32> to vector<1xf32>
        %squeeze3A_1223 = vector.extract %slice3A_1222[0] : f32 from vector<1xf32>
        %mul3A_1224 = vector.broadcast %squeeze3A_1223 : f32 to vector<16xf32>
        %mul3A_1225 = arith.mulf %mul3A_1224, %get3A_11 : vector<16xf32>
        %add3A_1226 = arith.addf %mul3A_1221, %mul3A_1225 : vector<16xf32>
        %slice3A_1227 = vector.extract_strided_slice %get3A_599 {offsets = [15], sizes = [1], strides = [1]} : vector<16xf32> to vector<1xf32>
        %squeeze3A_1228 = vector.extract %slice3A_1227[0] : f32 from vector<1xf32>
        %mul3A_1229 = vector.broadcast %squeeze3A_1228 : f32 to vector<16xf32>
        %mul3A_1230 = arith.mulf %mul3A_1229, %get3A_15 : vector<16xf32>
        %add3A_1231 = arith.addf %mul3A_1230, %get3A_19 : vector<16xf32>
        %add3A_1232 = arith.addf %add3A_1226, %add3A_1231 : vector<16xf32>
        %slice3A_1233 = vector.extract_strided_slice %mul3A_593 {offsets = [15], sizes = [1], strides = [1]} : vector<16xi32> to vector<1xi32>
        %squeeze3A_1234 = vector.extract %slice3A_1233[0] : i32 from vector<1xi32>
        %add3A_1235 = vector.broadcast %squeeze3A_1234 : i32 to vector<16xi32>
        %add3A_1236 = arith.addi %add3A_1235, %iota3A : vector<16xi32>
        %gather3A_1237 = tpu.vector_load_idx %arg27[%add3A_951] : memref<25088xf32, #tpu.memory_space<vmem>>[vector<16xi32>], vector<16xf32>,
        %max3A_1238 = arith.maximumf %gather3A_1237, %add3A_947 : vector<16xf32>
        tpu.vector_store_idx %arg27[%add3A_951], %max3A_1238 : memref<25088xf32, #tpu.memory_space<vmem>>[vector<16xi32>], vector<16xf32>,
        %gather3A_1239 = tpu.vector_load_idx %arg29[%add3A_970] : memref<25088xf32, #tpu.memory_space<vmem>>[vector<16xi32>], vector<16xf32>,
        %max3A_1240 = arith.maximumf %gather3A_1239, %add3A_966 : vector<16xf32>
        tpu.vector_store_idx %arg29[%add3A_970], %max3A_1240 : memref<25088xf32, #tpu.memory_space<vmem>>[vector<16xi32>], vector<16xf32>,
        %gather3A_1241 = tpu.vector_load_idx %arg28[%add3A_989] : memref<25088xf32, #tpu.memory_space<vmem>>[vector<16xi32>], vector<16xf32>,
        %max3A_1242 = arith.maximumf %gather3A_1241, %add3A_985 : vector<16xf32>
        tpu.vector_store_idx %arg28[%add3A_989], %max3A_1242 : memref<25088xf32, #tpu.memory_space<vmem>>[vector<16xi32>], vector<16xf32>,
        %gather3A_1243 = tpu.vector_load_idx %arg30[%add3A_1008] : memref<25088xf32, #tpu.memory_space<vmem>>[vector<16xi32>], vector<16xf32>,
        %max3A_1244 = arith.maximumf %gather3A_1243, %add3A_1004 : vector<16xf32>
        tpu.vector_store_idx %arg30[%add3A_1008], %max3A_1244 : memref<25088xf32, #tpu.memory_space<vmem>>[vector<16xi32>], vector<16xf32>,
        %gather3A_1245 = tpu.vector_load_idx %arg27[%add3A_1027] : memref<25088xf32, #tpu.memory_space<vmem>>[vector<16xi32>], vector<16xf32>,
        %max3A_1246 = arith.maximumf %gather3A_1245, %add3A_1023 : vector<16xf32>
        tpu.vector_store_idx %arg27[%add3A_1027], %max3A_1246 : memref<25088xf32, #tpu.memory_space<vmem>>[vector<16xi32>], vector<16xf32>,
        %gather3A_1247 = tpu.vector_load_idx %arg29[%add3A_1046] : memref<25088xf32, #tpu.memory_space<vmem>>[vector<16xi32>], vector<16xf32>,
        %max3A_1248 = arith.maximumf %gather3A_1247, %add3A_1042 : vector<16xf32>
        tpu.vector_store_idx %arg29[%add3A_1046], %max3A_1248 : memref<25088xf32, #tpu.memory_space<vmem>>[vector<16xi32>], vector<16xf32>,
        %gather3A_1249 = tpu.vector_load_idx %arg28[%add3A_1065] : memref<25088xf32, #tpu.memory_space<vmem>>[vector<16xi32>], vector<16xf32>,
        %max3A_1250 = arith.maximumf %gather3A_1249, %add3A_1061 : vector<16xf32>
        tpu.vector_store_idx %arg28[%add3A_1065], %max3A_1250 : memref<25088xf32, #tpu.memory_space<vmem>>[vector<16xi32>], vector<16xf32>,
        %gather3A_1251 = tpu.vector_load_idx %arg30[%add3A_1084] : memref<25088xf32, #tpu.memory_space<vmem>>[vector<16xi32>], vector<16xf32>,
        %max3A_1252 = arith.maximumf %gather3A_1251, %add3A_1080 : vector<16xf32>
        tpu.vector_store_idx %arg30[%add3A_1084], %max3A_1252 : memref<25088xf32, #tpu.memory_space<vmem>>[vector<16xi32>], vector<16xf32>,
        %gather3A_1253 = tpu.vector_load_idx %arg27[%add3A_1103] : memref<25088xf32, #tpu.memory_space<vmem>>[vector<16xi32>], vector<16xf32>,
        %max3A_1254 = arith.maximumf %gather3A_1253, %add3A_1099 : vector<16xf32>
        tpu.vector_store_idx %arg27[%add3A_1103], %max3A_1254 : memref<25088xf32, #tpu.memory_space<vmem>>[vector<16xi32>], vector<16xf32>,
        %gather3A_1255 = tpu.vector_load_idx %arg29[%add3A_1122] : memref<25088xf32, #tpu.memory_space<vmem>>[vector<16xi32>], vector<16xf32>,
        %max3A_1256 = arith.maximumf %gather3A_1255, %add3A_1118 : vector<16xf32>
        tpu.vector_store_idx %arg29[%add3A_1122], %max3A_1256 : memref<25088xf32, #tpu.memory_space<vmem>>[vector<16xi32>], vector<16xf32>,
        %gather3A_1257 = tpu.vector_load_idx %arg28[%add3A_1141] : memref<25088xf32, #tpu.memory_space<vmem>>[vector<16xi32>], vector<16xf32>,
        %max3A_1258 = arith.maximumf %gather3A_1257, %add3A_1137 : vector<16xf32>
        tpu.vector_store_idx %arg28[%add3A_1141], %max3A_1258 : memref<25088xf32, #tpu.memory_space<vmem>>[vector<16xi32>], vector<16xf32>,
        %gather3A_1259 = tpu.vector_load_idx %arg30[%add3A_1160] : memref<25088xf32, #tpu.memory_space<vmem>>[vector<16xi32>], vector<16xf32>,
        %max3A_1260 = arith.maximumf %gather3A_1259, %add3A_1156 : vector<16xf32>
        tpu.vector_store_idx %arg30[%add3A_1160], %max3A_1260 : memref<25088xf32, #tpu.memory_space<vmem>>[vector<16xi32>], vector<16xf32>,
        %gather3A_1261 = tpu.vector_load_idx %arg27[%add3A_1179] : memref<25088xf32, #tpu.memory_space<vmem>>[vector<16xi32>], vector<16xf32>,
        %max3A_1262 = arith.maximumf %gather3A_1261, %add3A_1175 : vector<16xf32>
        tpu.vector_store_idx %arg27[%add3A_1179], %max3A_1262 : memref<25088xf32, #tpu.memory_space<vmem>>[vector<16xi32>], vector<16xf32>,
        %gather3A_1263 = tpu.vector_load_idx %arg29[%add3A_1198] : memref<25088xf32, #tpu.memory_space<vmem>>[vector<16xi32>], vector<16xf32>,
        %max3A_1264 = arith.maximumf %gather3A_1263, %add3A_1194 : vector<16xf32>
        tpu.vector_store_idx %arg29[%add3A_1198], %max3A_1264 : memref<25088xf32, #tpu.memory_space<vmem>>[vector<16xi32>], vector<16xf32>,
        %gather3A_1265 = tpu.vector_load_idx %arg28[%add3A_1217] : memref<25088xf32, #tpu.memory_space<vmem>>[vector<16xi32>], vector<16xf32>,
        %max3A_1266 = arith.maximumf %gather3A_1265, %add3A_1213 : vector<16xf32>
        tpu.vector_store_idx %arg28[%add3A_1217], %max3A_1266 : memref<25088xf32, #tpu.memory_space<vmem>>[vector<16xi32>], vector<16xf32>,
        %gather3A_1267 = tpu.vector_load_idx %arg30[%add3A_1236] : memref<25088xf32, #tpu.memory_space<vmem>>[vector<16xi32>], vector<16xf32>,
        %max3A_1268 = arith.maximumf %gather3A_1267, %add3A_1232 : vector<16xf32>
        tpu.vector_store_idx %arg30[%add3A_1236], %max3A_1268 : memref<25088xf32, #tpu.memory_space<vmem>>[vector<16xi32>], vector<16xf32>,
      }
      %scan3A_420 = arith.constant 64 : i32
      %add3A_421 = arith.constant 2 : i32
      %add3A_422 = arith.addi %mul3A_288, %add3A_421 : i32
      %mul3A_423 = arith.constant 1024 : i32
      %mul3A_424 = arith.muli %add3A_422, %mul3A_423 : i32
      %add3A_425 = arith.addi %multiple_of3A, %mul3A_424 : i32
      %min3A_426 = arith.constant 3198976 : i32
      %min3A_427 = arith.minsi %add3A_425, %min3A_426 : i32
      %multiple_of3A_428 = tpu.assume_multiple %min3A_427, 8 : i32
      %mul3A_429 = arith.constant 1024 : i32
      %mul3A_430 = arith.muli %add3A_422, %mul3A_429 : i32
      %add3A_431 = arith.addi %multiple_of3A_66, %mul3A_430 : i32
      %min3A_432 = arith.constant 3198976 : i32
      %min3A_433 = arith.minsi %add3A_431, %min3A_432 : i32
      %multiple_of3A_434 = tpu.assume_multiple %min3A_433, 8 : i32
      %dma_start3A_435 = arith.constant 0 : i32
      %dma_start3A_436 = tpu.memref_slice %arg11[%dma_start3A_435] : memref<1040xf32, #tpu.memory_space<vmem>> -> memref<1024xf32, #tpu.memory_space<vmem>>
      %dma_start3A_437 = tpu.memref_slice %arg2[%multiple_of3A_428] : memref<3200000xf32, #tpu.memory_space<hbm>> -> memref<1024xf32, #tpu.memory_space<hbm>>
      %dma_start3A_438 = arith.constant 0 : i32
      %dma_start3A_439 = tpu.memref_slice %arg11[%dma_start3A_438] : memref<1040xf32, #tpu.memory_space<vmem>> -> memref<1024xf32, #tpu.memory_space<vmem>>
      %dma_start3A_440 = tpu.memref_slice %arg2[%multiple_of3A_428] : memref<3200000xf32, #tpu.memory_space<hbm>> -> memref<1024xf32, #tpu.memory_space<hbm>>
      tpu.enqueue_dma source(%dma_start3A_440 : memref<1024xf32, #tpu.memory_space<hbm>>) target(%dma_start3A_439 : memref<1024xf32, #tpu.memory_space<vmem>>) target_semaphore(%arg31 : memref<!tpu.dma_semaphore, #tpu.memory_space<semaphore_mem>>)
      %dma_start3A_441 = arith.constant 0 : i32
      %dma_start3A_442 = tpu.memref_slice %arg12[%dma_start3A_441] : memref<1040xf32, #tpu.memory_space<vmem>> -> memref<1024xf32, #tpu.memory_space<vmem>>
      %dma_start3A_443 = tpu.memref_slice %arg3[%multiple_of3A_428] : memref<3200000xf32, #tpu.memory_space<hbm>> -> memref<1024xf32, #tpu.memory_space<hbm>>
      %dma_start3A_444 = arith.constant 0 : i32
      %dma_start3A_445 = tpu.memref_slice %arg12[%dma_start3A_444] : memref<1040xf32, #tpu.memory_space<vmem>> -> memref<1024xf32, #tpu.memory_space<vmem>>
      %dma_start3A_446 = tpu.memref_slice %arg3[%multiple_of3A_428] : memref<3200000xf32, #tpu.memory_space<hbm>> -> memref<1024xf32, #tpu.memory_space<hbm>>
      tpu.enqueue_dma source(%dma_start3A_446 : memref<1024xf32, #tpu.memory_space<hbm>>) target(%dma_start3A_445 : memref<1024xf32, #tpu.memory_space<vmem>>) target_semaphore(%arg31 : memref<!tpu.dma_semaphore, #tpu.memory_space<semaphore_mem>>)
      %dma_start3A_447 = arith.constant 0 : i32
      %dma_start3A_448 = tpu.memref_slice %arg13[%dma_start3A_447] : memref<1040xf32, #tpu.memory_space<vmem>> -> memref<1024xf32, #tpu.memory_space<vmem>>
      %dma_start3A_449 = tpu.memref_slice %arg4[%multiple_of3A_428] : memref<3200000xf32, #tpu.memory_space<hbm>> -> memref<1024xf32, #tpu.memory_space<hbm>>
      %dma_start3A_450 = arith.constant 0 : i32
      %dma_start3A_451 = tpu.memref_slice %arg13[%dma_start3A_450] : memref<1040xf32, #tpu.memory_space<vmem>> -> memref<1024xf32, #tpu.memory_space<vmem>>
      %dma_start3A_452 = tpu.memref_slice %arg4[%multiple_of3A_428] : memref<3200000xf32, #tpu.memory_space<hbm>> -> memref<1024xf32, #tpu.memory_space<hbm>>
      tpu.enqueue_dma source(%dma_start3A_452 : memref<1024xf32, #tpu.memory_space<hbm>>) target(%dma_start3A_451 : memref<1024xf32, #tpu.memory_space<vmem>>) target_semaphore(%arg31 : memref<!tpu.dma_semaphore, #tpu.memory_space<semaphore_mem>>)
      %dma_start3A_453 = arith.constant 0 : i32
      %dma_start3A_454 = tpu.memref_slice %arg14[%dma_start3A_453] : memref<1040xi32, #tpu.memory_space<vmem>> -> memref<1024xi32, #tpu.memory_space<vmem>>
      %dma_start3A_455 = tpu.memref_slice %arg5[%multiple_of3A_428] : memref<3200000xi32, #tpu.memory_space<hbm>> -> memref<1024xi32, #tpu.memory_space<hbm>>
      %dma_start3A_456 = arith.constant 0 : i32
      %dma_start3A_457 = tpu.memref_slice %arg14[%dma_start3A_456] : memref<1040xi32, #tpu.memory_space<vmem>> -> memref<1024xi32, #tpu.memory_space<vmem>>
      %dma_start3A_458 = tpu.memref_slice %arg5[%multiple_of3A_428] : memref<3200000xi32, #tpu.memory_space<hbm>> -> memref<1024xi32, #tpu.memory_space<hbm>>
      tpu.enqueue_dma source(%dma_start3A_458 : memref<1024xi32, #tpu.memory_space<hbm>>) target(%dma_start3A_457 : memref<1024xi32, #tpu.memory_space<vmem>>) target_semaphore(%arg31 : memref<!tpu.dma_semaphore, #tpu.memory_space<semaphore_mem>>)
      %dma_start3A_459 = arith.constant 0 : i32
      %dma_start3A_460 = tpu.memref_slice %arg19[%dma_start3A_459] : memref<1040xf32, #tpu.memory_space<vmem>> -> memref<1024xf32, #tpu.memory_space<vmem>>
      %dma_start3A_461 = tpu.memref_slice %arg2[%multiple_of3A_434] : memref<3200000xf32, #tpu.memory_space<hbm>> -> memref<1024xf32, #tpu.memory_space<hbm>>
      %dma_start3A_462 = arith.constant 0 : i32
      %dma_start3A_463 = tpu.memref_slice %arg19[%dma_start3A_462] : memref<1040xf32, #tpu.memory_space<vmem>> -> memref<1024xf32, #tpu.memory_space<vmem>>
      %dma_start3A_464 = tpu.memref_slice %arg2[%multiple_of3A_434] : memref<3200000xf32, #tpu.memory_space<hbm>> -> memref<1024xf32, #tpu.memory_space<hbm>>
      tpu.enqueue_dma source(%dma_start3A_464 : memref<1024xf32, #tpu.memory_space<hbm>>) target(%dma_start3A_463 : memref<1024xf32, #tpu.memory_space<vmem>>) target_semaphore(%arg31 : memref<!tpu.dma_semaphore, #tpu.memory_space<semaphore_mem>>)
      %dma_start3A_465 = arith.constant 0 : i32
      %dma_start3A_466 = tpu.memref_slice %arg20[%dma_start3A_465] : memref<1040xf32, #tpu.memory_space<vmem>> -> memref<1024xf32, #tpu.memory_space<vmem>>
      %dma_start3A_467 = tpu.memref_slice %arg3[%multiple_of3A_434] : memref<3200000xf32, #tpu.memory_space<hbm>> -> memref<1024xf32, #tpu.memory_space<hbm>>
      %dma_start3A_468 = arith.constant 0 : i32
      %dma_start3A_469 = tpu.memref_slice %arg20[%dma_start3A_468] : memref<1040xf32, #tpu.memory_space<vmem>> -> memref<1024xf32, #tpu.memory_space<vmem>>
      %dma_start3A_470 = tpu.memref_slice %arg3[%multiple_of3A_434] : memref<3200000xf32, #tpu.memory_space<hbm>> -> memref<1024xf32, #tpu.memory_space<hbm>>
      tpu.enqueue_dma source(%dma_start3A_470 : memref<1024xf32, #tpu.memory_space<hbm>>) target(%dma_start3A_469 : memref<1024xf32, #tpu.memory_space<vmem>>) target_semaphore(%arg31 : memref<!tpu.dma_semaphore, #tpu.memory_space<semaphore_mem>>)
      %dma_start3A_471 = arith.constant 0 : i32
      %dma_start3A_472 = tpu.memref_slice %arg21[%dma_start3A_471] : memref<1040xf32, #tpu.memory_space<vmem>> -> memref<1024xf32, #tpu.memory_space<vmem>>
      %dma_start3A_473 = tpu.memref_slice %arg4[%multiple_of3A_434] : memref<3200000xf32, #tpu.memory_space<hbm>> -> memref<1024xf32, #tpu.memory_space<hbm>>
      %dma_start3A_474 = arith.constant 0 : i32
      %dma_start3A_475 = tpu.memref_slice %arg21[%dma_start3A_474] : memref<1040xf32, #tpu.memory_space<vmem>> -> memref<1024xf32, #tpu.memory_space<vmem>>
      %dma_start3A_476 = tpu.memref_slice %arg4[%multiple_of3A_434] : memref<3200000xf32, #tpu.memory_space<hbm>> -> memref<1024xf32, #tpu.memory_space<hbm>>
      tpu.enqueue_dma source(%dma_start3A_476 : memref<1024xf32, #tpu.memory_space<hbm>>) target(%dma_start3A_475 : memref<1024xf32, #tpu.memory_space<vmem>>) target_semaphore(%arg31 : memref<!tpu.dma_semaphore, #tpu.memory_space<semaphore_mem>>)
      %dma_start3A_477 = arith.constant 0 : i32
      %dma_start3A_478 = tpu.memref_slice %arg22[%dma_start3A_477] : memref<1040xi32, #tpu.memory_space<vmem>> -> memref<1024xi32, #tpu.memory_space<vmem>>
      %dma_start3A_479 = tpu.memref_slice %arg5[%multiple_of3A_434] : memref<3200000xi32, #tpu.memory_space<hbm>> -> memref<1024xi32, #tpu.memory_space<hbm>>
      %dma_start3A_480 = arith.constant 0 : i32
      %dma_start3A_481 = tpu.memref_slice %arg22[%dma_start3A_480] : memref<1040xi32, #tpu.memory_space<vmem>> -> memref<1024xi32, #tpu.memory_space<vmem>>
      %dma_start3A_482 = tpu.memref_slice %arg5[%multiple_of3A_434] : memref<3200000xi32, #tpu.memory_space<hbm>> -> memref<1024xi32, #tpu.memory_space<hbm>>
      tpu.enqueue_dma source(%dma_start3A_482 : memref<1024xi32, #tpu.memory_space<hbm>>) target(%dma_start3A_481 : memref<1024xi32, #tpu.memory_space<vmem>>) target_semaphore(%arg31 : memref<!tpu.dma_semaphore, #tpu.memory_space<semaphore_mem>>)
      %dma_wait3A_483 = arith.constant 0 : i32
      %dma_wait3A_484 = tpu.memref_slice %arg15[%dma_wait3A_483] : memref<1040xf32, #tpu.memory_space<vmem>> -> memref<1024xf32, #tpu.memory_space<vmem>>
      %dma_wait3A_485 = arith.constant 0 : i32
      %dma_wait3A_486 = tpu.memref_slice %arg2[%dma_wait3A_485] : memref<3200000xf32, #tpu.memory_space<hbm>> -> memref<1024xf32, #tpu.memory_space<hbm>>
      %dma_wait3A_487 = arith.constant 0 : i32
      %dma_wait3A_488 = tpu.memref_slice %arg15[%dma_wait3A_487] : memref<1040xf32, #tpu.memory_space<vmem>> -> memref<1024xf32, #tpu.memory_space<vmem>>
      %dma_wait3A_489 = arith.constant 0 : i32
      %dma_wait3A_490 = tpu.memref_slice %arg2[%dma_wait3A_489] : memref<3200000xf32, #tpu.memory_space<hbm>> -> memref<1024xf32, #tpu.memory_space<hbm>>
      tpu.wait_dma2 semaphore(%arg32 : memref<!tpu.dma_semaphore, #tpu.memory_space<semaphore_mem>>) src(%dma_wait3A_490 : memref<1024xf32, #tpu.memory_space<hbm>>) dst(%dma_wait3A_488 : memref<1024xf32, #tpu.memory_space<vmem>>)
      %dma_wait3A_491 = arith.constant 0 : i32
      %dma_wait3A_492 = tpu.memref_slice %arg16[%dma_wait3A_491] : memref<1040xf32, #tpu.memory_space<vmem>> -> memref<1024xf32, #tpu.memory_space<vmem>>
      %dma_wait3A_493 = arith.constant 0 : i32
      %dma_wait3A_494 = tpu.memref_slice %arg2[%dma_wait3A_493] : memref<3200000xf32, #tpu.memory_space<hbm>> -> memref<1024xf32, #tpu.memory_space<hbm>>
      %dma_wait3A_495 = arith.constant 0 : i32
      %dma_wait3A_496 = tpu.memref_slice %arg16[%dma_wait3A_495] : memref<1040xf32, #tpu.memory_space<vmem>> -> memref<1024xf32, #tpu.memory_space<vmem>>
      %dma_wait3A_497 = arith.constant 0 : i32
      %dma_wait3A_498 = tpu.memref_slice %arg2[%dma_wait3A_497] : memref<3200000xf32, #tpu.memory_space<hbm>> -> memref<1024xf32, #tpu.memory_space<hbm>>
      tpu.wait_dma2 semaphore(%arg32 : memref<!tpu.dma_semaphore, #tpu.memory_space<semaphore_mem>>) src(%dma_wait3A_498 : memref<1024xf32, #tpu.memory_space<hbm>>) dst(%dma_wait3A_496 : memref<1024xf32, #tpu.memory_space<vmem>>)
      %dma_wait3A_499 = arith.constant 0 : i32
      %dma_wait3A_500 = tpu.memref_slice %arg17[%dma_wait3A_499] : memref<1040xf32, #tpu.memory_space<vmem>> -> memref<1024xf32, #tpu.memory_space<vmem>>
      %dma_wait3A_501 = arith.constant 0 : i32
      %dma_wait3A_502 = tpu.memref_slice %arg2[%dma_wait3A_501] : memref<3200000xf32, #tpu.memory_space<hbm>> -> memref<1024xf32, #tpu.memory_space<hbm>>
      %dma_wait3A_503 = arith.constant 0 : i32
      %dma_wait3A_504 = tpu.memref_slice %arg17[%dma_wait3A_503] : memref<1040xf32, #tpu.memory_space<vmem>> -> memref<1024xf32, #tpu.memory_space<vmem>>
      %dma_wait3A_505 = arith.constant 0 : i32
      %dma_wait3A_506 = tpu.memref_slice %arg2[%dma_wait3A_505] : memref<3200000xf32, #tpu.memory_space<hbm>> -> memref<1024xf32, #tpu.memory_space<hbm>>
      tpu.wait_dma2 semaphore(%arg32 : memref<!tpu.dma_semaphore, #tpu.memory_space<semaphore_mem>>) src(%dma_wait3A_506 : memref<1024xf32, #tpu.memory_space<hbm>>) dst(%dma_wait3A_504 : memref<1024xf32, #tpu.memory_space<vmem>>)
      %dma_wait3A_507 = arith.constant 0 : i32
      %dma_wait3A_508 = tpu.memref_slice %arg18[%dma_wait3A_507] : memref<1040xi32, #tpu.memory_space<vmem>> -> memref<1024xi32, #tpu.memory_space<vmem>>
      %dma_wait3A_509 = arith.constant 0 : i32
      %dma_wait3A_510 = tpu.memref_slice %arg5[%dma_wait3A_509] : memref<3200000xi32, #tpu.memory_space<hbm>> -> memref<1024xi32, #tpu.memory_space<hbm>>
      %dma_wait3A_511 = arith.constant 0 : i32
      %dma_wait3A_512 = tpu.memref_slice %arg18[%dma_wait3A_511] : memref<1040xi32, #tpu.memory_space<vmem>> -> memref<1024xi32, #tpu.memory_space<vmem>>
      %dma_wait3A_513 = arith.constant 0 : i32
      %dma_wait3A_514 = tpu.memref_slice %arg5[%dma_wait3A_513] : memref<3200000xi32, #tpu.memory_space<hbm>> -> memref<1024xi32, #tpu.memory_space<hbm>>
      tpu.wait_dma2 semaphore(%arg32 : memref<!tpu.dma_semaphore, #tpu.memory_space<semaphore_mem>>) src(%dma_wait3A_514 : memref<1024xi32, #tpu.memory_space<hbm>>) dst(%dma_wait3A_512 : memref<1024xi32, #tpu.memory_space<vmem>>)
      %dma_wait3A_515 = arith.constant 0 : i32
      %dma_wait3A_516 = tpu.memref_slice %arg23[%dma_wait3A_515] : memref<1040xf32, #tpu.memory_space<vmem>> -> memref<1024xf32, #tpu.memory_space<vmem>>
      %dma_wait3A_517 = arith.constant 0 : i32
      %dma_wait3A_518 = tpu.memref_slice %arg2[%dma_wait3A_517] : memref<3200000xf32, #tpu.memory_space<hbm>> -> memref<1024xf32, #tpu.memory_space<hbm>>
      %dma_wait3A_519 = arith.constant 0 : i32
      %dma_wait3A_520 = tpu.memref_slice %arg23[%dma_wait3A_519] : memref<1040xf32, #tpu.memory_space<vmem>> -> memref<1024xf32, #tpu.memory_space<vmem>>
      %dma_wait3A_521 = arith.constant 0 : i32
      %dma_wait3A_522 = tpu.memref_slice %arg2[%dma_wait3A_521] : memref<3200000xf32, #tpu.memory_space<hbm>> -> memref<1024xf32, #tpu.memory_space<hbm>>
      tpu.wait_dma2 semaphore(%arg32 : memref<!tpu.dma_semaphore, #tpu.memory_space<semaphore_mem>>) src(%dma_wait3A_522 : memref<1024xf32, #tpu.memory_space<hbm>>) dst(%dma_wait3A_520 : memref<1024xf32, #tpu.memory_space<vmem>>)
      %dma_wait3A_523 = arith.constant 0 : i32
      %dma_wait3A_524 = tpu.memref_slice %arg24[%dma_wait3A_523] : memref<1040xf32, #tpu.memory_space<vmem>> -> memref<1024xf32, #tpu.memory_space<vmem>>
      %dma_wait3A_525 = arith.constant 0 : i32
      %dma_wait3A_526 = tpu.memref_slice %arg2[%dma_wait3A_525] : memref<3200000xf32, #tpu.memory_space<hbm>> -> memref<1024xf32, #tpu.memory_space<hbm>>
      %dma_wait3A_527 = arith.constant 0 : i32
      %dma_wait3A_528 = tpu.memref_slice %arg24[%dma_wait3A_527] : memref<1040xf32, #tpu.memory_space<vmem>> -> memref<1024xf32, #tpu.memory_space<vmem>>
      %dma_wait3A_529 = arith.constant 0 : i32
      %dma_wait3A_530 = tpu.memref_slice %arg2[%dma_wait3A_529] : memref<3200000xf32, #tpu.memory_space<hbm>> -> memref<1024xf32, #tpu.memory_space<hbm>>
      tpu.wait_dma2 semaphore(%arg32 : memref<!tpu.dma_semaphore, #tpu.memory_space<semaphore_mem>>) src(%dma_wait3A_530 : memref<1024xf32, #tpu.memory_space<hbm>>) dst(%dma_wait3A_528 : memref<1024xf32, #tpu.memory_space<vmem>>)
      %dma_wait3A_531 = arith.constant 0 : i32
      %dma_wait3A_532 = tpu.memref_slice %arg25[%dma_wait3A_531] : memref<1040xf32, #tpu.memory_space<vmem>> -> memref<1024xf32, #tpu.memory_space<vmem>>
      %dma_wait3A_533 = arith.constant 0 : i32
      %dma_wait3A_534 = tpu.memref_slice %arg2[%dma_wait3A_533] : memref<3200000xf32, #tpu.memory_space<hbm>> -> memref<1024xf32, #tpu.memory_space<hbm>>
      %dma_wait3A_535 = arith.constant 0 : i32
      %dma_wait3A_536 = tpu.memref_slice %arg25[%dma_wait3A_535] : memref<1040xf32, #tpu.memory_space<vmem>> -> memref<1024xf32, #tpu.memory_space<vmem>>
      %dma_wait3A_537 = arith.constant 0 : i32
      %dma_wait3A_538 = tpu.memref_slice %arg2[%dma_wait3A_537] : memref<3200000xf32, #tpu.memory_space<hbm>> -> memref<1024xf32, #tpu.memory_space<hbm>>
      tpu.wait_dma2 semaphore(%arg32 : memref<!tpu.dma_semaphore, #tpu.memory_space<semaphore_mem>>) src(%dma_wait3A_538 : memref<1024xf32, #tpu.memory_space<hbm>>) dst(%dma_wait3A_536 : memref<1024xf32, #tpu.memory_space<vmem>>)
      %dma_wait3A_539 = arith.constant 0 : i32
      %dma_wait3A_540 = tpu.memref_slice %arg26[%dma_wait3A_539] : memref<1040xi32, #tpu.memory_space<vmem>> -> memref<1024xi32, #tpu.memory_space<vmem>>
      %dma_wait3A_541 = arith.constant 0 : i32
      %dma_wait3A_542 = tpu.memref_slice %arg5[%dma_wait3A_541] : memref<3200000xi32, #tpu.memory_space<hbm>> -> memref<1024xi32, #tpu.memory_space<hbm>>
      %dma_wait3A_543 = arith.constant 0 : i32
      %dma_wait3A_544 = tpu.memref_slice %arg26[%dma_wait3A_543] : memref<1040xi32, #tpu.memory_space<vmem>> -> memref<1024xi32, #tpu.memory_space<vmem>>
      %dma_wait3A_545 = arith.constant 0 : i32
      %dma_wait3A_546 = tpu.memref_slice %arg5[%dma_wait3A_545] : memref<3200000xi32, #tpu.memory_space<hbm>> -> memref<1024xi32, #tpu.memory_space<hbm>>
      tpu.wait_dma2 semaphore(%arg32 : memref<!tpu.dma_semaphore, #tpu.memory_space<semaphore_mem>>) src(%dma_wait3A_546 : memref<1024xi32, #tpu.memory_space<hbm>>) dst(%dma_wait3A_544 : memref<1024xi32, #tpu.memory_space<vmem>>)
      %scan3A_547 = arith.constant 0 : i32
      %scan3A_548 = arith.constant 0 : i32
      %scan3A_549 = arith.constant 64 : i32
      %scan3A_550 = arith.addi %scan3A_548, %scan3A_549 : i32
      %scan3A_551 = arith.constant 1 : i32
      scf.for %scan3A_553 = %scan3A_548 to %scan3A_550 step %scan3A_551  : i32 {
        %mul3A_554 = arith.constant 16 : i32
        %mul3A_555 = arith.muli %scan3A_553, %mul3A_554 : i32
        %get3A_556 = arith.index_cast %mul3A_555 : i32 to index
        %get3A_557 = tpu.vector_load %arg18[%get3A_556] {strides = array<i32>} : memref<1040xi32, #tpu.memory_space<vmem>>, vector<16xi32>,
        %sub3A_558 = vector.broadcast %mul3A_2 : i32 to vector<16xi32>
        %sub3A_559 = arith.subi %get3A_557, %sub3A_558 : vector<16xi32>
        %ge3A = arith.constant 0 : i32
        %ge3A_560 = vector.broadcast %ge3A : i32 to vector<16xi32>
        %ge3A_561 = arith.cmpi sge, %sub3A_559, %ge3A_560 : vector<16xi32>
        %lt3A = arith.constant 1563 : i32
        %lt3A_562 = vector.broadcast %lt3A : i32 to vector<16xi32>
        %lt3A_563 = arith.cmpi slt, %sub3A_559, %lt3A_562 : vector<16xi32>
        %and3A_564 = arith.andi %ge3A_561, %lt3A_563 : vector<16xi1>
        %jit3A_565 = arith.constant 1567 : i32
        %broadcast_in_dim3A_566 = vector.broadcast %jit3A_565 : i32 to vector<16xi32>
        %select_n3A_567 = arith.select %and3A_564, %sub3A_559, %broadcast_in_dim3A_566 : vector<16xi1>, vector<16xi32>
        %mul3A_568 = arith.constant 16 : i32
        %mul3A_569 = vector.broadcast %mul3A_568 : i32 to vector<16xi32>
        %mul3A_570 = arith.muli %select_n3A_567, %mul3A_569 : vector<16xi32>
        %get3A_571 = arith.index_cast %mul3A_555 : i32 to index
        %get3A_572 = tpu.vector_load %arg15[%get3A_571] {strides = array<i32>} : memref<1040xf32, #tpu.memory_space<vmem>>, vector<16xf32>,
        %get3A_573 = arith.index_cast %mul3A_555 : i32 to index
        %get3A_574 = tpu.vector_load %arg16[%get3A_573] {strides = array<i32>} : memref<1040xf32, #tpu.memory_space<vmem>>, vector<16xf32>,
        %get3A_575 = arith.index_cast %mul3A_555 : i32 to index
        %get3A_576 = tpu.vector_load %arg17[%get3A_575] {strides = array<i32>} : memref<1040xf32, #tpu.memory_space<vmem>>, vector<16xf32>,
        %get3A_577 = arith.index_cast %mul3A_555 : i32 to index
        %get3A_578 = tpu.vector_load %arg26[%get3A_577] {strides = array<i32>} : memref<1040xi32, #tpu.memory_space<vmem>>, vector<16xi32>,
        %sub3A_579 = vector.broadcast %add3A_4 : i32 to vector<16xi32>
        %sub3A_580 = arith.subi %get3A_578, %sub3A_579 : vector<16xi32>
        %ge3A_581 = arith.constant 0 : i32
        %ge3A_582 = vector.broadcast %ge3A_581 : i32 to vector<16xi32>
        %ge3A_583 = arith.cmpi sge, %sub3A_580, %ge3A_582 : vector<16xi32>
        %lt3A_584 = arith.constant 1562 : i32
        %lt3A_585 = vector.broadcast %lt3A_584 : i32 to vector<16xi32>
        %lt3A_586 = arith.cmpi slt, %sub3A_580, %lt3A_585 : vector<16xi32>
        %and3A_587 = arith.andi %ge3A_583, %lt3A_586 : vector<16xi1>
        %jit3A_588 = arith.constant 1567 : i32
        %broadcast_in_dim3A_589 = vector.broadcast %jit3A_588 : i32 to vector<16xi32>
        %select_n3A_590 = arith.select %and3A_587, %sub3A_580, %broadcast_in_dim3A_589 : vector<16xi1>, vector<16xi32>
        %mul3A_591 = arith.constant 16 : i32
        %mul3A_592 = vector.broadcast %mul3A_591 : i32 to vector<16xi32>
        %mul3A_593 = arith.muli %select_n3A_590, %mul3A_592 : vector<16xi32>
        %get3A_594 = arith.index_cast %mul3A_555 : i32 to index
        %get3A_595 = tpu.vector_load %arg23[%get3A_594] {strides = array<i32>} : memref<1040xf32, #tpu.memory_space<vmem>>, vector<16xf32>,
        %get3A_596 = arith.index_cast %mul3A_555 : i32 to index
        %get3A_597 = tpu.vector_load %arg24[%get3A_596] {strides = array<i32>} : memref<1040xf32, #tpu.memory_space<vmem>>, vector<16xf32>,
        %get3A_598 = arith.index_cast %mul3A_555 : i32 to index
        %get3A_599 = tpu.vector_load %arg25[%get3A_598] {strides = array<i32>} : memref<1040xf32, #tpu.memory_space<vmem>>, vector<16xf32>,
        %slice3A = vector.extract_strided_slice %get3A_572 {offsets = [0], sizes = [1], strides = [1]} : vector<16xf32> to vector<1xf32>
        %squeeze3A = vector.extract %slice3A[0] : f32 from vector<1xf32>
        %mul3A_600 = vector.broadcast %squeeze3A : f32 to vector<16xf32>
        %mul3A_601 = arith.mulf %mul3A_600, %get3A_7 : vector<16xf32>
        %slice3A_602 = vector.extract_strided_slice %get3A_574 {offsets = [0], sizes = [1], strides = [1]} : vector<16xf32> to vector<1xf32>
        %squeeze3A_603 = vector.extract %slice3A_602[0] : f32 from vector<1xf32>
        %mul3A_604 = vector.broadcast %squeeze3A_603 : f32 to vector<16xf32>
        %mul3A_605 = arith.mulf %mul3A_604, %get3A_11 : vector<16xf32>
        %add3A_606 = arith.addf %mul3A_601, %mul3A_605 : vector<16xf32>
        %slice3A_607 = vector.extract_strided_slice %get3A_576 {offsets = [0], sizes = [1], strides = [1]} : vector<16xf32> to vector<1xf32>
        %squeeze3A_608 = vector.extract %slice3A_607[0] : f32 from vector<1xf32>
        %mul3A_609 = vector.broadcast %squeeze3A_608 : f32 to vector<16xf32>
        %mul3A_610 = arith.mulf %mul3A_609, %get3A_15 : vector<16xf32>
        %add3A_611 = arith.addf %mul3A_610, %get3A_19 : vector<16xf32>
        %add3A_612 = arith.addf %add3A_606, %add3A_611 : vector<16xf32>
        %slice3A_613 = vector.extract_strided_slice %mul3A_570 {offsets = [0], sizes = [1], strides = [1]} : vector<16xi32> to vector<1xi32>
        %squeeze3A_614 = vector.extract %slice3A_613[0] : i32 from vector<1xi32>
        %add3A_615 = vector.broadcast %squeeze3A_614 : i32 to vector<16xi32>
        %add3A_616 = arith.addi %add3A_615, %iota3A : vector<16xi32>
        %slice3A_617 = vector.extract_strided_slice %get3A_595 {offsets = [0], sizes = [1], strides = [1]} : vector<16xf32> to vector<1xf32>
        %squeeze3A_618 = vector.extract %slice3A_617[0] : f32 from vector<1xf32>
        %mul3A_619 = vector.broadcast %squeeze3A_618 : f32 to vector<16xf32>
        %mul3A_620 = arith.mulf %mul3A_619, %get3A_7 : vector<16xf32>
        %slice3A_621 = vector.extract_strided_slice %get3A_597 {offsets = [0], sizes = [1], strides = [1]} : vector<16xf32> to vector<1xf32>
        %squeeze3A_622 = vector.extract %slice3A_621[0] : f32 from vector<1xf32>
        %mul3A_623 = vector.broadcast %squeeze3A_622 : f32 to vector<16xf32>
        %mul3A_624 = arith.mulf %mul3A_623, %get3A_11 : vector<16xf32>
        %add3A_625 = arith.addf %mul3A_620, %mul3A_624 : vector<16xf32>
        %slice3A_626 = vector.extract_strided_slice %get3A_599 {offsets = [0], sizes = [1], strides = [1]} : vector<16xf32> to vector<1xf32>
        %squeeze3A_627 = vector.extract %slice3A_626[0] : f32 from vector<1xf32>
        %mul3A_628 = vector.broadcast %squeeze3A_627 : f32 to vector<16xf32>
        %mul3A_629 = arith.mulf %mul3A_628, %get3A_15 : vector<16xf32>
        %add3A_630 = arith.addf %mul3A_629, %get3A_19 : vector<16xf32>
        %add3A_631 = arith.addf %add3A_625, %add3A_630 : vector<16xf32>
        %slice3A_632 = vector.extract_strided_slice %mul3A_593 {offsets = [0], sizes = [1], strides = [1]} : vector<16xi32> to vector<1xi32>
        %squeeze3A_633 = vector.extract %slice3A_632[0] : i32 from vector<1xi32>
        %add3A_634 = vector.broadcast %squeeze3A_633 : i32 to vector<16xi32>
        %add3A_635 = arith.addi %add3A_634, %iota3A : vector<16xi32>
        %slice3A_636 = vector.extract_strided_slice %get3A_572 {offsets = [1], sizes = [1], strides = [1]} : vector<16xf32> to vector<1xf32>
        %squeeze3A_637 = vector.extract %slice3A_636[0] : f32 from vector<1xf32>
        %mul3A_638 = vector.broadcast %squeeze3A_637 : f32 to vector<16xf32>
        %mul3A_639 = arith.mulf %mul3A_638, %get3A_7 : vector<16xf32>
        %slice3A_640 = vector.extract_strided_slice %get3A_574 {offsets = [1], sizes = [1], strides = [1]} : vector<16xf32> to vector<1xf32>
        %squeeze3A_641 = vector.extract %slice3A_640[0] : f32 from vector<1xf32>
        %mul3A_642 = vector.broadcast %squeeze3A_641 : f32 to vector<16xf32>
        %mul3A_643 = arith.mulf %mul3A_642, %get3A_11 : vector<16xf32>
        %add3A_644 = arith.addf %mul3A_639, %mul3A_643 : vector<16xf32>
        %slice3A_645 = vector.extract_strided_slice %get3A_576 {offsets = [1], sizes = [1], strides = [1]} : vector<16xf32> to vector<1xf32>
        %squeeze3A_646 = vector.extract %slice3A_645[0] : f32 from vector<1xf32>
        %mul3A_647 = vector.broadcast %squeeze3A_646 : f32 to vector<16xf32>
        %mul3A_648 = arith.mulf %mul3A_647, %get3A_15 : vector<16xf32>
        %add3A_649 = arith.addf %mul3A_648, %get3A_19 : vector<16xf32>
        %add3A_650 = arith.addf %add3A_644, %add3A_649 : vector<16xf32>
        %slice3A_651 = vector.extract_strided_slice %mul3A_570 {offsets = [1], sizes = [1], strides = [1]} : vector<16xi32> to vector<1xi32>
        %squeeze3A_652 = vector.extract %slice3A_651[0] : i32 from vector<1xi32>
        %add3A_653 = vector.broadcast %squeeze3A_652 : i32 to vector<16xi32>
        %add3A_654 = arith.addi %add3A_653, %iota3A : vector<16xi32>
        %slice3A_655 = vector.extract_strided_slice %get3A_595 {offsets = [1], sizes = [1], strides = [1]} : vector<16xf32> to vector<1xf32>
        %squeeze3A_656 = vector.extract %slice3A_655[0] : f32 from vector<1xf32>
        %mul3A_657 = vector.broadcast %squeeze3A_656 : f32 to vector<16xf32>
        %mul3A_658 = arith.mulf %mul3A_657, %get3A_7 : vector<16xf32>
        %slice3A_659 = vector.extract_strided_slice %get3A_597 {offsets = [1], sizes = [1], strides = [1]} : vector<16xf32> to vector<1xf32>
        %squeeze3A_660 = vector.extract %slice3A_659[0] : f32 from vector<1xf32>
        %mul3A_661 = vector.broadcast %squeeze3A_660 : f32 to vector<16xf32>
        %mul3A_662 = arith.mulf %mul3A_661, %get3A_11 : vector<16xf32>
        %add3A_663 = arith.addf %mul3A_658, %mul3A_662 : vector<16xf32>
        %slice3A_664 = vector.extract_strided_slice %get3A_599 {offsets = [1], sizes = [1], strides = [1]} : vector<16xf32> to vector<1xf32>
        %squeeze3A_665 = vector.extract %slice3A_664[0] : f32 from vector<1xf32>
        %mul3A_666 = vector.broadcast %squeeze3A_665 : f32 to vector<16xf32>
        %mul3A_667 = arith.mulf %mul3A_666, %get3A_15 : vector<16xf32>
        %add3A_668 = arith.addf %mul3A_667, %get3A_19 : vector<16xf32>
        %add3A_669 = arith.addf %add3A_663, %add3A_668 : vector<16xf32>
        %slice3A_670 = vector.extract_strided_slice %mul3A_593 {offsets = [1], sizes = [1], strides = [1]} : vector<16xi32> to vector<1xi32>
        %squeeze3A_671 = vector.extract %slice3A_670[0] : i32 from vector<1xi32>
        %add3A_672 = vector.broadcast %squeeze3A_671 : i32 to vector<16xi32>
        %add3A_673 = arith.addi %add3A_672, %iota3A : vector<16xi32>
        %slice3A_674 = vector.extract_strided_slice %get3A_572 {offsets = [2], sizes = [1], strides = [1]} : vector<16xf32> to vector<1xf32>
        %squeeze3A_675 = vector.extract %slice3A_674[0] : f32 from vector<1xf32>
        %mul3A_676 = vector.broadcast %squeeze3A_675 : f32 to vector<16xf32>
        %mul3A_677 = arith.mulf %mul3A_676, %get3A_7 : vector<16xf32>
        %slice3A_678 = vector.extract_strided_slice %get3A_574 {offsets = [2], sizes = [1], strides = [1]} : vector<16xf32> to vector<1xf32>
        %squeeze3A_679 = vector.extract %slice3A_678[0] : f32 from vector<1xf32>
        %mul3A_680 = vector.broadcast %squeeze3A_679 : f32 to vector<16xf32>
        %mul3A_681 = arith.mulf %mul3A_680, %get3A_11 : vector<16xf32>
        %add3A_682 = arith.addf %mul3A_677, %mul3A_681 : vector<16xf32>
        %slice3A_683 = vector.extract_strided_slice %get3A_576 {offsets = [2], sizes = [1], strides = [1]} : vector<16xf32> to vector<1xf32>
        %squeeze3A_684 = vector.extract %slice3A_683[0] : f32 from vector<1xf32>
        %mul3A_685 = vector.broadcast %squeeze3A_684 : f32 to vector<16xf32>
        %mul3A_686 = arith.mulf %mul3A_685, %get3A_15 : vector<16xf32>
        %add3A_687 = arith.addf %mul3A_686, %get3A_19 : vector<16xf32>
        %add3A_688 = arith.addf %add3A_682, %add3A_687 : vector<16xf32>
        %slice3A_689 = vector.extract_strided_slice %mul3A_570 {offsets = [2], sizes = [1], strides = [1]} : vector<16xi32> to vector<1xi32>
        %squeeze3A_690 = vector.extract %slice3A_689[0] : i32 from vector<1xi32>
        %add3A_691 = vector.broadcast %squeeze3A_690 : i32 to vector<16xi32>
        %add3A_692 = arith.addi %add3A_691, %iota3A : vector<16xi32>
        %slice3A_693 = vector.extract_strided_slice %get3A_595 {offsets = [2], sizes = [1], strides = [1]} : vector<16xf32> to vector<1xf32>
        %squeeze3A_694 = vector.extract %slice3A_693[0] : f32 from vector<1xf32>
        %mul3A_695 = vector.broadcast %squeeze3A_694 : f32 to vector<16xf32>
        %mul3A_696 = arith.mulf %mul3A_695, %get3A_7 : vector<16xf32>
        %slice3A_697 = vector.extract_strided_slice %get3A_597 {offsets = [2], sizes = [1], strides = [1]} : vector<16xf32> to vector<1xf32>
        %squeeze3A_698 = vector.extract %slice3A_697[0] : f32 from vector<1xf32>
        %mul3A_699 = vector.broadcast %squeeze3A_698 : f32 to vector<16xf32>
        %mul3A_700 = arith.mulf %mul3A_699, %get3A_11 : vector<16xf32>
        %add3A_701 = arith.addf %mul3A_696, %mul3A_700 : vector<16xf32>
        %slice3A_702 = vector.extract_strided_slice %get3A_599 {offsets = [2], sizes = [1], strides = [1]} : vector<16xf32> to vector<1xf32>
        %squeeze3A_703 = vector.extract %slice3A_702[0] : f32 from vector<1xf32>
        %mul3A_704 = vector.broadcast %squeeze3A_703 : f32 to vector<16xf32>
        %mul3A_705 = arith.mulf %mul3A_704, %get3A_15 : vector<16xf32>
        %add3A_706 = arith.addf %mul3A_705, %get3A_19 : vector<16xf32>
        %add3A_707 = arith.addf %add3A_701, %add3A_706 : vector<16xf32>
        %slice3A_708 = vector.extract_strided_slice %mul3A_593 {offsets = [2], sizes = [1], strides = [1]} : vector<16xi32> to vector<1xi32>
        %squeeze3A_709 = vector.extract %slice3A_708[0] : i32 from vector<1xi32>
        %add3A_710 = vector.broadcast %squeeze3A_709 : i32 to vector<16xi32>
        %add3A_711 = arith.addi %add3A_710, %iota3A : vector<16xi32>
        %slice3A_712 = vector.extract_strided_slice %get3A_572 {offsets = [3], sizes = [1], strides = [1]} : vector<16xf32> to vector<1xf32>
        %squeeze3A_713 = vector.extract %slice3A_712[0] : f32 from vector<1xf32>
        %mul3A_714 = vector.broadcast %squeeze3A_713 : f32 to vector<16xf32>
        %mul3A_715 = arith.mulf %mul3A_714, %get3A_7 : vector<16xf32>
        %slice3A_716 = vector.extract_strided_slice %get3A_574 {offsets = [3], sizes = [1], strides = [1]} : vector<16xf32> to vector<1xf32>
        %squeeze3A_717 = vector.extract %slice3A_716[0] : f32 from vector<1xf32>
        %mul3A_718 = vector.broadcast %squeeze3A_717 : f32 to vector<16xf32>
        %mul3A_719 = arith.mulf %mul3A_718, %get3A_11 : vector<16xf32>
        %add3A_720 = arith.addf %mul3A_715, %mul3A_719 : vector<16xf32>
        %slice3A_721 = vector.extract_strided_slice %get3A_576 {offsets = [3], sizes = [1], strides = [1]} : vector<16xf32> to vector<1xf32>
        %squeeze3A_722 = vector.extract %slice3A_721[0] : f32 from vector<1xf32>
        %mul3A_723 = vector.broadcast %squeeze3A_722 : f32 to vector<16xf32>
        %mul3A_724 = arith.mulf %mul3A_723, %get3A_15 : vector<16xf32>
        %add3A_725 = arith.addf %mul3A_724, %get3A_19 : vector<16xf32>
        %add3A_726 = arith.addf %add3A_720, %add3A_725 : vector<16xf32>
        %slice3A_727 = vector.extract_strided_slice %mul3A_570 {offsets = [3], sizes = [1], strides = [1]} : vector<16xi32> to vector<1xi32>
        %squeeze3A_728 = vector.extract %slice3A_727[0] : i32 from vector<1xi32>
        %add3A_729 = vector.broadcast %squeeze3A_728 : i32 to vector<16xi32>
        %add3A_730 = arith.addi %add3A_729, %iota3A : vector<16xi32>
        %slice3A_731 = vector.extract_strided_slice %get3A_595 {offsets = [3], sizes = [1], strides = [1]} : vector<16xf32> to vector<1xf32>
        %squeeze3A_732 = vector.extract %slice3A_731[0] : f32 from vector<1xf32>
        %mul3A_733 = vector.broadcast %squeeze3A_732 : f32 to vector<16xf32>
        %mul3A_734 = arith.mulf %mul3A_733, %get3A_7 : vector<16xf32>
        %slice3A_735 = vector.extract_strided_slice %get3A_597 {offsets = [3], sizes = [1], strides = [1]} : vector<16xf32> to vector<1xf32>
        %squeeze3A_736 = vector.extract %slice3A_735[0] : f32 from vector<1xf32>
        %mul3A_737 = vector.broadcast %squeeze3A_736 : f32 to vector<16xf32>
        %mul3A_738 = arith.mulf %mul3A_737, %get3A_11 : vector<16xf32>
        %add3A_739 = arith.addf %mul3A_734, %mul3A_738 : vector<16xf32>
        %slice3A_740 = vector.extract_strided_slice %get3A_599 {offsets = [3], sizes = [1], strides = [1]} : vector<16xf32> to vector<1xf32>
        %squeeze3A_741 = vector.extract %slice3A_740[0] : f32 from vector<1xf32>
        %mul3A_742 = vector.broadcast %squeeze3A_741 : f32 to vector<16xf32>
        %mul3A_743 = arith.mulf %mul3A_742, %get3A_15 : vector<16xf32>
        %add3A_744 = arith.addf %mul3A_743, %get3A_19 : vector<16xf32>
        %add3A_745 = arith.addf %add3A_739, %add3A_744 : vector<16xf32>
        %slice3A_746 = vector.extract_strided_slice %mul3A_593 {offsets = [3], sizes = [1], strides = [1]} : vector<16xi32> to vector<1xi32>
        %squeeze3A_747 = vector.extract %slice3A_746[0] : i32 from vector<1xi32>
        %add3A_748 = vector.broadcast %squeeze3A_747 : i32 to vector<16xi32>
        %add3A_749 = arith.addi %add3A_748, %iota3A : vector<16xi32>
        %slice3A_750 = vector.extract_strided_slice %get3A_572 {offsets = [4], sizes = [1], strides = [1]} : vector<16xf32> to vector<1xf32>
        %squeeze3A_751 = vector.extract %slice3A_750[0] : f32 from vector<1xf32>
        %mul3A_752 = vector.broadcast %squeeze3A_751 : f32 to vector<16xf32>
        %mul3A_753 = arith.mulf %mul3A_752, %get3A_7 : vector<16xf32>
        %slice3A_754 = vector.extract_strided_slice %get3A_574 {offsets = [4], sizes = [1], strides = [1]} : vector<16xf32> to vector<1xf32>
        %squeeze3A_755 = vector.extract %slice3A_754[0] : f32 from vector<1xf32>
        %mul3A_756 = vector.broadcast %squeeze3A_755 : f32 to vector<16xf32>
        %mul3A_757 = arith.mulf %mul3A_756, %get3A_11 : vector<16xf32>
        %add3A_758 = arith.addf %mul3A_753, %mul3A_757 : vector<16xf32>
        %slice3A_759 = vector.extract_strided_slice %get3A_576 {offsets = [4], sizes = [1], strides = [1]} : vector<16xf32> to vector<1xf32>
        %squeeze3A_760 = vector.extract %slice3A_759[0] : f32 from vector<1xf32>
        %mul3A_761 = vector.broadcast %squeeze3A_760 : f32 to vector<16xf32>
        %mul3A_762 = arith.mulf %mul3A_761, %get3A_15 : vector<16xf32>
        %add3A_763 = arith.addf %mul3A_762, %get3A_19 : vector<16xf32>
        %add3A_764 = arith.addf %add3A_758, %add3A_763 : vector<16xf32>
        %slice3A_765 = vector.extract_strided_slice %mul3A_570 {offsets = [4], sizes = [1], strides = [1]} : vector<16xi32> to vector<1xi32>
        %squeeze3A_766 = vector.extract %slice3A_765[0] : i32 from vector<1xi32>
        %add3A_767 = vector.broadcast %squeeze3A_766 : i32 to vector<16xi32>
        %add3A_768 = arith.addi %add3A_767, %iota3A : vector<16xi32>
        %slice3A_769 = vector.extract_strided_slice %get3A_595 {offsets = [4], sizes = [1], strides = [1]} : vector<16xf32> to vector<1xf32>
        %squeeze3A_770 = vector.extract %slice3A_769[0] : f32 from vector<1xf32>
        %mul3A_771 = vector.broadcast %squeeze3A_770 : f32 to vector<16xf32>
        %mul3A_772 = arith.mulf %mul3A_771, %get3A_7 : vector<16xf32>
        %slice3A_773 = vector.extract_strided_slice %get3A_597 {offsets = [4], sizes = [1], strides = [1]} : vector<16xf32> to vector<1xf32>
        %squeeze3A_774 = vector.extract %slice3A_773[0] : f32 from vector<1xf32>
        %mul3A_775 = vector.broadcast %squeeze3A_774 : f32 to vector<16xf32>
        %mul3A_776 = arith.mulf %mul3A_775, %get3A_11 : vector<16xf32>
        %add3A_777 = arith.addf %mul3A_772, %mul3A_776 : vector<16xf32>
        %slice3A_778 = vector.extract_strided_slice %get3A_599 {offsets = [4], sizes = [1], strides = [1]} : vector<16xf32> to vector<1xf32>
        %squeeze3A_779 = vector.extract %slice3A_778[0] : f32 from vector<1xf32>
        %mul3A_780 = vector.broadcast %squeeze3A_779 : f32 to vector<16xf32>
        %mul3A_781 = arith.mulf %mul3A_780, %get3A_15 : vector<16xf32>
        %add3A_782 = arith.addf %mul3A_781, %get3A_19 : vector<16xf32>
        %add3A_783 = arith.addf %add3A_777, %add3A_782 : vector<16xf32>
        %slice3A_784 = vector.extract_strided_slice %mul3A_593 {offsets = [4], sizes = [1], strides = [1]} : vector<16xi32> to vector<1xi32>
        %squeeze3A_785 = vector.extract %slice3A_784[0] : i32 from vector<1xi32>
        %add3A_786 = vector.broadcast %squeeze3A_785 : i32 to vector<16xi32>
        %add3A_787 = arith.addi %add3A_786, %iota3A : vector<16xi32>
        %slice3A_788 = vector.extract_strided_slice %get3A_572 {offsets = [5], sizes = [1], strides = [1]} : vector<16xf32> to vector<1xf32>
        %squeeze3A_789 = vector.extract %slice3A_788[0] : f32 from vector<1xf32>
        %mul3A_790 = vector.broadcast %squeeze3A_789 : f32 to vector<16xf32>
        %mul3A_791 = arith.mulf %mul3A_790, %get3A_7 : vector<16xf32>
        %slice3A_792 = vector.extract_strided_slice %get3A_574 {offsets = [5], sizes = [1], strides = [1]} : vector<16xf32> to vector<1xf32>
        %squeeze3A_793 = vector.extract %slice3A_792[0] : f32 from vector<1xf32>
        %mul3A_794 = vector.broadcast %squeeze3A_793 : f32 to vector<16xf32>
        %mul3A_795 = arith.mulf %mul3A_794, %get3A_11 : vector<16xf32>
        %add3A_796 = arith.addf %mul3A_791, %mul3A_795 : vector<16xf32>
        %slice3A_797 = vector.extract_strided_slice %get3A_576 {offsets = [5], sizes = [1], strides = [1]} : vector<16xf32> to vector<1xf32>
        %squeeze3A_798 = vector.extract %slice3A_797[0] : f32 from vector<1xf32>
        %mul3A_799 = vector.broadcast %squeeze3A_798 : f32 to vector<16xf32>
        %mul3A_800 = arith.mulf %mul3A_799, %get3A_15 : vector<16xf32>
        %add3A_801 = arith.addf %mul3A_800, %get3A_19 : vector<16xf32>
        %add3A_802 = arith.addf %add3A_796, %add3A_801 : vector<16xf32>
        %slice3A_803 = vector.extract_strided_slice %mul3A_570 {offsets = [5], sizes = [1], strides = [1]} : vector<16xi32> to vector<1xi32>
        %squeeze3A_804 = vector.extract %slice3A_803[0] : i32 from vector<1xi32>
        %add3A_805 = vector.broadcast %squeeze3A_804 : i32 to vector<16xi32>
        %add3A_806 = arith.addi %add3A_805, %iota3A : vector<16xi32>
        %slice3A_807 = vector.extract_strided_slice %get3A_595 {offsets = [5], sizes = [1], strides = [1]} : vector<16xf32> to vector<1xf32>
        %squeeze3A_808 = vector.extract %slice3A_807[0] : f32 from vector<1xf32>
        %mul3A_809 = vector.broadcast %squeeze3A_808 : f32 to vector<16xf32>
        %mul3A_810 = arith.mulf %mul3A_809, %get3A_7 : vector<16xf32>
        %slice3A_811 = vector.extract_strided_slice %get3A_597 {offsets = [5], sizes = [1], strides = [1]} : vector<16xf32> to vector<1xf32>
        %squeeze3A_812 = vector.extract %slice3A_811[0] : f32 from vector<1xf32>
        %mul3A_813 = vector.broadcast %squeeze3A_812 : f32 to vector<16xf32>
        %mul3A_814 = arith.mulf %mul3A_813, %get3A_11 : vector<16xf32>
        %add3A_815 = arith.addf %mul3A_810, %mul3A_814 : vector<16xf32>
        %slice3A_816 = vector.extract_strided_slice %get3A_599 {offsets = [5], sizes = [1], strides = [1]} : vector<16xf32> to vector<1xf32>
        %squeeze3A_817 = vector.extract %slice3A_816[0] : f32 from vector<1xf32>
        %mul3A_818 = vector.broadcast %squeeze3A_817 : f32 to vector<16xf32>
        %mul3A_819 = arith.mulf %mul3A_818, %get3A_15 : vector<16xf32>
        %add3A_820 = arith.addf %mul3A_819, %get3A_19 : vector<16xf32>
        %add3A_821 = arith.addf %add3A_815, %add3A_820 : vector<16xf32>
        %slice3A_822 = vector.extract_strided_slice %mul3A_593 {offsets = [5], sizes = [1], strides = [1]} : vector<16xi32> to vector<1xi32>
        %squeeze3A_823 = vector.extract %slice3A_822[0] : i32 from vector<1xi32>
        %add3A_824 = vector.broadcast %squeeze3A_823 : i32 to vector<16xi32>
        %add3A_825 = arith.addi %add3A_824, %iota3A : vector<16xi32>
        %slice3A_826 = vector.extract_strided_slice %get3A_572 {offsets = [6], sizes = [1], strides = [1]} : vector<16xf32> to vector<1xf32>
        %squeeze3A_827 = vector.extract %slice3A_826[0] : f32 from vector<1xf32>
        %mul3A_828 = vector.broadcast %squeeze3A_827 : f32 to vector<16xf32>
        %mul3A_829 = arith.mulf %mul3A_828, %get3A_7 : vector<16xf32>
        %slice3A_830 = vector.extract_strided_slice %get3A_574 {offsets = [6], sizes = [1], strides = [1]} : vector<16xf32> to vector<1xf32>
        %squeeze3A_831 = vector.extract %slice3A_830[0] : f32 from vector<1xf32>
        %mul3A_832 = vector.broadcast %squeeze3A_831 : f32 to vector<16xf32>
        %mul3A_833 = arith.mulf %mul3A_832, %get3A_11 : vector<16xf32>
        %add3A_834 = arith.addf %mul3A_829, %mul3A_833 : vector<16xf32>
        %slice3A_835 = vector.extract_strided_slice %get3A_576 {offsets = [6], sizes = [1], strides = [1]} : vector<16xf32> to vector<1xf32>
        %squeeze3A_836 = vector.extract %slice3A_835[0] : f32 from vector<1xf32>
        %mul3A_837 = vector.broadcast %squeeze3A_836 : f32 to vector<16xf32>
        %mul3A_838 = arith.mulf %mul3A_837, %get3A_15 : vector<16xf32>
        %add3A_839 = arith.addf %mul3A_838, %get3A_19 : vector<16xf32>
        %add3A_840 = arith.addf %add3A_834, %add3A_839 : vector<16xf32>
        %slice3A_841 = vector.extract_strided_slice %mul3A_570 {offsets = [6], sizes = [1], strides = [1]} : vector<16xi32> to vector<1xi32>
        %squeeze3A_842 = vector.extract %slice3A_841[0] : i32 from vector<1xi32>
        %add3A_843 = vector.broadcast %squeeze3A_842 : i32 to vector<16xi32>
        %add3A_844 = arith.addi %add3A_843, %iota3A : vector<16xi32>
        %slice3A_845 = vector.extract_strided_slice %get3A_595 {offsets = [6], sizes = [1], strides = [1]} : vector<16xf32> to vector<1xf32>
        %squeeze3A_846 = vector.extract %slice3A_845[0] : f32 from vector<1xf32>
        %mul3A_847 = vector.broadcast %squeeze3A_846 : f32 to vector<16xf32>
        %mul3A_848 = arith.mulf %mul3A_847, %get3A_7 : vector<16xf32>
        %slice3A_849 = vector.extract_strided_slice %get3A_597 {offsets = [6], sizes = [1], strides = [1]} : vector<16xf32> to vector<1xf32>
        %squeeze3A_850 = vector.extract %slice3A_849[0] : f32 from vector<1xf32>
        %mul3A_851 = vector.broadcast %squeeze3A_850 : f32 to vector<16xf32>
        %mul3A_852 = arith.mulf %mul3A_851, %get3A_11 : vector<16xf32>
        %add3A_853 = arith.addf %mul3A_848, %mul3A_852 : vector<16xf32>
        %slice3A_854 = vector.extract_strided_slice %get3A_599 {offsets = [6], sizes = [1], strides = [1]} : vector<16xf32> to vector<1xf32>
        %squeeze3A_855 = vector.extract %slice3A_854[0] : f32 from vector<1xf32>
        %mul3A_856 = vector.broadcast %squeeze3A_855 : f32 to vector<16xf32>
        %mul3A_857 = arith.mulf %mul3A_856, %get3A_15 : vector<16xf32>
        %add3A_858 = arith.addf %mul3A_857, %get3A_19 : vector<16xf32>
        %add3A_859 = arith.addf %add3A_853, %add3A_858 : vector<16xf32>
        %slice3A_860 = vector.extract_strided_slice %mul3A_593 {offsets = [6], sizes = [1], strides = [1]} : vector<16xi32> to vector<1xi32>
        %squeeze3A_861 = vector.extract %slice3A_860[0] : i32 from vector<1xi32>
        %add3A_862 = vector.broadcast %squeeze3A_861 : i32 to vector<16xi32>
        %add3A_863 = arith.addi %add3A_862, %iota3A : vector<16xi32>
        %slice3A_864 = vector.extract_strided_slice %get3A_572 {offsets = [7], sizes = [1], strides = [1]} : vector<16xf32> to vector<1xf32>
        %squeeze3A_865 = vector.extract %slice3A_864[0] : f32 from vector<1xf32>
        %mul3A_866 = vector.broadcast %squeeze3A_865 : f32 to vector<16xf32>
        %mul3A_867 = arith.mulf %mul3A_866, %get3A_7 : vector<16xf32>
        %slice3A_868 = vector.extract_strided_slice %get3A_574 {offsets = [7], sizes = [1], strides = [1]} : vector<16xf32> to vector<1xf32>
        %squeeze3A_869 = vector.extract %slice3A_868[0] : f32 from vector<1xf32>
        %mul3A_870 = vector.broadcast %squeeze3A_869 : f32 to vector<16xf32>
        %mul3A_871 = arith.mulf %mul3A_870, %get3A_11 : vector<16xf32>
        %add3A_872 = arith.addf %mul3A_867, %mul3A_871 : vector<16xf32>
        %slice3A_873 = vector.extract_strided_slice %get3A_576 {offsets = [7], sizes = [1], strides = [1]} : vector<16xf32> to vector<1xf32>
        %squeeze3A_874 = vector.extract %slice3A_873[0] : f32 from vector<1xf32>
        %mul3A_875 = vector.broadcast %squeeze3A_874 : f32 to vector<16xf32>
        %mul3A_876 = arith.mulf %mul3A_875, %get3A_15 : vector<16xf32>
        %add3A_877 = arith.addf %mul3A_876, %get3A_19 : vector<16xf32>
        %add3A_878 = arith.addf %add3A_872, %add3A_877 : vector<16xf32>
        %slice3A_879 = vector.extract_strided_slice %mul3A_570 {offsets = [7], sizes = [1], strides = [1]} : vector<16xi32> to vector<1xi32>
        %squeeze3A_880 = vector.extract %slice3A_879[0] : i32 from vector<1xi32>
        %add3A_881 = vector.broadcast %squeeze3A_880 : i32 to vector<16xi32>
        %add3A_882 = arith.addi %add3A_881, %iota3A : vector<16xi32>
        %slice3A_883 = vector.extract_strided_slice %get3A_595 {offsets = [7], sizes = [1], strides = [1]} : vector<16xf32> to vector<1xf32>
        %squeeze3A_884 = vector.extract %slice3A_883[0] : f32 from vector<1xf32>
        %mul3A_885 = vector.broadcast %squeeze3A_884 : f32 to vector<16xf32>
        %mul3A_886 = arith.mulf %mul3A_885, %get3A_7 : vector<16xf32>
        %slice3A_887 = vector.extract_strided_slice %get3A_597 {offsets = [7], sizes = [1], strides = [1]} : vector<16xf32> to vector<1xf32>
        %squeeze3A_888 = vector.extract %slice3A_887[0] : f32 from vector<1xf32>
        %mul3A_889 = vector.broadcast %squeeze3A_888 : f32 to vector<16xf32>
        %mul3A_890 = arith.mulf %mul3A_889, %get3A_11 : vector<16xf32>
        %add3A_891 = arith.addf %mul3A_886, %mul3A_890 : vector<16xf32>
        %slice3A_892 = vector.extract_strided_slice %get3A_599 {offsets = [7], sizes = [1], strides = [1]} : vector<16xf32> to vector<1xf32>
        %squeeze3A_893 = vector.extract %slice3A_892[0] : f32 from vector<1xf32>
        %mul3A_894 = vector.broadcast %squeeze3A_893 : f32 to vector<16xf32>
        %mul3A_895 = arith.mulf %mul3A_894, %get3A_15 : vector<16xf32>
        %add3A_896 = arith.addf %mul3A_895, %get3A_19 : vector<16xf32>
        %add3A_897 = arith.addf %add3A_891, %add3A_896 : vector<16xf32>
        %slice3A_898 = vector.extract_strided_slice %mul3A_593 {offsets = [7], sizes = [1], strides = [1]} : vector<16xi32> to vector<1xi32>
        %squeeze3A_899 = vector.extract %slice3A_898[0] : i32 from vector<1xi32>
        %add3A_900 = vector.broadcast %squeeze3A_899 : i32 to vector<16xi32>
        %add3A_901 = arith.addi %add3A_900, %iota3A : vector<16xi32>
        %gather3A = tpu.vector_load_idx %arg27[%add3A_616] : memref<25088xf32, #tpu.memory_space<vmem>>[vector<16xi32>], vector<16xf32>,
        %max3A_902 = arith.maximumf %gather3A, %add3A_612 : vector<16xf32>
        tpu.vector_store_idx %arg27[%add3A_616], %max3A_902 : memref<25088xf32, #tpu.memory_space<vmem>>[vector<16xi32>], vector<16xf32>,
        %gather3A_903 = tpu.vector_load_idx %arg29[%add3A_635] : memref<25088xf32, #tpu.memory_space<vmem>>[vector<16xi32>], vector<16xf32>,
        %max3A_904 = arith.maximumf %gather3A_903, %add3A_631 : vector<16xf32>
        tpu.vector_store_idx %arg29[%add3A_635], %max3A_904 : memref<25088xf32, #tpu.memory_space<vmem>>[vector<16xi32>], vector<16xf32>,
        %gather3A_905 = tpu.vector_load_idx %arg28[%add3A_654] : memref<25088xf32, #tpu.memory_space<vmem>>[vector<16xi32>], vector<16xf32>,
        %max3A_906 = arith.maximumf %gather3A_905, %add3A_650 : vector<16xf32>
        tpu.vector_store_idx %arg28[%add3A_654], %max3A_906 : memref<25088xf32, #tpu.memory_space<vmem>>[vector<16xi32>], vector<16xf32>,
        %gather3A_907 = tpu.vector_load_idx %arg30[%add3A_673] : memref<25088xf32, #tpu.memory_space<vmem>>[vector<16xi32>], vector<16xf32>,
        %max3A_908 = arith.maximumf %gather3A_907, %add3A_669 : vector<16xf32>
        tpu.vector_store_idx %arg30[%add3A_673], %max3A_908 : memref<25088xf32, #tpu.memory_space<vmem>>[vector<16xi32>], vector<16xf32>,
        %gather3A_909 = tpu.vector_load_idx %arg27[%add3A_692] : memref<25088xf32, #tpu.memory_space<vmem>>[vector<16xi32>], vector<16xf32>,
        %max3A_910 = arith.maximumf %gather3A_909, %add3A_688 : vector<16xf32>
        tpu.vector_store_idx %arg27[%add3A_692], %max3A_910 : memref<25088xf32, #tpu.memory_space<vmem>>[vector<16xi32>], vector<16xf32>,
        %gather3A_911 = tpu.vector_load_idx %arg29[%add3A_711] : memref<25088xf32, #tpu.memory_space<vmem>>[vector<16xi32>], vector<16xf32>,
        %max3A_912 = arith.maximumf %gather3A_911, %add3A_707 : vector<16xf32>
        tpu.vector_store_idx %arg29[%add3A_711], %max3A_912 : memref<25088xf32, #tpu.memory_space<vmem>>[vector<16xi32>], vector<16xf32>,
        %gather3A_913 = tpu.vector_load_idx %arg28[%add3A_730] : memref<25088xf32, #tpu.memory_space<vmem>>[vector<16xi32>], vector<16xf32>,
        %max3A_914 = arith.maximumf %gather3A_913, %add3A_726 : vector<16xf32>
        tpu.vector_store_idx %arg28[%add3A_730], %max3A_914 : memref<25088xf32, #tpu.memory_space<vmem>>[vector<16xi32>], vector<16xf32>,
        %gather3A_915 = tpu.vector_load_idx %arg30[%add3A_749] : memref<25088xf32, #tpu.memory_space<vmem>>[vector<16xi32>], vector<16xf32>,
        %max3A_916 = arith.maximumf %gather3A_915, %add3A_745 : vector<16xf32>
        tpu.vector_store_idx %arg30[%add3A_749], %max3A_916 : memref<25088xf32, #tpu.memory_space<vmem>>[vector<16xi32>], vector<16xf32>,
        %gather3A_917 = tpu.vector_load_idx %arg27[%add3A_768] : memref<25088xf32, #tpu.memory_space<vmem>>[vector<16xi32>], vector<16xf32>,
        %max3A_918 = arith.maximumf %gather3A_917, %add3A_764 : vector<16xf32>
        tpu.vector_store_idx %arg27[%add3A_768], %max3A_918 : memref<25088xf32, #tpu.memory_space<vmem>>[vector<16xi32>], vector<16xf32>,
        %gather3A_919 = tpu.vector_load_idx %arg29[%add3A_787] : memref<25088xf32, #tpu.memory_space<vmem>>[vector<16xi32>], vector<16xf32>,
        %max3A_920 = arith.maximumf %gather3A_919, %add3A_783 : vector<16xf32>
        tpu.vector_store_idx %arg29[%add3A_787], %max3A_920 : memref<25088xf32, #tpu.memory_space<vmem>>[vector<16xi32>], vector<16xf32>,
        %gather3A_921 = tpu.vector_load_idx %arg28[%add3A_806] : memref<25088xf32, #tpu.memory_space<vmem>>[vector<16xi32>], vector<16xf32>,
        %max3A_922 = arith.maximumf %gather3A_921, %add3A_802 : vector<16xf32>
        tpu.vector_store_idx %arg28[%add3A_806], %max3A_922 : memref<25088xf32, #tpu.memory_space<vmem>>[vector<16xi32>], vector<16xf32>,
        %gather3A_923 = tpu.vector_load_idx %arg30[%add3A_825] : memref<25088xf32, #tpu.memory_space<vmem>>[vector<16xi32>], vector<16xf32>,
        %max3A_924 = arith.maximumf %gather3A_923, %add3A_821 : vector<16xf32>
        tpu.vector_store_idx %arg30[%add3A_825], %max3A_924 : memref<25088xf32, #tpu.memory_space<vmem>>[vector<16xi32>], vector<16xf32>,
        %gather3A_925 = tpu.vector_load_idx %arg27[%add3A_844] : memref<25088xf32, #tpu.memory_space<vmem>>[vector<16xi32>], vector<16xf32>,
        %max3A_926 = arith.maximumf %gather3A_925, %add3A_840 : vector<16xf32>
        tpu.vector_store_idx %arg27[%add3A_844], %max3A_926 : memref<25088xf32, #tpu.memory_space<vmem>>[vector<16xi32>], vector<16xf32>,
        %gather3A_927 = tpu.vector_load_idx %arg29[%add3A_863] : memref<25088xf32, #tpu.memory_space<vmem>>[vector<16xi32>], vector<16xf32>,
        %max3A_928 = arith.maximumf %gather3A_927, %add3A_859 : vector<16xf32>
        tpu.vector_store_idx %arg29[%add3A_863], %max3A_928 : memref<25088xf32, #tpu.memory_space<vmem>>[vector<16xi32>], vector<16xf32>,
        %gather3A_929 = tpu.vector_load_idx %arg28[%add3A_882] : memref<25088xf32, #tpu.memory_space<vmem>>[vector<16xi32>], vector<16xf32>,
        %max3A_930 = arith.maximumf %gather3A_929, %add3A_878 : vector<16xf32>
        tpu.vector_store_idx %arg28[%add3A_882], %max3A_930 : memref<25088xf32, #tpu.memory_space<vmem>>[vector<16xi32>], vector<16xf32>,
        %gather3A_931 = tpu.vector_load_idx %arg30[%add3A_901] : memref<25088xf32, #tpu.memory_space<vmem>>[vector<16xi32>], vector<16xf32>,
        %max3A_932 = arith.maximumf %gather3A_931, %add3A_897 : vector<16xf32>
        tpu.vector_store_idx %arg30[%add3A_901], %max3A_932 : memref<25088xf32, #tpu.memory_space<vmem>>[vector<16xi32>], vector<16xf32>,
        %slice3A_933 = vector.extract_strided_slice %get3A_572 {offsets = [8], sizes = [1], strides = [1]} : vector<16xf32> to vector<1xf32>
        %squeeze3A_934 = vector.extract %slice3A_933[0] : f32 from vector<1xf32>
        %mul3A_935 = vector.broadcast %squeeze3A_934 : f32 to vector<16xf32>
        %mul3A_936 = arith.mulf %mul3A_935, %get3A_7 : vector<16xf32>
        %slice3A_937 = vector.extract_strided_slice %get3A_574 {offsets = [8], sizes = [1], strides = [1]} : vector<16xf32> to vector<1xf32>
        %squeeze3A_938 = vector.extract %slice3A_937[0] : f32 from vector<1xf32>
        %mul3A_939 = vector.broadcast %squeeze3A_938 : f32 to vector<16xf32>
        %mul3A_940 = arith.mulf %mul3A_939, %get3A_11 : vector<16xf32>
        %add3A_941 = arith.addf %mul3A_936, %mul3A_940 : vector<16xf32>
        %slice3A_942 = vector.extract_strided_slice %get3A_576 {offsets = [8], sizes = [1], strides = [1]} : vector<16xf32> to vector<1xf32>
        %squeeze3A_943 = vector.extract %slice3A_942[0] : f32 from vector<1xf32>
        %mul3A_944 = vector.broadcast %squeeze3A_943 : f32 to vector<16xf32>
        %mul3A_945 = arith.mulf %mul3A_944, %get3A_15 : vector<16xf32>
        %add3A_946 = arith.addf %mul3A_945, %get3A_19 : vector<16xf32>
        %add3A_947 = arith.addf %add3A_941, %add3A_946 : vector<16xf32>
        %slice3A_948 = vector.extract_strided_slice %mul3A_570 {offsets = [8], sizes = [1], strides = [1]} : vector<16xi32> to vector<1xi32>
        %squeeze3A_949 = vector.extract %slice3A_948[0] : i32 from vector<1xi32>
        %add3A_950 = vector.broadcast %squeeze3A_949 : i32 to vector<16xi32>
        %add3A_951 = arith.addi %add3A_950, %iota3A : vector<16xi32>
        %slice3A_952 = vector.extract_strided_slice %get3A_595 {offsets = [8], sizes = [1], strides = [1]} : vector<16xf32> to vector<1xf32>
        %squeeze3A_953 = vector.extract %slice3A_952[0] : f32 from vector<1xf32>
        %mul3A_954 = vector.broadcast %squeeze3A_953 : f32 to vector<16xf32>
        %mul3A_955 = arith.mulf %mul3A_954, %get3A_7 : vector<16xf32>
        %slice3A_956 = vector.extract_strided_slice %get3A_597 {offsets = [8], sizes = [1], strides = [1]} : vector<16xf32> to vector<1xf32>
        %squeeze3A_957 = vector.extract %slice3A_956[0] : f32 from vector<1xf32>
        %mul3A_958 = vector.broadcast %squeeze3A_957 : f32 to vector<16xf32>
        %mul3A_959 = arith.mulf %mul3A_958, %get3A_11 : vector<16xf32>
        %add3A_960 = arith.addf %mul3A_955, %mul3A_959 : vector<16xf32>
        %slice3A_961 = vector.extract_strided_slice %get3A_599 {offsets = [8], sizes = [1], strides = [1]} : vector<16xf32> to vector<1xf32>
        %squeeze3A_962 = vector.extract %slice3A_961[0] : f32 from vector<1xf32>
        %mul3A_963 = vector.broadcast %squeeze3A_962 : f32 to vector<16xf32>
        %mul3A_964 = arith.mulf %mul3A_963, %get3A_15 : vector<16xf32>
        %add3A_965 = arith.addf %mul3A_964, %get3A_19 : vector<16xf32>
        %add3A_966 = arith.addf %add3A_960, %add3A_965 : vector<16xf32>
        %slice3A_967 = vector.extract_strided_slice %mul3A_593 {offsets = [8], sizes = [1], strides = [1]} : vector<16xi32> to vector<1xi32>
        %squeeze3A_968 = vector.extract %slice3A_967[0] : i32 from vector<1xi32>
        %add3A_969 = vector.broadcast %squeeze3A_968 : i32 to vector<16xi32>
        %add3A_970 = arith.addi %add3A_969, %iota3A : vector<16xi32>
        %slice3A_971 = vector.extract_strided_slice %get3A_572 {offsets = [9], sizes = [1], strides = [1]} : vector<16xf32> to vector<1xf32>
        %squeeze3A_972 = vector.extract %slice3A_971[0] : f32 from vector<1xf32>
        %mul3A_973 = vector.broadcast %squeeze3A_972 : f32 to vector<16xf32>
        %mul3A_974 = arith.mulf %mul3A_973, %get3A_7 : vector<16xf32>
        %slice3A_975 = vector.extract_strided_slice %get3A_574 {offsets = [9], sizes = [1], strides = [1]} : vector<16xf32> to vector<1xf32>
        %squeeze3A_976 = vector.extract %slice3A_975[0] : f32 from vector<1xf32>
        %mul3A_977 = vector.broadcast %squeeze3A_976 : f32 to vector<16xf32>
        %mul3A_978 = arith.mulf %mul3A_977, %get3A_11 : vector<16xf32>
        %add3A_979 = arith.addf %mul3A_974, %mul3A_978 : vector<16xf32>
        %slice3A_980 = vector.extract_strided_slice %get3A_576 {offsets = [9], sizes = [1], strides = [1]} : vector<16xf32> to vector<1xf32>
        %squeeze3A_981 = vector.extract %slice3A_980[0] : f32 from vector<1xf32>
        %mul3A_982 = vector.broadcast %squeeze3A_981 : f32 to vector<16xf32>
        %mul3A_983 = arith.mulf %mul3A_982, %get3A_15 : vector<16xf32>
        %add3A_984 = arith.addf %mul3A_983, %get3A_19 : vector<16xf32>
        %add3A_985 = arith.addf %add3A_979, %add3A_984 : vector<16xf32>
        %slice3A_986 = vector.extract_strided_slice %mul3A_570 {offsets = [9], sizes = [1], strides = [1]} : vector<16xi32> to vector<1xi32>
        %squeeze3A_987 = vector.extract %slice3A_986[0] : i32 from vector<1xi32>
        %add3A_988 = vector.broadcast %squeeze3A_987 : i32 to vector<16xi32>
        %add3A_989 = arith.addi %add3A_988, %iota3A : vector<16xi32>
        %slice3A_990 = vector.extract_strided_slice %get3A_595 {offsets = [9], sizes = [1], strides = [1]} : vector<16xf32> to vector<1xf32>
        %squeeze3A_991 = vector.extract %slice3A_990[0] : f32 from vector<1xf32>
        %mul3A_992 = vector.broadcast %squeeze3A_991 : f32 to vector<16xf32>
        %mul3A_993 = arith.mulf %mul3A_992, %get3A_7 : vector<16xf32>
        %slice3A_994 = vector.extract_strided_slice %get3A_597 {offsets = [9], sizes = [1], strides = [1]} : vector<16xf32> to vector<1xf32>
        %squeeze3A_995 = vector.extract %slice3A_994[0] : f32 from vector<1xf32>
        %mul3A_996 = vector.broadcast %squeeze3A_995 : f32 to vector<16xf32>
        %mul3A_997 = arith.mulf %mul3A_996, %get3A_11 : vector<16xf32>
        %add3A_998 = arith.addf %mul3A_993, %mul3A_997 : vector<16xf32>
        %slice3A_999 = vector.extract_strided_slice %get3A_599 {offsets = [9], sizes = [1], strides = [1]} : vector<16xf32> to vector<1xf32>
        %squeeze3A_1000 = vector.extract %slice3A_999[0] : f32 from vector<1xf32>
        %mul3A_1001 = vector.broadcast %squeeze3A_1000 : f32 to vector<16xf32>
        %mul3A_1002 = arith.mulf %mul3A_1001, %get3A_15 : vector<16xf32>
        %add3A_1003 = arith.addf %mul3A_1002, %get3A_19 : vector<16xf32>
        %add3A_1004 = arith.addf %add3A_998, %add3A_1003 : vector<16xf32>
        %slice3A_1005 = vector.extract_strided_slice %mul3A_593 {offsets = [9], sizes = [1], strides = [1]} : vector<16xi32> to vector<1xi32>
        %squeeze3A_1006 = vector.extract %slice3A_1005[0] : i32 from vector<1xi32>
        %add3A_1007 = vector.broadcast %squeeze3A_1006 : i32 to vector<16xi32>
        %add3A_1008 = arith.addi %add3A_1007, %iota3A : vector<16xi32>
        %slice3A_1009 = vector.extract_strided_slice %get3A_572 {offsets = [10], sizes = [1], strides = [1]} : vector<16xf32> to vector<1xf32>
        %squeeze3A_1010 = vector.extract %slice3A_1009[0] : f32 from vector<1xf32>
        %mul3A_1011 = vector.broadcast %squeeze3A_1010 : f32 to vector<16xf32>
        %mul3A_1012 = arith.mulf %mul3A_1011, %get3A_7 : vector<16xf32>
        %slice3A_1013 = vector.extract_strided_slice %get3A_574 {offsets = [10], sizes = [1], strides = [1]} : vector<16xf32> to vector<1xf32>
        %squeeze3A_1014 = vector.extract %slice3A_1013[0] : f32 from vector<1xf32>
        %mul3A_1015 = vector.broadcast %squeeze3A_1014 : f32 to vector<16xf32>
        %mul3A_1016 = arith.mulf %mul3A_1015, %get3A_11 : vector<16xf32>
        %add3A_1017 = arith.addf %mul3A_1012, %mul3A_1016 : vector<16xf32>
        %slice3A_1018 = vector.extract_strided_slice %get3A_576 {offsets = [10], sizes = [1], strides = [1]} : vector<16xf32> to vector<1xf32>
        %squeeze3A_1019 = vector.extract %slice3A_1018[0] : f32 from vector<1xf32>
        %mul3A_1020 = vector.broadcast %squeeze3A_1019 : f32 to vector<16xf32>
        %mul3A_1021 = arith.mulf %mul3A_1020, %get3A_15 : vector<16xf32>
        %add3A_1022 = arith.addf %mul3A_1021, %get3A_19 : vector<16xf32>
        %add3A_1023 = arith.addf %add3A_1017, %add3A_1022 : vector<16xf32>
        %slice3A_1024 = vector.extract_strided_slice %mul3A_570 {offsets = [10], sizes = [1], strides = [1]} : vector<16xi32> to vector<1xi32>
        %squeeze3A_1025 = vector.extract %slice3A_1024[0] : i32 from vector<1xi32>
        %add3A_1026 = vector.broadcast %squeeze3A_1025 : i32 to vector<16xi32>
        %add3A_1027 = arith.addi %add3A_1026, %iota3A : vector<16xi32>
        %slice3A_1028 = vector.extract_strided_slice %get3A_595 {offsets = [10], sizes = [1], strides = [1]} : vector<16xf32> to vector<1xf32>
        %squeeze3A_1029 = vector.extract %slice3A_1028[0] : f32 from vector<1xf32>
        %mul3A_1030 = vector.broadcast %squeeze3A_1029 : f32 to vector<16xf32>
        %mul3A_1031 = arith.mulf %mul3A_1030, %get3A_7 : vector<16xf32>
        %slice3A_1032 = vector.extract_strided_slice %get3A_597 {offsets = [10], sizes = [1], strides = [1]} : vector<16xf32> to vector<1xf32>
        %squeeze3A_1033 = vector.extract %slice3A_1032[0] : f32 from vector<1xf32>
        %mul3A_1034 = vector.broadcast %squeeze3A_1033 : f32 to vector<16xf32>
        %mul3A_1035 = arith.mulf %mul3A_1034, %get3A_11 : vector<16xf32>
        %add3A_1036 = arith.addf %mul3A_1031, %mul3A_1035 : vector<16xf32>
        %slice3A_1037 = vector.extract_strided_slice %get3A_599 {offsets = [10], sizes = [1], strides = [1]} : vector<16xf32> to vector<1xf32>
        %squeeze3A_1038 = vector.extract %slice3A_1037[0] : f32 from vector<1xf32>
        %mul3A_1039 = vector.broadcast %squeeze3A_1038 : f32 to vector<16xf32>
        %mul3A_1040 = arith.mulf %mul3A_1039, %get3A_15 : vector<16xf32>
        %add3A_1041 = arith.addf %mul3A_1040, %get3A_19 : vector<16xf32>
        %add3A_1042 = arith.addf %add3A_1036, %add3A_1041 : vector<16xf32>
        %slice3A_1043 = vector.extract_strided_slice %mul3A_593 {offsets = [10], sizes = [1], strides = [1]} : vector<16xi32> to vector<1xi32>
        %squeeze3A_1044 = vector.extract %slice3A_1043[0] : i32 from vector<1xi32>
        %add3A_1045 = vector.broadcast %squeeze3A_1044 : i32 to vector<16xi32>
        %add3A_1046 = arith.addi %add3A_1045, %iota3A : vector<16xi32>
        %slice3A_1047 = vector.extract_strided_slice %get3A_572 {offsets = [11], sizes = [1], strides = [1]} : vector<16xf32> to vector<1xf32>
        %squeeze3A_1048 = vector.extract %slice3A_1047[0] : f32 from vector<1xf32>
        %mul3A_1049 = vector.broadcast %squeeze3A_1048 : f32 to vector<16xf32>
        %mul3A_1050 = arith.mulf %mul3A_1049, %get3A_7 : vector<16xf32>
        %slice3A_1051 = vector.extract_strided_slice %get3A_574 {offsets = [11], sizes = [1], strides = [1]} : vector<16xf32> to vector<1xf32>
        %squeeze3A_1052 = vector.extract %slice3A_1051[0] : f32 from vector<1xf32>
        %mul3A_1053 = vector.broadcast %squeeze3A_1052 : f32 to vector<16xf32>
        %mul3A_1054 = arith.mulf %mul3A_1053, %get3A_11 : vector<16xf32>
        %add3A_1055 = arith.addf %mul3A_1050, %mul3A_1054 : vector<16xf32>
        %slice3A_1056 = vector.extract_strided_slice %get3A_576 {offsets = [11], sizes = [1], strides = [1]} : vector<16xf32> to vector<1xf32>
        %squeeze3A_1057 = vector.extract %slice3A_1056[0] : f32 from vector<1xf32>
        %mul3A_1058 = vector.broadcast %squeeze3A_1057 : f32 to vector<16xf32>
        %mul3A_1059 = arith.mulf %mul3A_1058, %get3A_15 : vector<16xf32>
        %add3A_1060 = arith.addf %mul3A_1059, %get3A_19 : vector<16xf32>
        %add3A_1061 = arith.addf %add3A_1055, %add3A_1060 : vector<16xf32>
        %slice3A_1062 = vector.extract_strided_slice %mul3A_570 {offsets = [11], sizes = [1], strides = [1]} : vector<16xi32> to vector<1xi32>
        %squeeze3A_1063 = vector.extract %slice3A_1062[0] : i32 from vector<1xi32>
        %add3A_1064 = vector.broadcast %squeeze3A_1063 : i32 to vector<16xi32>
        %add3A_1065 = arith.addi %add3A_1064, %iota3A : vector<16xi32>
        %slice3A_1066 = vector.extract_strided_slice %get3A_595 {offsets = [11], sizes = [1], strides = [1]} : vector<16xf32> to vector<1xf32>
        %squeeze3A_1067 = vector.extract %slice3A_1066[0] : f32 from vector<1xf32>
        %mul3A_1068 = vector.broadcast %squeeze3A_1067 : f32 to vector<16xf32>
        %mul3A_1069 = arith.mulf %mul3A_1068, %get3A_7 : vector<16xf32>
        %slice3A_1070 = vector.extract_strided_slice %get3A_597 {offsets = [11], sizes = [1], strides = [1]} : vector<16xf32> to vector<1xf32>
        %squeeze3A_1071 = vector.extract %slice3A_1070[0] : f32 from vector<1xf32>
        %mul3A_1072 = vector.broadcast %squeeze3A_1071 : f32 to vector<16xf32>
        %mul3A_1073 = arith.mulf %mul3A_1072, %get3A_11 : vector<16xf32>
        %add3A_1074 = arith.addf %mul3A_1069, %mul3A_1073 : vector<16xf32>
        %slice3A_1075 = vector.extract_strided_slice %get3A_599 {offsets = [11], sizes = [1], strides = [1]} : vector<16xf32> to vector<1xf32>
        %squeeze3A_1076 = vector.extract %slice3A_1075[0] : f32 from vector<1xf32>
        %mul3A_1077 = vector.broadcast %squeeze3A_1076 : f32 to vector<16xf32>
        %mul3A_1078 = arith.mulf %mul3A_1077, %get3A_15 : vector<16xf32>
        %add3A_1079 = arith.addf %mul3A_1078, %get3A_19 : vector<16xf32>
        %add3A_1080 = arith.addf %add3A_1074, %add3A_1079 : vector<16xf32>
        %slice3A_1081 = vector.extract_strided_slice %mul3A_593 {offsets = [11], sizes = [1], strides = [1]} : vector<16xi32> to vector<1xi32>
        %squeeze3A_1082 = vector.extract %slice3A_1081[0] : i32 from vector<1xi32>
        %add3A_1083 = vector.broadcast %squeeze3A_1082 : i32 to vector<16xi32>
        %add3A_1084 = arith.addi %add3A_1083, %iota3A : vector<16xi32>
        %slice3A_1085 = vector.extract_strided_slice %get3A_572 {offsets = [12], sizes = [1], strides = [1]} : vector<16xf32> to vector<1xf32>
        %squeeze3A_1086 = vector.extract %slice3A_1085[0] : f32 from vector<1xf32>
        %mul3A_1087 = vector.broadcast %squeeze3A_1086 : f32 to vector<16xf32>
        %mul3A_1088 = arith.mulf %mul3A_1087, %get3A_7 : vector<16xf32>
        %slice3A_1089 = vector.extract_strided_slice %get3A_574 {offsets = [12], sizes = [1], strides = [1]} : vector<16xf32> to vector<1xf32>
        %squeeze3A_1090 = vector.extract %slice3A_1089[0] : f32 from vector<1xf32>
        %mul3A_1091 = vector.broadcast %squeeze3A_1090 : f32 to vector<16xf32>
        %mul3A_1092 = arith.mulf %mul3A_1091, %get3A_11 : vector<16xf32>
        %add3A_1093 = arith.addf %mul3A_1088, %mul3A_1092 : vector<16xf32>
        %slice3A_1094 = vector.extract_strided_slice %get3A_576 {offsets = [12], sizes = [1], strides = [1]} : vector<16xf32> to vector<1xf32>
        %squeeze3A_1095 = vector.extract %slice3A_1094[0] : f32 from vector<1xf32>
        %mul3A_1096 = vector.broadcast %squeeze3A_1095 : f32 to vector<16xf32>
        %mul3A_1097 = arith.mulf %mul3A_1096, %get3A_15 : vector<16xf32>
        %add3A_1098 = arith.addf %mul3A_1097, %get3A_19 : vector<16xf32>
        %add3A_1099 = arith.addf %add3A_1093, %add3A_1098 : vector<16xf32>
        %slice3A_1100 = vector.extract_strided_slice %mul3A_570 {offsets = [12], sizes = [1], strides = [1]} : vector<16xi32> to vector<1xi32>
        %squeeze3A_1101 = vector.extract %slice3A_1100[0] : i32 from vector<1xi32>
        %add3A_1102 = vector.broadcast %squeeze3A_1101 : i32 to vector<16xi32>
        %add3A_1103 = arith.addi %add3A_1102, %iota3A : vector<16xi32>
        %slice3A_1104 = vector.extract_strided_slice %get3A_595 {offsets = [12], sizes = [1], strides = [1]} : vector<16xf32> to vector<1xf32>
        %squeeze3A_1105 = vector.extract %slice3A_1104[0] : f32 from vector<1xf32>
        %mul3A_1106 = vector.broadcast %squeeze3A_1105 : f32 to vector<16xf32>
        %mul3A_1107 = arith.mulf %mul3A_1106, %get3A_7 : vector<16xf32>
        %slice3A_1108 = vector.extract_strided_slice %get3A_597 {offsets = [12], sizes = [1], strides = [1]} : vector<16xf32> to vector<1xf32>
        %squeeze3A_1109 = vector.extract %slice3A_1108[0] : f32 from vector<1xf32>
        %mul3A_1110 = vector.broadcast %squeeze3A_1109 : f32 to vector<16xf32>
        %mul3A_1111 = arith.mulf %mul3A_1110, %get3A_11 : vector<16xf32>
        %add3A_1112 = arith.addf %mul3A_1107, %mul3A_1111 : vector<16xf32>
        %slice3A_1113 = vector.extract_strided_slice %get3A_599 {offsets = [12], sizes = [1], strides = [1]} : vector<16xf32> to vector<1xf32>
        %squeeze3A_1114 = vector.extract %slice3A_1113[0] : f32 from vector<1xf32>
        %mul3A_1115 = vector.broadcast %squeeze3A_1114 : f32 to vector<16xf32>
        %mul3A_1116 = arith.mulf %mul3A_1115, %get3A_15 : vector<16xf32>
        %add3A_1117 = arith.addf %mul3A_1116, %get3A_19 : vector<16xf32>
        %add3A_1118 = arith.addf %add3A_1112, %add3A_1117 : vector<16xf32>
        %slice3A_1119 = vector.extract_strided_slice %mul3A_593 {offsets = [12], sizes = [1], strides = [1]} : vector<16xi32> to vector<1xi32>
        %squeeze3A_1120 = vector.extract %slice3A_1119[0] : i32 from vector<1xi32>
        %add3A_1121 = vector.broadcast %squeeze3A_1120 : i32 to vector<16xi32>
        %add3A_1122 = arith.addi %add3A_1121, %iota3A : vector<16xi32>
        %slice3A_1123 = vector.extract_strided_slice %get3A_572 {offsets = [13], sizes = [1], strides = [1]} : vector<16xf32> to vector<1xf32>
        %squeeze3A_1124 = vector.extract %slice3A_1123[0] : f32 from vector<1xf32>
        %mul3A_1125 = vector.broadcast %squeeze3A_1124 : f32 to vector<16xf32>
        %mul3A_1126 = arith.mulf %mul3A_1125, %get3A_7 : vector<16xf32>
        %slice3A_1127 = vector.extract_strided_slice %get3A_574 {offsets = [13], sizes = [1], strides = [1]} : vector<16xf32> to vector<1xf32>
        %squeeze3A_1128 = vector.extract %slice3A_1127[0] : f32 from vector<1xf32>
        %mul3A_1129 = vector.broadcast %squeeze3A_1128 : f32 to vector<16xf32>
        %mul3A_1130 = arith.mulf %mul3A_1129, %get3A_11 : vector<16xf32>
        %add3A_1131 = arith.addf %mul3A_1126, %mul3A_1130 : vector<16xf32>
        %slice3A_1132 = vector.extract_strided_slice %get3A_576 {offsets = [13], sizes = [1], strides = [1]} : vector<16xf32> to vector<1xf32>
        %squeeze3A_1133 = vector.extract %slice3A_1132[0] : f32 from vector<1xf32>
        %mul3A_1134 = vector.broadcast %squeeze3A_1133 : f32 to vector<16xf32>
        %mul3A_1135 = arith.mulf %mul3A_1134, %get3A_15 : vector<16xf32>
        %add3A_1136 = arith.addf %mul3A_1135, %get3A_19 : vector<16xf32>
        %add3A_1137 = arith.addf %add3A_1131, %add3A_1136 : vector<16xf32>
        %slice3A_1138 = vector.extract_strided_slice %mul3A_570 {offsets = [13], sizes = [1], strides = [1]} : vector<16xi32> to vector<1xi32>
        %squeeze3A_1139 = vector.extract %slice3A_1138[0] : i32 from vector<1xi32>
        %add3A_1140 = vector.broadcast %squeeze3A_1139 : i32 to vector<16xi32>
        %add3A_1141 = arith.addi %add3A_1140, %iota3A : vector<16xi32>
        %slice3A_1142 = vector.extract_strided_slice %get3A_595 {offsets = [13], sizes = [1], strides = [1]} : vector<16xf32> to vector<1xf32>
        %squeeze3A_1143 = vector.extract %slice3A_1142[0] : f32 from vector<1xf32>
        %mul3A_1144 = vector.broadcast %squeeze3A_1143 : f32 to vector<16xf32>
        %mul3A_1145 = arith.mulf %mul3A_1144, %get3A_7 : vector<16xf32>
        %slice3A_1146 = vector.extract_strided_slice %get3A_597 {offsets = [13], sizes = [1], strides = [1]} : vector<16xf32> to vector<1xf32>
        %squeeze3A_1147 = vector.extract %slice3A_1146[0] : f32 from vector<1xf32>
        %mul3A_1148 = vector.broadcast %squeeze3A_1147 : f32 to vector<16xf32>
        %mul3A_1149 = arith.mulf %mul3A_1148, %get3A_11 : vector<16xf32>
        %add3A_1150 = arith.addf %mul3A_1145, %mul3A_1149 : vector<16xf32>
        %slice3A_1151 = vector.extract_strided_slice %get3A_599 {offsets = [13], sizes = [1], strides = [1]} : vector<16xf32> to vector<1xf32>
        %squeeze3A_1152 = vector.extract %slice3A_1151[0] : f32 from vector<1xf32>
        %mul3A_1153 = vector.broadcast %squeeze3A_1152 : f32 to vector<16xf32>
        %mul3A_1154 = arith.mulf %mul3A_1153, %get3A_15 : vector<16xf32>
        %add3A_1155 = arith.addf %mul3A_1154, %get3A_19 : vector<16xf32>
        %add3A_1156 = arith.addf %add3A_1150, %add3A_1155 : vector<16xf32>
        %slice3A_1157 = vector.extract_strided_slice %mul3A_593 {offsets = [13], sizes = [1], strides = [1]} : vector<16xi32> to vector<1xi32>
        %squeeze3A_1158 = vector.extract %slice3A_1157[0] : i32 from vector<1xi32>
        %add3A_1159 = vector.broadcast %squeeze3A_1158 : i32 to vector<16xi32>
        %add3A_1160 = arith.addi %add3A_1159, %iota3A : vector<16xi32>
        %slice3A_1161 = vector.extract_strided_slice %get3A_572 {offsets = [14], sizes = [1], strides = [1]} : vector<16xf32> to vector<1xf32>
        %squeeze3A_1162 = vector.extract %slice3A_1161[0] : f32 from vector<1xf32>
        %mul3A_1163 = vector.broadcast %squeeze3A_1162 : f32 to vector<16xf32>
        %mul3A_1164 = arith.mulf %mul3A_1163, %get3A_7 : vector<16xf32>
        %slice3A_1165 = vector.extract_strided_slice %get3A_574 {offsets = [14], sizes = [1], strides = [1]} : vector<16xf32> to vector<1xf32>
        %squeeze3A_1166 = vector.extract %slice3A_1165[0] : f32 from vector<1xf32>
        %mul3A_1167 = vector.broadcast %squeeze3A_1166 : f32 to vector<16xf32>
        %mul3A_1168 = arith.mulf %mul3A_1167, %get3A_11 : vector<16xf32>
        %add3A_1169 = arith.addf %mul3A_1164, %mul3A_1168 : vector<16xf32>
        %slice3A_1170 = vector.extract_strided_slice %get3A_576 {offsets = [14], sizes = [1], strides = [1]} : vector<16xf32> to vector<1xf32>
        %squeeze3A_1171 = vector.extract %slice3A_1170[0] : f32 from vector<1xf32>
        %mul3A_1172 = vector.broadcast %squeeze3A_1171 : f32 to vector<16xf32>
        %mul3A_1173 = arith.mulf %mul3A_1172, %get3A_15 : vector<16xf32>
        %add3A_1174 = arith.addf %mul3A_1173, %get3A_19 : vector<16xf32>
        %add3A_1175 = arith.addf %add3A_1169, %add3A_1174 : vector<16xf32>
        %slice3A_1176 = vector.extract_strided_slice %mul3A_570 {offsets = [14], sizes = [1], strides = [1]} : vector<16xi32> to vector<1xi32>
        %squeeze3A_1177 = vector.extract %slice3A_1176[0] : i32 from vector<1xi32>
        %add3A_1178 = vector.broadcast %squeeze3A_1177 : i32 to vector<16xi32>
        %add3A_1179 = arith.addi %add3A_1178, %iota3A : vector<16xi32>
        %slice3A_1180 = vector.extract_strided_slice %get3A_595 {offsets = [14], sizes = [1], strides = [1]} : vector<16xf32> to vector<1xf32>
        %squeeze3A_1181 = vector.extract %slice3A_1180[0] : f32 from vector<1xf32>
        %mul3A_1182 = vector.broadcast %squeeze3A_1181 : f32 to vector<16xf32>
        %mul3A_1183 = arith.mulf %mul3A_1182, %get3A_7 : vector<16xf32>
        %slice3A_1184 = vector.extract_strided_slice %get3A_597 {offsets = [14], sizes = [1], strides = [1]} : vector<16xf32> to vector<1xf32>
        %squeeze3A_1185 = vector.extract %slice3A_1184[0] : f32 from vector<1xf32>
        %mul3A_1186 = vector.broadcast %squeeze3A_1185 : f32 to vector<16xf32>
        %mul3A_1187 = arith.mulf %mul3A_1186, %get3A_11 : vector<16xf32>
        %add3A_1188 = arith.addf %mul3A_1183, %mul3A_1187 : vector<16xf32>
        %slice3A_1189 = vector.extract_strided_slice %get3A_599 {offsets = [14], sizes = [1], strides = [1]} : vector<16xf32> to vector<1xf32>
        %squeeze3A_1190 = vector.extract %slice3A_1189[0] : f32 from vector<1xf32>
        %mul3A_1191 = vector.broadcast %squeeze3A_1190 : f32 to vector<16xf32>
        %mul3A_1192 = arith.mulf %mul3A_1191, %get3A_15 : vector<16xf32>
        %add3A_1193 = arith.addf %mul3A_1192, %get3A_19 : vector<16xf32>
        %add3A_1194 = arith.addf %add3A_1188, %add3A_1193 : vector<16xf32>
        %slice3A_1195 = vector.extract_strided_slice %mul3A_593 {offsets = [14], sizes = [1], strides = [1]} : vector<16xi32> to vector<1xi32>
        %squeeze3A_1196 = vector.extract %slice3A_1195[0] : i32 from vector<1xi32>
        %add3A_1197 = vector.broadcast %squeeze3A_1196 : i32 to vector<16xi32>
        %add3A_1198 = arith.addi %add3A_1197, %iota3A : vector<16xi32>
        %slice3A_1199 = vector.extract_strided_slice %get3A_572 {offsets = [15], sizes = [1], strides = [1]} : vector<16xf32> to vector<1xf32>
        %squeeze3A_1200 = vector.extract %slice3A_1199[0] : f32 from vector<1xf32>
        %mul3A_1201 = vector.broadcast %squeeze3A_1200 : f32 to vector<16xf32>
        %mul3A_1202 = arith.mulf %mul3A_1201, %get3A_7 : vector<16xf32>
        %slice3A_1203 = vector.extract_strided_slice %get3A_574 {offsets = [15], sizes = [1], strides = [1]} : vector<16xf32> to vector<1xf32>
        %squeeze3A_1204 = vector.extract %slice3A_1203[0] : f32 from vector<1xf32>
        %mul3A_1205 = vector.broadcast %squeeze3A_1204 : f32 to vector<16xf32>
        %mul3A_1206 = arith.mulf %mul3A_1205, %get3A_11 : vector<16xf32>
        %add3A_1207 = arith.addf %mul3A_1202, %mul3A_1206 : vector<16xf32>
        %slice3A_1208 = vector.extract_strided_slice %get3A_576 {offsets = [15], sizes = [1], strides = [1]} : vector<16xf32> to vector<1xf32>
        %squeeze3A_1209 = vector.extract %slice3A_1208[0] : f32 from vector<1xf32>
        %mul3A_1210 = vector.broadcast %squeeze3A_1209 : f32 to vector<16xf32>
        %mul3A_1211 = arith.mulf %mul3A_1210, %get3A_15 : vector<16xf32>
        %add3A_1212 = arith.addf %mul3A_1211, %get3A_19 : vector<16xf32>
        %add3A_1213 = arith.addf %add3A_1207, %add3A_1212 : vector<16xf32>
        %slice3A_1214 = vector.extract_strided_slice %mul3A_570 {offsets = [15], sizes = [1], strides = [1]} : vector<16xi32> to vector<1xi32>
        %squeeze3A_1215 = vector.extract %slice3A_1214[0] : i32 from vector<1xi32>
        %add3A_1216 = vector.broadcast %squeeze3A_1215 : i32 to vector<16xi32>
        %add3A_1217 = arith.addi %add3A_1216, %iota3A : vector<16xi32>
        %slice3A_1218 = vector.extract_strided_slice %get3A_595 {offsets = [15], sizes = [1], strides = [1]} : vector<16xf32> to vector<1xf32>
        %squeeze3A_1219 = vector.extract %slice3A_1218[0] : f32 from vector<1xf32>
        %mul3A_1220 = vector.broadcast %squeeze3A_1219 : f32 to vector<16xf32>
        %mul3A_1221 = arith.mulf %mul3A_1220, %get3A_7 : vector<16xf32>
        %slice3A_1222 = vector.extract_strided_slice %get3A_597 {offsets = [15], sizes = [1], strides = [1]} : vector<16xf32> to vector<1xf32>
        %squeeze3A_1223 = vector.extract %slice3A_1222[0] : f32 from vector<1xf32>
        %mul3A_1224 = vector.broadcast %squeeze3A_1223 : f32 to vector<16xf32>
        %mul3A_1225 = arith.mulf %mul3A_1224, %get3A_11 : vector<16xf32>
        %add3A_1226 = arith.addf %mul3A_1221, %mul3A_1225 : vector<16xf32>
        %slice3A_1227 = vector.extract_strided_slice %get3A_599 {offsets = [15], sizes = [1], strides = [1]} : vector<16xf32> to vector<1xf32>
        %squeeze3A_1228 = vector.extract %slice3A_1227[0] : f32 from vector<1xf32>
        %mul3A_1229 = vector.broadcast %squeeze3A_1228 : f32 to vector<16xf32>
        %mul3A_1230 = arith.mulf %mul3A_1229, %get3A_15 : vector<16xf32>
        %add3A_1231 = arith.addf %mul3A_1230, %get3A_19 : vector<16xf32>
        %add3A_1232 = arith.addf %add3A_1226, %add3A_1231 : vector<16xf32>
        %slice3A_1233 = vector.extract_strided_slice %mul3A_593 {offsets = [15], sizes = [1], strides = [1]} : vector<16xi32> to vector<1xi32>
        %squeeze3A_1234 = vector.extract %slice3A_1233[0] : i32 from vector<1xi32>
        %add3A_1235 = vector.broadcast %squeeze3A_1234 : i32 to vector<16xi32>
        %add3A_1236 = arith.addi %add3A_1235, %iota3A : vector<16xi32>
        %gather3A_1237 = tpu.vector_load_idx %arg27[%add3A_951] : memref<25088xf32, #tpu.memory_space<vmem>>[vector<16xi32>], vector<16xf32>,
        %max3A_1238 = arith.maximumf %gather3A_1237, %add3A_947 : vector<16xf32>
        tpu.vector_store_idx %arg27[%add3A_951], %max3A_1238 : memref<25088xf32, #tpu.memory_space<vmem>>[vector<16xi32>], vector<16xf32>,
        %gather3A_1239 = tpu.vector_load_idx %arg29[%add3A_970] : memref<25088xf32, #tpu.memory_space<vmem>>[vector<16xi32>], vector<16xf32>,
        %max3A_1240 = arith.maximumf %gather3A_1239, %add3A_966 : vector<16xf32>
        tpu.vector_store_idx %arg29[%add3A_970], %max3A_1240 : memref<25088xf32, #tpu.memory_space<vmem>>[vector<16xi32>], vector<16xf32>,
        %gather3A_1241 = tpu.vector_load_idx %arg28[%add3A_989] : memref<25088xf32, #tpu.memory_space<vmem>>[vector<16xi32>], vector<16xf32>,
        %max3A_1242 = arith.maximumf %gather3A_1241, %add3A_985 : vector<16xf32>
        tpu.vector_store_idx %arg28[%add3A_989], %max3A_1242 : memref<25088xf32, #tpu.memory_space<vmem>>[vector<16xi32>], vector<16xf32>,
        %gather3A_1243 = tpu.vector_load_idx %arg30[%add3A_1008] : memref<25088xf32, #tpu.memory_space<vmem>>[vector<16xi32>], vector<16xf32>,
        %max3A_1244 = arith.maximumf %gather3A_1243, %add3A_1004 : vector<16xf32>
        tpu.vector_store_idx %arg30[%add3A_1008], %max3A_1244 : memref<25088xf32, #tpu.memory_space<vmem>>[vector<16xi32>], vector<16xf32>,
        %gather3A_1245 = tpu.vector_load_idx %arg27[%add3A_1027] : memref<25088xf32, #tpu.memory_space<vmem>>[vector<16xi32>], vector<16xf32>,
        %max3A_1246 = arith.maximumf %gather3A_1245, %add3A_1023 : vector<16xf32>
        tpu.vector_store_idx %arg27[%add3A_1027], %max3A_1246 : memref<25088xf32, #tpu.memory_space<vmem>>[vector<16xi32>], vector<16xf32>,
        %gather3A_1247 = tpu.vector_load_idx %arg29[%add3A_1046] : memref<25088xf32, #tpu.memory_space<vmem>>[vector<16xi32>], vector<16xf32>,
        %max3A_1248 = arith.maximumf %gather3A_1247, %add3A_1042 : vector<16xf32>
        tpu.vector_store_idx %arg29[%add3A_1046], %max3A_1248 : memref<25088xf32, #tpu.memory_space<vmem>>[vector<16xi32>], vector<16xf32>,
        %gather3A_1249 = tpu.vector_load_idx %arg28[%add3A_1065] : memref<25088xf32, #tpu.memory_space<vmem>>[vector<16xi32>], vector<16xf32>,
        %max3A_1250 = arith.maximumf %gather3A_1249, %add3A_1061 : vector<16xf32>
        tpu.vector_store_idx %arg28[%add3A_1065], %max3A_1250 : memref<25088xf32, #tpu.memory_space<vmem>>[vector<16xi32>], vector<16xf32>,
        %gather3A_1251 = tpu.vector_load_idx %arg30[%add3A_1084] : memref<25088xf32, #tpu.memory_space<vmem>>[vector<16xi32>], vector<16xf32>,
        %max3A_1252 = arith.maximumf %gather3A_1251, %add3A_1080 : vector<16xf32>
        tpu.vector_store_idx %arg30[%add3A_1084], %max3A_1252 : memref<25088xf32, #tpu.memory_space<vmem>>[vector<16xi32>], vector<16xf32>,
        %gather3A_1253 = tpu.vector_load_idx %arg27[%add3A_1103] : memref<25088xf32, #tpu.memory_space<vmem>>[vector<16xi32>], vector<16xf32>,
        %max3A_1254 = arith.maximumf %gather3A_1253, %add3A_1099 : vector<16xf32>
        tpu.vector_store_idx %arg27[%add3A_1103], %max3A_1254 : memref<25088xf32, #tpu.memory_space<vmem>>[vector<16xi32>], vector<16xf32>,
        %gather3A_1255 = tpu.vector_load_idx %arg29[%add3A_1122] : memref<25088xf32, #tpu.memory_space<vmem>>[vector<16xi32>], vector<16xf32>,
        %max3A_1256 = arith.maximumf %gather3A_1255, %add3A_1118 : vector<16xf32>
        tpu.vector_store_idx %arg29[%add3A_1122], %max3A_1256 : memref<25088xf32, #tpu.memory_space<vmem>>[vector<16xi32>], vector<16xf32>,
        %gather3A_1257 = tpu.vector_load_idx %arg28[%add3A_1141] : memref<25088xf32, #tpu.memory_space<vmem>>[vector<16xi32>], vector<16xf32>,
        %max3A_1258 = arith.maximumf %gather3A_1257, %add3A_1137 : vector<16xf32>
        tpu.vector_store_idx %arg28[%add3A_1141], %max3A_1258 : memref<25088xf32, #tpu.memory_space<vmem>>[vector<16xi32>], vector<16xf32>,
        %gather3A_1259 = tpu.vector_load_idx %arg30[%add3A_1160] : memref<25088xf32, #tpu.memory_space<vmem>>[vector<16xi32>], vector<16xf32>,
        %max3A_1260 = arith.maximumf %gather3A_1259, %add3A_1156 : vector<16xf32>
        tpu.vector_store_idx %arg30[%add3A_1160], %max3A_1260 : memref<25088xf32, #tpu.memory_space<vmem>>[vector<16xi32>], vector<16xf32>,
        %gather3A_1261 = tpu.vector_load_idx %arg27[%add3A_1179] : memref<25088xf32, #tpu.memory_space<vmem>>[vector<16xi32>], vector<16xf32>,
        %max3A_1262 = arith.maximumf %gather3A_1261, %add3A_1175 : vector<16xf32>
        tpu.vector_store_idx %arg27[%add3A_1179], %max3A_1262 : memref<25088xf32, #tpu.memory_space<vmem>>[vector<16xi32>], vector<16xf32>,
        %gather3A_1263 = tpu.vector_load_idx %arg29[%add3A_1198] : memref<25088xf32, #tpu.memory_space<vmem>>[vector<16xi32>], vector<16xf32>,
        %max3A_1264 = arith.maximumf %gather3A_1263, %add3A_1194 : vector<16xf32>
        tpu.vector_store_idx %arg29[%add3A_1198], %max3A_1264 : memref<25088xf32, #tpu.memory_space<vmem>>[vector<16xi32>], vector<16xf32>,
        %gather3A_1265 = tpu.vector_load_idx %arg28[%add3A_1217] : memref<25088xf32, #tpu.memory_space<vmem>>[vector<16xi32>], vector<16xf32>,
        %max3A_1266 = arith.maximumf %gather3A_1265, %add3A_1213 : vector<16xf32>
        tpu.vector_store_idx %arg28[%add3A_1217], %max3A_1266 : memref<25088xf32, #tpu.memory_space<vmem>>[vector<16xi32>], vector<16xf32>,
        %gather3A_1267 = tpu.vector_load_idx %arg30[%add3A_1236] : memref<25088xf32, #tpu.memory_space<vmem>>[vector<16xi32>], vector<16xf32>,
        %max3A_1268 = arith.maximumf %gather3A_1267, %add3A_1232 : vector<16xf32>
        tpu.vector_store_idx %arg30[%add3A_1236], %max3A_1268 : memref<25088xf32, #tpu.memory_space<vmem>>[vector<16xi32>], vector<16xf32>,
      }
      %scan3A_552 = arith.constant 64 : i32
    }
    %while3A_210 = arith.constant 1 : i32
    scf.for %while3A_286 = %while3A_208 to %while3A_204 step %while3A_210  : i32 {
      %mul3A_287 = arith.constant 2 : i32
      %mul3A_288 = arith.muli %mul3A_287, %while3A_286 : i32
      %add3A_289 = arith.constant 1 : i32
      %add3A_290 = arith.addi %mul3A_288, %add3A_289 : i32
      %mul3A_291 = arith.constant 1024 : i32
      %mul3A_292 = arith.muli %add3A_290, %mul3A_291 : i32
      %add3A_293 = arith.addi %multiple_of3A, %mul3A_292 : i32
      %min3A_294 = arith.constant 3198976 : i32
      %min3A_295 = arith.minsi %add3A_293, %min3A_294 : i32
      %multiple_of3A_296 = tpu.assume_multiple %min3A_295, 8 : i32
      %mul3A_297 = arith.constant 1024 : i32
      %mul3A_298 = arith.muli %add3A_290, %mul3A_297 : i32
      %add3A_299 = arith.addi %multiple_of3A_66, %mul3A_298 : i32
      %min3A_300 = arith.constant 3198976 : i32
      %min3A_301 = arith.minsi %add3A_299, %min3A_300 : i32
      %multiple_of3A_302 = tpu.assume_multiple %min3A_301, 8 : i32
      %dma_start3A_303 = arith.constant 0 : i32
      %dma_start3A_304 = tpu.memref_slice %arg15[%dma_start3A_303] : memref<1040xf32, #tpu.memory_space<vmem>> -> memref<1024xf32, #tpu.memory_space<vmem>>
      %dma_start3A_305 = tpu.memref_slice %arg2[%multiple_of3A_296] : memref<3200000xf32, #tpu.memory_space<hbm>> -> memref<1024xf32, #tpu.memory_space<hbm>>
      %dma_start3A_306 = arith.constant 0 : i32
      %dma_start3A_307 = tpu.memref_slice %arg15[%dma_start3A_306] : memref<1040xf32, #tpu.memory_space<vmem>> -> memref<1024xf32, #tpu.memory_space<vmem>>
      %dma_start3A_308 = tpu.memref_slice %arg2[%multiple_of3A_296] : memref<3200000xf32, #tpu.memory_space<hbm>> -> memref<1024xf32, #tpu.memory_space<hbm>>
      tpu.enqueue_dma source(%dma_start3A_308 : memref<1024xf32, #tpu.memory_space<hbm>>) target(%dma_start3A_307 : memref<1024xf32, #tpu.memory_space<vmem>>) target_semaphore(%arg32 : memref<!tpu.dma_semaphore, #tpu.memory_space<semaphore_mem>>)
      %dma_start3A_309 = arith.constant 0 : i32
      %dma_start3A_310 = tpu.memref_slice %arg16[%dma_start3A_309] : memref<1040xf32, #tpu.memory_space<vmem>> -> memref<1024xf32, #tpu.memory_space<vmem>>
      %dma_start3A_311 = tpu.memref_slice %arg3[%multiple_of3A_296] : memref<3200000xf32, #tpu.memory_space<hbm>> -> memref<1024xf32, #tpu.memory_space<hbm>>
      %dma_start3A_312 = arith.constant 0 : i32
      %dma_start3A_313 = tpu.memref_slice %arg16[%dma_start3A_312] : memref<1040xf32, #tpu.memory_space<vmem>> -> memref<1024xf32, #tpu.memory_space<vmem>>
      %dma_start3A_314 = tpu.memref_slice %arg3[%multiple_of3A_296] : memref<3200000xf32, #tpu.memory_space<hbm>> -> memref<1024xf32, #tpu.memory_space<hbm>>
      tpu.enqueue_dma source(%dma_start3A_314 : memref<1024xf32, #tpu.memory_space<hbm>>) target(%dma_start3A_313 : memref<1024xf32, #tpu.memory_space<vmem>>) target_semaphore(%arg32 : memref<!tpu.dma_semaphore, #tpu.memory_space<semaphore_mem>>)
      %dma_start3A_315 = arith.constant 0 : i32
      %dma_start3A_316 = tpu.memref_slice %arg17[%dma_start3A_315] : memref<1040xf32, #tpu.memory_space<vmem>> -> memref<1024xf32, #tpu.memory_space<vmem>>
      %dma_start3A_317 = tpu.memref_slice %arg4[%multiple_of3A_296] : memref<3200000xf32, #tpu.memory_space<hbm>> -> memref<1024xf32, #tpu.memory_space<hbm>>
      %dma_start3A_318 = arith.constant 0 : i32
      %dma_start3A_319 = tpu.memref_slice %arg17[%dma_start3A_318] : memref<1040xf32, #tpu.memory_space<vmem>> -> memref<1024xf32, #tpu.memory_space<vmem>>
      %dma_start3A_320 = tpu.memref_slice %arg4[%multiple_of3A_296] : memref<3200000xf32, #tpu.memory_space<hbm>> -> memref<1024xf32, #tpu.memory_space<hbm>>
      tpu.enqueue_dma source(%dma_start3A_320 : memref<1024xf32, #tpu.memory_space<hbm>>) target(%dma_start3A_319 : memref<1024xf32, #tpu.memory_space<vmem>>) target_semaphore(%arg32 : memref<!tpu.dma_semaphore, #tpu.memory_space<semaphore_mem>>)
      %dma_start3A_321 = arith.constant 0 : i32
      %dma_start3A_322 = tpu.memref_slice %arg18[%dma_start3A_321] : memref<1040xi32, #tpu.memory_space<vmem>> -> memref<1024xi32, #tpu.memory_space<vmem>>
      %dma_start3A_323 = tpu.memref_slice %arg5[%multiple_of3A_296] : memref<3200000xi32, #tpu.memory_space<hbm>> -> memref<1024xi32, #tpu.memory_space<hbm>>
      %dma_start3A_324 = arith.constant 0 : i32
      %dma_start3A_325 = tpu.memref_slice %arg18[%dma_start3A_324] : memref<1040xi32, #tpu.memory_space<vmem>> -> memref<1024xi32, #tpu.memory_space<vmem>>
      %dma_start3A_326 = tpu.memref_slice %arg5[%multiple_of3A_296] : memref<3200000xi32, #tpu.memory_space<hbm>> -> memref<1024xi32, #tpu.memory_space<hbm>>
      tpu.enqueue_dma source(%dma_start3A_326 : memref<1024xi32, #tpu.memory_space<hbm>>) target(%dma_start3A_325 : memref<1024xi32, #tpu.memory_space<vmem>>) target_semaphore(%arg32 : memref<!tpu.dma_semaphore, #tpu.memory_space<semaphore_mem>>)
      %dma_start3A_327 = arith.constant 0 : i32
      %dma_start3A_328 = tpu.memref_slice %arg23[%dma_start3A_327] : memref<1040xf32, #tpu.memory_space<vmem>> -> memref<1024xf32, #tpu.memory_space<vmem>>
      %dma_start3A_329 = tpu.memref_slice %arg2[%multiple_of3A_302] : memref<3200000xf32, #tpu.memory_space<hbm>> -> memref<1024xf32, #tpu.memory_space<hbm>>
      %dma_start3A_330 = arith.constant 0 : i32
      %dma_start3A_331 = tpu.memref_slice %arg23[%dma_start3A_330] : memref<1040xf32, #tpu.memory_space<vmem>> -> memref<1024xf32, #tpu.memory_space<vmem>>
      %dma_start3A_332 = tpu.memref_slice %arg2[%multiple_of3A_302] : memref<3200000xf32, #tpu.memory_space<hbm>> -> memref<1024xf32, #tpu.memory_space<hbm>>
      tpu.enqueue_dma source(%dma_start3A_332 : memref<1024xf32, #tpu.memory_space<hbm>>) target(%dma_start3A_331 : memref<1024xf32, #tpu.memory_space<vmem>>) target_semaphore(%arg32 : memref<!tpu.dma_semaphore, #tpu.memory_space<semaphore_mem>>)
      %dma_start3A_333 = arith.constant 0 : i32
      %dma_start3A_334 = tpu.memref_slice %arg24[%dma_start3A_333] : memref<1040xf32, #tpu.memory_space<vmem>> -> memref<1024xf32, #tpu.memory_space<vmem>>
      %dma_start3A_335 = tpu.memref_slice %arg3[%multiple_of3A_302] : memref<3200000xf32, #tpu.memory_space<hbm>> -> memref<1024xf32, #tpu.memory_space<hbm>>
      %dma_start3A_336 = arith.constant 0 : i32
      %dma_start3A_337 = tpu.memref_slice %arg24[%dma_start3A_336] : memref<1040xf32, #tpu.memory_space<vmem>> -> memref<1024xf32, #tpu.memory_space<vmem>>
      %dma_start3A_338 = tpu.memref_slice %arg3[%multiple_of3A_302] : memref<3200000xf32, #tpu.memory_space<hbm>> -> memref<1024xf32, #tpu.memory_space<hbm>>
      tpu.enqueue_dma source(%dma_start3A_338 : memref<1024xf32, #tpu.memory_space<hbm>>) target(%dma_start3A_337 : memref<1024xf32, #tpu.memory_space<vmem>>) target_semaphore(%arg32 : memref<!tpu.dma_semaphore, #tpu.memory_space<semaphore_mem>>)
      %dma_start3A_339 = arith.constant 0 : i32
      %dma_start3A_340 = tpu.memref_slice %arg25[%dma_start3A_339] : memref<1040xf32, #tpu.memory_space<vmem>> -> memref<1024xf32, #tpu.memory_space<vmem>>
      %dma_start3A_341 = tpu.memref_slice %arg4[%multiple_of3A_302] : memref<3200000xf32, #tpu.memory_space<hbm>> -> memref<1024xf32, #tpu.memory_space<hbm>>
      %dma_start3A_342 = arith.constant 0 : i32
      %dma_start3A_343 = tpu.memref_slice %arg25[%dma_start3A_342] : memref<1040xf32, #tpu.memory_space<vmem>> -> memref<1024xf32, #tpu.memory_space<vmem>>
      %dma_start3A_344 = tpu.memref_slice %arg4[%multiple_of3A_302] : memref<3200000xf32, #tpu.memory_space<hbm>> -> memref<1024xf32, #tpu.memory_space<hbm>>
      tpu.enqueue_dma source(%dma_start3A_344 : memref<1024xf32, #tpu.memory_space<hbm>>) target(%dma_start3A_343 : memref<1024xf32, #tpu.memory_space<vmem>>) target_semaphore(%arg32 : memref<!tpu.dma_semaphore, #tpu.memory_space<semaphore_mem>>)
      %dma_start3A_345 = arith.constant 0 : i32
      %dma_start3A_346 = tpu.memref_slice %arg26[%dma_start3A_345] : memref<1040xi32, #tpu.memory_space<vmem>> -> memref<1024xi32, #tpu.memory_space<vmem>>
      %dma_start3A_347 = tpu.memref_slice %arg5[%multiple_of3A_302] : memref<3200000xi32, #tpu.memory_space<hbm>> -> memref<1024xi32, #tpu.memory_space<hbm>>
      %dma_start3A_348 = arith.constant 0 : i32
      %dma_start3A_349 = tpu.memref_slice %arg26[%dma_start3A_348] : memref<1040xi32, #tpu.memory_space<vmem>> -> memref<1024xi32, #tpu.memory_space<vmem>>
      %dma_start3A_350 = tpu.memref_slice %arg5[%multiple_of3A_302] : memref<3200000xi32, #tpu.memory_space<hbm>> -> memref<1024xi32, #tpu.memory_space<hbm>>
      tpu.enqueue_dma source(%dma_start3A_350 : memref<1024xi32, #tpu.memory_space<hbm>>) target(%dma_start3A_349 : memref<1024xi32, #tpu.memory_space<vmem>>) target_semaphore(%arg32 : memref<!tpu.dma_semaphore, #tpu.memory_space<semaphore_mem>>)
      %dma_wait3A_351 = arith.constant 0 : i32
      %dma_wait3A_352 = tpu.memref_slice %arg11[%dma_wait3A_351] : memref<1040xf32, #tpu.memory_space<vmem>> -> memref<1024xf32, #tpu.memory_space<vmem>>
      %dma_wait3A_353 = arith.constant 0 : i32
      %dma_wait3A_354 = tpu.memref_slice %arg2[%dma_wait3A_353] : memref<3200000xf32, #tpu.memory_space<hbm>> -> memref<1024xf32, #tpu.memory_space<hbm>>
      %dma_wait3A_355 = arith.constant 0 : i32
      %dma_wait3A_356 = tpu.memref_slice %arg11[%dma_wait3A_355] : memref<1040xf32, #tpu.memory_space<vmem>> -> memref<1024xf32, #tpu.memory_space<vmem>>
      %dma_wait3A_357 = arith.constant 0 : i32
      %dma_wait3A_358 = tpu.memref_slice %arg2[%dma_wait3A_357] : memref<3200000xf32, #tpu.memory_space<hbm>> -> memref<1024xf32, #tpu.memory_space<hbm>>
      tpu.wait_dma2 semaphore(%arg31 : memref<!tpu.dma_semaphore, #tpu.memory_space<semaphore_mem>>) src(%dma_wait3A_358 : memref<1024xf32, #tpu.memory_space<hbm>>) dst(%dma_wait3A_356 : memref<1024xf32, #tpu.memory_space<vmem>>)
      %dma_wait3A_359 = arith.constant 0 : i32
      %dma_wait3A_360 = tpu.memref_slice %arg12[%dma_wait3A_359] : memref<1040xf32, #tpu.memory_space<vmem>> -> memref<1024xf32, #tpu.memory_space<vmem>>
      %dma_wait3A_361 = arith.constant 0 : i32
      %dma_wait3A_362 = tpu.memref_slice %arg2[%dma_wait3A_361] : memref<3200000xf32, #tpu.memory_space<hbm>> -> memref<1024xf32, #tpu.memory_space<hbm>>
      %dma_wait3A_363 = arith.constant 0 : i32
      %dma_wait3A_364 = tpu.memref_slice %arg12[%dma_wait3A_363] : memref<1040xf32, #tpu.memory_space<vmem>> -> memref<1024xf32, #tpu.memory_space<vmem>>
      %dma_wait3A_365 = arith.constant 0 : i32
      %dma_wait3A_366 = tpu.memref_slice %arg2[%dma_wait3A_365] : memref<3200000xf32, #tpu.memory_space<hbm>> -> memref<1024xf32, #tpu.memory_space<hbm>>
      tpu.wait_dma2 semaphore(%arg31 : memref<!tpu.dma_semaphore, #tpu.memory_space<semaphore_mem>>) src(%dma_wait3A_366 : memref<1024xf32, #tpu.memory_space<hbm>>) dst(%dma_wait3A_364 : memref<1024xf32, #tpu.memory_space<vmem>>)
      %dma_wait3A_367 = arith.constant 0 : i32
      %dma_wait3A_368 = tpu.memref_slice %arg13[%dma_wait3A_367] : memref<1040xf32, #tpu.memory_space<vmem>> -> memref<1024xf32, #tpu.memory_space<vmem>>
      %dma_wait3A_369 = arith.constant 0 : i32
      %dma_wait3A_370 = tpu.memref_slice %arg2[%dma_wait3A_369] : memref<3200000xf32, #tpu.memory_space<hbm>> -> memref<1024xf32, #tpu.memory_space<hbm>>
      %dma_wait3A_371 = arith.constant 0 : i32
      %dma_wait3A_372 = tpu.memref_slice %arg13[%dma_wait3A_371] : memref<1040xf32, #tpu.memory_space<vmem>> -> memref<1024xf32, #tpu.memory_space<vmem>>
      %dma_wait3A_373 = arith.constant 0 : i32
      %dma_wait3A_374 = tpu.memref_slice %arg2[%dma_wait3A_373] : memref<3200000xf32, #tpu.memory_space<hbm>> -> memref<1024xf32, #tpu.memory_space<hbm>>
      tpu.wait_dma2 semaphore(%arg31 : memref<!tpu.dma_semaphore, #tpu.memory_space<semaphore_mem>>) src(%dma_wait3A_374 : memref<1024xf32, #tpu.memory_space<hbm>>) dst(%dma_wait3A_372 : memref<1024xf32, #tpu.memory_space<vmem>>)
      %dma_wait3A_375 = arith.constant 0 : i32
      %dma_wait3A_376 = tpu.memref_slice %arg14[%dma_wait3A_375] : memref<1040xi32, #tpu.memory_space<vmem>> -> memref<1024xi32, #tpu.memory_space<vmem>>
      %dma_wait3A_377 = arith.constant 0 : i32
      %dma_wait3A_378 = tpu.memref_slice %arg5[%dma_wait3A_377] : memref<3200000xi32, #tpu.memory_space<hbm>> -> memref<1024xi32, #tpu.memory_space<hbm>>
      %dma_wait3A_379 = arith.constant 0 : i32
      %dma_wait3A_380 = tpu.memref_slice %arg14[%dma_wait3A_379] : memref<1040xi32, #tpu.memory_space<vmem>> -> memref<1024xi32, #tpu.memory_space<vmem>>
      %dma_wait3A_381 = arith.constant 0 : i32
      %dma_wait3A_382 = tpu.memref_slice %arg5[%dma_wait3A_381] : memref<3200000xi32, #tpu.memory_space<hbm>> -> memref<1024xi32, #tpu.memory_space<hbm>>
      tpu.wait_dma2 semaphore(%arg31 : memref<!tpu.dma_semaphore, #tpu.memory_space<semaphore_mem>>) src(%dma_wait3A_382 : memref<1024xi32, #tpu.memory_space<hbm>>) dst(%dma_wait3A_380 : memref<1024xi32, #tpu.memory_space<vmem>>)
      %dma_wait3A_383 = arith.constant 0 : i32
      %dma_wait3A_384 = tpu.memref_slice %arg19[%dma_wait3A_383] : memref<1040xf32, #tpu.memory_space<vmem>> -> memref<1024xf32, #tpu.memory_space<vmem>>
      %dma_wait3A_385 = arith.constant 0 : i32
      %dma_wait3A_386 = tpu.memref_slice %arg2[%dma_wait3A_385] : memref<3200000xf32, #tpu.memory_space<hbm>> -> memref<1024xf32, #tpu.memory_space<hbm>>
      %dma_wait3A_387 = arith.constant 0 : i32
      %dma_wait3A_388 = tpu.memref_slice %arg19[%dma_wait3A_387] : memref<1040xf32, #tpu.memory_space<vmem>> -> memref<1024xf32, #tpu.memory_space<vmem>>
      %dma_wait3A_389 = arith.constant 0 : i32
      %dma_wait3A_390 = tpu.memref_slice %arg2[%dma_wait3A_389] : memref<3200000xf32, #tpu.memory_space<hbm>> -> memref<1024xf32, #tpu.memory_space<hbm>>
      tpu.wait_dma2 semaphore(%arg31 : memref<!tpu.dma_semaphore, #tpu.memory_space<semaphore_mem>>) src(%dma_wait3A_390 : memref<1024xf32, #tpu.memory_space<hbm>>) dst(%dma_wait3A_388 : memref<1024xf32, #tpu.memory_space<vmem>>)
      %dma_wait3A_391 = arith.constant 0 : i32
      %dma_wait3A_392 = tpu.memref_slice %arg20[%dma_wait3A_391] : memref<1040xf32, #tpu.memory_space<vmem>> -> memref<1024xf32, #tpu.memory_space<vmem>>
      %dma_wait3A_393 = arith.constant 0 : i32
      %dma_wait3A_394 = tpu.memref_slice %arg2[%dma_wait3A_393] : memref<3200000xf32, #tpu.memory_space<hbm>> -> memref<1024xf32, #tpu.memory_space<hbm>>
      %dma_wait3A_395 = arith.constant 0 : i32
      %dma_wait3A_396 = tpu.memref_slice %arg20[%dma_wait3A_395] : memref<1040xf32, #tpu.memory_space<vmem>> -> memref<1024xf32, #tpu.memory_space<vmem>>
      %dma_wait3A_397 = arith.constant 0 : i32
      %dma_wait3A_398 = tpu.memref_slice %arg2[%dma_wait3A_397] : memref<3200000xf32, #tpu.memory_space<hbm>> -> memref<1024xf32, #tpu.memory_space<hbm>>
      tpu.wait_dma2 semaphore(%arg31 : memref<!tpu.dma_semaphore, #tpu.memory_space<semaphore_mem>>) src(%dma_wait3A_398 : memref<1024xf32, #tpu.memory_space<hbm>>) dst(%dma_wait3A_396 : memref<1024xf32, #tpu.memory_space<vmem>>)
      %dma_wait3A_399 = arith.constant 0 : i32
      %dma_wait3A_400 = tpu.memref_slice %arg21[%dma_wait3A_399] : memref<1040xf32, #tpu.memory_space<vmem>> -> memref<1024xf32, #tpu.memory_space<vmem>>
      %dma_wait3A_401 = arith.constant 0 : i32
      %dma_wait3A_402 = tpu.memref_slice %arg2[%dma_wait3A_401] : memref<3200000xf32, #tpu.memory_space<hbm>> -> memref<1024xf32, #tpu.memory_space<hbm>>
      %dma_wait3A_403 = arith.constant 0 : i32
      %dma_wait3A_404 = tpu.memref_slice %arg21[%dma_wait3A_403] : memref<1040xf32, #tpu.memory_space<vmem>> -> memref<1024xf32, #tpu.memory_space<vmem>>
      %dma_wait3A_405 = arith.constant 0 : i32
      %dma_wait3A_406 = tpu.memref_slice %arg2[%dma_wait3A_405] : memref<3200000xf32, #tpu.memory_space<hbm>> -> memref<1024xf32, #tpu.memory_space<hbm>>
      tpu.wait_dma2 semaphore(%arg31 : memref<!tpu.dma_semaphore, #tpu.memory_space<semaphore_mem>>) src(%dma_wait3A_406 : memref<1024xf32, #tpu.memory_space<hbm>>) dst(%dma_wait3A_404 : memref<1024xf32, #tpu.memory_space<vmem>>)
      %dma_wait3A_407 = arith.constant 0 : i32
      %dma_wait3A_408 = tpu.memref_slice %arg22[%dma_wait3A_407] : memref<1040xi32, #tpu.memory_space<vmem>> -> memref<1024xi32, #tpu.memory_space<vmem>>
      %dma_wait3A_409 = arith.constant 0 : i32
      %dma_wait3A_410 = tpu.memref_slice %arg5[%dma_wait3A_409] : memref<3200000xi32, #tpu.memory_space<hbm>> -> memref<1024xi32, #tpu.memory_space<hbm>>
      %dma_wait3A_411 = arith.constant 0 : i32
      %dma_wait3A_412 = tpu.memref_slice %arg22[%dma_wait3A_411] : memref<1040xi32, #tpu.memory_space<vmem>> -> memref<1024xi32, #tpu.memory_space<vmem>>
      %dma_wait3A_413 = arith.constant 0 : i32
      %dma_wait3A_414 = tpu.memref_slice %arg5[%dma_wait3A_413] : memref<3200000xi32, #tpu.memory_space<hbm>> -> memref<1024xi32, #tpu.memory_space<hbm>>
      tpu.wait_dma2 semaphore(%arg31 : memref<!tpu.dma_semaphore, #tpu.memory_space<semaphore_mem>>) src(%dma_wait3A_414 : memref<1024xi32, #tpu.memory_space<hbm>>) dst(%dma_wait3A_412 : memref<1024xi32, #tpu.memory_space<vmem>>)
      %scan3A_415 = arith.constant 0 : i32
      %scan3A_416 = arith.constant 0 : i32
      %scan3A_417 = arith.constant 64 : i32
      %scan3A_418 = arith.addi %scan3A_416, %scan3A_417 : i32
      %scan3A_419 = arith.constant 1 : i32
      scf.for %scan3A_553 = %scan3A_416 to %scan3A_418 step %scan3A_419  : i32 {
        %mul3A_554 = arith.constant 16 : i32
        %mul3A_555 = arith.muli %scan3A_553, %mul3A_554 : i32
        %get3A_556 = arith.index_cast %mul3A_555 : i32 to index
        %get3A_557 = tpu.vector_load %arg14[%get3A_556] {strides = array<i32>} : memref<1040xi32, #tpu.memory_space<vmem>>, vector<16xi32>,
        %sub3A_558 = vector.broadcast %mul3A_2 : i32 to vector<16xi32>
        %sub3A_559 = arith.subi %get3A_557, %sub3A_558 : vector<16xi32>
        %ge3A = arith.constant 0 : i32
        %ge3A_560 = vector.broadcast %ge3A : i32 to vector<16xi32>
        %ge3A_561 = arith.cmpi sge, %sub3A_559, %ge3A_560 : vector<16xi32>
        %lt3A = arith.constant 1563 : i32
        %lt3A_562 = vector.broadcast %lt3A : i32 to vector<16xi32>
        %lt3A_563 = arith.cmpi slt, %sub3A_559, %lt3A_562 : vector<16xi32>
        %and3A_564 = arith.andi %ge3A_561, %lt3A_563 : vector<16xi1>
        %jit3A_565 = arith.constant 1567 : i32
        %broadcast_in_dim3A_566 = vector.broadcast %jit3A_565 : i32 to vector<16xi32>
        %select_n3A_567 = arith.select %and3A_564, %sub3A_559, %broadcast_in_dim3A_566 : vector<16xi1>, vector<16xi32>
        %mul3A_568 = arith.constant 16 : i32
        %mul3A_569 = vector.broadcast %mul3A_568 : i32 to vector<16xi32>
        %mul3A_570 = arith.muli %select_n3A_567, %mul3A_569 : vector<16xi32>
        %get3A_571 = arith.index_cast %mul3A_555 : i32 to index
        %get3A_572 = tpu.vector_load %arg11[%get3A_571] {strides = array<i32>} : memref<1040xf32, #tpu.memory_space<vmem>>, vector<16xf32>,
        %get3A_573 = arith.index_cast %mul3A_555 : i32 to index
        %get3A_574 = tpu.vector_load %arg12[%get3A_573] {strides = array<i32>} : memref<1040xf32, #tpu.memory_space<vmem>>, vector<16xf32>,
        %get3A_575 = arith.index_cast %mul3A_555 : i32 to index
        %get3A_576 = tpu.vector_load %arg13[%get3A_575] {strides = array<i32>} : memref<1040xf32, #tpu.memory_space<vmem>>, vector<16xf32>,
        %get3A_577 = arith.index_cast %mul3A_555 : i32 to index
        %get3A_578 = tpu.vector_load %arg22[%get3A_577] {strides = array<i32>} : memref<1040xi32, #tpu.memory_space<vmem>>, vector<16xi32>,
        %sub3A_579 = vector.broadcast %add3A_4 : i32 to vector<16xi32>
        %sub3A_580 = arith.subi %get3A_578, %sub3A_579 : vector<16xi32>
        %ge3A_581 = arith.constant 0 : i32
        %ge3A_582 = vector.broadcast %ge3A_581 : i32 to vector<16xi32>
        %ge3A_583 = arith.cmpi sge, %sub3A_580, %ge3A_582 : vector<16xi32>
        %lt3A_584 = arith.constant 1562 : i32
        %lt3A_585 = vector.broadcast %lt3A_584 : i32 to vector<16xi32>
        %lt3A_586 = arith.cmpi slt, %sub3A_580, %lt3A_585 : vector<16xi32>
        %and3A_587 = arith.andi %ge3A_583, %lt3A_586 : vector<16xi1>
        %jit3A_588 = arith.constant 1567 : i32
        %broadcast_in_dim3A_589 = vector.broadcast %jit3A_588 : i32 to vector<16xi32>
        %select_n3A_590 = arith.select %and3A_587, %sub3A_580, %broadcast_in_dim3A_589 : vector<16xi1>, vector<16xi32>
        %mul3A_591 = arith.constant 16 : i32
        %mul3A_592 = vector.broadcast %mul3A_591 : i32 to vector<16xi32>
        %mul3A_593 = arith.muli %select_n3A_590, %mul3A_592 : vector<16xi32>
        %get3A_594 = arith.index_cast %mul3A_555 : i32 to index
        %get3A_595 = tpu.vector_load %arg19[%get3A_594] {strides = array<i32>} : memref<1040xf32, #tpu.memory_space<vmem>>, vector<16xf32>,
        %get3A_596 = arith.index_cast %mul3A_555 : i32 to index
        %get3A_597 = tpu.vector_load %arg20[%get3A_596] {strides = array<i32>} : memref<1040xf32, #tpu.memory_space<vmem>>, vector<16xf32>,
        %get3A_598 = arith.index_cast %mul3A_555 : i32 to index
        %get3A_599 = tpu.vector_load %arg21[%get3A_598] {strides = array<i32>} : memref<1040xf32, #tpu.memory_space<vmem>>, vector<16xf32>,
        %slice3A = vector.extract_strided_slice %get3A_572 {offsets = [0], sizes = [1], strides = [1]} : vector<16xf32> to vector<1xf32>
        %squeeze3A = vector.extract %slice3A[0] : f32 from vector<1xf32>
        %mul3A_600 = vector.broadcast %squeeze3A : f32 to vector<16xf32>
        %mul3A_601 = arith.mulf %mul3A_600, %get3A_7 : vector<16xf32>
        %slice3A_602 = vector.extract_strided_slice %get3A_574 {offsets = [0], sizes = [1], strides = [1]} : vector<16xf32> to vector<1xf32>
        %squeeze3A_603 = vector.extract %slice3A_602[0] : f32 from vector<1xf32>
        %mul3A_604 = vector.broadcast %squeeze3A_603 : f32 to vector<16xf32>
        %mul3A_605 = arith.mulf %mul3A_604, %get3A_11 : vector<16xf32>
        %add3A_606 = arith.addf %mul3A_601, %mul3A_605 : vector<16xf32>
        %slice3A_607 = vector.extract_strided_slice %get3A_576 {offsets = [0], sizes = [1], strides = [1]} : vector<16xf32> to vector<1xf32>
        %squeeze3A_608 = vector.extract %slice3A_607[0] : f32 from vector<1xf32>
        %mul3A_609 = vector.broadcast %squeeze3A_608 : f32 to vector<16xf32>
        %mul3A_610 = arith.mulf %mul3A_609, %get3A_15 : vector<16xf32>
        %add3A_611 = arith.addf %mul3A_610, %get3A_19 : vector<16xf32>
        %add3A_612 = arith.addf %add3A_606, %add3A_611 : vector<16xf32>
        %slice3A_613 = vector.extract_strided_slice %mul3A_570 {offsets = [0], sizes = [1], strides = [1]} : vector<16xi32> to vector<1xi32>
        %squeeze3A_614 = vector.extract %slice3A_613[0] : i32 from vector<1xi32>
        %add3A_615 = vector.broadcast %squeeze3A_614 : i32 to vector<16xi32>
        %add3A_616 = arith.addi %add3A_615, %iota3A : vector<16xi32>
        %slice3A_617 = vector.extract_strided_slice %get3A_595 {offsets = [0], sizes = [1], strides = [1]} : vector<16xf32> to vector<1xf32>
        %squeeze3A_618 = vector.extract %slice3A_617[0] : f32 from vector<1xf32>
        %mul3A_619 = vector.broadcast %squeeze3A_618 : f32 to vector<16xf32>
        %mul3A_620 = arith.mulf %mul3A_619, %get3A_7 : vector<16xf32>
        %slice3A_621 = vector.extract_strided_slice %get3A_597 {offsets = [0], sizes = [1], strides = [1]} : vector<16xf32> to vector<1xf32>
        %squeeze3A_622 = vector.extract %slice3A_621[0] : f32 from vector<1xf32>
        %mul3A_623 = vector.broadcast %squeeze3A_622 : f32 to vector<16xf32>
        %mul3A_624 = arith.mulf %mul3A_623, %get3A_11 : vector<16xf32>
        %add3A_625 = arith.addf %mul3A_620, %mul3A_624 : vector<16xf32>
        %slice3A_626 = vector.extract_strided_slice %get3A_599 {offsets = [0], sizes = [1], strides = [1]} : vector<16xf32> to vector<1xf32>
        %squeeze3A_627 = vector.extract %slice3A_626[0] : f32 from vector<1xf32>
        %mul3A_628 = vector.broadcast %squeeze3A_627 : f32 to vector<16xf32>
        %mul3A_629 = arith.mulf %mul3A_628, %get3A_15 : vector<16xf32>
        %add3A_630 = arith.addf %mul3A_629, %get3A_19 : vector<16xf32>
        %add3A_631 = arith.addf %add3A_625, %add3A_630 : vector<16xf32>
        %slice3A_632 = vector.extract_strided_slice %mul3A_593 {offsets = [0], sizes = [1], strides = [1]} : vector<16xi32> to vector<1xi32>
        %squeeze3A_633 = vector.extract %slice3A_632[0] : i32 from vector<1xi32>
        %add3A_634 = vector.broadcast %squeeze3A_633 : i32 to vector<16xi32>
        %add3A_635 = arith.addi %add3A_634, %iota3A : vector<16xi32>
        %slice3A_636 = vector.extract_strided_slice %get3A_572 {offsets = [1], sizes = [1], strides = [1]} : vector<16xf32> to vector<1xf32>
        %squeeze3A_637 = vector.extract %slice3A_636[0] : f32 from vector<1xf32>
        %mul3A_638 = vector.broadcast %squeeze3A_637 : f32 to vector<16xf32>
        %mul3A_639 = arith.mulf %mul3A_638, %get3A_7 : vector<16xf32>
        %slice3A_640 = vector.extract_strided_slice %get3A_574 {offsets = [1], sizes = [1], strides = [1]} : vector<16xf32> to vector<1xf32>
        %squeeze3A_641 = vector.extract %slice3A_640[0] : f32 from vector<1xf32>
        %mul3A_642 = vector.broadcast %squeeze3A_641 : f32 to vector<16xf32>
        %mul3A_643 = arith.mulf %mul3A_642, %get3A_11 : vector<16xf32>
        %add3A_644 = arith.addf %mul3A_639, %mul3A_643 : vector<16xf32>
        %slice3A_645 = vector.extract_strided_slice %get3A_576 {offsets = [1], sizes = [1], strides = [1]} : vector<16xf32> to vector<1xf32>
        %squeeze3A_646 = vector.extract %slice3A_645[0] : f32 from vector<1xf32>
        %mul3A_647 = vector.broadcast %squeeze3A_646 : f32 to vector<16xf32>
        %mul3A_648 = arith.mulf %mul3A_647, %get3A_15 : vector<16xf32>
        %add3A_649 = arith.addf %mul3A_648, %get3A_19 : vector<16xf32>
        %add3A_650 = arith.addf %add3A_644, %add3A_649 : vector<16xf32>
        %slice3A_651 = vector.extract_strided_slice %mul3A_570 {offsets = [1], sizes = [1], strides = [1]} : vector<16xi32> to vector<1xi32>
        %squeeze3A_652 = vector.extract %slice3A_651[0] : i32 from vector<1xi32>
        %add3A_653 = vector.broadcast %squeeze3A_652 : i32 to vector<16xi32>
        %add3A_654 = arith.addi %add3A_653, %iota3A : vector<16xi32>
        %slice3A_655 = vector.extract_strided_slice %get3A_595 {offsets = [1], sizes = [1], strides = [1]} : vector<16xf32> to vector<1xf32>
        %squeeze3A_656 = vector.extract %slice3A_655[0] : f32 from vector<1xf32>
        %mul3A_657 = vector.broadcast %squeeze3A_656 : f32 to vector<16xf32>
        %mul3A_658 = arith.mulf %mul3A_657, %get3A_7 : vector<16xf32>
        %slice3A_659 = vector.extract_strided_slice %get3A_597 {offsets = [1], sizes = [1], strides = [1]} : vector<16xf32> to vector<1xf32>
        %squeeze3A_660 = vector.extract %slice3A_659[0] : f32 from vector<1xf32>
        %mul3A_661 = vector.broadcast %squeeze3A_660 : f32 to vector<16xf32>
        %mul3A_662 = arith.mulf %mul3A_661, %get3A_11 : vector<16xf32>
        %add3A_663 = arith.addf %mul3A_658, %mul3A_662 : vector<16xf32>
        %slice3A_664 = vector.extract_strided_slice %get3A_599 {offsets = [1], sizes = [1], strides = [1]} : vector<16xf32> to vector<1xf32>
        %squeeze3A_665 = vector.extract %slice3A_664[0] : f32 from vector<1xf32>
        %mul3A_666 = vector.broadcast %squeeze3A_665 : f32 to vector<16xf32>
        %mul3A_667 = arith.mulf %mul3A_666, %get3A_15 : vector<16xf32>
        %add3A_668 = arith.addf %mul3A_667, %get3A_19 : vector<16xf32>
        %add3A_669 = arith.addf %add3A_663, %add3A_668 : vector<16xf32>
        %slice3A_670 = vector.extract_strided_slice %mul3A_593 {offsets = [1], sizes = [1], strides = [1]} : vector<16xi32> to vector<1xi32>
        %squeeze3A_671 = vector.extract %slice3A_670[0] : i32 from vector<1xi32>
        %add3A_672 = vector.broadcast %squeeze3A_671 : i32 to vector<16xi32>
        %add3A_673 = arith.addi %add3A_672, %iota3A : vector<16xi32>
        %slice3A_674 = vector.extract_strided_slice %get3A_572 {offsets = [2], sizes = [1], strides = [1]} : vector<16xf32> to vector<1xf32>
        %squeeze3A_675 = vector.extract %slice3A_674[0] : f32 from vector<1xf32>
        %mul3A_676 = vector.broadcast %squeeze3A_675 : f32 to vector<16xf32>
        %mul3A_677 = arith.mulf %mul3A_676, %get3A_7 : vector<16xf32>
        %slice3A_678 = vector.extract_strided_slice %get3A_574 {offsets = [2], sizes = [1], strides = [1]} : vector<16xf32> to vector<1xf32>
        %squeeze3A_679 = vector.extract %slice3A_678[0] : f32 from vector<1xf32>
        %mul3A_680 = vector.broadcast %squeeze3A_679 : f32 to vector<16xf32>
        %mul3A_681 = arith.mulf %mul3A_680, %get3A_11 : vector<16xf32>
        %add3A_682 = arith.addf %mul3A_677, %mul3A_681 : vector<16xf32>
        %slice3A_683 = vector.extract_strided_slice %get3A_576 {offsets = [2], sizes = [1], strides = [1]} : vector<16xf32> to vector<1xf32>
        %squeeze3A_684 = vector.extract %slice3A_683[0] : f32 from vector<1xf32>
        %mul3A_685 = vector.broadcast %squeeze3A_684 : f32 to vector<16xf32>
        %mul3A_686 = arith.mulf %mul3A_685, %get3A_15 : vector<16xf32>
        %add3A_687 = arith.addf %mul3A_686, %get3A_19 : vector<16xf32>
        %add3A_688 = arith.addf %add3A_682, %add3A_687 : vector<16xf32>
        %slice3A_689 = vector.extract_strided_slice %mul3A_570 {offsets = [2], sizes = [1], strides = [1]} : vector<16xi32> to vector<1xi32>
        %squeeze3A_690 = vector.extract %slice3A_689[0] : i32 from vector<1xi32>
        %add3A_691 = vector.broadcast %squeeze3A_690 : i32 to vector<16xi32>
        %add3A_692 = arith.addi %add3A_691, %iota3A : vector<16xi32>
        %slice3A_693 = vector.extract_strided_slice %get3A_595 {offsets = [2], sizes = [1], strides = [1]} : vector<16xf32> to vector<1xf32>
        %squeeze3A_694 = vector.extract %slice3A_693[0] : f32 from vector<1xf32>
        %mul3A_695 = vector.broadcast %squeeze3A_694 : f32 to vector<16xf32>
        %mul3A_696 = arith.mulf %mul3A_695, %get3A_7 : vector<16xf32>
        %slice3A_697 = vector.extract_strided_slice %get3A_597 {offsets = [2], sizes = [1], strides = [1]} : vector<16xf32> to vector<1xf32>
        %squeeze3A_698 = vector.extract %slice3A_697[0] : f32 from vector<1xf32>
        %mul3A_699 = vector.broadcast %squeeze3A_698 : f32 to vector<16xf32>
        %mul3A_700 = arith.mulf %mul3A_699, %get3A_11 : vector<16xf32>
        %add3A_701 = arith.addf %mul3A_696, %mul3A_700 : vector<16xf32>
        %slice3A_702 = vector.extract_strided_slice %get3A_599 {offsets = [2], sizes = [1], strides = [1]} : vector<16xf32> to vector<1xf32>
        %squeeze3A_703 = vector.extract %slice3A_702[0] : f32 from vector<1xf32>
        %mul3A_704 = vector.broadcast %squeeze3A_703 : f32 to vector<16xf32>
        %mul3A_705 = arith.mulf %mul3A_704, %get3A_15 : vector<16xf32>
        %add3A_706 = arith.addf %mul3A_705, %get3A_19 : vector<16xf32>
        %add3A_707 = arith.addf %add3A_701, %add3A_706 : vector<16xf32>
        %slice3A_708 = vector.extract_strided_slice %mul3A_593 {offsets = [2], sizes = [1], strides = [1]} : vector<16xi32> to vector<1xi32>
        %squeeze3A_709 = vector.extract %slice3A_708[0] : i32 from vector<1xi32>
        %add3A_710 = vector.broadcast %squeeze3A_709 : i32 to vector<16xi32>
        %add3A_711 = arith.addi %add3A_710, %iota3A : vector<16xi32>
        %slice3A_712 = vector.extract_strided_slice %get3A_572 {offsets = [3], sizes = [1], strides = [1]} : vector<16xf32> to vector<1xf32>
        %squeeze3A_713 = vector.extract %slice3A_712[0] : f32 from vector<1xf32>
        %mul3A_714 = vector.broadcast %squeeze3A_713 : f32 to vector<16xf32>
        %mul3A_715 = arith.mulf %mul3A_714, %get3A_7 : vector<16xf32>
        %slice3A_716 = vector.extract_strided_slice %get3A_574 {offsets = [3], sizes = [1], strides = [1]} : vector<16xf32> to vector<1xf32>
        %squeeze3A_717 = vector.extract %slice3A_716[0] : f32 from vector<1xf32>
        %mul3A_718 = vector.broadcast %squeeze3A_717 : f32 to vector<16xf32>
        %mul3A_719 = arith.mulf %mul3A_718, %get3A_11 : vector<16xf32>
        %add3A_720 = arith.addf %mul3A_715, %mul3A_719 : vector<16xf32>
        %slice3A_721 = vector.extract_strided_slice %get3A_576 {offsets = [3], sizes = [1], strides = [1]} : vector<16xf32> to vector<1xf32>
        %squeeze3A_722 = vector.extract %slice3A_721[0] : f32 from vector<1xf32>
        %mul3A_723 = vector.broadcast %squeeze3A_722 : f32 to vector<16xf32>
        %mul3A_724 = arith.mulf %mul3A_723, %get3A_15 : vector<16xf32>
        %add3A_725 = arith.addf %mul3A_724, %get3A_19 : vector<16xf32>
        %add3A_726 = arith.addf %add3A_720, %add3A_725 : vector<16xf32>
        %slice3A_727 = vector.extract_strided_slice %mul3A_570 {offsets = [3], sizes = [1], strides = [1]} : vector<16xi32> to vector<1xi32>
        %squeeze3A_728 = vector.extract %slice3A_727[0] : i32 from vector<1xi32>
        %add3A_729 = vector.broadcast %squeeze3A_728 : i32 to vector<16xi32>
        %add3A_730 = arith.addi %add3A_729, %iota3A : vector<16xi32>
        %slice3A_731 = vector.extract_strided_slice %get3A_595 {offsets = [3], sizes = [1], strides = [1]} : vector<16xf32> to vector<1xf32>
        %squeeze3A_732 = vector.extract %slice3A_731[0] : f32 from vector<1xf32>
        %mul3A_733 = vector.broadcast %squeeze3A_732 : f32 to vector<16xf32>
        %mul3A_734 = arith.mulf %mul3A_733, %get3A_7 : vector<16xf32>
        %slice3A_735 = vector.extract_strided_slice %get3A_597 {offsets = [3], sizes = [1], strides = [1]} : vector<16xf32> to vector<1xf32>
        %squeeze3A_736 = vector.extract %slice3A_735[0] : f32 from vector<1xf32>
        %mul3A_737 = vector.broadcast %squeeze3A_736 : f32 to vector<16xf32>
        %mul3A_738 = arith.mulf %mul3A_737, %get3A_11 : vector<16xf32>
        %add3A_739 = arith.addf %mul3A_734, %mul3A_738 : vector<16xf32>
        %slice3A_740 = vector.extract_strided_slice %get3A_599 {offsets = [3], sizes = [1], strides = [1]} : vector<16xf32> to vector<1xf32>
        %squeeze3A_741 = vector.extract %slice3A_740[0] : f32 from vector<1xf32>
        %mul3A_742 = vector.broadcast %squeeze3A_741 : f32 to vector<16xf32>
        %mul3A_743 = arith.mulf %mul3A_742, %get3A_15 : vector<16xf32>
        %add3A_744 = arith.addf %mul3A_743, %get3A_19 : vector<16xf32>
        %add3A_745 = arith.addf %add3A_739, %add3A_744 : vector<16xf32>
        %slice3A_746 = vector.extract_strided_slice %mul3A_593 {offsets = [3], sizes = [1], strides = [1]} : vector<16xi32> to vector<1xi32>
        %squeeze3A_747 = vector.extract %slice3A_746[0] : i32 from vector<1xi32>
        %add3A_748 = vector.broadcast %squeeze3A_747 : i32 to vector<16xi32>
        %add3A_749 = arith.addi %add3A_748, %iota3A : vector<16xi32>
        %slice3A_750 = vector.extract_strided_slice %get3A_572 {offsets = [4], sizes = [1], strides = [1]} : vector<16xf32> to vector<1xf32>
        %squeeze3A_751 = vector.extract %slice3A_750[0] : f32 from vector<1xf32>
        %mul3A_752 = vector.broadcast %squeeze3A_751 : f32 to vector<16xf32>
        %mul3A_753 = arith.mulf %mul3A_752, %get3A_7 : vector<16xf32>
        %slice3A_754 = vector.extract_strided_slice %get3A_574 {offsets = [4], sizes = [1], strides = [1]} : vector<16xf32> to vector<1xf32>
        %squeeze3A_755 = vector.extract %slice3A_754[0] : f32 from vector<1xf32>
        %mul3A_756 = vector.broadcast %squeeze3A_755 : f32 to vector<16xf32>
        %mul3A_757 = arith.mulf %mul3A_756, %get3A_11 : vector<16xf32>
        %add3A_758 = arith.addf %mul3A_753, %mul3A_757 : vector<16xf32>
        %slice3A_759 = vector.extract_strided_slice %get3A_576 {offsets = [4], sizes = [1], strides = [1]} : vector<16xf32> to vector<1xf32>
        %squeeze3A_760 = vector.extract %slice3A_759[0] : f32 from vector<1xf32>
        %mul3A_761 = vector.broadcast %squeeze3A_760 : f32 to vector<16xf32>
        %mul3A_762 = arith.mulf %mul3A_761, %get3A_15 : vector<16xf32>
        %add3A_763 = arith.addf %mul3A_762, %get3A_19 : vector<16xf32>
        %add3A_764 = arith.addf %add3A_758, %add3A_763 : vector<16xf32>
        %slice3A_765 = vector.extract_strided_slice %mul3A_570 {offsets = [4], sizes = [1], strides = [1]} : vector<16xi32> to vector<1xi32>
        %squeeze3A_766 = vector.extract %slice3A_765[0] : i32 from vector<1xi32>
        %add3A_767 = vector.broadcast %squeeze3A_766 : i32 to vector<16xi32>
        %add3A_768 = arith.addi %add3A_767, %iota3A : vector<16xi32>
        %slice3A_769 = vector.extract_strided_slice %get3A_595 {offsets = [4], sizes = [1], strides = [1]} : vector<16xf32> to vector<1xf32>
        %squeeze3A_770 = vector.extract %slice3A_769[0] : f32 from vector<1xf32>
        %mul3A_771 = vector.broadcast %squeeze3A_770 : f32 to vector<16xf32>
        %mul3A_772 = arith.mulf %mul3A_771, %get3A_7 : vector<16xf32>
        %slice3A_773 = vector.extract_strided_slice %get3A_597 {offsets = [4], sizes = [1], strides = [1]} : vector<16xf32> to vector<1xf32>
        %squeeze3A_774 = vector.extract %slice3A_773[0] : f32 from vector<1xf32>
        %mul3A_775 = vector.broadcast %squeeze3A_774 : f32 to vector<16xf32>
        %mul3A_776 = arith.mulf %mul3A_775, %get3A_11 : vector<16xf32>
        %add3A_777 = arith.addf %mul3A_772, %mul3A_776 : vector<16xf32>
        %slice3A_778 = vector.extract_strided_slice %get3A_599 {offsets = [4], sizes = [1], strides = [1]} : vector<16xf32> to vector<1xf32>
        %squeeze3A_779 = vector.extract %slice3A_778[0] : f32 from vector<1xf32>
        %mul3A_780 = vector.broadcast %squeeze3A_779 : f32 to vector<16xf32>
        %mul3A_781 = arith.mulf %mul3A_780, %get3A_15 : vector<16xf32>
        %add3A_782 = arith.addf %mul3A_781, %get3A_19 : vector<16xf32>
        %add3A_783 = arith.addf %add3A_777, %add3A_782 : vector<16xf32>
        %slice3A_784 = vector.extract_strided_slice %mul3A_593 {offsets = [4], sizes = [1], strides = [1]} : vector<16xi32> to vector<1xi32>
        %squeeze3A_785 = vector.extract %slice3A_784[0] : i32 from vector<1xi32>
        %add3A_786 = vector.broadcast %squeeze3A_785 : i32 to vector<16xi32>
        %add3A_787 = arith.addi %add3A_786, %iota3A : vector<16xi32>
        %slice3A_788 = vector.extract_strided_slice %get3A_572 {offsets = [5], sizes = [1], strides = [1]} : vector<16xf32> to vector<1xf32>
        %squeeze3A_789 = vector.extract %slice3A_788[0] : f32 from vector<1xf32>
        %mul3A_790 = vector.broadcast %squeeze3A_789 : f32 to vector<16xf32>
        %mul3A_791 = arith.mulf %mul3A_790, %get3A_7 : vector<16xf32>
        %slice3A_792 = vector.extract_strided_slice %get3A_574 {offsets = [5], sizes = [1], strides = [1]} : vector<16xf32> to vector<1xf32>
        %squeeze3A_793 = vector.extract %slice3A_792[0] : f32 from vector<1xf32>
        %mul3A_794 = vector.broadcast %squeeze3A_793 : f32 to vector<16xf32>
        %mul3A_795 = arith.mulf %mul3A_794, %get3A_11 : vector<16xf32>
        %add3A_796 = arith.addf %mul3A_791, %mul3A_795 : vector<16xf32>
        %slice3A_797 = vector.extract_strided_slice %get3A_576 {offsets = [5], sizes = [1], strides = [1]} : vector<16xf32> to vector<1xf32>
        %squeeze3A_798 = vector.extract %slice3A_797[0] : f32 from vector<1xf32>
        %mul3A_799 = vector.broadcast %squeeze3A_798 : f32 to vector<16xf32>
        %mul3A_800 = arith.mulf %mul3A_799, %get3A_15 : vector<16xf32>
        %add3A_801 = arith.addf %mul3A_800, %get3A_19 : vector<16xf32>
        %add3A_802 = arith.addf %add3A_796, %add3A_801 : vector<16xf32>
        %slice3A_803 = vector.extract_strided_slice %mul3A_570 {offsets = [5], sizes = [1], strides = [1]} : vector<16xi32> to vector<1xi32>
        %squeeze3A_804 = vector.extract %slice3A_803[0] : i32 from vector<1xi32>
        %add3A_805 = vector.broadcast %squeeze3A_804 : i32 to vector<16xi32>
        %add3A_806 = arith.addi %add3A_805, %iota3A : vector<16xi32>
        %slice3A_807 = vector.extract_strided_slice %get3A_595 {offsets = [5], sizes = [1], strides = [1]} : vector<16xf32> to vector<1xf32>
        %squeeze3A_808 = vector.extract %slice3A_807[0] : f32 from vector<1xf32>
        %mul3A_809 = vector.broadcast %squeeze3A_808 : f32 to vector<16xf32>
        %mul3A_810 = arith.mulf %mul3A_809, %get3A_7 : vector<16xf32>
        %slice3A_811 = vector.extract_strided_slice %get3A_597 {offsets = [5], sizes = [1], strides = [1]} : vector<16xf32> to vector<1xf32>
        %squeeze3A_812 = vector.extract %slice3A_811[0] : f32 from vector<1xf32>
        %mul3A_813 = vector.broadcast %squeeze3A_812 : f32 to vector<16xf32>
        %mul3A_814 = arith.mulf %mul3A_813, %get3A_11 : vector<16xf32>
        %add3A_815 = arith.addf %mul3A_810, %mul3A_814 : vector<16xf32>
        %slice3A_816 = vector.extract_strided_slice %get3A_599 {offsets = [5], sizes = [1], strides = [1]} : vector<16xf32> to vector<1xf32>
        %squeeze3A_817 = vector.extract %slice3A_816[0] : f32 from vector<1xf32>
        %mul3A_818 = vector.broadcast %squeeze3A_817 : f32 to vector<16xf32>
        %mul3A_819 = arith.mulf %mul3A_818, %get3A_15 : vector<16xf32>
        %add3A_820 = arith.addf %mul3A_819, %get3A_19 : vector<16xf32>
        %add3A_821 = arith.addf %add3A_815, %add3A_820 : vector<16xf32>
        %slice3A_822 = vector.extract_strided_slice %mul3A_593 {offsets = [5], sizes = [1], strides = [1]} : vector<16xi32> to vector<1xi32>
        %squeeze3A_823 = vector.extract %slice3A_822[0] : i32 from vector<1xi32>
        %add3A_824 = vector.broadcast %squeeze3A_823 : i32 to vector<16xi32>
        %add3A_825 = arith.addi %add3A_824, %iota3A : vector<16xi32>
        %slice3A_826 = vector.extract_strided_slice %get3A_572 {offsets = [6], sizes = [1], strides = [1]} : vector<16xf32> to vector<1xf32>
        %squeeze3A_827 = vector.extract %slice3A_826[0] : f32 from vector<1xf32>
        %mul3A_828 = vector.broadcast %squeeze3A_827 : f32 to vector<16xf32>
        %mul3A_829 = arith.mulf %mul3A_828, %get3A_7 : vector<16xf32>
        %slice3A_830 = vector.extract_strided_slice %get3A_574 {offsets = [6], sizes = [1], strides = [1]} : vector<16xf32> to vector<1xf32>
        %squeeze3A_831 = vector.extract %slice3A_830[0] : f32 from vector<1xf32>
        %mul3A_832 = vector.broadcast %squeeze3A_831 : f32 to vector<16xf32>
        %mul3A_833 = arith.mulf %mul3A_832, %get3A_11 : vector<16xf32>
        %add3A_834 = arith.addf %mul3A_829, %mul3A_833 : vector<16xf32>
        %slice3A_835 = vector.extract_strided_slice %get3A_576 {offsets = [6], sizes = [1], strides = [1]} : vector<16xf32> to vector<1xf32>
        %squeeze3A_836 = vector.extract %slice3A_835[0] : f32 from vector<1xf32>
        %mul3A_837 = vector.broadcast %squeeze3A_836 : f32 to vector<16xf32>
        %mul3A_838 = arith.mulf %mul3A_837, %get3A_15 : vector<16xf32>
        %add3A_839 = arith.addf %mul3A_838, %get3A_19 : vector<16xf32>
        %add3A_840 = arith.addf %add3A_834, %add3A_839 : vector<16xf32>
        %slice3A_841 = vector.extract_strided_slice %mul3A_570 {offsets = [6], sizes = [1], strides = [1]} : vector<16xi32> to vector<1xi32>
        %squeeze3A_842 = vector.extract %slice3A_841[0] : i32 from vector<1xi32>
        %add3A_843 = vector.broadcast %squeeze3A_842 : i32 to vector<16xi32>
        %add3A_844 = arith.addi %add3A_843, %iota3A : vector<16xi32>
        %slice3A_845 = vector.extract_strided_slice %get3A_595 {offsets = [6], sizes = [1], strides = [1]} : vector<16xf32> to vector<1xf32>
        %squeeze3A_846 = vector.extract %slice3A_845[0] : f32 from vector<1xf32>
        %mul3A_847 = vector.broadcast %squeeze3A_846 : f32 to vector<16xf32>
        %mul3A_848 = arith.mulf %mul3A_847, %get3A_7 : vector<16xf32>
        %slice3A_849 = vector.extract_strided_slice %get3A_597 {offsets = [6], sizes = [1], strides = [1]} : vector<16xf32> to vector<1xf32>
        %squeeze3A_850 = vector.extract %slice3A_849[0] : f32 from vector<1xf32>
        %mul3A_851 = vector.broadcast %squeeze3A_850 : f32 to vector<16xf32>
        %mul3A_852 = arith.mulf %mul3A_851, %get3A_11 : vector<16xf32>
        %add3A_853 = arith.addf %mul3A_848, %mul3A_852 : vector<16xf32>
        %slice3A_854 = vector.extract_strided_slice %get3A_599 {offsets = [6], sizes = [1], strides = [1]} : vector<16xf32> to vector<1xf32>
        %squeeze3A_855 = vector.extract %slice3A_854[0] : f32 from vector<1xf32>
        %mul3A_856 = vector.broadcast %squeeze3A_855 : f32 to vector<16xf32>
        %mul3A_857 = arith.mulf %mul3A_856, %get3A_15 : vector<16xf32>
        %add3A_858 = arith.addf %mul3A_857, %get3A_19 : vector<16xf32>
        %add3A_859 = arith.addf %add3A_853, %add3A_858 : vector<16xf32>
        %slice3A_860 = vector.extract_strided_slice %mul3A_593 {offsets = [6], sizes = [1], strides = [1]} : vector<16xi32> to vector<1xi32>
        %squeeze3A_861 = vector.extract %slice3A_860[0] : i32 from vector<1xi32>
        %add3A_862 = vector.broadcast %squeeze3A_861 : i32 to vector<16xi32>
        %add3A_863 = arith.addi %add3A_862, %iota3A : vector<16xi32>
        %slice3A_864 = vector.extract_strided_slice %get3A_572 {offsets = [7], sizes = [1], strides = [1]} : vector<16xf32> to vector<1xf32>
        %squeeze3A_865 = vector.extract %slice3A_864[0] : f32 from vector<1xf32>
        %mul3A_866 = vector.broadcast %squeeze3A_865 : f32 to vector<16xf32>
        %mul3A_867 = arith.mulf %mul3A_866, %get3A_7 : vector<16xf32>
        %slice3A_868 = vector.extract_strided_slice %get3A_574 {offsets = [7], sizes = [1], strides = [1]} : vector<16xf32> to vector<1xf32>
        %squeeze3A_869 = vector.extract %slice3A_868[0] : f32 from vector<1xf32>
        %mul3A_870 = vector.broadcast %squeeze3A_869 : f32 to vector<16xf32>
        %mul3A_871 = arith.mulf %mul3A_870, %get3A_11 : vector<16xf32>
        %add3A_872 = arith.addf %mul3A_867, %mul3A_871 : vector<16xf32>
        %slice3A_873 = vector.extract_strided_slice %get3A_576 {offsets = [7], sizes = [1], strides = [1]} : vector<16xf32> to vector<1xf32>
        %squeeze3A_874 = vector.extract %slice3A_873[0] : f32 from vector<1xf32>
        %mul3A_875 = vector.broadcast %squeeze3A_874 : f32 to vector<16xf32>
        %mul3A_876 = arith.mulf %mul3A_875, %get3A_15 : vector<16xf32>
        %add3A_877 = arith.addf %mul3A_876, %get3A_19 : vector<16xf32>
        %add3A_878 = arith.addf %add3A_872, %add3A_877 : vector<16xf32>
        %slice3A_879 = vector.extract_strided_slice %mul3A_570 {offsets = [7], sizes = [1], strides = [1]} : vector<16xi32> to vector<1xi32>
        %squeeze3A_880 = vector.extract %slice3A_879[0] : i32 from vector<1xi32>
        %add3A_881 = vector.broadcast %squeeze3A_880 : i32 to vector<16xi32>
        %add3A_882 = arith.addi %add3A_881, %iota3A : vector<16xi32>
        %slice3A_883 = vector.extract_strided_slice %get3A_595 {offsets = [7], sizes = [1], strides = [1]} : vector<16xf32> to vector<1xf32>
        %squeeze3A_884 = vector.extract %slice3A_883[0] : f32 from vector<1xf32>
        %mul3A_885 = vector.broadcast %squeeze3A_884 : f32 to vector<16xf32>
        %mul3A_886 = arith.mulf %mul3A_885, %get3A_7 : vector<16xf32>
        %slice3A_887 = vector.extract_strided_slice %get3A_597 {offsets = [7], sizes = [1], strides = [1]} : vector<16xf32> to vector<1xf32>
        %squeeze3A_888 = vector.extract %slice3A_887[0] : f32 from vector<1xf32>
        %mul3A_889 = vector.broadcast %squeeze3A_888 : f32 to vector<16xf32>
        %mul3A_890 = arith.mulf %mul3A_889, %get3A_11 : vector<16xf32>
        %add3A_891 = arith.addf %mul3A_886, %mul3A_890 : vector<16xf32>
        %slice3A_892 = vector.extract_strided_slice %get3A_599 {offsets = [7], sizes = [1], strides = [1]} : vector<16xf32> to vector<1xf32>
        %squeeze3A_893 = vector.extract %slice3A_892[0] : f32 from vector<1xf32>
        %mul3A_894 = vector.broadcast %squeeze3A_893 : f32 to vector<16xf32>
        %mul3A_895 = arith.mulf %mul3A_894, %get3A_15 : vector<16xf32>
        %add3A_896 = arith.addf %mul3A_895, %get3A_19 : vector<16xf32>
        %add3A_897 = arith.addf %add3A_891, %add3A_896 : vector<16xf32>
        %slice3A_898 = vector.extract_strided_slice %mul3A_593 {offsets = [7], sizes = [1], strides = [1]} : vector<16xi32> to vector<1xi32>
        %squeeze3A_899 = vector.extract %slice3A_898[0] : i32 from vector<1xi32>
        %add3A_900 = vector.broadcast %squeeze3A_899 : i32 to vector<16xi32>
        %add3A_901 = arith.addi %add3A_900, %iota3A : vector<16xi32>
        %gather3A = tpu.vector_load_idx %arg27[%add3A_616] : memref<25088xf32, #tpu.memory_space<vmem>>[vector<16xi32>], vector<16xf32>,
        %max3A_902 = arith.maximumf %gather3A, %add3A_612 : vector<16xf32>
        tpu.vector_store_idx %arg27[%add3A_616], %max3A_902 : memref<25088xf32, #tpu.memory_space<vmem>>[vector<16xi32>], vector<16xf32>,
        %gather3A_903 = tpu.vector_load_idx %arg29[%add3A_635] : memref<25088xf32, #tpu.memory_space<vmem>>[vector<16xi32>], vector<16xf32>,
        %max3A_904 = arith.maximumf %gather3A_903, %add3A_631 : vector<16xf32>
        tpu.vector_store_idx %arg29[%add3A_635], %max3A_904 : memref<25088xf32, #tpu.memory_space<vmem>>[vector<16xi32>], vector<16xf32>,
        %gather3A_905 = tpu.vector_load_idx %arg28[%add3A_654] : memref<25088xf32, #tpu.memory_space<vmem>>[vector<16xi32>], vector<16xf32>,
        %max3A_906 = arith.maximumf %gather3A_905, %add3A_650 : vector<16xf32>
        tpu.vector_store_idx %arg28[%add3A_654], %max3A_906 : memref<25088xf32, #tpu.memory_space<vmem>>[vector<16xi32>], vector<16xf32>,
        %gather3A_907 = tpu.vector_load_idx %arg30[%add3A_673] : memref<25088xf32, #tpu.memory_space<vmem>>[vector<16xi32>], vector<16xf32>,
        %max3A_908 = arith.maximumf %gather3A_907, %add3A_669 : vector<16xf32>
        tpu.vector_store_idx %arg30[%add3A_673], %max3A_908 : memref<25088xf32, #tpu.memory_space<vmem>>[vector<16xi32>], vector<16xf32>,
        %gather3A_909 = tpu.vector_load_idx %arg27[%add3A_692] : memref<25088xf32, #tpu.memory_space<vmem>>[vector<16xi32>], vector<16xf32>,
        %max3A_910 = arith.maximumf %gather3A_909, %add3A_688 : vector<16xf32>
        tpu.vector_store_idx %arg27[%add3A_692], %max3A_910 : memref<25088xf32, #tpu.memory_space<vmem>>[vector<16xi32>], vector<16xf32>,
        %gather3A_911 = tpu.vector_load_idx %arg29[%add3A_711] : memref<25088xf32, #tpu.memory_space<vmem>>[vector<16xi32>], vector<16xf32>,
        %max3A_912 = arith.maximumf %gather3A_911, %add3A_707 : vector<16xf32>
        tpu.vector_store_idx %arg29[%add3A_711], %max3A_912 : memref<25088xf32, #tpu.memory_space<vmem>>[vector<16xi32>], vector<16xf32>,
        %gather3A_913 = tpu.vector_load_idx %arg28[%add3A_730] : memref<25088xf32, #tpu.memory_space<vmem>>[vector<16xi32>], vector<16xf32>,
        %max3A_914 = arith.maximumf %gather3A_913, %add3A_726 : vector<16xf32>
        tpu.vector_store_idx %arg28[%add3A_730], %max3A_914 : memref<25088xf32, #tpu.memory_space<vmem>>[vector<16xi32>], vector<16xf32>,
        %gather3A_915 = tpu.vector_load_idx %arg30[%add3A_749] : memref<25088xf32, #tpu.memory_space<vmem>>[vector<16xi32>], vector<16xf32>,
        %max3A_916 = arith.maximumf %gather3A_915, %add3A_745 : vector<16xf32>
        tpu.vector_store_idx %arg30[%add3A_749], %max3A_916 : memref<25088xf32, #tpu.memory_space<vmem>>[vector<16xi32>], vector<16xf32>,
        %gather3A_917 = tpu.vector_load_idx %arg27[%add3A_768] : memref<25088xf32, #tpu.memory_space<vmem>>[vector<16xi32>], vector<16xf32>,
        %max3A_918 = arith.maximumf %gather3A_917, %add3A_764 : vector<16xf32>
        tpu.vector_store_idx %arg27[%add3A_768], %max3A_918 : memref<25088xf32, #tpu.memory_space<vmem>>[vector<16xi32>], vector<16xf32>,
        %gather3A_919 = tpu.vector_load_idx %arg29[%add3A_787] : memref<25088xf32, #tpu.memory_space<vmem>>[vector<16xi32>], vector<16xf32>,
        %max3A_920 = arith.maximumf %gather3A_919, %add3A_783 : vector<16xf32>
        tpu.vector_store_idx %arg29[%add3A_787], %max3A_920 : memref<25088xf32, #tpu.memory_space<vmem>>[vector<16xi32>], vector<16xf32>,
        %gather3A_921 = tpu.vector_load_idx %arg28[%add3A_806] : memref<25088xf32, #tpu.memory_space<vmem>>[vector<16xi32>], vector<16xf32>,
        %max3A_922 = arith.maximumf %gather3A_921, %add3A_802 : vector<16xf32>
        tpu.vector_store_idx %arg28[%add3A_806], %max3A_922 : memref<25088xf32, #tpu.memory_space<vmem>>[vector<16xi32>], vector<16xf32>,
        %gather3A_923 = tpu.vector_load_idx %arg30[%add3A_825] : memref<25088xf32, #tpu.memory_space<vmem>>[vector<16xi32>], vector<16xf32>,
        %max3A_924 = arith.maximumf %gather3A_923, %add3A_821 : vector<16xf32>
        tpu.vector_store_idx %arg30[%add3A_825], %max3A_924 : memref<25088xf32, #tpu.memory_space<vmem>>[vector<16xi32>], vector<16xf32>,
        %gather3A_925 = tpu.vector_load_idx %arg27[%add3A_844] : memref<25088xf32, #tpu.memory_space<vmem>>[vector<16xi32>], vector<16xf32>,
        %max3A_926 = arith.maximumf %gather3A_925, %add3A_840 : vector<16xf32>
        tpu.vector_store_idx %arg27[%add3A_844], %max3A_926 : memref<25088xf32, #tpu.memory_space<vmem>>[vector<16xi32>], vector<16xf32>,
        %gather3A_927 = tpu.vector_load_idx %arg29[%add3A_863] : memref<25088xf32, #tpu.memory_space<vmem>>[vector<16xi32>], vector<16xf32>,
        %max3A_928 = arith.maximumf %gather3A_927, %add3A_859 : vector<16xf32>
        tpu.vector_store_idx %arg29[%add3A_863], %max3A_928 : memref<25088xf32, #tpu.memory_space<vmem>>[vector<16xi32>], vector<16xf32>,
        %gather3A_929 = tpu.vector_load_idx %arg28[%add3A_882] : memref<25088xf32, #tpu.memory_space<vmem>>[vector<16xi32>], vector<16xf32>,
        %max3A_930 = arith.maximumf %gather3A_929, %add3A_878 : vector<16xf32>
        tpu.vector_store_idx %arg28[%add3A_882], %max3A_930 : memref<25088xf32, #tpu.memory_space<vmem>>[vector<16xi32>], vector<16xf32>,
        %gather3A_931 = tpu.vector_load_idx %arg30[%add3A_901] : memref<25088xf32, #tpu.memory_space<vmem>>[vector<16xi32>], vector<16xf32>,
        %max3A_932 = arith.maximumf %gather3A_931, %add3A_897 : vector<16xf32>
        tpu.vector_store_idx %arg30[%add3A_901], %max3A_932 : memref<25088xf32, #tpu.memory_space<vmem>>[vector<16xi32>], vector<16xf32>,
        %slice3A_933 = vector.extract_strided_slice %get3A_572 {offsets = [8], sizes = [1], strides = [1]} : vector<16xf32> to vector<1xf32>
        %squeeze3A_934 = vector.extract %slice3A_933[0] : f32 from vector<1xf32>
        %mul3A_935 = vector.broadcast %squeeze3A_934 : f32 to vector<16xf32>
        %mul3A_936 = arith.mulf %mul3A_935, %get3A_7 : vector<16xf32>
        %slice3A_937 = vector.extract_strided_slice %get3A_574 {offsets = [8], sizes = [1], strides = [1]} : vector<16xf32> to vector<1xf32>
        %squeeze3A_938 = vector.extract %slice3A_937[0] : f32 from vector<1xf32>
        %mul3A_939 = vector.broadcast %squeeze3A_938 : f32 to vector<16xf32>
        %mul3A_940 = arith.mulf %mul3A_939, %get3A_11 : vector<16xf32>
        %add3A_941 = arith.addf %mul3A_936, %mul3A_940 : vector<16xf32>
        %slice3A_942 = vector.extract_strided_slice %get3A_576 {offsets = [8], sizes = [1], strides = [1]} : vector<16xf32> to vector<1xf32>
        %squeeze3A_943 = vector.extract %slice3A_942[0] : f32 from vector<1xf32>
        %mul3A_944 = vector.broadcast %squeeze3A_943 : f32 to vector<16xf32>
        %mul3A_945 = arith.mulf %mul3A_944, %get3A_15 : vector<16xf32>
        %add3A_946 = arith.addf %mul3A_945, %get3A_19 : vector<16xf32>
        %add3A_947 = arith.addf %add3A_941, %add3A_946 : vector<16xf32>
        %slice3A_948 = vector.extract_strided_slice %mul3A_570 {offsets = [8], sizes = [1], strides = [1]} : vector<16xi32> to vector<1xi32>
        %squeeze3A_949 = vector.extract %slice3A_948[0] : i32 from vector<1xi32>
        %add3A_950 = vector.broadcast %squeeze3A_949 : i32 to vector<16xi32>
        %add3A_951 = arith.addi %add3A_950, %iota3A : vector<16xi32>
        %slice3A_952 = vector.extract_strided_slice %get3A_595 {offsets = [8], sizes = [1], strides = [1]} : vector<16xf32> to vector<1xf32>
        %squeeze3A_953 = vector.extract %slice3A_952[0] : f32 from vector<1xf32>
        %mul3A_954 = vector.broadcast %squeeze3A_953 : f32 to vector<16xf32>
        %mul3A_955 = arith.mulf %mul3A_954, %get3A_7 : vector<16xf32>
        %slice3A_956 = vector.extract_strided_slice %get3A_597 {offsets = [8], sizes = [1], strides = [1]} : vector<16xf32> to vector<1xf32>
        %squeeze3A_957 = vector.extract %slice3A_956[0] : f32 from vector<1xf32>
        %mul3A_958 = vector.broadcast %squeeze3A_957 : f32 to vector<16xf32>
        %mul3A_959 = arith.mulf %mul3A_958, %get3A_11 : vector<16xf32>
        %add3A_960 = arith.addf %mul3A_955, %mul3A_959 : vector<16xf32>
        %slice3A_961 = vector.extract_strided_slice %get3A_599 {offsets = [8], sizes = [1], strides = [1]} : vector<16xf32> to vector<1xf32>
        %squeeze3A_962 = vector.extract %slice3A_961[0] : f32 from vector<1xf32>
        %mul3A_963 = vector.broadcast %squeeze3A_962 : f32 to vector<16xf32>
        %mul3A_964 = arith.mulf %mul3A_963, %get3A_15 : vector<16xf32>
        %add3A_965 = arith.addf %mul3A_964, %get3A_19 : vector<16xf32>
        %add3A_966 = arith.addf %add3A_960, %add3A_965 : vector<16xf32>
        %slice3A_967 = vector.extract_strided_slice %mul3A_593 {offsets = [8], sizes = [1], strides = [1]} : vector<16xi32> to vector<1xi32>
        %squeeze3A_968 = vector.extract %slice3A_967[0] : i32 from vector<1xi32>
        %add3A_969 = vector.broadcast %squeeze3A_968 : i32 to vector<16xi32>
        %add3A_970 = arith.addi %add3A_969, %iota3A : vector<16xi32>
        %slice3A_971 = vector.extract_strided_slice %get3A_572 {offsets = [9], sizes = [1], strides = [1]} : vector<16xf32> to vector<1xf32>
        %squeeze3A_972 = vector.extract %slice3A_971[0] : f32 from vector<1xf32>
        %mul3A_973 = vector.broadcast %squeeze3A_972 : f32 to vector<16xf32>
        %mul3A_974 = arith.mulf %mul3A_973, %get3A_7 : vector<16xf32>
        %slice3A_975 = vector.extract_strided_slice %get3A_574 {offsets = [9], sizes = [1], strides = [1]} : vector<16xf32> to vector<1xf32>
        %squeeze3A_976 = vector.extract %slice3A_975[0] : f32 from vector<1xf32>
        %mul3A_977 = vector.broadcast %squeeze3A_976 : f32 to vector<16xf32>
        %mul3A_978 = arith.mulf %mul3A_977, %get3A_11 : vector<16xf32>
        %add3A_979 = arith.addf %mul3A_974, %mul3A_978 : vector<16xf32>
        %slice3A_980 = vector.extract_strided_slice %get3A_576 {offsets = [9], sizes = [1], strides = [1]} : vector<16xf32> to vector<1xf32>
        %squeeze3A_981 = vector.extract %slice3A_980[0] : f32 from vector<1xf32>
        %mul3A_982 = vector.broadcast %squeeze3A_981 : f32 to vector<16xf32>
        %mul3A_983 = arith.mulf %mul3A_982, %get3A_15 : vector<16xf32>
        %add3A_984 = arith.addf %mul3A_983, %get3A_19 : vector<16xf32>
        %add3A_985 = arith.addf %add3A_979, %add3A_984 : vector<16xf32>
        %slice3A_986 = vector.extract_strided_slice %mul3A_570 {offsets = [9], sizes = [1], strides = [1]} : vector<16xi32> to vector<1xi32>
        %squeeze3A_987 = vector.extract %slice3A_986[0] : i32 from vector<1xi32>
        %add3A_988 = vector.broadcast %squeeze3A_987 : i32 to vector<16xi32>
        %add3A_989 = arith.addi %add3A_988, %iota3A : vector<16xi32>
        %slice3A_990 = vector.extract_strided_slice %get3A_595 {offsets = [9], sizes = [1], strides = [1]} : vector<16xf32> to vector<1xf32>
        %squeeze3A_991 = vector.extract %slice3A_990[0] : f32 from vector<1xf32>
        %mul3A_992 = vector.broadcast %squeeze3A_991 : f32 to vector<16xf32>
        %mul3A_993 = arith.mulf %mul3A_992, %get3A_7 : vector<16xf32>
        %slice3A_994 = vector.extract_strided_slice %get3A_597 {offsets = [9], sizes = [1], strides = [1]} : vector<16xf32> to vector<1xf32>
        %squeeze3A_995 = vector.extract %slice3A_994[0] : f32 from vector<1xf32>
        %mul3A_996 = vector.broadcast %squeeze3A_995 : f32 to vector<16xf32>
        %mul3A_997 = arith.mulf %mul3A_996, %get3A_11 : vector<16xf32>
        %add3A_998 = arith.addf %mul3A_993, %mul3A_997 : vector<16xf32>
        %slice3A_999 = vector.extract_strided_slice %get3A_599 {offsets = [9], sizes = [1], strides = [1]} : vector<16xf32> to vector<1xf32>
        %squeeze3A_1000 = vector.extract %slice3A_999[0] : f32 from vector<1xf32>
        %mul3A_1001 = vector.broadcast %squeeze3A_1000 : f32 to vector<16xf32>
        %mul3A_1002 = arith.mulf %mul3A_1001, %get3A_15 : vector<16xf32>
        %add3A_1003 = arith.addf %mul3A_1002, %get3A_19 : vector<16xf32>
        %add3A_1004 = arith.addf %add3A_998, %add3A_1003 : vector<16xf32>
        %slice3A_1005 = vector.extract_strided_slice %mul3A_593 {offsets = [9], sizes = [1], strides = [1]} : vector<16xi32> to vector<1xi32>
        %squeeze3A_1006 = vector.extract %slice3A_1005[0] : i32 from vector<1xi32>
        %add3A_1007 = vector.broadcast %squeeze3A_1006 : i32 to vector<16xi32>
        %add3A_1008 = arith.addi %add3A_1007, %iota3A : vector<16xi32>
        %slice3A_1009 = vector.extract_strided_slice %get3A_572 {offsets = [10], sizes = [1], strides = [1]} : vector<16xf32> to vector<1xf32>
        %squeeze3A_1010 = vector.extract %slice3A_1009[0] : f32 from vector<1xf32>
        %mul3A_1011 = vector.broadcast %squeeze3A_1010 : f32 to vector<16xf32>
        %mul3A_1012 = arith.mulf %mul3A_1011, %get3A_7 : vector<16xf32>
        %slice3A_1013 = vector.extract_strided_slice %get3A_574 {offsets = [10], sizes = [1], strides = [1]} : vector<16xf32> to vector<1xf32>
        %squeeze3A_1014 = vector.extract %slice3A_1013[0] : f32 from vector<1xf32>
        %mul3A_1015 = vector.broadcast %squeeze3A_1014 : f32 to vector<16xf32>
        %mul3A_1016 = arith.mulf %mul3A_1015, %get3A_11 : vector<16xf32>
        %add3A_1017 = arith.addf %mul3A_1012, %mul3A_1016 : vector<16xf32>
        %slice3A_1018 = vector.extract_strided_slice %get3A_576 {offsets = [10], sizes = [1], strides = [1]} : vector<16xf32> to vector<1xf32>
        %squeeze3A_1019 = vector.extract %slice3A_1018[0] : f32 from vector<1xf32>
        %mul3A_1020 = vector.broadcast %squeeze3A_1019 : f32 to vector<16xf32>
        %mul3A_1021 = arith.mulf %mul3A_1020, %get3A_15 : vector<16xf32>
        %add3A_1022 = arith.addf %mul3A_1021, %get3A_19 : vector<16xf32>
        %add3A_1023 = arith.addf %add3A_1017, %add3A_1022 : vector<16xf32>
        %slice3A_1024 = vector.extract_strided_slice %mul3A_570 {offsets = [10], sizes = [1], strides = [1]} : vector<16xi32> to vector<1xi32>
        %squeeze3A_1025 = vector.extract %slice3A_1024[0] : i32 from vector<1xi32>
        %add3A_1026 = vector.broadcast %squeeze3A_1025 : i32 to vector<16xi32>
        %add3A_1027 = arith.addi %add3A_1026, %iota3A : vector<16xi32>
        %slice3A_1028 = vector.extract_strided_slice %get3A_595 {offsets = [10], sizes = [1], strides = [1]} : vector<16xf32> to vector<1xf32>
        %squeeze3A_1029 = vector.extract %slice3A_1028[0] : f32 from vector<1xf32>
        %mul3A_1030 = vector.broadcast %squeeze3A_1029 : f32 to vector<16xf32>
        %mul3A_1031 = arith.mulf %mul3A_1030, %get3A_7 : vector<16xf32>
        %slice3A_1032 = vector.extract_strided_slice %get3A_597 {offsets = [10], sizes = [1], strides = [1]} : vector<16xf32> to vector<1xf32>
        %squeeze3A_1033 = vector.extract %slice3A_1032[0] : f32 from vector<1xf32>
        %mul3A_1034 = vector.broadcast %squeeze3A_1033 : f32 to vector<16xf32>
        %mul3A_1035 = arith.mulf %mul3A_1034, %get3A_11 : vector<16xf32>
        %add3A_1036 = arith.addf %mul3A_1031, %mul3A_1035 : vector<16xf32>
        %slice3A_1037 = vector.extract_strided_slice %get3A_599 {offsets = [10], sizes = [1], strides = [1]} : vector<16xf32> to vector<1xf32>
        %squeeze3A_1038 = vector.extract %slice3A_1037[0] : f32 from vector<1xf32>
        %mul3A_1039 = vector.broadcast %squeeze3A_1038 : f32 to vector<16xf32>
        %mul3A_1040 = arith.mulf %mul3A_1039, %get3A_15 : vector<16xf32>
        %add3A_1041 = arith.addf %mul3A_1040, %get3A_19 : vector<16xf32>
        %add3A_1042 = arith.addf %add3A_1036, %add3A_1041 : vector<16xf32>
        %slice3A_1043 = vector.extract_strided_slice %mul3A_593 {offsets = [10], sizes = [1], strides = [1]} : vector<16xi32> to vector<1xi32>
        %squeeze3A_1044 = vector.extract %slice3A_1043[0] : i32 from vector<1xi32>
        %add3A_1045 = vector.broadcast %squeeze3A_1044 : i32 to vector<16xi32>
        %add3A_1046 = arith.addi %add3A_1045, %iota3A : vector<16xi32>
        %slice3A_1047 = vector.extract_strided_slice %get3A_572 {offsets = [11], sizes = [1], strides = [1]} : vector<16xf32> to vector<1xf32>
        %squeeze3A_1048 = vector.extract %slice3A_1047[0] : f32 from vector<1xf32>
        %mul3A_1049 = vector.broadcast %squeeze3A_1048 : f32 to vector<16xf32>
        %mul3A_1050 = arith.mulf %mul3A_1049, %get3A_7 : vector<16xf32>
        %slice3A_1051 = vector.extract_strided_slice %get3A_574 {offsets = [11], sizes = [1], strides = [1]} : vector<16xf32> to vector<1xf32>
        %squeeze3A_1052 = vector.extract %slice3A_1051[0] : f32 from vector<1xf32>
        %mul3A_1053 = vector.broadcast %squeeze3A_1052 : f32 to vector<16xf32>
        %mul3A_1054 = arith.mulf %mul3A_1053, %get3A_11 : vector<16xf32>
        %add3A_1055 = arith.addf %mul3A_1050, %mul3A_1054 : vector<16xf32>
        %slice3A_1056 = vector.extract_strided_slice %get3A_576 {offsets = [11], sizes = [1], strides = [1]} : vector<16xf32> to vector<1xf32>
        %squeeze3A_1057 = vector.extract %slice3A_1056[0] : f32 from vector<1xf32>
        %mul3A_1058 = vector.broadcast %squeeze3A_1057 : f32 to vector<16xf32>
        %mul3A_1059 = arith.mulf %mul3A_1058, %get3A_15 : vector<16xf32>
        %add3A_1060 = arith.addf %mul3A_1059, %get3A_19 : vector<16xf32>
        %add3A_1061 = arith.addf %add3A_1055, %add3A_1060 : vector<16xf32>
        %slice3A_1062 = vector.extract_strided_slice %mul3A_570 {offsets = [11], sizes = [1], strides = [1]} : vector<16xi32> to vector<1xi32>
        %squeeze3A_1063 = vector.extract %slice3A_1062[0] : i32 from vector<1xi32>
        %add3A_1064 = vector.broadcast %squeeze3A_1063 : i32 to vector<16xi32>
        %add3A_1065 = arith.addi %add3A_1064, %iota3A : vector<16xi32>
        %slice3A_1066 = vector.extract_strided_slice %get3A_595 {offsets = [11], sizes = [1], strides = [1]} : vector<16xf32> to vector<1xf32>
        %squeeze3A_1067 = vector.extract %slice3A_1066[0] : f32 from vector<1xf32>
        %mul3A_1068 = vector.broadcast %squeeze3A_1067 : f32 to vector<16xf32>
        %mul3A_1069 = arith.mulf %mul3A_1068, %get3A_7 : vector<16xf32>
        %slice3A_1070 = vector.extract_strided_slice %get3A_597 {offsets = [11], sizes = [1], strides = [1]} : vector<16xf32> to vector<1xf32>
        %squeeze3A_1071 = vector.extract %slice3A_1070[0] : f32 from vector<1xf32>
        %mul3A_1072 = vector.broadcast %squeeze3A_1071 : f32 to vector<16xf32>
        %mul3A_1073 = arith.mulf %mul3A_1072, %get3A_11 : vector<16xf32>
        %add3A_1074 = arith.addf %mul3A_1069, %mul3A_1073 : vector<16xf32>
        %slice3A_1075 = vector.extract_strided_slice %get3A_599 {offsets = [11], sizes = [1], strides = [1]} : vector<16xf32> to vector<1xf32>
        %squeeze3A_1076 = vector.extract %slice3A_1075[0] : f32 from vector<1xf32>
        %mul3A_1077 = vector.broadcast %squeeze3A_1076 : f32 to vector<16xf32>
        %mul3A_1078 = arith.mulf %mul3A_1077, %get3A_15 : vector<16xf32>
        %add3A_1079 = arith.addf %mul3A_1078, %get3A_19 : vector<16xf32>
        %add3A_1080 = arith.addf %add3A_1074, %add3A_1079 : vector<16xf32>
        %slice3A_1081 = vector.extract_strided_slice %mul3A_593 {offsets = [11], sizes = [1], strides = [1]} : vector<16xi32> to vector<1xi32>
        %squeeze3A_1082 = vector.extract %slice3A_1081[0] : i32 from vector<1xi32>
        %add3A_1083 = vector.broadcast %squeeze3A_1082 : i32 to vector<16xi32>
        %add3A_1084 = arith.addi %add3A_1083, %iota3A : vector<16xi32>
        %slice3A_1085 = vector.extract_strided_slice %get3A_572 {offsets = [12], sizes = [1], strides = [1]} : vector<16xf32> to vector<1xf32>
        %squeeze3A_1086 = vector.extract %slice3A_1085[0] : f32 from vector<1xf32>
        %mul3A_1087 = vector.broadcast %squeeze3A_1086 : f32 to vector<16xf32>
        %mul3A_1088 = arith.mulf %mul3A_1087, %get3A_7 : vector<16xf32>
        %slice3A_1089 = vector.extract_strided_slice %get3A_574 {offsets = [12], sizes = [1], strides = [1]} : vector<16xf32> to vector<1xf32>
        %squeeze3A_1090 = vector.extract %slice3A_1089[0] : f32 from vector<1xf32>
        %mul3A_1091 = vector.broadcast %squeeze3A_1090 : f32 to vector<16xf32>
        %mul3A_1092 = arith.mulf %mul3A_1091, %get3A_11 : vector<16xf32>
        %add3A_1093 = arith.addf %mul3A_1088, %mul3A_1092 : vector<16xf32>
        %slice3A_1094 = vector.extract_strided_slice %get3A_576 {offsets = [12], sizes = [1], strides = [1]} : vector<16xf32> to vector<1xf32>
        %squeeze3A_1095 = vector.extract %slice3A_1094[0] : f32 from vector<1xf32>
        %mul3A_1096 = vector.broadcast %squeeze3A_1095 : f32 to vector<16xf32>
        %mul3A_1097 = arith.mulf %mul3A_1096, %get3A_15 : vector<16xf32>
        %add3A_1098 = arith.addf %mul3A_1097, %get3A_19 : vector<16xf32>
        %add3A_1099 = arith.addf %add3A_1093, %add3A_1098 : vector<16xf32>
        %slice3A_1100 = vector.extract_strided_slice %mul3A_570 {offsets = [12], sizes = [1], strides = [1]} : vector<16xi32> to vector<1xi32>
        %squeeze3A_1101 = vector.extract %slice3A_1100[0] : i32 from vector<1xi32>
        %add3A_1102 = vector.broadcast %squeeze3A_1101 : i32 to vector<16xi32>
        %add3A_1103 = arith.addi %add3A_1102, %iota3A : vector<16xi32>
        %slice3A_1104 = vector.extract_strided_slice %get3A_595 {offsets = [12], sizes = [1], strides = [1]} : vector<16xf32> to vector<1xf32>
        %squeeze3A_1105 = vector.extract %slice3A_1104[0] : f32 from vector<1xf32>
        %mul3A_1106 = vector.broadcast %squeeze3A_1105 : f32 to vector<16xf32>
        %mul3A_1107 = arith.mulf %mul3A_1106, %get3A_7 : vector<16xf32>
        %slice3A_1108 = vector.extract_strided_slice %get3A_597 {offsets = [12], sizes = [1], strides = [1]} : vector<16xf32> to vector<1xf32>
        %squeeze3A_1109 = vector.extract %slice3A_1108[0] : f32 from vector<1xf32>
        %mul3A_1110 = vector.broadcast %squeeze3A_1109 : f32 to vector<16xf32>
        %mul3A_1111 = arith.mulf %mul3A_1110, %get3A_11 : vector<16xf32>
        %add3A_1112 = arith.addf %mul3A_1107, %mul3A_1111 : vector<16xf32>
        %slice3A_1113 = vector.extract_strided_slice %get3A_599 {offsets = [12], sizes = [1], strides = [1]} : vector<16xf32> to vector<1xf32>
        %squeeze3A_1114 = vector.extract %slice3A_1113[0] : f32 from vector<1xf32>
        %mul3A_1115 = vector.broadcast %squeeze3A_1114 : f32 to vector<16xf32>
        %mul3A_1116 = arith.mulf %mul3A_1115, %get3A_15 : vector<16xf32>
        %add3A_1117 = arith.addf %mul3A_1116, %get3A_19 : vector<16xf32>
        %add3A_1118 = arith.addf %add3A_1112, %add3A_1117 : vector<16xf32>
        %slice3A_1119 = vector.extract_strided_slice %mul3A_593 {offsets = [12], sizes = [1], strides = [1]} : vector<16xi32> to vector<1xi32>
        %squeeze3A_1120 = vector.extract %slice3A_1119[0] : i32 from vector<1xi32>
        %add3A_1121 = vector.broadcast %squeeze3A_1120 : i32 to vector<16xi32>
        %add3A_1122 = arith.addi %add3A_1121, %iota3A : vector<16xi32>
        %slice3A_1123 = vector.extract_strided_slice %get3A_572 {offsets = [13], sizes = [1], strides = [1]} : vector<16xf32> to vector<1xf32>
        %squeeze3A_1124 = vector.extract %slice3A_1123[0] : f32 from vector<1xf32>
        %mul3A_1125 = vector.broadcast %squeeze3A_1124 : f32 to vector<16xf32>
        %mul3A_1126 = arith.mulf %mul3A_1125, %get3A_7 : vector<16xf32>
        %slice3A_1127 = vector.extract_strided_slice %get3A_574 {offsets = [13], sizes = [1], strides = [1]} : vector<16xf32> to vector<1xf32>
        %squeeze3A_1128 = vector.extract %slice3A_1127[0] : f32 from vector<1xf32>
        %mul3A_1129 = vector.broadcast %squeeze3A_1128 : f32 to vector<16xf32>
        %mul3A_1130 = arith.mulf %mul3A_1129, %get3A_11 : vector<16xf32>
        %add3A_1131 = arith.addf %mul3A_1126, %mul3A_1130 : vector<16xf32>
        %slice3A_1132 = vector.extract_strided_slice %get3A_576 {offsets = [13], sizes = [1], strides = [1]} : vector<16xf32> to vector<1xf32>
        %squeeze3A_1133 = vector.extract %slice3A_1132[0] : f32 from vector<1xf32>
        %mul3A_1134 = vector.broadcast %squeeze3A_1133 : f32 to vector<16xf32>
        %mul3A_1135 = arith.mulf %mul3A_1134, %get3A_15 : vector<16xf32>
        %add3A_1136 = arith.addf %mul3A_1135, %get3A_19 : vector<16xf32>
        %add3A_1137 = arith.addf %add3A_1131, %add3A_1136 : vector<16xf32>
        %slice3A_1138 = vector.extract_strided_slice %mul3A_570 {offsets = [13], sizes = [1], strides = [1]} : vector<16xi32> to vector<1xi32>
        %squeeze3A_1139 = vector.extract %slice3A_1138[0] : i32 from vector<1xi32>
        %add3A_1140 = vector.broadcast %squeeze3A_1139 : i32 to vector<16xi32>
        %add3A_1141 = arith.addi %add3A_1140, %iota3A : vector<16xi32>
        %slice3A_1142 = vector.extract_strided_slice %get3A_595 {offsets = [13], sizes = [1], strides = [1]} : vector<16xf32> to vector<1xf32>
        %squeeze3A_1143 = vector.extract %slice3A_1142[0] : f32 from vector<1xf32>
        %mul3A_1144 = vector.broadcast %squeeze3A_1143 : f32 to vector<16xf32>
        %mul3A_1145 = arith.mulf %mul3A_1144, %get3A_7 : vector<16xf32>
        %slice3A_1146 = vector.extract_strided_slice %get3A_597 {offsets = [13], sizes = [1], strides = [1]} : vector<16xf32> to vector<1xf32>
        %squeeze3A_1147 = vector.extract %slice3A_1146[0] : f32 from vector<1xf32>
        %mul3A_1148 = vector.broadcast %squeeze3A_1147 : f32 to vector<16xf32>
        %mul3A_1149 = arith.mulf %mul3A_1148, %get3A_11 : vector<16xf32>
        %add3A_1150 = arith.addf %mul3A_1145, %mul3A_1149 : vector<16xf32>
        %slice3A_1151 = vector.extract_strided_slice %get3A_599 {offsets = [13], sizes = [1], strides = [1]} : vector<16xf32> to vector<1xf32>
        %squeeze3A_1152 = vector.extract %slice3A_1151[0] : f32 from vector<1xf32>
        %mul3A_1153 = vector.broadcast %squeeze3A_1152 : f32 to vector<16xf32>
        %mul3A_1154 = arith.mulf %mul3A_1153, %get3A_15 : vector<16xf32>
        %add3A_1155 = arith.addf %mul3A_1154, %get3A_19 : vector<16xf32>
        %add3A_1156 = arith.addf %add3A_1150, %add3A_1155 : vector<16xf32>
        %slice3A_1157 = vector.extract_strided_slice %mul3A_593 {offsets = [13], sizes = [1], strides = [1]} : vector<16xi32> to vector<1xi32>
        %squeeze3A_1158 = vector.extract %slice3A_1157[0] : i32 from vector<1xi32>
        %add3A_1159 = vector.broadcast %squeeze3A_1158 : i32 to vector<16xi32>
        %add3A_1160 = arith.addi %add3A_1159, %iota3A : vector<16xi32>
        %slice3A_1161 = vector.extract_strided_slice %get3A_572 {offsets = [14], sizes = [1], strides = [1]} : vector<16xf32> to vector<1xf32>
        %squeeze3A_1162 = vector.extract %slice3A_1161[0] : f32 from vector<1xf32>
        %mul3A_1163 = vector.broadcast %squeeze3A_1162 : f32 to vector<16xf32>
        %mul3A_1164 = arith.mulf %mul3A_1163, %get3A_7 : vector<16xf32>
        %slice3A_1165 = vector.extract_strided_slice %get3A_574 {offsets = [14], sizes = [1], strides = [1]} : vector<16xf32> to vector<1xf32>
        %squeeze3A_1166 = vector.extract %slice3A_1165[0] : f32 from vector<1xf32>
        %mul3A_1167 = vector.broadcast %squeeze3A_1166 : f32 to vector<16xf32>
        %mul3A_1168 = arith.mulf %mul3A_1167, %get3A_11 : vector<16xf32>
        %add3A_1169 = arith.addf %mul3A_1164, %mul3A_1168 : vector<16xf32>
        %slice3A_1170 = vector.extract_strided_slice %get3A_576 {offsets = [14], sizes = [1], strides = [1]} : vector<16xf32> to vector<1xf32>
        %squeeze3A_1171 = vector.extract %slice3A_1170[0] : f32 from vector<1xf32>
        %mul3A_1172 = vector.broadcast %squeeze3A_1171 : f32 to vector<16xf32>
        %mul3A_1173 = arith.mulf %mul3A_1172, %get3A_15 : vector<16xf32>
        %add3A_1174 = arith.addf %mul3A_1173, %get3A_19 : vector<16xf32>
        %add3A_1175 = arith.addf %add3A_1169, %add3A_1174 : vector<16xf32>
        %slice3A_1176 = vector.extract_strided_slice %mul3A_570 {offsets = [14], sizes = [1], strides = [1]} : vector<16xi32> to vector<1xi32>
        %squeeze3A_1177 = vector.extract %slice3A_1176[0] : i32 from vector<1xi32>
        %add3A_1178 = vector.broadcast %squeeze3A_1177 : i32 to vector<16xi32>
        %add3A_1179 = arith.addi %add3A_1178, %iota3A : vector<16xi32>
        %slice3A_1180 = vector.extract_strided_slice %get3A_595 {offsets = [14], sizes = [1], strides = [1]} : vector<16xf32> to vector<1xf32>
        %squeeze3A_1181 = vector.extract %slice3A_1180[0] : f32 from vector<1xf32>
        %mul3A_1182 = vector.broadcast %squeeze3A_1181 : f32 to vector<16xf32>
        %mul3A_1183 = arith.mulf %mul3A_1182, %get3A_7 : vector<16xf32>
        %slice3A_1184 = vector.extract_strided_slice %get3A_597 {offsets = [14], sizes = [1], strides = [1]} : vector<16xf32> to vector<1xf32>
        %squeeze3A_1185 = vector.extract %slice3A_1184[0] : f32 from vector<1xf32>
        %mul3A_1186 = vector.broadcast %squeeze3A_1185 : f32 to vector<16xf32>
        %mul3A_1187 = arith.mulf %mul3A_1186, %get3A_11 : vector<16xf32>
        %add3A_1188 = arith.addf %mul3A_1183, %mul3A_1187 : vector<16xf32>
        %slice3A_1189 = vector.extract_strided_slice %get3A_599 {offsets = [14], sizes = [1], strides = [1]} : vector<16xf32> to vector<1xf32>
        %squeeze3A_1190 = vector.extract %slice3A_1189[0] : f32 from vector<1xf32>
        %mul3A_1191 = vector.broadcast %squeeze3A_1190 : f32 to vector<16xf32>
        %mul3A_1192 = arith.mulf %mul3A_1191, %get3A_15 : vector<16xf32>
        %add3A_1193 = arith.addf %mul3A_1192, %get3A_19 : vector<16xf32>
        %add3A_1194 = arith.addf %add3A_1188, %add3A_1193 : vector<16xf32>
        %slice3A_1195 = vector.extract_strided_slice %mul3A_593 {offsets = [14], sizes = [1], strides = [1]} : vector<16xi32> to vector<1xi32>
        %squeeze3A_1196 = vector.extract %slice3A_1195[0] : i32 from vector<1xi32>
        %add3A_1197 = vector.broadcast %squeeze3A_1196 : i32 to vector<16xi32>
        %add3A_1198 = arith.addi %add3A_1197, %iota3A : vector<16xi32>
        %slice3A_1199 = vector.extract_strided_slice %get3A_572 {offsets = [15], sizes = [1], strides = [1]} : vector<16xf32> to vector<1xf32>
        %squeeze3A_1200 = vector.extract %slice3A_1199[0] : f32 from vector<1xf32>
        %mul3A_1201 = vector.broadcast %squeeze3A_1200 : f32 to vector<16xf32>
        %mul3A_1202 = arith.mulf %mul3A_1201, %get3A_7 : vector<16xf32>
        %slice3A_1203 = vector.extract_strided_slice %get3A_574 {offsets = [15], sizes = [1], strides = [1]} : vector<16xf32> to vector<1xf32>
        %squeeze3A_1204 = vector.extract %slice3A_1203[0] : f32 from vector<1xf32>
        %mul3A_1205 = vector.broadcast %squeeze3A_1204 : f32 to vector<16xf32>
        %mul3A_1206 = arith.mulf %mul3A_1205, %get3A_11 : vector<16xf32>
        %add3A_1207 = arith.addf %mul3A_1202, %mul3A_1206 : vector<16xf32>
        %slice3A_1208 = vector.extract_strided_slice %get3A_576 {offsets = [15], sizes = [1], strides = [1]} : vector<16xf32> to vector<1xf32>
        %squeeze3A_1209 = vector.extract %slice3A_1208[0] : f32 from vector<1xf32>
        %mul3A_1210 = vector.broadcast %squeeze3A_1209 : f32 to vector<16xf32>
        %mul3A_1211 = arith.mulf %mul3A_1210, %get3A_15 : vector<16xf32>
        %add3A_1212 = arith.addf %mul3A_1211, %get3A_19 : vector<16xf32>
        %add3A_1213 = arith.addf %add3A_1207, %add3A_1212 : vector<16xf32>
        %slice3A_1214 = vector.extract_strided_slice %mul3A_570 {offsets = [15], sizes = [1], strides = [1]} : vector<16xi32> to vector<1xi32>
        %squeeze3A_1215 = vector.extract %slice3A_1214[0] : i32 from vector<1xi32>
        %add3A_1216 = vector.broadcast %squeeze3A_1215 : i32 to vector<16xi32>
        %add3A_1217 = arith.addi %add3A_1216, %iota3A : vector<16xi32>
        %slice3A_1218 = vector.extract_strided_slice %get3A_595 {offsets = [15], sizes = [1], strides = [1]} : vector<16xf32> to vector<1xf32>
        %squeeze3A_1219 = vector.extract %slice3A_1218[0] : f32 from vector<1xf32>
        %mul3A_1220 = vector.broadcast %squeeze3A_1219 : f32 to vector<16xf32>
        %mul3A_1221 = arith.mulf %mul3A_1220, %get3A_7 : vector<16xf32>
        %slice3A_1222 = vector.extract_strided_slice %get3A_597 {offsets = [15], sizes = [1], strides = [1]} : vector<16xf32> to vector<1xf32>
        %squeeze3A_1223 = vector.extract %slice3A_1222[0] : f32 from vector<1xf32>
        %mul3A_1224 = vector.broadcast %squeeze3A_1223 : f32 to vector<16xf32>
        %mul3A_1225 = arith.mulf %mul3A_1224, %get3A_11 : vector<16xf32>
        %add3A_1226 = arith.addf %mul3A_1221, %mul3A_1225 : vector<16xf32>
        %slice3A_1227 = vector.extract_strided_slice %get3A_599 {offsets = [15], sizes = [1], strides = [1]} : vector<16xf32> to vector<1xf32>
        %squeeze3A_1228 = vector.extract %slice3A_1227[0] : f32 from vector<1xf32>
        %mul3A_1229 = vector.broadcast %squeeze3A_1228 : f32 to vector<16xf32>
        %mul3A_1230 = arith.mulf %mul3A_1229, %get3A_15 : vector<16xf32>
        %add3A_1231 = arith.addf %mul3A_1230, %get3A_19 : vector<16xf32>
        %add3A_1232 = arith.addf %add3A_1226, %add3A_1231 : vector<16xf32>
        %slice3A_1233 = vector.extract_strided_slice %mul3A_593 {offsets = [15], sizes = [1], strides = [1]} : vector<16xi32> to vector<1xi32>
        %squeeze3A_1234 = vector.extract %slice3A_1233[0] : i32 from vector<1xi32>
        %add3A_1235 = vector.broadcast %squeeze3A_1234 : i32 to vector<16xi32>
        %add3A_1236 = arith.addi %add3A_1235, %iota3A : vector<16xi32>
        %gather3A_1237 = tpu.vector_load_idx %arg27[%add3A_951] : memref<25088xf32, #tpu.memory_space<vmem>>[vector<16xi32>], vector<16xf32>,
        %max3A_1238 = arith.maximumf %gather3A_1237, %add3A_947 : vector<16xf32>
        tpu.vector_store_idx %arg27[%add3A_951], %max3A_1238 : memref<25088xf32, #tpu.memory_space<vmem>>[vector<16xi32>], vector<16xf32>,
        %gather3A_1239 = tpu.vector_load_idx %arg29[%add3A_970] : memref<25088xf32, #tpu.memory_space<vmem>>[vector<16xi32>], vector<16xf32>,
        %max3A_1240 = arith.maximumf %gather3A_1239, %add3A_966 : vector<16xf32>
        tpu.vector_store_idx %arg29[%add3A_970], %max3A_1240 : memref<25088xf32, #tpu.memory_space<vmem>>[vector<16xi32>], vector<16xf32>,
        %gather3A_1241 = tpu.vector_load_idx %arg28[%add3A_989] : memref<25088xf32, #tpu.memory_space<vmem>>[vector<16xi32>], vector<16xf32>,
        %max3A_1242 = arith.maximumf %gather3A_1241, %add3A_985 : vector<16xf32>
        tpu.vector_store_idx %arg28[%add3A_989], %max3A_1242 : memref<25088xf32, #tpu.memory_space<vmem>>[vector<16xi32>], vector<16xf32>,
        %gather3A_1243 = tpu.vector_load_idx %arg30[%add3A_1008] : memref<25088xf32, #tpu.memory_space<vmem>>[vector<16xi32>], vector<16xf32>,
        %max3A_1244 = arith.maximumf %gather3A_1243, %add3A_1004 : vector<16xf32>
        tpu.vector_store_idx %arg30[%add3A_1008], %max3A_1244 : memref<25088xf32, #tpu.memory_space<vmem>>[vector<16xi32>], vector<16xf32>,
        %gather3A_1245 = tpu.vector_load_idx %arg27[%add3A_1027] : memref<25088xf32, #tpu.memory_space<vmem>>[vector<16xi32>], vector<16xf32>,
        %max3A_1246 = arith.maximumf %gather3A_1245, %add3A_1023 : vector<16xf32>
        tpu.vector_store_idx %arg27[%add3A_1027], %max3A_1246 : memref<25088xf32, #tpu.memory_space<vmem>>[vector<16xi32>], vector<16xf32>,
        %gather3A_1247 = tpu.vector_load_idx %arg29[%add3A_1046] : memref<25088xf32, #tpu.memory_space<vmem>>[vector<16xi32>], vector<16xf32>,
        %max3A_1248 = arith.maximumf %gather3A_1247, %add3A_1042 : vector<16xf32>
        tpu.vector_store_idx %arg29[%add3A_1046], %max3A_1248 : memref<25088xf32, #tpu.memory_space<vmem>>[vector<16xi32>], vector<16xf32>,
        %gather3A_1249 = tpu.vector_load_idx %arg28[%add3A_1065] : memref<25088xf32, #tpu.memory_space<vmem>>[vector<16xi32>], vector<16xf32>,
        %max3A_1250 = arith.maximumf %gather3A_1249, %add3A_1061 : vector<16xf32>
        tpu.vector_store_idx %arg28[%add3A_1065], %max3A_1250 : memref<25088xf32, #tpu.memory_space<vmem>>[vector<16xi32>], vector<16xf32>,
        %gather3A_1251 = tpu.vector_load_idx %arg30[%add3A_1084] : memref<25088xf32, #tpu.memory_space<vmem>>[vector<16xi32>], vector<16xf32>,
        %max3A_1252 = arith.maximumf %gather3A_1251, %add3A_1080 : vector<16xf32>
        tpu.vector_store_idx %arg30[%add3A_1084], %max3A_1252 : memref<25088xf32, #tpu.memory_space<vmem>>[vector<16xi32>], vector<16xf32>,
        %gather3A_1253 = tpu.vector_load_idx %arg27[%add3A_1103] : memref<25088xf32, #tpu.memory_space<vmem>>[vector<16xi32>], vector<16xf32>,
        %max3A_1254 = arith.maximumf %gather3A_1253, %add3A_1099 : vector<16xf32>
        tpu.vector_store_idx %arg27[%add3A_1103], %max3A_1254 : memref<25088xf32, #tpu.memory_space<vmem>>[vector<16xi32>], vector<16xf32>,
        %gather3A_1255 = tpu.vector_load_idx %arg29[%add3A_1122] : memref<25088xf32, #tpu.memory_space<vmem>>[vector<16xi32>], vector<16xf32>,
        %max3A_1256 = arith.maximumf %gather3A_1255, %add3A_1118 : vector<16xf32>
        tpu.vector_store_idx %arg29[%add3A_1122], %max3A_1256 : memref<25088xf32, #tpu.memory_space<vmem>>[vector<16xi32>], vector<16xf32>,
        %gather3A_1257 = tpu.vector_load_idx %arg28[%add3A_1141] : memref<25088xf32, #tpu.memory_space<vmem>>[vector<16xi32>], vector<16xf32>,
        %max3A_1258 = arith.maximumf %gather3A_1257, %add3A_1137 : vector<16xf32>
        tpu.vector_store_idx %arg28[%add3A_1141], %max3A_1258 : memref<25088xf32, #tpu.memory_space<vmem>>[vector<16xi32>], vector<16xf32>,
        %gather3A_1259 = tpu.vector_load_idx %arg30[%add3A_1160] : memref<25088xf32, #tpu.memory_space<vmem>>[vector<16xi32>], vector<16xf32>,
        %max3A_1260 = arith.maximumf %gather3A_1259, %add3A_1156 : vector<16xf32>
        tpu.vector_store_idx %arg30[%add3A_1160], %max3A_1260 : memref<25088xf32, #tpu.memory_space<vmem>>[vector<16xi32>], vector<16xf32>,
        %gather3A_1261 = tpu.vector_load_idx %arg27[%add3A_1179] : memref<25088xf32, #tpu.memory_space<vmem>>[vector<16xi32>], vector<16xf32>,
        %max3A_1262 = arith.maximumf %gather3A_1261, %add3A_1175 : vector<16xf32>
        tpu.vector_store_idx %arg27[%add3A_1179], %max3A_1262 : memref<25088xf32, #tpu.memory_space<vmem>>[vector<16xi32>], vector<16xf32>,
        %gather3A_1263 = tpu.vector_load_idx %arg29[%add3A_1198] : memref<25088xf32, #tpu.memory_space<vmem>>[vector<16xi32>], vector<16xf32>,
        %max3A_1264 = arith.maximumf %gather3A_1263, %add3A_1194 : vector<16xf32>
        tpu.vector_store_idx %arg29[%add3A_1198], %max3A_1264 : memref<25088xf32, #tpu.memory_space<vmem>>[vector<16xi32>], vector<16xf32>,
        %gather3A_1265 = tpu.vector_load_idx %arg28[%add3A_1217] : memref<25088xf32, #tpu.memory_space<vmem>>[vector<16xi32>], vector<16xf32>,
        %max3A_1266 = arith.maximumf %gather3A_1265, %add3A_1213 : vector<16xf32>
        tpu.vector_store_idx %arg28[%add3A_1217], %max3A_1266 : memref<25088xf32, #tpu.memory_space<vmem>>[vector<16xi32>], vector<16xf32>,
        %gather3A_1267 = tpu.vector_load_idx %arg30[%add3A_1236] : memref<25088xf32, #tpu.memory_space<vmem>>[vector<16xi32>], vector<16xf32>,
        %max3A_1268 = arith.maximumf %gather3A_1267, %add3A_1232 : vector<16xf32>
        tpu.vector_store_idx %arg30[%add3A_1236], %max3A_1268 : memref<25088xf32, #tpu.memory_space<vmem>>[vector<16xi32>], vector<16xf32>,
      }
      %scan3A_420 = arith.constant 64 : i32
      %add3A_421 = arith.constant 2 : i32
      %add3A_422 = arith.addi %mul3A_288, %add3A_421 : i32
      %mul3A_423 = arith.constant 1024 : i32
      %mul3A_424 = arith.muli %add3A_422, %mul3A_423 : i32
      %add3A_425 = arith.addi %multiple_of3A, %mul3A_424 : i32
      %min3A_426 = arith.constant 3198976 : i32
      %min3A_427 = arith.minsi %add3A_425, %min3A_426 : i32
      %multiple_of3A_428 = tpu.assume_multiple %min3A_427, 8 : i32
      %mul3A_429 = arith.constant 1024 : i32
      %mul3A_430 = arith.muli %add3A_422, %mul3A_429 : i32
      %add3A_431 = arith.addi %multiple_of3A_66, %mul3A_430 : i32
      %min3A_432 = arith.constant 3198976 : i32
      %min3A_433 = arith.minsi %add3A_431, %min3A_432 : i32
      %multiple_of3A_434 = tpu.assume_multiple %min3A_433, 8 : i32
      %dma_start3A_435 = arith.constant 0 : i32
      %dma_start3A_436 = tpu.memref_slice %arg11[%dma_start3A_435] : memref<1040xf32, #tpu.memory_space<vmem>> -> memref<1024xf32, #tpu.memory_space<vmem>>
      %dma_start3A_437 = tpu.memref_slice %arg2[%multiple_of3A_428] : memref<3200000xf32, #tpu.memory_space<hbm>> -> memref<1024xf32, #tpu.memory_space<hbm>>
      %dma_start3A_438 = arith.constant 0 : i32
      %dma_start3A_439 = tpu.memref_slice %arg11[%dma_start3A_438] : memref<1040xf32, #tpu.memory_space<vmem>> -> memref<1024xf32, #tpu.memory_space<vmem>>
      %dma_start3A_440 = tpu.memref_slice %arg2[%multiple_of3A_428] : memref<3200000xf32, #tpu.memory_space<hbm>> -> memref<1024xf32, #tpu.memory_space<hbm>>
      tpu.enqueue_dma source(%dma_start3A_440 : memref<1024xf32, #tpu.memory_space<hbm>>) target(%dma_start3A_439 : memref<1024xf32, #tpu.memory_space<vmem>>) target_semaphore(%arg31 : memref<!tpu.dma_semaphore, #tpu.memory_space<semaphore_mem>>)
      %dma_start3A_441 = arith.constant 0 : i32
      %dma_start3A_442 = tpu.memref_slice %arg12[%dma_start3A_441] : memref<1040xf32, #tpu.memory_space<vmem>> -> memref<1024xf32, #tpu.memory_space<vmem>>
      %dma_start3A_443 = tpu.memref_slice %arg3[%multiple_of3A_428] : memref<3200000xf32, #tpu.memory_space<hbm>> -> memref<1024xf32, #tpu.memory_space<hbm>>
      %dma_start3A_444 = arith.constant 0 : i32
      %dma_start3A_445 = tpu.memref_slice %arg12[%dma_start3A_444] : memref<1040xf32, #tpu.memory_space<vmem>> -> memref<1024xf32, #tpu.memory_space<vmem>>
      %dma_start3A_446 = tpu.memref_slice %arg3[%multiple_of3A_428] : memref<3200000xf32, #tpu.memory_space<hbm>> -> memref<1024xf32, #tpu.memory_space<hbm>>
      tpu.enqueue_dma source(%dma_start3A_446 : memref<1024xf32, #tpu.memory_space<hbm>>) target(%dma_start3A_445 : memref<1024xf32, #tpu.memory_space<vmem>>) target_semaphore(%arg31 : memref<!tpu.dma_semaphore, #tpu.memory_space<semaphore_mem>>)
      %dma_start3A_447 = arith.constant 0 : i32
      %dma_start3A_448 = tpu.memref_slice %arg13[%dma_start3A_447] : memref<1040xf32, #tpu.memory_space<vmem>> -> memref<1024xf32, #tpu.memory_space<vmem>>
      %dma_start3A_449 = tpu.memref_slice %arg4[%multiple_of3A_428] : memref<3200000xf32, #tpu.memory_space<hbm>> -> memref<1024xf32, #tpu.memory_space<hbm>>
      %dma_start3A_450 = arith.constant 0 : i32
      %dma_start3A_451 = tpu.memref_slice %arg13[%dma_start3A_450] : memref<1040xf32, #tpu.memory_space<vmem>> -> memref<1024xf32, #tpu.memory_space<vmem>>
      %dma_start3A_452 = tpu.memref_slice %arg4[%multiple_of3A_428] : memref<3200000xf32, #tpu.memory_space<hbm>> -> memref<1024xf32, #tpu.memory_space<hbm>>
      tpu.enqueue_dma source(%dma_start3A_452 : memref<1024xf32, #tpu.memory_space<hbm>>) target(%dma_start3A_451 : memref<1024xf32, #tpu.memory_space<vmem>>) target_semaphore(%arg31 : memref<!tpu.dma_semaphore, #tpu.memory_space<semaphore_mem>>)
      %dma_start3A_453 = arith.constant 0 : i32
      %dma_start3A_454 = tpu.memref_slice %arg14[%dma_start3A_453] : memref<1040xi32, #tpu.memory_space<vmem>> -> memref<1024xi32, #tpu.memory_space<vmem>>
      %dma_start3A_455 = tpu.memref_slice %arg5[%multiple_of3A_428] : memref<3200000xi32, #tpu.memory_space<hbm>> -> memref<1024xi32, #tpu.memory_space<hbm>>
      %dma_start3A_456 = arith.constant 0 : i32
      %dma_start3A_457 = tpu.memref_slice %arg14[%dma_start3A_456] : memref<1040xi32, #tpu.memory_space<vmem>> -> memref<1024xi32, #tpu.memory_space<vmem>>
      %dma_start3A_458 = tpu.memref_slice %arg5[%multiple_of3A_428] : memref<3200000xi32, #tpu.memory_space<hbm>> -> memref<1024xi32, #tpu.memory_space<hbm>>
      tpu.enqueue_dma source(%dma_start3A_458 : memref<1024xi32, #tpu.memory_space<hbm>>) target(%dma_start3A_457 : memref<1024xi32, #tpu.memory_space<vmem>>) target_semaphore(%arg31 : memref<!tpu.dma_semaphore, #tpu.memory_space<semaphore_mem>>)
      %dma_start3A_459 = arith.constant 0 : i32
      %dma_start3A_460 = tpu.memref_slice %arg19[%dma_start3A_459] : memref<1040xf32, #tpu.memory_space<vmem>> -> memref<1024xf32, #tpu.memory_space<vmem>>
      %dma_start3A_461 = tpu.memref_slice %arg2[%multiple_of3A_434] : memref<3200000xf32, #tpu.memory_space<hbm>> -> memref<1024xf32, #tpu.memory_space<hbm>>
      %dma_start3A_462 = arith.constant 0 : i32
      %dma_start3A_463 = tpu.memref_slice %arg19[%dma_start3A_462] : memref<1040xf32, #tpu.memory_space<vmem>> -> memref<1024xf32, #tpu.memory_space<vmem>>
      %dma_start3A_464 = tpu.memref_slice %arg2[%multiple_of3A_434] : memref<3200000xf32, #tpu.memory_space<hbm>> -> memref<1024xf32, #tpu.memory_space<hbm>>
      tpu.enqueue_dma source(%dma_start3A_464 : memref<1024xf32, #tpu.memory_space<hbm>>) target(%dma_start3A_463 : memref<1024xf32, #tpu.memory_space<vmem>>) target_semaphore(%arg31 : memref<!tpu.dma_semaphore, #tpu.memory_space<semaphore_mem>>)
      %dma_start3A_465 = arith.constant 0 : i32
      %dma_start3A_466 = tpu.memref_slice %arg20[%dma_start3A_465] : memref<1040xf32, #tpu.memory_space<vmem>> -> memref<1024xf32, #tpu.memory_space<vmem>>
      %dma_start3A_467 = tpu.memref_slice %arg3[%multiple_of3A_434] : memref<3200000xf32, #tpu.memory_space<hbm>> -> memref<1024xf32, #tpu.memory_space<hbm>>
      %dma_start3A_468 = arith.constant 0 : i32
      %dma_start3A_469 = tpu.memref_slice %arg20[%dma_start3A_468] : memref<1040xf32, #tpu.memory_space<vmem>> -> memref<1024xf32, #tpu.memory_space<vmem>>
      %dma_start3A_470 = tpu.memref_slice %arg3[%multiple_of3A_434] : memref<3200000xf32, #tpu.memory_space<hbm>> -> memref<1024xf32, #tpu.memory_space<hbm>>
      tpu.enqueue_dma source(%dma_start3A_470 : memref<1024xf32, #tpu.memory_space<hbm>>) target(%dma_start3A_469 : memref<1024xf32, #tpu.memory_space<vmem>>) target_semaphore(%arg31 : memref<!tpu.dma_semaphore, #tpu.memory_space<semaphore_mem>>)
      %dma_start3A_471 = arith.constant 0 : i32
      %dma_start3A_472 = tpu.memref_slice %arg21[%dma_start3A_471] : memref<1040xf32, #tpu.memory_space<vmem>> -> memref<1024xf32, #tpu.memory_space<vmem>>
      %dma_start3A_473 = tpu.memref_slice %arg4[%multiple_of3A_434] : memref<3200000xf32, #tpu.memory_space<hbm>> -> memref<1024xf32, #tpu.memory_space<hbm>>
      %dma_start3A_474 = arith.constant 0 : i32
      %dma_start3A_475 = tpu.memref_slice %arg21[%dma_start3A_474] : memref<1040xf32, #tpu.memory_space<vmem>> -> memref<1024xf32, #tpu.memory_space<vmem>>
      %dma_start3A_476 = tpu.memref_slice %arg4[%multiple_of3A_434] : memref<3200000xf32, #tpu.memory_space<hbm>> -> memref<1024xf32, #tpu.memory_space<hbm>>
      tpu.enqueue_dma source(%dma_start3A_476 : memref<1024xf32, #tpu.memory_space<hbm>>) target(%dma_start3A_475 : memref<1024xf32, #tpu.memory_space<vmem>>) target_semaphore(%arg31 : memref<!tpu.dma_semaphore, #tpu.memory_space<semaphore_mem>>)
      %dma_start3A_477 = arith.constant 0 : i32
      %dma_start3A_478 = tpu.memref_slice %arg22[%dma_start3A_477] : memref<1040xi32, #tpu.memory_space<vmem>> -> memref<1024xi32, #tpu.memory_space<vmem>>
      %dma_start3A_479 = tpu.memref_slice %arg5[%multiple_of3A_434] : memref<3200000xi32, #tpu.memory_space<hbm>> -> memref<1024xi32, #tpu.memory_space<hbm>>
      %dma_start3A_480 = arith.constant 0 : i32
      %dma_start3A_481 = tpu.memref_slice %arg22[%dma_start3A_480] : memref<1040xi32, #tpu.memory_space<vmem>> -> memref<1024xi32, #tpu.memory_space<vmem>>
      %dma_start3A_482 = tpu.memref_slice %arg5[%multiple_of3A_434] : memref<3200000xi32, #tpu.memory_space<hbm>> -> memref<1024xi32, #tpu.memory_space<hbm>>
      tpu.enqueue_dma source(%dma_start3A_482 : memref<1024xi32, #tpu.memory_space<hbm>>) target(%dma_start3A_481 : memref<1024xi32, #tpu.memory_space<vmem>>) target_semaphore(%arg31 : memref<!tpu.dma_semaphore, #tpu.memory_space<semaphore_mem>>)
      %dma_wait3A_483 = arith.constant 0 : i32
      %dma_wait3A_484 = tpu.memref_slice %arg15[%dma_wait3A_483] : memref<1040xf32, #tpu.memory_space<vmem>> -> memref<1024xf32, #tpu.memory_space<vmem>>
      %dma_wait3A_485 = arith.constant 0 : i32
      %dma_wait3A_486 = tpu.memref_slice %arg2[%dma_wait3A_485] : memref<3200000xf32, #tpu.memory_space<hbm>> -> memref<1024xf32, #tpu.memory_space<hbm>>
      %dma_wait3A_487 = arith.constant 0 : i32
      %dma_wait3A_488 = tpu.memref_slice %arg15[%dma_wait3A_487] : memref<1040xf32, #tpu.memory_space<vmem>> -> memref<1024xf32, #tpu.memory_space<vmem>>
      %dma_wait3A_489 = arith.constant 0 : i32
      %dma_wait3A_490 = tpu.memref_slice %arg2[%dma_wait3A_489] : memref<3200000xf32, #tpu.memory_space<hbm>> -> memref<1024xf32, #tpu.memory_space<hbm>>
      tpu.wait_dma2 semaphore(%arg32 : memref<!tpu.dma_semaphore, #tpu.memory_space<semaphore_mem>>) src(%dma_wait3A_490 : memref<1024xf32, #tpu.memory_space<hbm>>) dst(%dma_wait3A_488 : memref<1024xf32, #tpu.memory_space<vmem>>)
      %dma_wait3A_491 = arith.constant 0 : i32
      %dma_wait3A_492 = tpu.memref_slice %arg16[%dma_wait3A_491] : memref<1040xf32, #tpu.memory_space<vmem>> -> memref<1024xf32, #tpu.memory_space<vmem>>
      %dma_wait3A_493 = arith.constant 0 : i32
      %dma_wait3A_494 = tpu.memref_slice %arg2[%dma_wait3A_493] : memref<3200000xf32, #tpu.memory_space<hbm>> -> memref<1024xf32, #tpu.memory_space<hbm>>
      %dma_wait3A_495 = arith.constant 0 : i32
      %dma_wait3A_496 = tpu.memref_slice %arg16[%dma_wait3A_495] : memref<1040xf32, #tpu.memory_space<vmem>> -> memref<1024xf32, #tpu.memory_space<vmem>>
      %dma_wait3A_497 = arith.constant 0 : i32
      %dma_wait3A_498 = tpu.memref_slice %arg2[%dma_wait3A_497] : memref<3200000xf32, #tpu.memory_space<hbm>> -> memref<1024xf32, #tpu.memory_space<hbm>>
      tpu.wait_dma2 semaphore(%arg32 : memref<!tpu.dma_semaphore, #tpu.memory_space<semaphore_mem>>) src(%dma_wait3A_498 : memref<1024xf32, #tpu.memory_space<hbm>>) dst(%dma_wait3A_496 : memref<1024xf32, #tpu.memory_space<vmem>>)
      %dma_wait3A_499 = arith.constant 0 : i32
      %dma_wait3A_500 = tpu.memref_slice %arg17[%dma_wait3A_499] : memref<1040xf32, #tpu.memory_space<vmem>> -> memref<1024xf32, #tpu.memory_space<vmem>>
      %dma_wait3A_501 = arith.constant 0 : i32
      %dma_wait3A_502 = tpu.memref_slice %arg2[%dma_wait3A_501] : memref<3200000xf32, #tpu.memory_space<hbm>> -> memref<1024xf32, #tpu.memory_space<hbm>>
      %dma_wait3A_503 = arith.constant 0 : i32
      %dma_wait3A_504 = tpu.memref_slice %arg17[%dma_wait3A_503] : memref<1040xf32, #tpu.memory_space<vmem>> -> memref<1024xf32, #tpu.memory_space<vmem>>
      %dma_wait3A_505 = arith.constant 0 : i32
      %dma_wait3A_506 = tpu.memref_slice %arg2[%dma_wait3A_505] : memref<3200000xf32, #tpu.memory_space<hbm>> -> memref<1024xf32, #tpu.memory_space<hbm>>
      tpu.wait_dma2 semaphore(%arg32 : memref<!tpu.dma_semaphore, #tpu.memory_space<semaphore_mem>>) src(%dma_wait3A_506 : memref<1024xf32, #tpu.memory_space<hbm>>) dst(%dma_wait3A_504 : memref<1024xf32, #tpu.memory_space<vmem>>)
      %dma_wait3A_507 = arith.constant 0 : i32
      %dma_wait3A_508 = tpu.memref_slice %arg18[%dma_wait3A_507] : memref<1040xi32, #tpu.memory_space<vmem>> -> memref<1024xi32, #tpu.memory_space<vmem>>
      %dma_wait3A_509 = arith.constant 0 : i32
      %dma_wait3A_510 = tpu.memref_slice %arg5[%dma_wait3A_509] : memref<3200000xi32, #tpu.memory_space<hbm>> -> memref<1024xi32, #tpu.memory_space<hbm>>
      %dma_wait3A_511 = arith.constant 0 : i32
      %dma_wait3A_512 = tpu.memref_slice %arg18[%dma_wait3A_511] : memref<1040xi32, #tpu.memory_space<vmem>> -> memref<1024xi32, #tpu.memory_space<vmem>>
      %dma_wait3A_513 = arith.constant 0 : i32
      %dma_wait3A_514 = tpu.memref_slice %arg5[%dma_wait3A_513] : memref<3200000xi32, #tpu.memory_space<hbm>> -> memref<1024xi32, #tpu.memory_space<hbm>>
      tpu.wait_dma2 semaphore(%arg32 : memref<!tpu.dma_semaphore, #tpu.memory_space<semaphore_mem>>) src(%dma_wait3A_514 : memref<1024xi32, #tpu.memory_space<hbm>>) dst(%dma_wait3A_512 : memref<1024xi32, #tpu.memory_space<vmem>>)
      %dma_wait3A_515 = arith.constant 0 : i32
      %dma_wait3A_516 = tpu.memref_slice %arg23[%dma_wait3A_515] : memref<1040xf32, #tpu.memory_space<vmem>> -> memref<1024xf32, #tpu.memory_space<vmem>>
      %dma_wait3A_517 = arith.constant 0 : i32
      %dma_wait3A_518 = tpu.memref_slice %arg2[%dma_wait3A_517] : memref<3200000xf32, #tpu.memory_space<hbm>> -> memref<1024xf32, #tpu.memory_space<hbm>>
      %dma_wait3A_519 = arith.constant 0 : i32
      %dma_wait3A_520 = tpu.memref_slice %arg23[%dma_wait3A_519] : memref<1040xf32, #tpu.memory_space<vmem>> -> memref<1024xf32, #tpu.memory_space<vmem>>
      %dma_wait3A_521 = arith.constant 0 : i32
      %dma_wait3A_522 = tpu.memref_slice %arg2[%dma_wait3A_521] : memref<3200000xf32, #tpu.memory_space<hbm>> -> memref<1024xf32, #tpu.memory_space<hbm>>
      tpu.wait_dma2 semaphore(%arg32 : memref<!tpu.dma_semaphore, #tpu.memory_space<semaphore_mem>>) src(%dma_wait3A_522 : memref<1024xf32, #tpu.memory_space<hbm>>) dst(%dma_wait3A_520 : memref<1024xf32, #tpu.memory_space<vmem>>)
      %dma_wait3A_523 = arith.constant 0 : i32
      %dma_wait3A_524 = tpu.memref_slice %arg24[%dma_wait3A_523] : memref<1040xf32, #tpu.memory_space<vmem>> -> memref<1024xf32, #tpu.memory_space<vmem>>
      %dma_wait3A_525 = arith.constant 0 : i32
      %dma_wait3A_526 = tpu.memref_slice %arg2[%dma_wait3A_525] : memref<3200000xf32, #tpu.memory_space<hbm>> -> memref<1024xf32, #tpu.memory_space<hbm>>
      %dma_wait3A_527 = arith.constant 0 : i32
      %dma_wait3A_528 = tpu.memref_slice %arg24[%dma_wait3A_527] : memref<1040xf32, #tpu.memory_space<vmem>> -> memref<1024xf32, #tpu.memory_space<vmem>>
      %dma_wait3A_529 = arith.constant 0 : i32
      %dma_wait3A_530 = tpu.memref_slice %arg2[%dma_wait3A_529] : memref<3200000xf32, #tpu.memory_space<hbm>> -> memref<1024xf32, #tpu.memory_space<hbm>>
      tpu.wait_dma2 semaphore(%arg32 : memref<!tpu.dma_semaphore, #tpu.memory_space<semaphore_mem>>) src(%dma_wait3A_530 : memref<1024xf32, #tpu.memory_space<hbm>>) dst(%dma_wait3A_528 : memref<1024xf32, #tpu.memory_space<vmem>>)
      %dma_wait3A_531 = arith.constant 0 : i32
      %dma_wait3A_532 = tpu.memref_slice %arg25[%dma_wait3A_531] : memref<1040xf32, #tpu.memory_space<vmem>> -> memref<1024xf32, #tpu.memory_space<vmem>>
      %dma_wait3A_533 = arith.constant 0 : i32
      %dma_wait3A_534 = tpu.memref_slice %arg2[%dma_wait3A_533] : memref<3200000xf32, #tpu.memory_space<hbm>> -> memref<1024xf32, #tpu.memory_space<hbm>>
      %dma_wait3A_535 = arith.constant 0 : i32
      %dma_wait3A_536 = tpu.memref_slice %arg25[%dma_wait3A_535] : memref<1040xf32, #tpu.memory_space<vmem>> -> memref<1024xf32, #tpu.memory_space<vmem>>
      %dma_wait3A_537 = arith.constant 0 : i32
      %dma_wait3A_538 = tpu.memref_slice %arg2[%dma_wait3A_537] : memref<3200000xf32, #tpu.memory_space<hbm>> -> memref<1024xf32, #tpu.memory_space<hbm>>
      tpu.wait_dma2 semaphore(%arg32 : memref<!tpu.dma_semaphore, #tpu.memory_space<semaphore_mem>>) src(%dma_wait3A_538 : memref<1024xf32, #tpu.memory_space<hbm>>) dst(%dma_wait3A_536 : memref<1024xf32, #tpu.memory_space<vmem>>)
      %dma_wait3A_539 = arith.constant 0 : i32
      %dma_wait3A_540 = tpu.memref_slice %arg26[%dma_wait3A_539] : memref<1040xi32, #tpu.memory_space<vmem>> -> memref<1024xi32, #tpu.memory_space<vmem>>
      %dma_wait3A_541 = arith.constant 0 : i32
      %dma_wait3A_542 = tpu.memref_slice %arg5[%dma_wait3A_541] : memref<3200000xi32, #tpu.memory_space<hbm>> -> memref<1024xi32, #tpu.memory_space<hbm>>
      %dma_wait3A_543 = arith.constant 0 : i32
      %dma_wait3A_544 = tpu.memref_slice %arg26[%dma_wait3A_543] : memref<1040xi32, #tpu.memory_space<vmem>> -> memref<1024xi32, #tpu.memory_space<vmem>>
      %dma_wait3A_545 = arith.constant 0 : i32
      %dma_wait3A_546 = tpu.memref_slice %arg5[%dma_wait3A_545] : memref<3200000xi32, #tpu.memory_space<hbm>> -> memref<1024xi32, #tpu.memory_space<hbm>>
      tpu.wait_dma2 semaphore(%arg32 : memref<!tpu.dma_semaphore, #tpu.memory_space<semaphore_mem>>) src(%dma_wait3A_546 : memref<1024xi32, #tpu.memory_space<hbm>>) dst(%dma_wait3A_544 : memref<1024xi32, #tpu.memory_space<vmem>>)
      %scan3A_547 = arith.constant 0 : i32
      %scan3A_548 = arith.constant 0 : i32
      %scan3A_549 = arith.constant 64 : i32
      %scan3A_550 = arith.addi %scan3A_548, %scan3A_549 : i32
      %scan3A_551 = arith.constant 1 : i32
      scf.for %scan3A_553 = %scan3A_548 to %scan3A_550 step %scan3A_551  : i32 {
        %mul3A_554 = arith.constant 16 : i32
        %mul3A_555 = arith.muli %scan3A_553, %mul3A_554 : i32
        %get3A_556 = arith.index_cast %mul3A_555 : i32 to index
        %get3A_557 = tpu.vector_load %arg18[%get3A_556] {strides = array<i32>} : memref<1040xi32, #tpu.memory_space<vmem>>, vector<16xi32>,
        %sub3A_558 = vector.broadcast %mul3A_2 : i32 to vector<16xi32>
        %sub3A_559 = arith.subi %get3A_557, %sub3A_558 : vector<16xi32>
        %ge3A = arith.constant 0 : i32
        %ge3A_560 = vector.broadcast %ge3A : i32 to vector<16xi32>
        %ge3A_561 = arith.cmpi sge, %sub3A_559, %ge3A_560 : vector<16xi32>
        %lt3A = arith.constant 1563 : i32
        %lt3A_562 = vector.broadcast %lt3A : i32 to vector<16xi32>
        %lt3A_563 = arith.cmpi slt, %sub3A_559, %lt3A_562 : vector<16xi32>
        %and3A_564 = arith.andi %ge3A_561, %lt3A_563 : vector<16xi1>
        %jit3A_565 = arith.constant 1567 : i32
        %broadcast_in_dim3A_566 = vector.broadcast %jit3A_565 : i32 to vector<16xi32>
        %select_n3A_567 = arith.select %and3A_564, %sub3A_559, %broadcast_in_dim3A_566 : vector<16xi1>, vector<16xi32>
        %mul3A_568 = arith.constant 16 : i32
        %mul3A_569 = vector.broadcast %mul3A_568 : i32 to vector<16xi32>
        %mul3A_570 = arith.muli %select_n3A_567, %mul3A_569 : vector<16xi32>
        %get3A_571 = arith.index_cast %mul3A_555 : i32 to index
        %get3A_572 = tpu.vector_load %arg15[%get3A_571] {strides = array<i32>} : memref<1040xf32, #tpu.memory_space<vmem>>, vector<16xf32>,
        %get3A_573 = arith.index_cast %mul3A_555 : i32 to index
        %get3A_574 = tpu.vector_load %arg16[%get3A_573] {strides = array<i32>} : memref<1040xf32, #tpu.memory_space<vmem>>, vector<16xf32>,
        %get3A_575 = arith.index_cast %mul3A_555 : i32 to index
        %get3A_576 = tpu.vector_load %arg17[%get3A_575] {strides = array<i32>} : memref<1040xf32, #tpu.memory_space<vmem>>, vector<16xf32>,
        %get3A_577 = arith.index_cast %mul3A_555 : i32 to index
        %get3A_578 = tpu.vector_load %arg26[%get3A_577] {strides = array<i32>} : memref<1040xi32, #tpu.memory_space<vmem>>, vector<16xi32>,
        %sub3A_579 = vector.broadcast %add3A_4 : i32 to vector<16xi32>
        %sub3A_580 = arith.subi %get3A_578, %sub3A_579 : vector<16xi32>
        %ge3A_581 = arith.constant 0 : i32
        %ge3A_582 = vector.broadcast %ge3A_581 : i32 to vector<16xi32>
        %ge3A_583 = arith.cmpi sge, %sub3A_580, %ge3A_582 : vector<16xi32>
        %lt3A_584 = arith.constant 1562 : i32
        %lt3A_585 = vector.broadcast %lt3A_584 : i32 to vector<16xi32>
        %lt3A_586 = arith.cmpi slt, %sub3A_580, %lt3A_585 : vector<16xi32>
        %and3A_587 = arith.andi %ge3A_583, %lt3A_586 : vector<16xi1>
        %jit3A_588 = arith.constant 1567 : i32
        %broadcast_in_dim3A_589 = vector.broadcast %jit3A_588 : i32 to vector<16xi32>
        %select_n3A_590 = arith.select %and3A_587, %sub3A_580, %broadcast_in_dim3A_589 : vector<16xi1>, vector<16xi32>
        %mul3A_591 = arith.constant 16 : i32
        %mul3A_592 = vector.broadcast %mul3A_591 : i32 to vector<16xi32>
        %mul3A_593 = arith.muli %select_n3A_590, %mul3A_592 : vector<16xi32>
        %get3A_594 = arith.index_cast %mul3A_555 : i32 to index
        %get3A_595 = tpu.vector_load %arg23[%get3A_594] {strides = array<i32>} : memref<1040xf32, #tpu.memory_space<vmem>>, vector<16xf32>,
        %get3A_596 = arith.index_cast %mul3A_555 : i32 to index
        %get3A_597 = tpu.vector_load %arg24[%get3A_596] {strides = array<i32>} : memref<1040xf32, #tpu.memory_space<vmem>>, vector<16xf32>,
        %get3A_598 = arith.index_cast %mul3A_555 : i32 to index
        %get3A_599 = tpu.vector_load %arg25[%get3A_598] {strides = array<i32>} : memref<1040xf32, #tpu.memory_space<vmem>>, vector<16xf32>,
        %slice3A = vector.extract_strided_slice %get3A_572 {offsets = [0], sizes = [1], strides = [1]} : vector<16xf32> to vector<1xf32>
        %squeeze3A = vector.extract %slice3A[0] : f32 from vector<1xf32>
        %mul3A_600 = vector.broadcast %squeeze3A : f32 to vector<16xf32>
        %mul3A_601 = arith.mulf %mul3A_600, %get3A_7 : vector<16xf32>
        %slice3A_602 = vector.extract_strided_slice %get3A_574 {offsets = [0], sizes = [1], strides = [1]} : vector<16xf32> to vector<1xf32>
        %squeeze3A_603 = vector.extract %slice3A_602[0] : f32 from vector<1xf32>
        %mul3A_604 = vector.broadcast %squeeze3A_603 : f32 to vector<16xf32>
        %mul3A_605 = arith.mulf %mul3A_604, %get3A_11 : vector<16xf32>
        %add3A_606 = arith.addf %mul3A_601, %mul3A_605 : vector<16xf32>
        %slice3A_607 = vector.extract_strided_slice %get3A_576 {offsets = [0], sizes = [1], strides = [1]} : vector<16xf32> to vector<1xf32>
        %squeeze3A_608 = vector.extract %slice3A_607[0] : f32 from vector<1xf32>
        %mul3A_609 = vector.broadcast %squeeze3A_608 : f32 to vector<16xf32>
        %mul3A_610 = arith.mulf %mul3A_609, %get3A_15 : vector<16xf32>
        %add3A_611 = arith.addf %mul3A_610, %get3A_19 : vector<16xf32>
        %add3A_612 = arith.addf %add3A_606, %add3A_611 : vector<16xf32>
        %slice3A_613 = vector.extract_strided_slice %mul3A_570 {offsets = [0], sizes = [1], strides = [1]} : vector<16xi32> to vector<1xi32>
        %squeeze3A_614 = vector.extract %slice3A_613[0] : i32 from vector<1xi32>
        %add3A_615 = vector.broadcast %squeeze3A_614 : i32 to vector<16xi32>
        %add3A_616 = arith.addi %add3A_615, %iota3A : vector<16xi32>
        %slice3A_617 = vector.extract_strided_slice %get3A_595 {offsets = [0], sizes = [1], strides = [1]} : vector<16xf32> to vector<1xf32>
        %squeeze3A_618 = vector.extract %slice3A_617[0] : f32 from vector<1xf32>
        %mul3A_619 = vector.broadcast %squeeze3A_618 : f32 to vector<16xf32>
        %mul3A_620 = arith.mulf %mul3A_619, %get3A_7 : vector<16xf32>
        %slice3A_621 = vector.extract_strided_slice %get3A_597 {offsets = [0], sizes = [1], strides = [1]} : vector<16xf32> to vector<1xf32>
        %squeeze3A_622 = vector.extract %slice3A_621[0] : f32 from vector<1xf32>
        %mul3A_623 = vector.broadcast %squeeze3A_622 : f32 to vector<16xf32>
        %mul3A_624 = arith.mulf %mul3A_623, %get3A_11 : vector<16xf32>
        %add3A_625 = arith.addf %mul3A_620, %mul3A_624 : vector<16xf32>
        %slice3A_626 = vector.extract_strided_slice %get3A_599 {offsets = [0], sizes = [1], strides = [1]} : vector<16xf32> to vector<1xf32>
        %squeeze3A_627 = vector.extract %slice3A_626[0] : f32 from vector<1xf32>
        %mul3A_628 = vector.broadcast %squeeze3A_627 : f32 to vector<16xf32>
        %mul3A_629 = arith.mulf %mul3A_628, %get3A_15 : vector<16xf32>
        %add3A_630 = arith.addf %mul3A_629, %get3A_19 : vector<16xf32>
        %add3A_631 = arith.addf %add3A_625, %add3A_630 : vector<16xf32>
        %slice3A_632 = vector.extract_strided_slice %mul3A_593 {offsets = [0], sizes = [1], strides = [1]} : vector<16xi32> to vector<1xi32>
        %squeeze3A_633 = vector.extract %slice3A_632[0] : i32 from vector<1xi32>
        %add3A_634 = vector.broadcast %squeeze3A_633 : i32 to vector<16xi32>
        %add3A_635 = arith.addi %add3A_634, %iota3A : vector<16xi32>
        %slice3A_636 = vector.extract_strided_slice %get3A_572 {offsets = [1], sizes = [1], strides = [1]} : vector<16xf32> to vector<1xf32>
        %squeeze3A_637 = vector.extract %slice3A_636[0] : f32 from vector<1xf32>
        %mul3A_638 = vector.broadcast %squeeze3A_637 : f32 to vector<16xf32>
        %mul3A_639 = arith.mulf %mul3A_638, %get3A_7 : vector<16xf32>
        %slice3A_640 = vector.extract_strided_slice %get3A_574 {offsets = [1], sizes = [1], strides = [1]} : vector<16xf32> to vector<1xf32>
        %squeeze3A_641 = vector.extract %slice3A_640[0] : f32 from vector<1xf32>
        %mul3A_642 = vector.broadcast %squeeze3A_641 : f32 to vector<16xf32>
        %mul3A_643 = arith.mulf %mul3A_642, %get3A_11 : vector<16xf32>
        %add3A_644 = arith.addf %mul3A_639, %mul3A_643 : vector<16xf32>
        %slice3A_645 = vector.extract_strided_slice %get3A_576 {offsets = [1], sizes = [1], strides = [1]} : vector<16xf32> to vector<1xf32>
        %squeeze3A_646 = vector.extract %slice3A_645[0] : f32 from vector<1xf32>
        %mul3A_647 = vector.broadcast %squeeze3A_646 : f32 to vector<16xf32>
        %mul3A_648 = arith.mulf %mul3A_647, %get3A_15 : vector<16xf32>
        %add3A_649 = arith.addf %mul3A_648, %get3A_19 : vector<16xf32>
        %add3A_650 = arith.addf %add3A_644, %add3A_649 : vector<16xf32>
        %slice3A_651 = vector.extract_strided_slice %mul3A_570 {offsets = [1], sizes = [1], strides = [1]} : vector<16xi32> to vector<1xi32>
        %squeeze3A_652 = vector.extract %slice3A_651[0] : i32 from vector<1xi32>
        %add3A_653 = vector.broadcast %squeeze3A_652 : i32 to vector<16xi32>
        %add3A_654 = arith.addi %add3A_653, %iota3A : vector<16xi32>
        %slice3A_655 = vector.extract_strided_slice %get3A_595 {offsets = [1], sizes = [1], strides = [1]} : vector<16xf32> to vector<1xf32>
        %squeeze3A_656 = vector.extract %slice3A_655[0] : f32 from vector<1xf32>
        %mul3A_657 = vector.broadcast %squeeze3A_656 : f32 to vector<16xf32>
        %mul3A_658 = arith.mulf %mul3A_657, %get3A_7 : vector<16xf32>
        %slice3A_659 = vector.extract_strided_slice %get3A_597 {offsets = [1], sizes = [1], strides = [1]} : vector<16xf32> to vector<1xf32>
        %squeeze3A_660 = vector.extract %slice3A_659[0] : f32 from vector<1xf32>
        %mul3A_661 = vector.broadcast %squeeze3A_660 : f32 to vector<16xf32>
        %mul3A_662 = arith.mulf %mul3A_661, %get3A_11 : vector<16xf32>
        %add3A_663 = arith.addf %mul3A_658, %mul3A_662 : vector<16xf32>
        %slice3A_664 = vector.extract_strided_slice %get3A_599 {offsets = [1], sizes = [1], strides = [1]} : vector<16xf32> to vector<1xf32>
        %squeeze3A_665 = vector.extract %slice3A_664[0] : f32 from vector<1xf32>
        %mul3A_666 = vector.broadcast %squeeze3A_665 : f32 to vector<16xf32>
        %mul3A_667 = arith.mulf %mul3A_666, %get3A_15 : vector<16xf32>
        %add3A_668 = arith.addf %mul3A_667, %get3A_19 : vector<16xf32>
        %add3A_669 = arith.addf %add3A_663, %add3A_668 : vector<16xf32>
        %slice3A_670 = vector.extract_strided_slice %mul3A_593 {offsets = [1], sizes = [1], strides = [1]} : vector<16xi32> to vector<1xi32>
        %squeeze3A_671 = vector.extract %slice3A_670[0] : i32 from vector<1xi32>
        %add3A_672 = vector.broadcast %squeeze3A_671 : i32 to vector<16xi32>
        %add3A_673 = arith.addi %add3A_672, %iota3A : vector<16xi32>
        %slice3A_674 = vector.extract_strided_slice %get3A_572 {offsets = [2], sizes = [1], strides = [1]} : vector<16xf32> to vector<1xf32>
        %squeeze3A_675 = vector.extract %slice3A_674[0] : f32 from vector<1xf32>
        %mul3A_676 = vector.broadcast %squeeze3A_675 : f32 to vector<16xf32>
        %mul3A_677 = arith.mulf %mul3A_676, %get3A_7 : vector<16xf32>
        %slice3A_678 = vector.extract_strided_slice %get3A_574 {offsets = [2], sizes = [1], strides = [1]} : vector<16xf32> to vector<1xf32>
        %squeeze3A_679 = vector.extract %slice3A_678[0] : f32 from vector<1xf32>
        %mul3A_680 = vector.broadcast %squeeze3A_679 : f32 to vector<16xf32>
        %mul3A_681 = arith.mulf %mul3A_680, %get3A_11 : vector<16xf32>
        %add3A_682 = arith.addf %mul3A_677, %mul3A_681 : vector<16xf32>
        %slice3A_683 = vector.extract_strided_slice %get3A_576 {offsets = [2], sizes = [1], strides = [1]} : vector<16xf32> to vector<1xf32>
        %squeeze3A_684 = vector.extract %slice3A_683[0] : f32 from vector<1xf32>
        %mul3A_685 = vector.broadcast %squeeze3A_684 : f32 to vector<16xf32>
        %mul3A_686 = arith.mulf %mul3A_685, %get3A_15 : vector<16xf32>
        %add3A_687 = arith.addf %mul3A_686, %get3A_19 : vector<16xf32>
        %add3A_688 = arith.addf %add3A_682, %add3A_687 : vector<16xf32>
        %slice3A_689 = vector.extract_strided_slice %mul3A_570 {offsets = [2], sizes = [1], strides = [1]} : vector<16xi32> to vector<1xi32>
        %squeeze3A_690 = vector.extract %slice3A_689[0] : i32 from vector<1xi32>
        %add3A_691 = vector.broadcast %squeeze3A_690 : i32 to vector<16xi32>
        %add3A_692 = arith.addi %add3A_691, %iota3A : vector<16xi32>
        %slice3A_693 = vector.extract_strided_slice %get3A_595 {offsets = [2], sizes = [1], strides = [1]} : vector<16xf32> to vector<1xf32>
        %squeeze3A_694 = vector.extract %slice3A_693[0] : f32 from vector<1xf32>
        %mul3A_695 = vector.broadcast %squeeze3A_694 : f32 to vector<16xf32>
        %mul3A_696 = arith.mulf %mul3A_695, %get3A_7 : vector<16xf32>
        %slice3A_697 = vector.extract_strided_slice %get3A_597 {offsets = [2], sizes = [1], strides = [1]} : vector<16xf32> to vector<1xf32>
        %squeeze3A_698 = vector.extract %slice3A_697[0] : f32 from vector<1xf32>
        %mul3A_699 = vector.broadcast %squeeze3A_698 : f32 to vector<16xf32>
        %mul3A_700 = arith.mulf %mul3A_699, %get3A_11 : vector<16xf32>
        %add3A_701 = arith.addf %mul3A_696, %mul3A_700 : vector<16xf32>
        %slice3A_702 = vector.extract_strided_slice %get3A_599 {offsets = [2], sizes = [1], strides = [1]} : vector<16xf32> to vector<1xf32>
        %squeeze3A_703 = vector.extract %slice3A_702[0] : f32 from vector<1xf32>
        %mul3A_704 = vector.broadcast %squeeze3A_703 : f32 to vector<16xf32>
        %mul3A_705 = arith.mulf %mul3A_704, %get3A_15 : vector<16xf32>
        %add3A_706 = arith.addf %mul3A_705, %get3A_19 : vector<16xf32>
        %add3A_707 = arith.addf %add3A_701, %add3A_706 : vector<16xf32>
        %slice3A_708 = vector.extract_strided_slice %mul3A_593 {offsets = [2], sizes = [1], strides = [1]} : vector<16xi32> to vector<1xi32>
        %squeeze3A_709 = vector.extract %slice3A_708[0] : i32 from vector<1xi32>
        %add3A_710 = vector.broadcast %squeeze3A_709 : i32 to vector<16xi32>
        %add3A_711 = arith.addi %add3A_710, %iota3A : vector<16xi32>
        %slice3A_712 = vector.extract_strided_slice %get3A_572 {offsets = [3], sizes = [1], strides = [1]} : vector<16xf32> to vector<1xf32>
        %squeeze3A_713 = vector.extract %slice3A_712[0] : f32 from vector<1xf32>
        %mul3A_714 = vector.broadcast %squeeze3A_713 : f32 to vector<16xf32>
        %mul3A_715 = arith.mulf %mul3A_714, %get3A_7 : vector<16xf32>
        %slice3A_716 = vector.extract_strided_slice %get3A_574 {offsets = [3], sizes = [1], strides = [1]} : vector<16xf32> to vector<1xf32>
        %squeeze3A_717 = vector.extract %slice3A_716[0] : f32 from vector<1xf32>
        %mul3A_718 = vector.broadcast %squeeze3A_717 : f32 to vector<16xf32>
        %mul3A_719 = arith.mulf %mul3A_718, %get3A_11 : vector<16xf32>
        %add3A_720 = arith.addf %mul3A_715, %mul3A_719 : vector<16xf32>
        %slice3A_721 = vector.extract_strided_slice %get3A_576 {offsets = [3], sizes = [1], strides = [1]} : vector<16xf32> to vector<1xf32>
        %squeeze3A_722 = vector.extract %slice3A_721[0] : f32 from vector<1xf32>
        %mul3A_723 = vector.broadcast %squeeze3A_722 : f32 to vector<16xf32>
        %mul3A_724 = arith.mulf %mul3A_723, %get3A_15 : vector<16xf32>
        %add3A_725 = arith.addf %mul3A_724, %get3A_19 : vector<16xf32>
        %add3A_726 = arith.addf %add3A_720, %add3A_725 : vector<16xf32>
        %slice3A_727 = vector.extract_strided_slice %mul3A_570 {offsets = [3], sizes = [1], strides = [1]} : vector<16xi32> to vector<1xi32>
        %squeeze3A_728 = vector.extract %slice3A_727[0] : i32 from vector<1xi32>
        %add3A_729 = vector.broadcast %squeeze3A_728 : i32 to vector<16xi32>
        %add3A_730 = arith.addi %add3A_729, %iota3A : vector<16xi32>
        %slice3A_731 = vector.extract_strided_slice %get3A_595 {offsets = [3], sizes = [1], strides = [1]} : vector<16xf32> to vector<1xf32>
        %squeeze3A_732 = vector.extract %slice3A_731[0] : f32 from vector<1xf32>
        %mul3A_733 = vector.broadcast %squeeze3A_732 : f32 to vector<16xf32>
        %mul3A_734 = arith.mulf %mul3A_733, %get3A_7 : vector<16xf32>
        %slice3A_735 = vector.extract_strided_slice %get3A_597 {offsets = [3], sizes = [1], strides = [1]} : vector<16xf32> to vector<1xf32>
        %squeeze3A_736 = vector.extract %slice3A_735[0] : f32 from vector<1xf32>
        %mul3A_737 = vector.broadcast %squeeze3A_736 : f32 to vector<16xf32>
        %mul3A_738 = arith.mulf %mul3A_737, %get3A_11 : vector<16xf32>
        %add3A_739 = arith.addf %mul3A_734, %mul3A_738 : vector<16xf32>
        %slice3A_740 = vector.extract_strided_slice %get3A_599 {offsets = [3], sizes = [1], strides = [1]} : vector<16xf32> to vector<1xf32>
        %squeeze3A_741 = vector.extract %slice3A_740[0] : f32 from vector<1xf32>
        %mul3A_742 = vector.broadcast %squeeze3A_741 : f32 to vector<16xf32>
        %mul3A_743 = arith.mulf %mul3A_742, %get3A_15 : vector<16xf32>
        %add3A_744 = arith.addf %mul3A_743, %get3A_19 : vector<16xf32>
        %add3A_745 = arith.addf %add3A_739, %add3A_744 : vector<16xf32>
        %slice3A_746 = vector.extract_strided_slice %mul3A_593 {offsets = [3], sizes = [1], strides = [1]} : vector<16xi32> to vector<1xi32>
        %squeeze3A_747 = vector.extract %slice3A_746[0] : i32 from vector<1xi32>
        %add3A_748 = vector.broadcast %squeeze3A_747 : i32 to vector<16xi32>
        %add3A_749 = arith.addi %add3A_748, %iota3A : vector<16xi32>
        %slice3A_750 = vector.extract_strided_slice %get3A_572 {offsets = [4], sizes = [1], strides = [1]} : vector<16xf32> to vector<1xf32>
        %squeeze3A_751 = vector.extract %slice3A_750[0] : f32 from vector<1xf32>
        %mul3A_752 = vector.broadcast %squeeze3A_751 : f32 to vector<16xf32>
        %mul3A_753 = arith.mulf %mul3A_752, %get3A_7 : vector<16xf32>
        %slice3A_754 = vector.extract_strided_slice %get3A_574 {offsets = [4], sizes = [1], strides = [1]} : vector<16xf32> to vector<1xf32>
        %squeeze3A_755 = vector.extract %slice3A_754[0] : f32 from vector<1xf32>
        %mul3A_756 = vector.broadcast %squeeze3A_755 : f32 to vector<16xf32>
        %mul3A_757 = arith.mulf %mul3A_756, %get3A_11 : vector<16xf32>
        %add3A_758 = arith.addf %mul3A_753, %mul3A_757 : vector<16xf32>
        %slice3A_759 = vector.extract_strided_slice %get3A_576 {offsets = [4], sizes = [1], strides = [1]} : vector<16xf32> to vector<1xf32>
        %squeeze3A_760 = vector.extract %slice3A_759[0] : f32 from vector<1xf32>
        %mul3A_761 = vector.broadcast %squeeze3A_760 : f32 to vector<16xf32>
        %mul3A_762 = arith.mulf %mul3A_761, %get3A_15 : vector<16xf32>
        %add3A_763 = arith.addf %mul3A_762, %get3A_19 : vector<16xf32>
        %add3A_764 = arith.addf %add3A_758, %add3A_763 : vector<16xf32>
        %slice3A_765 = vector.extract_strided_slice %mul3A_570 {offsets = [4], sizes = [1], strides = [1]} : vector<16xi32> to vector<1xi32>
        %squeeze3A_766 = vector.extract %slice3A_765[0] : i32 from vector<1xi32>
        %add3A_767 = vector.broadcast %squeeze3A_766 : i32 to vector<16xi32>
        %add3A_768 = arith.addi %add3A_767, %iota3A : vector<16xi32>
        %slice3A_769 = vector.extract_strided_slice %get3A_595 {offsets = [4], sizes = [1], strides = [1]} : vector<16xf32> to vector<1xf32>
        %squeeze3A_770 = vector.extract %slice3A_769[0] : f32 from vector<1xf32>
        %mul3A_771 = vector.broadcast %squeeze3A_770 : f32 to vector<16xf32>
        %mul3A_772 = arith.mulf %mul3A_771, %get3A_7 : vector<16xf32>
        %slice3A_773 = vector.extract_strided_slice %get3A_597 {offsets = [4], sizes = [1], strides = [1]} : vector<16xf32> to vector<1xf32>
        %squeeze3A_774 = vector.extract %slice3A_773[0] : f32 from vector<1xf32>
        %mul3A_775 = vector.broadcast %squeeze3A_774 : f32 to vector<16xf32>
        %mul3A_776 = arith.mulf %mul3A_775, %get3A_11 : vector<16xf32>
        %add3A_777 = arith.addf %mul3A_772, %mul3A_776 : vector<16xf32>
        %slice3A_778 = vector.extract_strided_slice %get3A_599 {offsets = [4], sizes = [1], strides = [1]} : vector<16xf32> to vector<1xf32>
        %squeeze3A_779 = vector.extract %slice3A_778[0] : f32 from vector<1xf32>
        %mul3A_780 = vector.broadcast %squeeze3A_779 : f32 to vector<16xf32>
        %mul3A_781 = arith.mulf %mul3A_780, %get3A_15 : vector<16xf32>
        %add3A_782 = arith.addf %mul3A_781, %get3A_19 : vector<16xf32>
        %add3A_783 = arith.addf %add3A_777, %add3A_782 : vector<16xf32>
        %slice3A_784 = vector.extract_strided_slice %mul3A_593 {offsets = [4], sizes = [1], strides = [1]} : vector<16xi32> to vector<1xi32>
        %squeeze3A_785 = vector.extract %slice3A_784[0] : i32 from vector<1xi32>
        %add3A_786 = vector.broadcast %squeeze3A_785 : i32 to vector<16xi32>
        %add3A_787 = arith.addi %add3A_786, %iota3A : vector<16xi32>
        %slice3A_788 = vector.extract_strided_slice %get3A_572 {offsets = [5], sizes = [1], strides = [1]} : vector<16xf32> to vector<1xf32>
        %squeeze3A_789 = vector.extract %slice3A_788[0] : f32 from vector<1xf32>
        %mul3A_790 = vector.broadcast %squeeze3A_789 : f32 to vector<16xf32>
        %mul3A_791 = arith.mulf %mul3A_790, %get3A_7 : vector<16xf32>
        %slice3A_792 = vector.extract_strided_slice %get3A_574 {offsets = [5], sizes = [1], strides = [1]} : vector<16xf32> to vector<1xf32>
        %squeeze3A_793 = vector.extract %slice3A_792[0] : f32 from vector<1xf32>
        %mul3A_794 = vector.broadcast %squeeze3A_793 : f32 to vector<16xf32>
        %mul3A_795 = arith.mulf %mul3A_794, %get3A_11 : vector<16xf32>
        %add3A_796 = arith.addf %mul3A_791, %mul3A_795 : vector<16xf32>
        %slice3A_797 = vector.extract_strided_slice %get3A_576 {offsets = [5], sizes = [1], strides = [1]} : vector<16xf32> to vector<1xf32>
        %squeeze3A_798 = vector.extract %slice3A_797[0] : f32 from vector<1xf32>
        %mul3A_799 = vector.broadcast %squeeze3A_798 : f32 to vector<16xf32>
        %mul3A_800 = arith.mulf %mul3A_799, %get3A_15 : vector<16xf32>
        %add3A_801 = arith.addf %mul3A_800, %get3A_19 : vector<16xf32>
        %add3A_802 = arith.addf %add3A_796, %add3A_801 : vector<16xf32>
        %slice3A_803 = vector.extract_strided_slice %mul3A_570 {offsets = [5], sizes = [1], strides = [1]} : vector<16xi32> to vector<1xi32>
        %squeeze3A_804 = vector.extract %slice3A_803[0] : i32 from vector<1xi32>
        %add3A_805 = vector.broadcast %squeeze3A_804 : i32 to vector<16xi32>
        %add3A_806 = arith.addi %add3A_805, %iota3A : vector<16xi32>
        %slice3A_807 = vector.extract_strided_slice %get3A_595 {offsets = [5], sizes = [1], strides = [1]} : vector<16xf32> to vector<1xf32>
        %squeeze3A_808 = vector.extract %slice3A_807[0] : f32 from vector<1xf32>
        %mul3A_809 = vector.broadcast %squeeze3A_808 : f32 to vector<16xf32>
        %mul3A_810 = arith.mulf %mul3A_809, %get3A_7 : vector<16xf32>
        %slice3A_811 = vector.extract_strided_slice %get3A_597 {offsets = [5], sizes = [1], strides = [1]} : vector<16xf32> to vector<1xf32>
        %squeeze3A_812 = vector.extract %slice3A_811[0] : f32 from vector<1xf32>
        %mul3A_813 = vector.broadcast %squeeze3A_812 : f32 to vector<16xf32>
        %mul3A_814 = arith.mulf %mul3A_813, %get3A_11 : vector<16xf32>
        %add3A_815 = arith.addf %mul3A_810, %mul3A_814 : vector<16xf32>
        %slice3A_816 = vector.extract_strided_slice %get3A_599 {offsets = [5], sizes = [1], strides = [1]} : vector<16xf32> to vector<1xf32>
        %squeeze3A_817 = vector.extract %slice3A_816[0] : f32 from vector<1xf32>
        %mul3A_818 = vector.broadcast %squeeze3A_817 : f32 to vector<16xf32>
        %mul3A_819 = arith.mulf %mul3A_818, %get3A_15 : vector<16xf32>
        %add3A_820 = arith.addf %mul3A_819, %get3A_19 : vector<16xf32>
        %add3A_821 = arith.addf %add3A_815, %add3A_820 : vector<16xf32>
        %slice3A_822 = vector.extract_strided_slice %mul3A_593 {offsets = [5], sizes = [1], strides = [1]} : vector<16xi32> to vector<1xi32>
        %squeeze3A_823 = vector.extract %slice3A_822[0] : i32 from vector<1xi32>
        %add3A_824 = vector.broadcast %squeeze3A_823 : i32 to vector<16xi32>
        %add3A_825 = arith.addi %add3A_824, %iota3A : vector<16xi32>
        %slice3A_826 = vector.extract_strided_slice %get3A_572 {offsets = [6], sizes = [1], strides = [1]} : vector<16xf32> to vector<1xf32>
        %squeeze3A_827 = vector.extract %slice3A_826[0] : f32 from vector<1xf32>
        %mul3A_828 = vector.broadcast %squeeze3A_827 : f32 to vector<16xf32>
        %mul3A_829 = arith.mulf %mul3A_828, %get3A_7 : vector<16xf32>
        %slice3A_830 = vector.extract_strided_slice %get3A_574 {offsets = [6], sizes = [1], strides = [1]} : vector<16xf32> to vector<1xf32>
        %squeeze3A_831 = vector.extract %slice3A_830[0] : f32 from vector<1xf32>
        %mul3A_832 = vector.broadcast %squeeze3A_831 : f32 to vector<16xf32>
        %mul3A_833 = arith.mulf %mul3A_832, %get3A_11 : vector<16xf32>
        %add3A_834 = arith.addf %mul3A_829, %mul3A_833 : vector<16xf32>
        %slice3A_835 = vector.extract_strided_slice %get3A_576 {offsets = [6], sizes = [1], strides = [1]} : vector<16xf32> to vector<1xf32>
        %squeeze3A_836 = vector.extract %slice3A_835[0] : f32 from vector<1xf32>
        %mul3A_837 = vector.broadcast %squeeze3A_836 : f32 to vector<16xf32>
        %mul3A_838 = arith.mulf %mul3A_837, %get3A_15 : vector<16xf32>
        %add3A_839 = arith.addf %mul3A_838, %get3A_19 : vector<16xf32>
        %add3A_840 = arith.addf %add3A_834, %add3A_839 : vector<16xf32>
        %slice3A_841 = vector.extract_strided_slice %mul3A_570 {offsets = [6], sizes = [1], strides = [1]} : vector<16xi32> to vector<1xi32>
        %squeeze3A_842 = vector.extract %slice3A_841[0] : i32 from vector<1xi32>
        %add3A_843 = vector.broadcast %squeeze3A_842 : i32 to vector<16xi32>
        %add3A_844 = arith.addi %add3A_843, %iota3A : vector<16xi32>
        %slice3A_845 = vector.extract_strided_slice %get3A_595 {offsets = [6], sizes = [1], strides = [1]} : vector<16xf32> to vector<1xf32>
        %squeeze3A_846 = vector.extract %slice3A_845[0] : f32 from vector<1xf32>
        %mul3A_847 = vector.broadcast %squeeze3A_846 : f32 to vector<16xf32>
        %mul3A_848 = arith.mulf %mul3A_847, %get3A_7 : vector<16xf32>
        %slice3A_849 = vector.extract_strided_slice %get3A_597 {offsets = [6], sizes = [1], strides = [1]} : vector<16xf32> to vector<1xf32>
        %squeeze3A_850 = vector.extract %slice3A_849[0] : f32 from vector<1xf32>
        %mul3A_851 = vector.broadcast %squeeze3A_850 : f32 to vector<16xf32>
        %mul3A_852 = arith.mulf %mul3A_851, %get3A_11 : vector<16xf32>
        %add3A_853 = arith.addf %mul3A_848, %mul3A_852 : vector<16xf32>
        %slice3A_854 = vector.extract_strided_slice %get3A_599 {offsets = [6], sizes = [1], strides = [1]} : vector<16xf32> to vector<1xf32>
        %squeeze3A_855 = vector.extract %slice3A_854[0] : f32 from vector<1xf32>
        %mul3A_856 = vector.broadcast %squeeze3A_855 : f32 to vector<16xf32>
        %mul3A_857 = arith.mulf %mul3A_856, %get3A_15 : vector<16xf32>
        %add3A_858 = arith.addf %mul3A_857, %get3A_19 : vector<16xf32>
        %add3A_859 = arith.addf %add3A_853, %add3A_858 : vector<16xf32>
        %slice3A_860 = vector.extract_strided_slice %mul3A_593 {offsets = [6], sizes = [1], strides = [1]} : vector<16xi32> to vector<1xi32>
        %squeeze3A_861 = vector.extract %slice3A_860[0] : i32 from vector<1xi32>
        %add3A_862 = vector.broadcast %squeeze3A_861 : i32 to vector<16xi32>
        %add3A_863 = arith.addi %add3A_862, %iota3A : vector<16xi32>
        %slice3A_864 = vector.extract_strided_slice %get3A_572 {offsets = [7], sizes = [1], strides = [1]} : vector<16xf32> to vector<1xf32>
        %squeeze3A_865 = vector.extract %slice3A_864[0] : f32 from vector<1xf32>
        %mul3A_866 = vector.broadcast %squeeze3A_865 : f32 to vector<16xf32>
        %mul3A_867 = arith.mulf %mul3A_866, %get3A_7 : vector<16xf32>
        %slice3A_868 = vector.extract_strided_slice %get3A_574 {offsets = [7], sizes = [1], strides = [1]} : vector<16xf32> to vector<1xf32>
        %squeeze3A_869 = vector.extract %slice3A_868[0] : f32 from vector<1xf32>
        %mul3A_870 = vector.broadcast %squeeze3A_869 : f32 to vector<16xf32>
        %mul3A_871 = arith.mulf %mul3A_870, %get3A_11 : vector<16xf32>
        %add3A_872 = arith.addf %mul3A_867, %mul3A_871 : vector<16xf32>
        %slice3A_873 = vector.extract_strided_slice %get3A_576 {offsets = [7], sizes = [1], strides = [1]} : vector<16xf32> to vector<1xf32>
        %squeeze3A_874 = vector.extract %slice3A_873[0] : f32 from vector<1xf32>
        %mul3A_875 = vector.broadcast %squeeze3A_874 : f32 to vector<16xf32>
        %mul3A_876 = arith.mulf %mul3A_875, %get3A_15 : vector<16xf32>
        %add3A_877 = arith.addf %mul3A_876, %get3A_19 : vector<16xf32>
        %add3A_878 = arith.addf %add3A_872, %add3A_877 : vector<16xf32>
        %slice3A_879 = vector.extract_strided_slice %mul3A_570 {offsets = [7], sizes = [1], strides = [1]} : vector<16xi32> to vector<1xi32>
        %squeeze3A_880 = vector.extract %slice3A_879[0] : i32 from vector<1xi32>
        %add3A_881 = vector.broadcast %squeeze3A_880 : i32 to vector<16xi32>
        %add3A_882 = arith.addi %add3A_881, %iota3A : vector<16xi32>
        %slice3A_883 = vector.extract_strided_slice %get3A_595 {offsets = [7], sizes = [1], strides = [1]} : vector<16xf32> to vector<1xf32>
        %squeeze3A_884 = vector.extract %slice3A_883[0] : f32 from vector<1xf32>
        %mul3A_885 = vector.broadcast %squeeze3A_884 : f32 to vector<16xf32>
        %mul3A_886 = arith.mulf %mul3A_885, %get3A_7 : vector<16xf32>
        %slice3A_887 = vector.extract_strided_slice %get3A_597 {offsets = [7], sizes = [1], strides = [1]} : vector<16xf32> to vector<1xf32>
        %squeeze3A_888 = vector.extract %slice3A_887[0] : f32 from vector<1xf32>
        %mul3A_889 = vector.broadcast %squeeze3A_888 : f32 to vector<16xf32>
        %mul3A_890 = arith.mulf %mul3A_889, %get3A_11 : vector<16xf32>
        %add3A_891 = arith.addf %mul3A_886, %mul3A_890 : vector<16xf32>
        %slice3A_892 = vector.extract_strided_slice %get3A_599 {offsets = [7], sizes = [1], strides = [1]} : vector<16xf32> to vector<1xf32>
        %squeeze3A_893 = vector.extract %slice3A_892[0] : f32 from vector<1xf32>
        %mul3A_894 = vector.broadcast %squeeze3A_893 : f32 to vector<16xf32>
        %mul3A_895 = arith.mulf %mul3A_894, %get3A_15 : vector<16xf32>
        %add3A_896 = arith.addf %mul3A_895, %get3A_19 : vector<16xf32>
        %add3A_897 = arith.addf %add3A_891, %add3A_896 : vector<16xf32>
        %slice3A_898 = vector.extract_strided_slice %mul3A_593 {offsets = [7], sizes = [1], strides = [1]} : vector<16xi32> to vector<1xi32>
        %squeeze3A_899 = vector.extract %slice3A_898[0] : i32 from vector<1xi32>
        %add3A_900 = vector.broadcast %squeeze3A_899 : i32 to vector<16xi32>
        %add3A_901 = arith.addi %add3A_900, %iota3A : vector<16xi32>
        %gather3A = tpu.vector_load_idx %arg27[%add3A_616] : memref<25088xf32, #tpu.memory_space<vmem>>[vector<16xi32>], vector<16xf32>,
        %max3A_902 = arith.maximumf %gather3A, %add3A_612 : vector<16xf32>
        tpu.vector_store_idx %arg27[%add3A_616], %max3A_902 : memref<25088xf32, #tpu.memory_space<vmem>>[vector<16xi32>], vector<16xf32>,
        %gather3A_903 = tpu.vector_load_idx %arg29[%add3A_635] : memref<25088xf32, #tpu.memory_space<vmem>>[vector<16xi32>], vector<16xf32>,
        %max3A_904 = arith.maximumf %gather3A_903, %add3A_631 : vector<16xf32>
        tpu.vector_store_idx %arg29[%add3A_635], %max3A_904 : memref<25088xf32, #tpu.memory_space<vmem>>[vector<16xi32>], vector<16xf32>,
        %gather3A_905 = tpu.vector_load_idx %arg28[%add3A_654] : memref<25088xf32, #tpu.memory_space<vmem>>[vector<16xi32>], vector<16xf32>,
        %max3A_906 = arith.maximumf %gather3A_905, %add3A_650 : vector<16xf32>
        tpu.vector_store_idx %arg28[%add3A_654], %max3A_906 : memref<25088xf32, #tpu.memory_space<vmem>>[vector<16xi32>], vector<16xf32>,
        %gather3A_907 = tpu.vector_load_idx %arg30[%add3A_673] : memref<25088xf32, #tpu.memory_space<vmem>>[vector<16xi32>], vector<16xf32>,
        %max3A_908 = arith.maximumf %gather3A_907, %add3A_669 : vector<16xf32>
        tpu.vector_store_idx %arg30[%add3A_673], %max3A_908 : memref<25088xf32, #tpu.memory_space<vmem>>[vector<16xi32>], vector<16xf32>,
        %gather3A_909 = tpu.vector_load_idx %arg27[%add3A_692] : memref<25088xf32, #tpu.memory_space<vmem>>[vector<16xi32>], vector<16xf32>,
        %max3A_910 = arith.maximumf %gather3A_909, %add3A_688 : vector<16xf32>
        tpu.vector_store_idx %arg27[%add3A_692], %max3A_910 : memref<25088xf32, #tpu.memory_space<vmem>>[vector<16xi32>], vector<16xf32>,
        %gather3A_911 = tpu.vector_load_idx %arg29[%add3A_711] : memref<25088xf32, #tpu.memory_space<vmem>>[vector<16xi32>], vector<16xf32>,
        %max3A_912 = arith.maximumf %gather3A_911, %add3A_707 : vector<16xf32>
        tpu.vector_store_idx %arg29[%add3A_711], %max3A_912 : memref<25088xf32, #tpu.memory_space<vmem>>[vector<16xi32>], vector<16xf32>,
        %gather3A_913 = tpu.vector_load_idx %arg28[%add3A_730] : memref<25088xf32, #tpu.memory_space<vmem>>[vector<16xi32>], vector<16xf32>,
        %max3A_914 = arith.maximumf %gather3A_913, %add3A_726 : vector<16xf32>
        tpu.vector_store_idx %arg28[%add3A_730], %max3A_914 : memref<25088xf32, #tpu.memory_space<vmem>>[vector<16xi32>], vector<16xf32>,
        %gather3A_915 = tpu.vector_load_idx %arg30[%add3A_749] : memref<25088xf32, #tpu.memory_space<vmem>>[vector<16xi32>], vector<16xf32>,
        %max3A_916 = arith.maximumf %gather3A_915, %add3A_745 : vector<16xf32>
        tpu.vector_store_idx %arg30[%add3A_749], %max3A_916 : memref<25088xf32, #tpu.memory_space<vmem>>[vector<16xi32>], vector<16xf32>,
        %gather3A_917 = tpu.vector_load_idx %arg27[%add3A_768] : memref<25088xf32, #tpu.memory_space<vmem>>[vector<16xi32>], vector<16xf32>,
        %max3A_918 = arith.maximumf %gather3A_917, %add3A_764 : vector<16xf32>
        tpu.vector_store_idx %arg27[%add3A_768], %max3A_918 : memref<25088xf32, #tpu.memory_space<vmem>>[vector<16xi32>], vector<16xf32>,
        %gather3A_919 = tpu.vector_load_idx %arg29[%add3A_787] : memref<25088xf32, #tpu.memory_space<vmem>>[vector<16xi32>], vector<16xf32>,
        %max3A_920 = arith.maximumf %gather3A_919, %add3A_783 : vector<16xf32>
        tpu.vector_store_idx %arg29[%add3A_787], %max3A_920 : memref<25088xf32, #tpu.memory_space<vmem>>[vector<16xi32>], vector<16xf32>,
        %gather3A_921 = tpu.vector_load_idx %arg28[%add3A_806] : memref<25088xf32, #tpu.memory_space<vmem>>[vector<16xi32>], vector<16xf32>,
        %max3A_922 = arith.maximumf %gather3A_921, %add3A_802 : vector<16xf32>
        tpu.vector_store_idx %arg28[%add3A_806], %max3A_922 : memref<25088xf32, #tpu.memory_space<vmem>>[vector<16xi32>], vector<16xf32>,
        %gather3A_923 = tpu.vector_load_idx %arg30[%add3A_825] : memref<25088xf32, #tpu.memory_space<vmem>>[vector<16xi32>], vector<16xf32>,
        %max3A_924 = arith.maximumf %gather3A_923, %add3A_821 : vector<16xf32>
        tpu.vector_store_idx %arg30[%add3A_825], %max3A_924 : memref<25088xf32, #tpu.memory_space<vmem>>[vector<16xi32>], vector<16xf32>,
        %gather3A_925 = tpu.vector_load_idx %arg27[%add3A_844] : memref<25088xf32, #tpu.memory_space<vmem>>[vector<16xi32>], vector<16xf32>,
        %max3A_926 = arith.maximumf %gather3A_925, %add3A_840 : vector<16xf32>
        tpu.vector_store_idx %arg27[%add3A_844], %max3A_926 : memref<25088xf32, #tpu.memory_space<vmem>>[vector<16xi32>], vector<16xf32>,
        %gather3A_927 = tpu.vector_load_idx %arg29[%add3A_863] : memref<25088xf32, #tpu.memory_space<vmem>>[vector<16xi32>], vector<16xf32>,
        %max3A_928 = arith.maximumf %gather3A_927, %add3A_859 : vector<16xf32>
        tpu.vector_store_idx %arg29[%add3A_863], %max3A_928 : memref<25088xf32, #tpu.memory_space<vmem>>[vector<16xi32>], vector<16xf32>,
        %gather3A_929 = tpu.vector_load_idx %arg28[%add3A_882] : memref<25088xf32, #tpu.memory_space<vmem>>[vector<16xi32>], vector<16xf32>,
        %max3A_930 = arith.maximumf %gather3A_929, %add3A_878 : vector<16xf32>
        tpu.vector_store_idx %arg28[%add3A_882], %max3A_930 : memref<25088xf32, #tpu.memory_space<vmem>>[vector<16xi32>], vector<16xf32>,
        %gather3A_931 = tpu.vector_load_idx %arg30[%add3A_901] : memref<25088xf32, #tpu.memory_space<vmem>>[vector<16xi32>], vector<16xf32>,
        %max3A_932 = arith.maximumf %gather3A_931, %add3A_897 : vector<16xf32>
        tpu.vector_store_idx %arg30[%add3A_901], %max3A_932 : memref<25088xf32, #tpu.memory_space<vmem>>[vector<16xi32>], vector<16xf32>,
        %slice3A_933 = vector.extract_strided_slice %get3A_572 {offsets = [8], sizes = [1], strides = [1]} : vector<16xf32> to vector<1xf32>
        %squeeze3A_934 = vector.extract %slice3A_933[0] : f32 from vector<1xf32>
        %mul3A_935 = vector.broadcast %squeeze3A_934 : f32 to vector<16xf32>
        %mul3A_936 = arith.mulf %mul3A_935, %get3A_7 : vector<16xf32>
        %slice3A_937 = vector.extract_strided_slice %get3A_574 {offsets = [8], sizes = [1], strides = [1]} : vector<16xf32> to vector<1xf32>
        %squeeze3A_938 = vector.extract %slice3A_937[0] : f32 from vector<1xf32>
        %mul3A_939 = vector.broadcast %squeeze3A_938 : f32 to vector<16xf32>
        %mul3A_940 = arith.mulf %mul3A_939, %get3A_11 : vector<16xf32>
        %add3A_941 = arith.addf %mul3A_936, %mul3A_940 : vector<16xf32>
        %slice3A_942 = vector.extract_strided_slice %get3A_576 {offsets = [8], sizes = [1], strides = [1]} : vector<16xf32> to vector<1xf32>
        %squeeze3A_943 = vector.extract %slice3A_942[0] : f32 from vector<1xf32>
        %mul3A_944 = vector.broadcast %squeeze3A_943 : f32 to vector<16xf32>
        %mul3A_945 = arith.mulf %mul3A_944, %get3A_15 : vector<16xf32>
        %add3A_946 = arith.addf %mul3A_945, %get3A_19 : vector<16xf32>
        %add3A_947 = arith.addf %add3A_941, %add3A_946 : vector<16xf32>
        %slice3A_948 = vector.extract_strided_slice %mul3A_570 {offsets = [8], sizes = [1], strides = [1]} : vector<16xi32> to vector<1xi32>
        %squeeze3A_949 = vector.extract %slice3A_948[0] : i32 from vector<1xi32>
        %add3A_950 = vector.broadcast %squeeze3A_949 : i32 to vector<16xi32>
        %add3A_951 = arith.addi %add3A_950, %iota3A : vector<16xi32>
        %slice3A_952 = vector.extract_strided_slice %get3A_595 {offsets = [8], sizes = [1], strides = [1]} : vector<16xf32> to vector<1xf32>
        %squeeze3A_953 = vector.extract %slice3A_952[0] : f32 from vector<1xf32>
        %mul3A_954 = vector.broadcast %squeeze3A_953 : f32 to vector<16xf32>
        %mul3A_955 = arith.mulf %mul3A_954, %get3A_7 : vector<16xf32>
        %slice3A_956 = vector.extract_strided_slice %get3A_597 {offsets = [8], sizes = [1], strides = [1]} : vector<16xf32> to vector<1xf32>
        %squeeze3A_957 = vector.extract %slice3A_956[0] : f32 from vector<1xf32>
        %mul3A_958 = vector.broadcast %squeeze3A_957 : f32 to vector<16xf32>
        %mul3A_959 = arith.mulf %mul3A_958, %get3A_11 : vector<16xf32>
        %add3A_960 = arith.addf %mul3A_955, %mul3A_959 : vector<16xf32>
        %slice3A_961 = vector.extract_strided_slice %get3A_599 {offsets = [8], sizes = [1], strides = [1]} : vector<16xf32> to vector<1xf32>
        %squeeze3A_962 = vector.extract %slice3A_961[0] : f32 from vector<1xf32>
        %mul3A_963 = vector.broadcast %squeeze3A_962 : f32 to vector<16xf32>
        %mul3A_964 = arith.mulf %mul3A_963, %get3A_15 : vector<16xf32>
        %add3A_965 = arith.addf %mul3A_964, %get3A_19 : vector<16xf32>
        %add3A_966 = arith.addf %add3A_960, %add3A_965 : vector<16xf32>
        %slice3A_967 = vector.extract_strided_slice %mul3A_593 {offsets = [8], sizes = [1], strides = [1]} : vector<16xi32> to vector<1xi32>
        %squeeze3A_968 = vector.extract %slice3A_967[0] : i32 from vector<1xi32>
        %add3A_969 = vector.broadcast %squeeze3A_968 : i32 to vector<16xi32>
        %add3A_970 = arith.addi %add3A_969, %iota3A : vector<16xi32>
        %slice3A_971 = vector.extract_strided_slice %get3A_572 {offsets = [9], sizes = [1], strides = [1]} : vector<16xf32> to vector<1xf32>
        %squeeze3A_972 = vector.extract %slice3A_971[0] : f32 from vector<1xf32>
        %mul3A_973 = vector.broadcast %squeeze3A_972 : f32 to vector<16xf32>
        %mul3A_974 = arith.mulf %mul3A_973, %get3A_7 : vector<16xf32>
        %slice3A_975 = vector.extract_strided_slice %get3A_574 {offsets = [9], sizes = [1], strides = [1]} : vector<16xf32> to vector<1xf32>
        %squeeze3A_976 = vector.extract %slice3A_975[0] : f32 from vector<1xf32>
        %mul3A_977 = vector.broadcast %squeeze3A_976 : f32 to vector<16xf32>
        %mul3A_978 = arith.mulf %mul3A_977, %get3A_11 : vector<16xf32>
        %add3A_979 = arith.addf %mul3A_974, %mul3A_978 : vector<16xf32>
        %slice3A_980 = vector.extract_strided_slice %get3A_576 {offsets = [9], sizes = [1], strides = [1]} : vector<16xf32> to vector<1xf32>
        %squeeze3A_981 = vector.extract %slice3A_980[0] : f32 from vector<1xf32>
        %mul3A_982 = vector.broadcast %squeeze3A_981 : f32 to vector<16xf32>
        %mul3A_983 = arith.mulf %mul3A_982, %get3A_15 : vector<16xf32>
        %add3A_984 = arith.addf %mul3A_983, %get3A_19 : vector<16xf32>
        %add3A_985 = arith.addf %add3A_979, %add3A_984 : vector<16xf32>
        %slice3A_986 = vector.extract_strided_slice %mul3A_570 {offsets = [9], sizes = [1], strides = [1]} : vector<16xi32> to vector<1xi32>
        %squeeze3A_987 = vector.extract %slice3A_986[0] : i32 from vector<1xi32>
        %add3A_988 = vector.broadcast %squeeze3A_987 : i32 to vector<16xi32>
        %add3A_989 = arith.addi %add3A_988, %iota3A : vector<16xi32>
        %slice3A_990 = vector.extract_strided_slice %get3A_595 {offsets = [9], sizes = [1], strides = [1]} : vector<16xf32> to vector<1xf32>
        %squeeze3A_991 = vector.extract %slice3A_990[0] : f32 from vector<1xf32>
        %mul3A_992 = vector.broadcast %squeeze3A_991 : f32 to vector<16xf32>
        %mul3A_993 = arith.mulf %mul3A_992, %get3A_7 : vector<16xf32>
        %slice3A_994 = vector.extract_strided_slice %get3A_597 {offsets = [9], sizes = [1], strides = [1]} : vector<16xf32> to vector<1xf32>
        %squeeze3A_995 = vector.extract %slice3A_994[0] : f32 from vector<1xf32>
        %mul3A_996 = vector.broadcast %squeeze3A_995 : f32 to vector<16xf32>
        %mul3A_997 = arith.mulf %mul3A_996, %get3A_11 : vector<16xf32>
        %add3A_998 = arith.addf %mul3A_993, %mul3A_997 : vector<16xf32>
        %slice3A_999 = vector.extract_strided_slice %get3A_599 {offsets = [9], sizes = [1], strides = [1]} : vector<16xf32> to vector<1xf32>
        %squeeze3A_1000 = vector.extract %slice3A_999[0] : f32 from vector<1xf32>
        %mul3A_1001 = vector.broadcast %squeeze3A_1000 : f32 to vector<16xf32>
        %mul3A_1002 = arith.mulf %mul3A_1001, %get3A_15 : vector<16xf32>
        %add3A_1003 = arith.addf %mul3A_1002, %get3A_19 : vector<16xf32>
        %add3A_1004 = arith.addf %add3A_998, %add3A_1003 : vector<16xf32>
        %slice3A_1005 = vector.extract_strided_slice %mul3A_593 {offsets = [9], sizes = [1], strides = [1]} : vector<16xi32> to vector<1xi32>
        %squeeze3A_1006 = vector.extract %slice3A_1005[0] : i32 from vector<1xi32>
        %add3A_1007 = vector.broadcast %squeeze3A_1006 : i32 to vector<16xi32>
        %add3A_1008 = arith.addi %add3A_1007, %iota3A : vector<16xi32>
        %slice3A_1009 = vector.extract_strided_slice %get3A_572 {offsets = [10], sizes = [1], strides = [1]} : vector<16xf32> to vector<1xf32>
        %squeeze3A_1010 = vector.extract %slice3A_1009[0] : f32 from vector<1xf32>
        %mul3A_1011 = vector.broadcast %squeeze3A_1010 : f32 to vector<16xf32>
        %mul3A_1012 = arith.mulf %mul3A_1011, %get3A_7 : vector<16xf32>
        %slice3A_1013 = vector.extract_strided_slice %get3A_574 {offsets = [10], sizes = [1], strides = [1]} : vector<16xf32> to vector<1xf32>
        %squeeze3A_1014 = vector.extract %slice3A_1013[0] : f32 from vector<1xf32>
        %mul3A_1015 = vector.broadcast %squeeze3A_1014 : f32 to vector<16xf32>
        %mul3A_1016 = arith.mulf %mul3A_1015, %get3A_11 : vector<16xf32>
        %add3A_1017 = arith.addf %mul3A_1012, %mul3A_1016 : vector<16xf32>
        %slice3A_1018 = vector.extract_strided_slice %get3A_576 {offsets = [10], sizes = [1], strides = [1]} : vector<16xf32> to vector<1xf32>
        %squeeze3A_1019 = vector.extract %slice3A_1018[0] : f32 from vector<1xf32>
        %mul3A_1020 = vector.broadcast %squeeze3A_1019 : f32 to vector<16xf32>
        %mul3A_1021 = arith.mulf %mul3A_1020, %get3A_15 : vector<16xf32>
        %add3A_1022 = arith.addf %mul3A_1021, %get3A_19 : vector<16xf32>
        %add3A_1023 = arith.addf %add3A_1017, %add3A_1022 : vector<16xf32>
        %slice3A_1024 = vector.extract_strided_slice %mul3A_570 {offsets = [10], sizes = [1], strides = [1]} : vector<16xi32> to vector<1xi32>
        %squeeze3A_1025 = vector.extract %slice3A_1024[0] : i32 from vector<1xi32>
        %add3A_1026 = vector.broadcast %squeeze3A_1025 : i32 to vector<16xi32>
        %add3A_1027 = arith.addi %add3A_1026, %iota3A : vector<16xi32>
        %slice3A_1028 = vector.extract_strided_slice %get3A_595 {offsets = [10], sizes = [1], strides = [1]} : vector<16xf32> to vector<1xf32>
        %squeeze3A_1029 = vector.extract %slice3A_1028[0] : f32 from vector<1xf32>
        %mul3A_1030 = vector.broadcast %squeeze3A_1029 : f32 to vector<16xf32>
        %mul3A_1031 = arith.mulf %mul3A_1030, %get3A_7 : vector<16xf32>
        %slice3A_1032 = vector.extract_strided_slice %get3A_597 {offsets = [10], sizes = [1], strides = [1]} : vector<16xf32> to vector<1xf32>
        %squeeze3A_1033 = vector.extract %slice3A_1032[0] : f32 from vector<1xf32>
        %mul3A_1034 = vector.broadcast %squeeze3A_1033 : f32 to vector<16xf32>
        %mul3A_1035 = arith.mulf %mul3A_1034, %get3A_11 : vector<16xf32>
        %add3A_1036 = arith.addf %mul3A_1031, %mul3A_1035 : vector<16xf32>
        %slice3A_1037 = vector.extract_strided_slice %get3A_599 {offsets = [10], sizes = [1], strides = [1]} : vector<16xf32> to vector<1xf32>
        %squeeze3A_1038 = vector.extract %slice3A_1037[0] : f32 from vector<1xf32>
        %mul3A_1039 = vector.broadcast %squeeze3A_1038 : f32 to vector<16xf32>
        %mul3A_1040 = arith.mulf %mul3A_1039, %get3A_15 : vector<16xf32>
        %add3A_1041 = arith.addf %mul3A_1040, %get3A_19 : vector<16xf32>
        %add3A_1042 = arith.addf %add3A_1036, %add3A_1041 : vector<16xf32>
        %slice3A_1043 = vector.extract_strided_slice %mul3A_593 {offsets = [10], sizes = [1], strides = [1]} : vector<16xi32> to vector<1xi32>
        %squeeze3A_1044 = vector.extract %slice3A_1043[0] : i32 from vector<1xi32>
        %add3A_1045 = vector.broadcast %squeeze3A_1044 : i32 to vector<16xi32>
        %add3A_1046 = arith.addi %add3A_1045, %iota3A : vector<16xi32>
        %slice3A_1047 = vector.extract_strided_slice %get3A_572 {offsets = [11], sizes = [1], strides = [1]} : vector<16xf32> to vector<1xf32>
        %squeeze3A_1048 = vector.extract %slice3A_1047[0] : f32 from vector<1xf32>
        %mul3A_1049 = vector.broadcast %squeeze3A_1048 : f32 to vector<16xf32>
        %mul3A_1050 = arith.mulf %mul3A_1049, %get3A_7 : vector<16xf32>
        %slice3A_1051 = vector.extract_strided_slice %get3A_574 {offsets = [11], sizes = [1], strides = [1]} : vector<16xf32> to vector<1xf32>
        %squeeze3A_1052 = vector.extract %slice3A_1051[0] : f32 from vector<1xf32>
        %mul3A_1053 = vector.broadcast %squeeze3A_1052 : f32 to vector<16xf32>
        %mul3A_1054 = arith.mulf %mul3A_1053, %get3A_11 : vector<16xf32>
        %add3A_1055 = arith.addf %mul3A_1050, %mul3A_1054 : vector<16xf32>
        %slice3A_1056 = vector.extract_strided_slice %get3A_576 {offsets = [11], sizes = [1], strides = [1]} : vector<16xf32> to vector<1xf32>
        %squeeze3A_1057 = vector.extract %slice3A_1056[0] : f32 from vector<1xf32>
        %mul3A_1058 = vector.broadcast %squeeze3A_1057 : f32 to vector<16xf32>
        %mul3A_1059 = arith.mulf %mul3A_1058, %get3A_15 : vector<16xf32>
        %add3A_1060 = arith.addf %mul3A_1059, %get3A_19 : vector<16xf32>
        %add3A_1061 = arith.addf %add3A_1055, %add3A_1060 : vector<16xf32>
        %slice3A_1062 = vector.extract_strided_slice %mul3A_570 {offsets = [11], sizes = [1], strides = [1]} : vector<16xi32> to vector<1xi32>
        %squeeze3A_1063 = vector.extract %slice3A_1062[0] : i32 from vector<1xi32>
        %add3A_1064 = vector.broadcast %squeeze3A_1063 : i32 to vector<16xi32>
        %add3A_1065 = arith.addi %add3A_1064, %iota3A : vector<16xi32>
        %slice3A_1066 = vector.extract_strided_slice %get3A_595 {offsets = [11], sizes = [1], strides = [1]} : vector<16xf32> to vector<1xf32>
        %squeeze3A_1067 = vector.extract %slice3A_1066[0] : f32 from vector<1xf32>
        %mul3A_1068 = vector.broadcast %squeeze3A_1067 : f32 to vector<16xf32>
        %mul3A_1069 = arith.mulf %mul3A_1068, %get3A_7 : vector<16xf32>
        %slice3A_1070 = vector.extract_strided_slice %get3A_597 {offsets = [11], sizes = [1], strides = [1]} : vector<16xf32> to vector<1xf32>
        %squeeze3A_1071 = vector.extract %slice3A_1070[0] : f32 from vector<1xf32>
        %mul3A_1072 = vector.broadcast %squeeze3A_1071 : f32 to vector<16xf32>
        %mul3A_1073 = arith.mulf %mul3A_1072, %get3A_11 : vector<16xf32>
        %add3A_1074 = arith.addf %mul3A_1069, %mul3A_1073 : vector<16xf32>
        %slice3A_1075 = vector.extract_strided_slice %get3A_599 {offsets = [11], sizes = [1], strides = [1]} : vector<16xf32> to vector<1xf32>
        %squeeze3A_1076 = vector.extract %slice3A_1075[0] : f32 from vector<1xf32>
        %mul3A_1077 = vector.broadcast %squeeze3A_1076 : f32 to vector<16xf32>
        %mul3A_1078 = arith.mulf %mul3A_1077, %get3A_15 : vector<16xf32>
        %add3A_1079 = arith.addf %mul3A_1078, %get3A_19 : vector<16xf32>
        %add3A_1080 = arith.addf %add3A_1074, %add3A_1079 : vector<16xf32>
        %slice3A_1081 = vector.extract_strided_slice %mul3A_593 {offsets = [11], sizes = [1], strides = [1]} : vector<16xi32> to vector<1xi32>
        %squeeze3A_1082 = vector.extract %slice3A_1081[0] : i32 from vector<1xi32>
        %add3A_1083 = vector.broadcast %squeeze3A_1082 : i32 to vector<16xi32>
        %add3A_1084 = arith.addi %add3A_1083, %iota3A : vector<16xi32>
        %slice3A_1085 = vector.extract_strided_slice %get3A_572 {offsets = [12], sizes = [1], strides = [1]} : vector<16xf32> to vector<1xf32>
        %squeeze3A_1086 = vector.extract %slice3A_1085[0] : f32 from vector<1xf32>
        %mul3A_1087 = vector.broadcast %squeeze3A_1086 : f32 to vector<16xf32>
        %mul3A_1088 = arith.mulf %mul3A_1087, %get3A_7 : vector<16xf32>
        %slice3A_1089 = vector.extract_strided_slice %get3A_574 {offsets = [12], sizes = [1], strides = [1]} : vector<16xf32> to vector<1xf32>
        %squeeze3A_1090 = vector.extract %slice3A_1089[0] : f32 from vector<1xf32>
        %mul3A_1091 = vector.broadcast %squeeze3A_1090 : f32 to vector<16xf32>
        %mul3A_1092 = arith.mulf %mul3A_1091, %get3A_11 : vector<16xf32>
        %add3A_1093 = arith.addf %mul3A_1088, %mul3A_1092 : vector<16xf32>
        %slice3A_1094 = vector.extract_strided_slice %get3A_576 {offsets = [12], sizes = [1], strides = [1]} : vector<16xf32> to vector<1xf32>
        %squeeze3A_1095 = vector.extract %slice3A_1094[0] : f32 from vector<1xf32>
        %mul3A_1096 = vector.broadcast %squeeze3A_1095 : f32 to vector<16xf32>
        %mul3A_1097 = arith.mulf %mul3A_1096, %get3A_15 : vector<16xf32>
        %add3A_1098 = arith.addf %mul3A_1097, %get3A_19 : vector<16xf32>
        %add3A_1099 = arith.addf %add3A_1093, %add3A_1098 : vector<16xf32>
        %slice3A_1100 = vector.extract_strided_slice %mul3A_570 {offsets = [12], sizes = [1], strides = [1]} : vector<16xi32> to vector<1xi32>
        %squeeze3A_1101 = vector.extract %slice3A_1100[0] : i32 from vector<1xi32>
        %add3A_1102 = vector.broadcast %squeeze3A_1101 : i32 to vector<16xi32>
        %add3A_1103 = arith.addi %add3A_1102, %iota3A : vector<16xi32>
        %slice3A_1104 = vector.extract_strided_slice %get3A_595 {offsets = [12], sizes = [1], strides = [1]} : vector<16xf32> to vector<1xf32>
        %squeeze3A_1105 = vector.extract %slice3A_1104[0] : f32 from vector<1xf32>
        %mul3A_1106 = vector.broadcast %squeeze3A_1105 : f32 to vector<16xf32>
        %mul3A_1107 = arith.mulf %mul3A_1106, %get3A_7 : vector<16xf32>
        %slice3A_1108 = vector.extract_strided_slice %get3A_597 {offsets = [12], sizes = [1], strides = [1]} : vector<16xf32> to vector<1xf32>
        %squeeze3A_1109 = vector.extract %slice3A_1108[0] : f32 from vector<1xf32>
        %mul3A_1110 = vector.broadcast %squeeze3A_1109 : f32 to vector<16xf32>
        %mul3A_1111 = arith.mulf %mul3A_1110, %get3A_11 : vector<16xf32>
        %add3A_1112 = arith.addf %mul3A_1107, %mul3A_1111 : vector<16xf32>
        %slice3A_1113 = vector.extract_strided_slice %get3A_599 {offsets = [12], sizes = [1], strides = [1]} : vector<16xf32> to vector<1xf32>
        %squeeze3A_1114 = vector.extract %slice3A_1113[0] : f32 from vector<1xf32>
        %mul3A_1115 = vector.broadcast %squeeze3A_1114 : f32 to vector<16xf32>
        %mul3A_1116 = arith.mulf %mul3A_1115, %get3A_15 : vector<16xf32>
        %add3A_1117 = arith.addf %mul3A_1116, %get3A_19 : vector<16xf32>
        %add3A_1118 = arith.addf %add3A_1112, %add3A_1117 : vector<16xf32>
        %slice3A_1119 = vector.extract_strided_slice %mul3A_593 {offsets = [12], sizes = [1], strides = [1]} : vector<16xi32> to vector<1xi32>
        %squeeze3A_1120 = vector.extract %slice3A_1119[0] : i32 from vector<1xi32>
        %add3A_1121 = vector.broadcast %squeeze3A_1120 : i32 to vector<16xi32>
        %add3A_1122 = arith.addi %add3A_1121, %iota3A : vector<16xi32>
        %slice3A_1123 = vector.extract_strided_slice %get3A_572 {offsets = [13], sizes = [1], strides = [1]} : vector<16xf32> to vector<1xf32>
        %squeeze3A_1124 = vector.extract %slice3A_1123[0] : f32 from vector<1xf32>
        %mul3A_1125 = vector.broadcast %squeeze3A_1124 : f32 to vector<16xf32>
        %mul3A_1126 = arith.mulf %mul3A_1125, %get3A_7 : vector<16xf32>
        %slice3A_1127 = vector.extract_strided_slice %get3A_574 {offsets = [13], sizes = [1], strides = [1]} : vector<16xf32> to vector<1xf32>
        %squeeze3A_1128 = vector.extract %slice3A_1127[0] : f32 from vector<1xf32>
        %mul3A_1129 = vector.broadcast %squeeze3A_1128 : f32 to vector<16xf32>
        %mul3A_1130 = arith.mulf %mul3A_1129, %get3A_11 : vector<16xf32>
        %add3A_1131 = arith.addf %mul3A_1126, %mul3A_1130 : vector<16xf32>
        %slice3A_1132 = vector.extract_strided_slice %get3A_576 {offsets = [13], sizes = [1], strides = [1]} : vector<16xf32> to vector<1xf32>
        %squeeze3A_1133 = vector.extract %slice3A_1132[0] : f32 from vector<1xf32>
        %mul3A_1134 = vector.broadcast %squeeze3A_1133 : f32 to vector<16xf32>
        %mul3A_1135 = arith.mulf %mul3A_1134, %get3A_15 : vector<16xf32>
        %add3A_1136 = arith.addf %mul3A_1135, %get3A_19 : vector<16xf32>
        %add3A_1137 = arith.addf %add3A_1131, %add3A_1136 : vector<16xf32>
        %slice3A_1138 = vector.extract_strided_slice %mul3A_570 {offsets = [13], sizes = [1], strides = [1]} : vector<16xi32> to vector<1xi32>
        %squeeze3A_1139 = vector.extract %slice3A_1138[0] : i32 from vector<1xi32>
        %add3A_1140 = vector.broadcast %squeeze3A_1139 : i32 to vector<16xi32>
        %add3A_1141 = arith.addi %add3A_1140, %iota3A : vector<16xi32>
        %slice3A_1142 = vector.extract_strided_slice %get3A_595 {offsets = [13], sizes = [1], strides = [1]} : vector<16xf32> to vector<1xf32>
        %squeeze3A_1143 = vector.extract %slice3A_1142[0] : f32 from vector<1xf32>
        %mul3A_1144 = vector.broadcast %squeeze3A_1143 : f32 to vector<16xf32>
        %mul3A_1145 = arith.mulf %mul3A_1144, %get3A_7 : vector<16xf32>
        %slice3A_1146 = vector.extract_strided_slice %get3A_597 {offsets = [13], sizes = [1], strides = [1]} : vector<16xf32> to vector<1xf32>
        %squeeze3A_1147 = vector.extract %slice3A_1146[0] : f32 from vector<1xf32>
        %mul3A_1148 = vector.broadcast %squeeze3A_1147 : f32 to vector<16xf32>
        %mul3A_1149 = arith.mulf %mul3A_1148, %get3A_11 : vector<16xf32>
        %add3A_1150 = arith.addf %mul3A_1145, %mul3A_1149 : vector<16xf32>
        %slice3A_1151 = vector.extract_strided_slice %get3A_599 {offsets = [13], sizes = [1], strides = [1]} : vector<16xf32> to vector<1xf32>
        %squeeze3A_1152 = vector.extract %slice3A_1151[0] : f32 from vector<1xf32>
        %mul3A_1153 = vector.broadcast %squeeze3A_1152 : f32 to vector<16xf32>
        %mul3A_1154 = arith.mulf %mul3A_1153, %get3A_15 : vector<16xf32>
        %add3A_1155 = arith.addf %mul3A_1154, %get3A_19 : vector<16xf32>
        %add3A_1156 = arith.addf %add3A_1150, %add3A_1155 : vector<16xf32>
        %slice3A_1157 = vector.extract_strided_slice %mul3A_593 {offsets = [13], sizes = [1], strides = [1]} : vector<16xi32> to vector<1xi32>
        %squeeze3A_1158 = vector.extract %slice3A_1157[0] : i32 from vector<1xi32>
        %add3A_1159 = vector.broadcast %squeeze3A_1158 : i32 to vector<16xi32>
        %add3A_1160 = arith.addi %add3A_1159, %iota3A : vector<16xi32>
        %slice3A_1161 = vector.extract_strided_slice %get3A_572 {offsets = [14], sizes = [1], strides = [1]} : vector<16xf32> to vector<1xf32>
        %squeeze3A_1162 = vector.extract %slice3A_1161[0] : f32 from vector<1xf32>
        %mul3A_1163 = vector.broadcast %squeeze3A_1162 : f32 to vector<16xf32>
        %mul3A_1164 = arith.mulf %mul3A_1163, %get3A_7 : vector<16xf32>
        %slice3A_1165 = vector.extract_strided_slice %get3A_574 {offsets = [14], sizes = [1], strides = [1]} : vector<16xf32> to vector<1xf32>
        %squeeze3A_1166 = vector.extract %slice3A_1165[0] : f32 from vector<1xf32>
        %mul3A_1167 = vector.broadcast %squeeze3A_1166 : f32 to vector<16xf32>
        %mul3A_1168 = arith.mulf %mul3A_1167, %get3A_11 : vector<16xf32>
        %add3A_1169 = arith.addf %mul3A_1164, %mul3A_1168 : vector<16xf32>
        %slice3A_1170 = vector.extract_strided_slice %get3A_576 {offsets = [14], sizes = [1], strides = [1]} : vector<16xf32> to vector<1xf32>
        %squeeze3A_1171 = vector.extract %slice3A_1170[0] : f32 from vector<1xf32>
        %mul3A_1172 = vector.broadcast %squeeze3A_1171 : f32 to vector<16xf32>
        %mul3A_1173 = arith.mulf %mul3A_1172, %get3A_15 : vector<16xf32>
        %add3A_1174 = arith.addf %mul3A_1173, %get3A_19 : vector<16xf32>
        %add3A_1175 = arith.addf %add3A_1169, %add3A_1174 : vector<16xf32>
        %slice3A_1176 = vector.extract_strided_slice %mul3A_570 {offsets = [14], sizes = [1], strides = [1]} : vector<16xi32> to vector<1xi32>
        %squeeze3A_1177 = vector.extract %slice3A_1176[0] : i32 from vector<1xi32>
        %add3A_1178 = vector.broadcast %squeeze3A_1177 : i32 to vector<16xi32>
        %add3A_1179 = arith.addi %add3A_1178, %iota3A : vector<16xi32>
        %slice3A_1180 = vector.extract_strided_slice %get3A_595 {offsets = [14], sizes = [1], strides = [1]} : vector<16xf32> to vector<1xf32>
        %squeeze3A_1181 = vector.extract %slice3A_1180[0] : f32 from vector<1xf32>
        %mul3A_1182 = vector.broadcast %squeeze3A_1181 : f32 to vector<16xf32>
        %mul3A_1183 = arith.mulf %mul3A_1182, %get3A_7 : vector<16xf32>
        %slice3A_1184 = vector.extract_strided_slice %get3A_597 {offsets = [14], sizes = [1], strides = [1]} : vector<16xf32> to vector<1xf32>
        %squeeze3A_1185 = vector.extract %slice3A_1184[0] : f32 from vector<1xf32>
        %mul3A_1186 = vector.broadcast %squeeze3A_1185 : f32 to vector<16xf32>
        %mul3A_1187 = arith.mulf %mul3A_1186, %get3A_11 : vector<16xf32>
        %add3A_1188 = arith.addf %mul3A_1183, %mul3A_1187 : vector<16xf32>
        %slice3A_1189 = vector.extract_strided_slice %get3A_599 {offsets = [14], sizes = [1], strides = [1]} : vector<16xf32> to vector<1xf32>
        %squeeze3A_1190 = vector.extract %slice3A_1189[0] : f32 from vector<1xf32>
        %mul3A_1191 = vector.broadcast %squeeze3A_1190 : f32 to vector<16xf32>
        %mul3A_1192 = arith.mulf %mul3A_1191, %get3A_15 : vector<16xf32>
        %add3A_1193 = arith.addf %mul3A_1192, %get3A_19 : vector<16xf32>
        %add3A_1194 = arith.addf %add3A_1188, %add3A_1193 : vector<16xf32>
        %slice3A_1195 = vector.extract_strided_slice %mul3A_593 {offsets = [14], sizes = [1], strides = [1]} : vector<16xi32> to vector<1xi32>
        %squeeze3A_1196 = vector.extract %slice3A_1195[0] : i32 from vector<1xi32>
        %add3A_1197 = vector.broadcast %squeeze3A_1196 : i32 to vector<16xi32>
        %add3A_1198 = arith.addi %add3A_1197, %iota3A : vector<16xi32>
        %slice3A_1199 = vector.extract_strided_slice %get3A_572 {offsets = [15], sizes = [1], strides = [1]} : vector<16xf32> to vector<1xf32>
        %squeeze3A_1200 = vector.extract %slice3A_1199[0] : f32 from vector<1xf32>
        %mul3A_1201 = vector.broadcast %squeeze3A_1200 : f32 to vector<16xf32>
        %mul3A_1202 = arith.mulf %mul3A_1201, %get3A_7 : vector<16xf32>
        %slice3A_1203 = vector.extract_strided_slice %get3A_574 {offsets = [15], sizes = [1], strides = [1]} : vector<16xf32> to vector<1xf32>
        %squeeze3A_1204 = vector.extract %slice3A_1203[0] : f32 from vector<1xf32>
        %mul3A_1205 = vector.broadcast %squeeze3A_1204 : f32 to vector<16xf32>
        %mul3A_1206 = arith.mulf %mul3A_1205, %get3A_11 : vector<16xf32>
        %add3A_1207 = arith.addf %mul3A_1202, %mul3A_1206 : vector<16xf32>
        %slice3A_1208 = vector.extract_strided_slice %get3A_576 {offsets = [15], sizes = [1], strides = [1]} : vector<16xf32> to vector<1xf32>
        %squeeze3A_1209 = vector.extract %slice3A_1208[0] : f32 from vector<1xf32>
        %mul3A_1210 = vector.broadcast %squeeze3A_1209 : f32 to vector<16xf32>
        %mul3A_1211 = arith.mulf %mul3A_1210, %get3A_15 : vector<16xf32>
        %add3A_1212 = arith.addf %mul3A_1211, %get3A_19 : vector<16xf32>
        %add3A_1213 = arith.addf %add3A_1207, %add3A_1212 : vector<16xf32>
        %slice3A_1214 = vector.extract_strided_slice %mul3A_570 {offsets = [15], sizes = [1], strides = [1]} : vector<16xi32> to vector<1xi32>
        %squeeze3A_1215 = vector.extract %slice3A_1214[0] : i32 from vector<1xi32>
        %add3A_1216 = vector.broadcast %squeeze3A_1215 : i32 to vector<16xi32>
        %add3A_1217 = arith.addi %add3A_1216, %iota3A : vector<16xi32>
        %slice3A_1218 = vector.extract_strided_slice %get3A_595 {offsets = [15], sizes = [1], strides = [1]} : vector<16xf32> to vector<1xf32>
        %squeeze3A_1219 = vector.extract %slice3A_1218[0] : f32 from vector<1xf32>
        %mul3A_1220 = vector.broadcast %squeeze3A_1219 : f32 to vector<16xf32>
        %mul3A_1221 = arith.mulf %mul3A_1220, %get3A_7 : vector<16xf32>
        %slice3A_1222 = vector.extract_strided_slice %get3A_597 {offsets = [15], sizes = [1], strides = [1]} : vector<16xf32> to vector<1xf32>
        %squeeze3A_1223 = vector.extract %slice3A_1222[0] : f32 from vector<1xf32>
        %mul3A_1224 = vector.broadcast %squeeze3A_1223 : f32 to vector<16xf32>
        %mul3A_1225 = arith.mulf %mul3A_1224, %get3A_11 : vector<16xf32>
        %add3A_1226 = arith.addf %mul3A_1221, %mul3A_1225 : vector<16xf32>
        %slice3A_1227 = vector.extract_strided_slice %get3A_599 {offsets = [15], sizes = [1], strides = [1]} : vector<16xf32> to vector<1xf32>
        %squeeze3A_1228 = vector.extract %slice3A_1227[0] : f32 from vector<1xf32>
        %mul3A_1229 = vector.broadcast %squeeze3A_1228 : f32 to vector<16xf32>
        %mul3A_1230 = arith.mulf %mul3A_1229, %get3A_15 : vector<16xf32>
        %add3A_1231 = arith.addf %mul3A_1230, %get3A_19 : vector<16xf32>
        %add3A_1232 = arith.addf %add3A_1226, %add3A_1231 : vector<16xf32>
        %slice3A_1233 = vector.extract_strided_slice %mul3A_593 {offsets = [15], sizes = [1], strides = [1]} : vector<16xi32> to vector<1xi32>
        %squeeze3A_1234 = vector.extract %slice3A_1233[0] : i32 from vector<1xi32>
        %add3A_1235 = vector.broadcast %squeeze3A_1234 : i32 to vector<16xi32>
        %add3A_1236 = arith.addi %add3A_1235, %iota3A : vector<16xi32>
        %gather3A_1237 = tpu.vector_load_idx %arg27[%add3A_951] : memref<25088xf32, #tpu.memory_space<vmem>>[vector<16xi32>], vector<16xf32>,
        %max3A_1238 = arith.maximumf %gather3A_1237, %add3A_947 : vector<16xf32>
        tpu.vector_store_idx %arg27[%add3A_951], %max3A_1238 : memref<25088xf32, #tpu.memory_space<vmem>>[vector<16xi32>], vector<16xf32>,
        %gather3A_1239 = tpu.vector_load_idx %arg29[%add3A_970] : memref<25088xf32, #tpu.memory_space<vmem>>[vector<16xi32>], vector<16xf32>,
        %max3A_1240 = arith.maximumf %gather3A_1239, %add3A_966 : vector<16xf32>
        tpu.vector_store_idx %arg29[%add3A_970], %max3A_1240 : memref<25088xf32, #tpu.memory_space<vmem>>[vector<16xi32>], vector<16xf32>,
        %gather3A_1241 = tpu.vector_load_idx %arg28[%add3A_989] : memref<25088xf32, #tpu.memory_space<vmem>>[vector<16xi32>], vector<16xf32>,
        %max3A_1242 = arith.maximumf %gather3A_1241, %add3A_985 : vector<16xf32>
        tpu.vector_store_idx %arg28[%add3A_989], %max3A_1242 : memref<25088xf32, #tpu.memory_space<vmem>>[vector<16xi32>], vector<16xf32>,
        %gather3A_1243 = tpu.vector_load_idx %arg30[%add3A_1008] : memref<25088xf32, #tpu.memory_space<vmem>>[vector<16xi32>], vector<16xf32>,
        %max3A_1244 = arith.maximumf %gather3A_1243, %add3A_1004 : vector<16xf32>
        tpu.vector_store_idx %arg30[%add3A_1008], %max3A_1244 : memref<25088xf32, #tpu.memory_space<vmem>>[vector<16xi32>], vector<16xf32>,
        %gather3A_1245 = tpu.vector_load_idx %arg27[%add3A_1027] : memref<25088xf32, #tpu.memory_space<vmem>>[vector<16xi32>], vector<16xf32>,
        %max3A_1246 = arith.maximumf %gather3A_1245, %add3A_1023 : vector<16xf32>
        tpu.vector_store_idx %arg27[%add3A_1027], %max3A_1246 : memref<25088xf32, #tpu.memory_space<vmem>>[vector<16xi32>], vector<16xf32>,
        %gather3A_1247 = tpu.vector_load_idx %arg29[%add3A_1046] : memref<25088xf32, #tpu.memory_space<vmem>>[vector<16xi32>], vector<16xf32>,
        %max3A_1248 = arith.maximumf %gather3A_1247, %add3A_1042 : vector<16xf32>
        tpu.vector_store_idx %arg29[%add3A_1046], %max3A_1248 : memref<25088xf32, #tpu.memory_space<vmem>>[vector<16xi32>], vector<16xf32>,
        %gather3A_1249 = tpu.vector_load_idx %arg28[%add3A_1065] : memref<25088xf32, #tpu.memory_space<vmem>>[vector<16xi32>], vector<16xf32>,
        %max3A_1250 = arith.maximumf %gather3A_1249, %add3A_1061 : vector<16xf32>
        tpu.vector_store_idx %arg28[%add3A_1065], %max3A_1250 : memref<25088xf32, #tpu.memory_space<vmem>>[vector<16xi32>], vector<16xf32>,
        %gather3A_1251 = tpu.vector_load_idx %arg30[%add3A_1084] : memref<25088xf32, #tpu.memory_space<vmem>>[vector<16xi32>], vector<16xf32>,
        %max3A_1252 = arith.maximumf %gather3A_1251, %add3A_1080 : vector<16xf32>
        tpu.vector_store_idx %arg30[%add3A_1084], %max3A_1252 : memref<25088xf32, #tpu.memory_space<vmem>>[vector<16xi32>], vector<16xf32>,
        %gather3A_1253 = tpu.vector_load_idx %arg27[%add3A_1103] : memref<25088xf32, #tpu.memory_space<vmem>>[vector<16xi32>], vector<16xf32>,
        %max3A_1254 = arith.maximumf %gather3A_1253, %add3A_1099 : vector<16xf32>
        tpu.vector_store_idx %arg27[%add3A_1103], %max3A_1254 : memref<25088xf32, #tpu.memory_space<vmem>>[vector<16xi32>], vector<16xf32>,
        %gather3A_1255 = tpu.vector_load_idx %arg29[%add3A_1122] : memref<25088xf32, #tpu.memory_space<vmem>>[vector<16xi32>], vector<16xf32>,
        %max3A_1256 = arith.maximumf %gather3A_1255, %add3A_1118 : vector<16xf32>
        tpu.vector_store_idx %arg29[%add3A_1122], %max3A_1256 : memref<25088xf32, #tpu.memory_space<vmem>>[vector<16xi32>], vector<16xf32>,
        %gather3A_1257 = tpu.vector_load_idx %arg28[%add3A_1141] : memref<25088xf32, #tpu.memory_space<vmem>>[vector<16xi32>], vector<16xf32>,
        %max3A_1258 = arith.maximumf %gather3A_1257, %add3A_1137 : vector<16xf32>
        tpu.vector_store_idx %arg28[%add3A_1141], %max3A_1258 : memref<25088xf32, #tpu.memory_space<vmem>>[vector<16xi32>], vector<16xf32>,
        %gather3A_1259 = tpu.vector_load_idx %arg30[%add3A_1160] : memref<25088xf32, #tpu.memory_space<vmem>>[vector<16xi32>], vector<16xf32>,
        %max3A_1260 = arith.maximumf %gather3A_1259, %add3A_1156 : vector<16xf32>
        tpu.vector_store_idx %arg30[%add3A_1160], %max3A_1260 : memref<25088xf32, #tpu.memory_space<vmem>>[vector<16xi32>], vector<16xf32>,
        %gather3A_1261 = tpu.vector_load_idx %arg27[%add3A_1179] : memref<25088xf32, #tpu.memory_space<vmem>>[vector<16xi32>], vector<16xf32>,
        %max3A_1262 = arith.maximumf %gather3A_1261, %add3A_1175 : vector<16xf32>
        tpu.vector_store_idx %arg27[%add3A_1179], %max3A_1262 : memref<25088xf32, #tpu.memory_space<vmem>>[vector<16xi32>], vector<16xf32>,
        %gather3A_1263 = tpu.vector_load_idx %arg29[%add3A_1198] : memref<25088xf32, #tpu.memory_space<vmem>>[vector<16xi32>], vector<16xf32>,
        %max3A_1264 = arith.maximumf %gather3A_1263, %add3A_1194 : vector<16xf32>
        tpu.vector_store_idx %arg29[%add3A_1198], %max3A_1264 : memref<25088xf32, #tpu.memory_space<vmem>>[vector<16xi32>], vector<16xf32>,
        %gather3A_1265 = tpu.vector_load_idx %arg28[%add3A_1217] : memref<25088xf32, #tpu.memory_space<vmem>>[vector<16xi32>], vector<16xf32>,
        %max3A_1266 = arith.maximumf %gather3A_1265, %add3A_1213 : vector<16xf32>
        tpu.vector_store_idx %arg28[%add3A_1217], %max3A_1266 : memref<25088xf32, #tpu.memory_space<vmem>>[vector<16xi32>], vector<16xf32>,
        %gather3A_1267 = tpu.vector_load_idx %arg30[%add3A_1236] : memref<25088xf32, #tpu.memory_space<vmem>>[vector<16xi32>], vector<16xf32>,
        %max3A_1268 = arith.maximumf %gather3A_1267, %add3A_1232 : vector<16xf32>
        tpu.vector_store_idx %arg30[%add3A_1236], %max3A_1268 : memref<25088xf32, #tpu.memory_space<vmem>>[vector<16xi32>], vector<16xf32>,
      }
      %scan3A_552 = arith.constant 64 : i32
    }
    %dma_wait3A = arith.constant 0 : i32
    %dma_wait3A_211 = tpu.memref_slice %arg11[%dma_wait3A] : memref<1040xf32, #tpu.memory_space<vmem>> -> memref<1024xf32, #tpu.memory_space<vmem>>
    %dma_wait3A_212 = arith.constant 0 : i32
    %dma_wait3A_213 = tpu.memref_slice %arg2[%dma_wait3A_212] : memref<3200000xf32, #tpu.memory_space<hbm>> -> memref<1024xf32, #tpu.memory_space<hbm>>
    %dma_wait3A_214 = arith.constant 0 : i32
    %dma_wait3A_215 = tpu.memref_slice %arg11[%dma_wait3A_214] : memref<1040xf32, #tpu.memory_space<vmem>> -> memref<1024xf32, #tpu.memory_space<vmem>>
    %dma_wait3A_216 = arith.constant 0 : i32
    %dma_wait3A_217 = tpu.memref_slice %arg2[%dma_wait3A_216] : memref<3200000xf32, #tpu.memory_space<hbm>> -> memref<1024xf32, #tpu.memory_space<hbm>>
    tpu.wait_dma2 semaphore(%arg31 : memref<!tpu.dma_semaphore, #tpu.memory_space<semaphore_mem>>) src(%dma_wait3A_217 : memref<1024xf32, #tpu.memory_space<hbm>>) dst(%dma_wait3A_215 : memref<1024xf32, #tpu.memory_space<vmem>>)
    %dma_wait3A_218 = arith.constant 0 : i32
    %dma_wait3A_219 = tpu.memref_slice %arg12[%dma_wait3A_218] : memref<1040xf32, #tpu.memory_space<vmem>> -> memref<1024xf32, #tpu.memory_space<vmem>>
    %dma_wait3A_220 = arith.constant 0 : i32
    %dma_wait3A_221 = tpu.memref_slice %arg2[%dma_wait3A_220] : memref<3200000xf32, #tpu.memory_space<hbm>> -> memref<1024xf32, #tpu.memory_space<hbm>>
    %dma_wait3A_222 = arith.constant 0 : i32
    %dma_wait3A_223 = tpu.memref_slice %arg12[%dma_wait3A_222] : memref<1040xf32, #tpu.memory_space<vmem>> -> memref<1024xf32, #tpu.memory_space<vmem>>
    %dma_wait3A_224 = arith.constant 0 : i32
    %dma_wait3A_225 = tpu.memref_slice %arg2[%dma_wait3A_224] : memref<3200000xf32, #tpu.memory_space<hbm>> -> memref<1024xf32, #tpu.memory_space<hbm>>
    tpu.wait_dma2 semaphore(%arg31 : memref<!tpu.dma_semaphore, #tpu.memory_space<semaphore_mem>>) src(%dma_wait3A_225 : memref<1024xf32, #tpu.memory_space<hbm>>) dst(%dma_wait3A_223 : memref<1024xf32, #tpu.memory_space<vmem>>)
    %dma_wait3A_226 = arith.constant 0 : i32
    %dma_wait3A_227 = tpu.memref_slice %arg13[%dma_wait3A_226] : memref<1040xf32, #tpu.memory_space<vmem>> -> memref<1024xf32, #tpu.memory_space<vmem>>
    %dma_wait3A_228 = arith.constant 0 : i32
    %dma_wait3A_229 = tpu.memref_slice %arg2[%dma_wait3A_228] : memref<3200000xf32, #tpu.memory_space<hbm>> -> memref<1024xf32, #tpu.memory_space<hbm>>
    %dma_wait3A_230 = arith.constant 0 : i32
    %dma_wait3A_231 = tpu.memref_slice %arg13[%dma_wait3A_230] : memref<1040xf32, #tpu.memory_space<vmem>> -> memref<1024xf32, #tpu.memory_space<vmem>>
    %dma_wait3A_232 = arith.constant 0 : i32
    %dma_wait3A_233 = tpu.memref_slice %arg2[%dma_wait3A_232] : memref<3200000xf32, #tpu.memory_space<hbm>> -> memref<1024xf32, #tpu.memory_space<hbm>>
    tpu.wait_dma2 semaphore(%arg31 : memref<!tpu.dma_semaphore, #tpu.memory_space<semaphore_mem>>) src(%dma_wait3A_233 : memref<1024xf32, #tpu.memory_space<hbm>>) dst(%dma_wait3A_231 : memref<1024xf32, #tpu.memory_space<vmem>>)
    %dma_wait3A_234 = arith.constant 0 : i32
    %dma_wait3A_235 = tpu.memref_slice %arg14[%dma_wait3A_234] : memref<1040xi32, #tpu.memory_space<vmem>> -> memref<1024xi32, #tpu.memory_space<vmem>>
    %dma_wait3A_236 = arith.constant 0 : i32
    %dma_wait3A_237 = tpu.memref_slice %arg5[%dma_wait3A_236] : memref<3200000xi32, #tpu.memory_space<hbm>> -> memref<1024xi32, #tpu.memory_space<hbm>>
    %dma_wait3A_238 = arith.constant 0 : i32
    %dma_wait3A_239 = tpu.memref_slice %arg14[%dma_wait3A_238] : memref<1040xi32, #tpu.memory_space<vmem>> -> memref<1024xi32, #tpu.memory_space<vmem>>
    %dma_wait3A_240 = arith.constant 0 : i32
    %dma_wait3A_241 = tpu.memref_slice %arg5[%dma_wait3A_240] : memref<3200000xi32, #tpu.memory_space<hbm>> -> memref<1024xi32, #tpu.memory_space<hbm>>
    tpu.wait_dma2 semaphore(%arg31 : memref<!tpu.dma_semaphore, #tpu.memory_space<semaphore_mem>>) src(%dma_wait3A_241 : memref<1024xi32, #tpu.memory_space<hbm>>) dst(%dma_wait3A_239 : memref<1024xi32, #tpu.memory_space<vmem>>)
    %dma_wait3A_242 = arith.constant 0 : i32
    %dma_wait3A_243 = tpu.memref_slice %arg19[%dma_wait3A_242] : memref<1040xf32, #tpu.memory_space<vmem>> -> memref<1024xf32, #tpu.memory_space<vmem>>
    %dma_wait3A_244 = arith.constant 0 : i32
    %dma_wait3A_245 = tpu.memref_slice %arg2[%dma_wait3A_244] : memref<3200000xf32, #tpu.memory_space<hbm>> -> memref<1024xf32, #tpu.memory_space<hbm>>
    %dma_wait3A_246 = arith.constant 0 : i32
    %dma_wait3A_247 = tpu.memref_slice %arg19[%dma_wait3A_246] : memref<1040xf32, #tpu.memory_space<vmem>> -> memref<1024xf32, #tpu.memory_space<vmem>>
    %dma_wait3A_248 = arith.constant 0 : i32
    %dma_wait3A_249 = tpu.memref_slice %arg2[%dma_wait3A_248] : memref<3200000xf32, #tpu.memory_space<hbm>> -> memref<1024xf32, #tpu.memory_space<hbm>>
    tpu.wait_dma2 semaphore(%arg31 : memref<!tpu.dma_semaphore, #tpu.memory_space<semaphore_mem>>) src(%dma_wait3A_249 : memref<1024xf32, #tpu.memory_space<hbm>>) dst(%dma_wait3A_247 : memref<1024xf32, #tpu.memory_space<vmem>>)
    %dma_wait3A_250 = arith.constant 0 : i32
    %dma_wait3A_251 = tpu.memref_slice %arg20[%dma_wait3A_250] : memref<1040xf32, #tpu.memory_space<vmem>> -> memref<1024xf32, #tpu.memory_space<vmem>>
    %dma_wait3A_252 = arith.constant 0 : i32
    %dma_wait3A_253 = tpu.memref_slice %arg2[%dma_wait3A_252] : memref<3200000xf32, #tpu.memory_space<hbm>> -> memref<1024xf32, #tpu.memory_space<hbm>>
    %dma_wait3A_254 = arith.constant 0 : i32
    %dma_wait3A_255 = tpu.memref_slice %arg20[%dma_wait3A_254] : memref<1040xf32, #tpu.memory_space<vmem>> -> memref<1024xf32, #tpu.memory_space<vmem>>
    %dma_wait3A_256 = arith.constant 0 : i32
    %dma_wait3A_257 = tpu.memref_slice %arg2[%dma_wait3A_256] : memref<3200000xf32, #tpu.memory_space<hbm>> -> memref<1024xf32, #tpu.memory_space<hbm>>
    tpu.wait_dma2 semaphore(%arg31 : memref<!tpu.dma_semaphore, #tpu.memory_space<semaphore_mem>>) src(%dma_wait3A_257 : memref<1024xf32, #tpu.memory_space<hbm>>) dst(%dma_wait3A_255 : memref<1024xf32, #tpu.memory_space<vmem>>)
    %dma_wait3A_258 = arith.constant 0 : i32
    %dma_wait3A_259 = tpu.memref_slice %arg21[%dma_wait3A_258] : memref<1040xf32, #tpu.memory_space<vmem>> -> memref<1024xf32, #tpu.memory_space<vmem>>
    %dma_wait3A_260 = arith.constant 0 : i32
    %dma_wait3A_261 = tpu.memref_slice %arg2[%dma_wait3A_260] : memref<3200000xf32, #tpu.memory_space<hbm>> -> memref<1024xf32, #tpu.memory_space<hbm>>
    %dma_wait3A_262 = arith.constant 0 : i32
    %dma_wait3A_263 = tpu.memref_slice %arg21[%dma_wait3A_262] : memref<1040xf32, #tpu.memory_space<vmem>> -> memref<1024xf32, #tpu.memory_space<vmem>>
    %dma_wait3A_264 = arith.constant 0 : i32
    %dma_wait3A_265 = tpu.memref_slice %arg2[%dma_wait3A_264] : memref<3200000xf32, #tpu.memory_space<hbm>> -> memref<1024xf32, #tpu.memory_space<hbm>>
    tpu.wait_dma2 semaphore(%arg31 : memref<!tpu.dma_semaphore, #tpu.memory_space<semaphore_mem>>) src(%dma_wait3A_265 : memref<1024xf32, #tpu.memory_space<hbm>>) dst(%dma_wait3A_263 : memref<1024xf32, #tpu.memory_space<vmem>>)
    %dma_wait3A_266 = arith.constant 0 : i32
    %dma_wait3A_267 = tpu.memref_slice %arg22[%dma_wait3A_266] : memref<1040xi32, #tpu.memory_space<vmem>> -> memref<1024xi32, #tpu.memory_space<vmem>>
    %dma_wait3A_268 = arith.constant 0 : i32
    %dma_wait3A_269 = tpu.memref_slice %arg5[%dma_wait3A_268] : memref<3200000xi32, #tpu.memory_space<hbm>> -> memref<1024xi32, #tpu.memory_space<hbm>>
    %dma_wait3A_270 = arith.constant 0 : i32
    %dma_wait3A_271 = tpu.memref_slice %arg22[%dma_wait3A_270] : memref<1040xi32, #tpu.memory_space<vmem>> -> memref<1024xi32, #tpu.memory_space<vmem>>
    %dma_wait3A_272 = arith.constant 0 : i32
    %dma_wait3A_273 = tpu.memref_slice %arg5[%dma_wait3A_272] : memref<3200000xi32, #tpu.memory_space<hbm>> -> memref<1024xi32, #tpu.memory_space<hbm>>
    tpu.wait_dma2 semaphore(%arg31 : memref<!tpu.dma_semaphore, #tpu.memory_space<semaphore_mem>>) src(%dma_wait3A_273 : memref<1024xi32, #tpu.memory_space<hbm>>) dst(%dma_wait3A_271 : memref<1024xi32, #tpu.memory_space<vmem>>)
    %scan3A_274 = arith.constant 0 : i32
    %scan3A_275 = arith.constant 0 : i32
    %scan3A_276 = arith.constant 392 : i32
    %scan3A_277 = arith.addi %scan3A_275, %scan3A_276 : i32
    %scan3A_278 = arith.constant 1 : i32
    scf.for %scan3A_286 = %scan3A_275 to %scan3A_277 step %scan3A_278  : i32 {
      %mul3A_287 = arith.constant 4 : i32
      %mul3A_288 = arith.muli %mul3A_287, %scan3A_286 : i32
      %add3A_289 = arith.constant 0 : i32
      %add3A_290 = arith.addi %mul3A_288, %add3A_289 : i32
      %mul3A_291 = arith.constant 16 : i32
      %mul3A_292 = arith.muli %add3A_290, %mul3A_291 : i32
      %get3A_293 = arith.index_cast %mul3A_292 : i32 to index
      %get3A_294 = tpu.vector_load %arg27[%get3A_293] {strides = array<i32>} : memref<25088xf32, #tpu.memory_space<vmem>>, vector<16xf32>,
      %get3A_295 = arith.index_cast %mul3A_292 : i32 to index
      %get3A_296 = tpu.vector_load %arg28[%get3A_295] {strides = array<i32>} : memref<25088xf32, #tpu.memory_space<vmem>>, vector<16xf32>,
      %max3A_297 = arith.maximumf %get3A_294, %get3A_296 : vector<16xf32>
      %swap3A = arith.index_cast %mul3A_292 : i32 to index
      %swap3A_298 = tpu.vector_load %arg27[%swap3A] {strides = array<i32>} : memref<25088xf32, #tpu.memory_space<vmem>>, vector<16xf32>,
      tpu.vector_store %arg27[%swap3A], %max3A_297 {strides = array<i32>} : memref<25088xf32, #tpu.memory_space<vmem>>, vector<16xf32>,
      %get3A_299 = arith.index_cast %mul3A_292 : i32 to index
      %get3A_300 = tpu.vector_load %arg29[%get3A_299] {strides = array<i32>} : memref<25088xf32, #tpu.memory_space<vmem>>, vector<16xf32>,
      %get3A_301 = arith.index_cast %mul3A_292 : i32 to index
      %get3A_302 = tpu.vector_load %arg30[%get3A_301] {strides = array<i32>} : memref<25088xf32, #tpu.memory_space<vmem>>, vector<16xf32>,
      %max3A_303 = arith.maximumf %get3A_300, %get3A_302 : vector<16xf32>
      %swap3A_304 = arith.index_cast %mul3A_292 : i32 to index
      %swap3A_305 = tpu.vector_load %arg29[%swap3A_304] {strides = array<i32>} : memref<25088xf32, #tpu.memory_space<vmem>>, vector<16xf32>,
      tpu.vector_store %arg29[%swap3A_304], %max3A_303 {strides = array<i32>} : memref<25088xf32, #tpu.memory_space<vmem>>, vector<16xf32>,
      %mul3A_306 = arith.constant 4 : i32
      %mul3A_307 = arith.muli %mul3A_306, %scan3A_286 : i32
      %add3A_308 = arith.constant 1 : i32
      %add3A_309 = arith.addi %mul3A_307, %add3A_308 : i32
      %mul3A_310 = arith.constant 16 : i32
      %mul3A_311 = arith.muli %add3A_309, %mul3A_310 : i32
      %get3A_312 = arith.index_cast %mul3A_311 : i32 to index
      %get3A_313 = tpu.vector_load %arg27[%get3A_312] {strides = array<i32>} : memref<25088xf32, #tpu.memory_space<vmem>>, vector<16xf32>,
      %get3A_314 = arith.index_cast %mul3A_311 : i32 to index
      %get3A_315 = tpu.vector_load %arg28[%get3A_314] {strides = array<i32>} : memref<25088xf32, #tpu.memory_space<vmem>>, vector<16xf32>,
      %max3A_316 = arith.maximumf %get3A_313, %get3A_315 : vector<16xf32>
      %swap3A_317 = arith.index_cast %mul3A_311 : i32 to index
      %swap3A_318 = tpu.vector_load %arg27[%swap3A_317] {strides = array<i32>} : memref<25088xf32, #tpu.memory_space<vmem>>, vector<16xf32>,
      tpu.vector_store %arg27[%swap3A_317], %max3A_316 {strides = array<i32>} : memref<25088xf32, #tpu.memory_space<vmem>>, vector<16xf32>,
      %get3A_319 = arith.index_cast %mul3A_311 : i32 to index
      %get3A_320 = tpu.vector_load %arg29[%get3A_319] {strides = array<i32>} : memref<25088xf32, #tpu.memory_space<vmem>>, vector<16xf32>,
      %get3A_321 = arith.index_cast %mul3A_311 : i32 to index
      %get3A_322 = tpu.vector_load %arg30[%get3A_321] {strides = array<i32>} : memref<25088xf32, #tpu.memory_space<vmem>>, vector<16xf32>,
      %max3A_323 = arith.maximumf %get3A_320, %get3A_322 : vector<16xf32>
      %swap3A_324 = arith.index_cast %mul3A_311 : i32 to index
      %swap3A_325 = tpu.vector_load %arg29[%swap3A_324] {strides = array<i32>} : memref<25088xf32, #tpu.memory_space<vmem>>, vector<16xf32>,
      tpu.vector_store %arg29[%swap3A_324], %max3A_323 {strides = array<i32>} : memref<25088xf32, #tpu.memory_space<vmem>>, vector<16xf32>,
      %mul3A_326 = arith.constant 4 : i32
      %mul3A_327 = arith.muli %mul3A_326, %scan3A_286 : i32
      %add3A_328 = arith.constant 2 : i32
      %add3A_329 = arith.addi %mul3A_327, %add3A_328 : i32
      %mul3A_330 = arith.constant 16 : i32
      %mul3A_331 = arith.muli %add3A_329, %mul3A_330 : i32
      %get3A_332 = arith.index_cast %mul3A_331 : i32 to index
      %get3A_333 = tpu.vector_load %arg27[%get3A_332] {strides = array<i32>} : memref<25088xf32, #tpu.memory_space<vmem>>, vector<16xf32>,
      %get3A_334 = arith.index_cast %mul3A_331 : i32 to index
      %get3A_335 = tpu.vector_load %arg28[%get3A_334] {strides = array<i32>} : memref<25088xf32, #tpu.memory_space<vmem>>, vector<16xf32>,
      %max3A_336 = arith.maximumf %get3A_333, %get3A_335 : vector<16xf32>
      %swap3A_337 = arith.index_cast %mul3A_331 : i32 to index
      %swap3A_338 = tpu.vector_load %arg27[%swap3A_337] {strides = array<i32>} : memref<25088xf32, #tpu.memory_space<vmem>>, vector<16xf32>,
      tpu.vector_store %arg27[%swap3A_337], %max3A_336 {strides = array<i32>} : memref<25088xf32, #tpu.memory_space<vmem>>, vector<16xf32>,
      %get3A_339 = arith.index_cast %mul3A_331 : i32 to index
      %get3A_340 = tpu.vector_load %arg29[%get3A_339] {strides = array<i32>} : memref<25088xf32, #tpu.memory_space<vmem>>, vector<16xf32>,
      %get3A_341 = arith.index_cast %mul3A_331 : i32 to index
      %get3A_342 = tpu.vector_load %arg30[%get3A_341] {strides = array<i32>} : memref<25088xf32, #tpu.memory_space<vmem>>, vector<16xf32>,
      %max3A_343 = arith.maximumf %get3A_340, %get3A_342 : vector<16xf32>
      %swap3A_344 = arith.index_cast %mul3A_331 : i32 to index
      %swap3A_345 = tpu.vector_load %arg29[%swap3A_344] {strides = array<i32>} : memref<25088xf32, #tpu.memory_space<vmem>>, vector<16xf32>,
      tpu.vector_store %arg29[%swap3A_344], %max3A_343 {strides = array<i32>} : memref<25088xf32, #tpu.memory_space<vmem>>, vector<16xf32>,
      %mul3A_346 = arith.constant 4 : i32
      %mul3A_347 = arith.muli %mul3A_346, %scan3A_286 : i32
      %add3A_348 = arith.constant 3 : i32
      %add3A_349 = arith.addi %mul3A_347, %add3A_348 : i32
      %mul3A_350 = arith.constant 16 : i32
      %mul3A_351 = arith.muli %add3A_349, %mul3A_350 : i32
      %get3A_352 = arith.index_cast %mul3A_351 : i32 to index
      %get3A_353 = tpu.vector_load %arg27[%get3A_352] {strides = array<i32>} : memref<25088xf32, #tpu.memory_space<vmem>>, vector<16xf32>,
      %get3A_354 = arith.index_cast %mul3A_351 : i32 to index
      %get3A_355 = tpu.vector_load %arg28[%get3A_354] {strides = array<i32>} : memref<25088xf32, #tpu.memory_space<vmem>>, vector<16xf32>,
      %max3A_356 = arith.maximumf %get3A_353, %get3A_355 : vector<16xf32>
      %swap3A_357 = arith.index_cast %mul3A_351 : i32 to index
      %swap3A_358 = tpu.vector_load %arg27[%swap3A_357] {strides = array<i32>} : memref<25088xf32, #tpu.memory_space<vmem>>, vector<16xf32>,
      tpu.vector_store %arg27[%swap3A_357], %max3A_356 {strides = array<i32>} : memref<25088xf32, #tpu.memory_space<vmem>>, vector<16xf32>,
      %get3A_359 = arith.index_cast %mul3A_351 : i32 to index
      %get3A_360 = tpu.vector_load %arg29[%get3A_359] {strides = array<i32>} : memref<25088xf32, #tpu.memory_space<vmem>>, vector<16xf32>,
      %get3A_361 = arith.index_cast %mul3A_351 : i32 to index
      %get3A_362 = tpu.vector_load %arg30[%get3A_361] {strides = array<i32>} : memref<25088xf32, #tpu.memory_space<vmem>>, vector<16xf32>,
      %max3A_363 = arith.maximumf %get3A_360, %get3A_362 : vector<16xf32>
      %swap3A_364 = arith.index_cast %mul3A_351 : i32 to index
      %swap3A_365 = tpu.vector_load %arg29[%swap3A_364] {strides = array<i32>} : memref<25088xf32, #tpu.memory_space<vmem>>, vector<16xf32>,
      tpu.vector_store %arg29[%swap3A_364], %max3A_363 {strides = array<i32>} : memref<25088xf32, #tpu.memory_space<vmem>>, vector<16xf32>,
    }
    %scan3A_279 = arith.constant 392 : i32
    %mul3A_280 = arith.constant 16 : i32
    %mul3A_281 = arith.muli %mul3A_2, %mul3A_280 : i32
    %multiple_of3A_282 = tpu.assume_multiple %mul3A_281, 8 : i32
    %mul3A_283 = arith.constant 16 : i32
    %mul3A_284 = arith.muli %add3A_4, %mul3A_283 : i32
    %multiple_of3A_285 = tpu.assume_multiple %mul3A_284, 8 : i32
    "tpu.region"() ({
      %run_scoped3A = tpu.sem_alloc : memref<!tpu.dma_semaphore, #tpu.memory_space<semaphore_mem>>
      %dma_start3A_286 = arith.constant 0 : i32
      %dma_start3A_287 = tpu.memref_slice %arg27[%dma_start3A_286] : memref<25088xf32, #tpu.memory_space<vmem>> -> memref<25008xf32, #tpu.memory_space<vmem>>
      %dma_start3A_288 = tpu.memref_slice %arg8[%multiple_of3A_282] : memref<1600000xf32, #tpu.memory_space<hbm>> -> memref<25008xf32, #tpu.memory_space<hbm>>
      %dma_start3A_289 = tpu.memref_slice %arg8[%multiple_of3A_282] : memref<1600000xf32, #tpu.memory_space<hbm>> -> memref<25008xf32, #tpu.memory_space<hbm>>
      %dma_start3A_290 = arith.constant 0 : i32
      %dma_start3A_291 = tpu.memref_slice %arg27[%dma_start3A_290] : memref<25088xf32, #tpu.memory_space<vmem>> -> memref<25008xf32, #tpu.memory_space<vmem>>
      tpu.enqueue_dma source(%dma_start3A_291 : memref<25008xf32, #tpu.memory_space<vmem>>) target(%dma_start3A_289 : memref<25008xf32, #tpu.memory_space<hbm>>) target_semaphore(%run_scoped3A : memref<!tpu.dma_semaphore, #tpu.memory_space<semaphore_mem>>)
      %dma_wait3A_292 = arith.constant 0 : i32
      %dma_wait3A_293 = tpu.memref_slice %arg27[%dma_wait3A_292] : memref<25088xf32, #tpu.memory_space<vmem>> -> memref<25008xf32, #tpu.memory_space<vmem>>
      %dma_wait3A_294 = tpu.memref_slice %arg8[%multiple_of3A_282] : memref<1600000xf32, #tpu.memory_space<hbm>> -> memref<25008xf32, #tpu.memory_space<hbm>>
      %dma_wait3A_295 = tpu.memref_slice %arg8[%multiple_of3A_282] : memref<1600000xf32, #tpu.memory_space<hbm>> -> memref<25008xf32, #tpu.memory_space<hbm>>
      %dma_wait3A_296 = arith.constant 0 : i32
      %dma_wait3A_297 = tpu.memref_slice %arg27[%dma_wait3A_296] : memref<25088xf32, #tpu.memory_space<vmem>> -> memref<25008xf32, #tpu.memory_space<vmem>>
      tpu.wait_dma2 semaphore(%run_scoped3A : memref<!tpu.dma_semaphore, #tpu.memory_space<semaphore_mem>>) src(%dma_wait3A_297 : memref<25008xf32, #tpu.memory_space<vmem>>) dst(%dma_wait3A_295 : memref<25008xf32, #tpu.memory_space<hbm>>)
      tpu.yield
    }) : () -> ()
    "tpu.region"() ({
      %run_scoped3A = tpu.sem_alloc : memref<!tpu.dma_semaphore, #tpu.memory_space<semaphore_mem>>
      %dma_start3A_286 = arith.constant 0 : i32
      %dma_start3A_287 = tpu.memref_slice %arg29[%dma_start3A_286] : memref<25088xf32, #tpu.memory_space<vmem>> -> memref<24992xf32, #tpu.memory_space<vmem>>
      %dma_start3A_288 = tpu.memref_slice %arg8[%multiple_of3A_285] : memref<1600000xf32, #tpu.memory_space<hbm>> -> memref<24992xf32, #tpu.memory_space<hbm>>
      %dma_start3A_289 = tpu.memref_slice %arg8[%multiple_of3A_285] : memref<1600000xf32, #tpu.memory_space<hbm>> -> memref<24992xf32, #tpu.memory_space<hbm>>
      %dma_start3A_290 = arith.constant 0 : i32
      %dma_start3A_291 = tpu.memref_slice %arg29[%dma_start3A_290] : memref<25088xf32, #tpu.memory_space<vmem>> -> memref<24992xf32, #tpu.memory_space<vmem>>
      tpu.enqueue_dma source(%dma_start3A_291 : memref<24992xf32, #tpu.memory_space<vmem>>) target(%dma_start3A_289 : memref<24992xf32, #tpu.memory_space<hbm>>) target_semaphore(%run_scoped3A : memref<!tpu.dma_semaphore, #tpu.memory_space<semaphore_mem>>)
      %dma_wait3A_292 = arith.constant 0 : i32
      %dma_wait3A_293 = tpu.memref_slice %arg29[%dma_wait3A_292] : memref<25088xf32, #tpu.memory_space<vmem>> -> memref<24992xf32, #tpu.memory_space<vmem>>
      %dma_wait3A_294 = tpu.memref_slice %arg8[%multiple_of3A_285] : memref<1600000xf32, #tpu.memory_space<hbm>> -> memref<24992xf32, #tpu.memory_space<hbm>>
      %dma_wait3A_295 = tpu.memref_slice %arg8[%multiple_of3A_285] : memref<1600000xf32, #tpu.memory_space<hbm>> -> memref<24992xf32, #tpu.memory_space<hbm>>
      %dma_wait3A_296 = arith.constant 0 : i32
      %dma_wait3A_297 = tpu.memref_slice %arg29[%dma_wait3A_296] : memref<25088xf32, #tpu.memory_space<vmem>> -> memref<24992xf32, #tpu.memory_space<vmem>>
      tpu.wait_dma2 semaphore(%run_scoped3A : memref<!tpu.dma_semaphore, #tpu.memory_space<semaphore_mem>>) src(%dma_wait3A_297 : memref<24992xf32, #tpu.memory_space<vmem>>) dst(%dma_wait3A_295 : memref<24992xf32, #tpu.memory_space<hbm>>)
      tpu.yield
    }) : () -> ()
    return
  }
}

module attributes {stable_mosaic.version = 14 : i64} {
  func.func @_mlp_body(%arg0: i32, %arg1: memref<10000x16xf32, #tpu.memory_space<vmem>>, %arg2: memref<16x16xbf16, #tpu.memory_space<vmem>>, %arg3: memref<1x16xf32, #tpu.memory_space<vmem>>, %arg4: memref<16x16xbf16, #tpu.memory_space<vmem>>, %arg5: memref<1x16xf32, #tpu.memory_space<vmem>>, %arg6: memref<10000x16xf32, #tpu.memory_space<vmem>>) attributes {dimension_semantics = [#tpu.dimension_semantics<arbitrary>], iteration_bounds = array<i64: 10>, scalar_prefetch = 0 : i64, scratch_operands = 0 : i64, tpu.core_type = #tpu.core_type<tc>, window_params = [{transform_indices = @transform_0, window_bounds = array<i64: 10000, 16>}, {pipeline_mode = #tpu.pipeline_mode<synchronous>, transform_indices = @transform_1, window_bounds = array<i64: 16, 16>}, {pipeline_mode = #tpu.pipeline_mode<synchronous>, transform_indices = @transform_2, window_bounds = array<i64: 1, 16>}, {pipeline_mode = #tpu.pipeline_mode<synchronous>, transform_indices = @transform_3, window_bounds = array<i64: 16, 16>}, {pipeline_mode = #tpu.pipeline_mode<synchronous>, transform_indices = @transform_4, window_bounds = array<i64: 1, 16>}, {transform_indices = @transform_5, window_bounds = array<i64: 10000, 16>}]} {
    %get3A = arith.constant 0 : index
    %get3A_0 = arith.constant 0 : index
    %get3A_1 = vector.load %arg1[%get3A, %get3A_0] : memref<10000x16xf32, #tpu.memory_space<vmem>>, vector<10000x16xf32>
    %convert_element_type3A = arith.truncf %get3A_1 : vector<10000x16xf32> to vector<10000x16xbf16>
    %get3A_2 = arith.constant 0 : index
    %get3A_3 = arith.constant 0 : index
    %get3A_4 = vector.load %arg2[%get3A_2, %get3A_3] : memref<16x16xbf16, #tpu.memory_space<vmem>>, vector<16x16xbf16>
    %dot_general3A = arith.constant dense<0.000000e+00> : vector<10000x16xf32>
    %dot_general3A_5 = tpu.matmul %convert_element_type3A, %get3A_4, %dot_general3A {dimension_numbers = #tpu.dot_dimension_numbers<[1], [0], [0], [1], [0, 0, 1, 1], [], []>, transpose_lhs_hint = false} : vector<10000x16xbf16>, vector<16x16xbf16>, vector<10000x16xf32> -> vector<10000x16xf32>
    %get3A_6 = arith.constant 0 : index
    %get3A_7 = arith.constant 0 : index
    %get3A_8 = vector.load %arg3[%get3A_6, %get3A_7] : memref<1x16xf32, #tpu.memory_space<vmem>>, vector<1x16xf32>
    %add3A = vector.broadcast %get3A_8 : vector<1x16xf32> to vector<10000x16xf32>
    %add3A_9 = arith.addf %dot_general3A_5, %add3A : vector<10000x16xf32>
    %max3A = arith.constant 0.000000e+00 : f32
    %max3A_10 = vector.broadcast %max3A : f32 to vector<10000x16xf32>
    %max3A_11 = arith.maximumf %add3A_9, %max3A_10 : vector<10000x16xf32>
    %convert_element_type3A_12 = arith.truncf %max3A_11 : vector<10000x16xf32> to vector<10000x16xbf16>
    %get3A_13 = arith.constant 0 : index
    %get3A_14 = arith.constant 0 : index
    %get3A_15 = vector.load %arg4[%get3A_13, %get3A_14] : memref<16x16xbf16, #tpu.memory_space<vmem>>, vector<16x16xbf16>
    %dot_general3A_16 = arith.constant dense<0.000000e+00> : vector<10000x16xf32>
    %dot_general3A_17 = tpu.matmul %convert_element_type3A_12, %get3A_15, %dot_general3A_16 {dimension_numbers = #tpu.dot_dimension_numbers<[1], [0], [0], [1], [0, 0, 1, 1], [], []>, transpose_lhs_hint = false} : vector<10000x16xbf16>, vector<16x16xbf16>, vector<10000x16xf32> -> vector<10000x16xf32>
    %get3A_18 = arith.constant 0 : index
    %get3A_19 = arith.constant 0 : index
    %get3A_20 = vector.load %arg5[%get3A_18, %get3A_19] : memref<1x16xf32, #tpu.memory_space<vmem>>, vector<1x16xf32>
    %add3A_21 = vector.broadcast %get3A_20 : vector<1x16xf32> to vector<10000x16xf32>
    %add3A_22 = arith.addf %dot_general3A_17, %add3A_21 : vector<10000x16xf32>
    %max3A_23 = arith.constant 0.000000e+00 : f32
    %max3A_24 = vector.broadcast %max3A_23 : f32 to vector<10000x16xf32>
    %max3A_25 = arith.maximumf %add3A_22, %max3A_24 : vector<10000x16xf32>
    %swap3A = arith.constant 0 : index
    %swap3A_26 = arith.constant 0 : index
    %swap3A_27 = vector.load %arg6[%swap3A, %swap3A_26] : memref<10000x16xf32, #tpu.memory_space<vmem>>, vector<10000x16xf32>
    tpu.vector_store %arg6[%swap3A, %swap3A_26], %max3A_25 {strides = array<i32>} : memref<10000x16xf32, #tpu.memory_space<vmem>>, vector<10000x16xf32>,
    return
  }
  func.func @transform_0(%arg0: i32) -> (i32, i32) {
    %c0_i32 = arith.constant 0 : i32
    %c0_i32_0 = arith.constant 0 : i32
    return %arg0, %c0_i32 : i32, i32
  }
  func.func @transform_1(%arg0: i32) -> (i32, i32) {
    %c0_i32 = arith.constant 0 : i32
    %c0_i32_0 = arith.constant 0 : i32
    %c0_i32_1 = arith.constant 0 : i32
    return %c0_i32, %c0_i32_0 : i32, i32
  }
  func.func @transform_2(%arg0: i32) -> (i32, i32) {
    %c0_i32 = arith.constant 0 : i32
    %c0_i32_0 = arith.constant 0 : i32
    %c0_i32_1 = arith.constant 0 : i32
    return %c0_i32, %c0_i32_0 : i32, i32
  }
  func.func @transform_3(%arg0: i32) -> (i32, i32) {
    %c0_i32 = arith.constant 0 : i32
    %c0_i32_0 = arith.constant 0 : i32
    %c0_i32_1 = arith.constant 0 : i32
    return %c0_i32, %c0_i32_0 : i32, i32
  }
  func.func @transform_4(%arg0: i32) -> (i32, i32) {
    %c0_i32 = arith.constant 0 : i32
    %c0_i32_0 = arith.constant 0 : i32
    %c0_i32_1 = arith.constant 0 : i32
    return %c0_i32, %c0_i32_0 : i32, i32
  }
  func.func @transform_5(%arg0: i32) -> (i32, i32) {
    %c0_i32 = arith.constant 0 : i32
    %c0_i32_0 = arith.constant 0 : i32
    return %arg0, %c0_i32 : i32, i32
  }
}

</mosaic_0001>

<sc_bundles>
// kernel: kernel.4.cloned.1.call-start
scs
__scs_entry_jumppad:
0x0: {  	(pc) =	sbr.rel $0x88, $3  }
0x1: {  	(tag) =	ssettag $0x0;
	lr =	simm.s32 $0x1  }
0x2: {  	[smem:$0x3F99] =	sst lr;
	_ =	strace $0xD0000000  }
0x3: {  	_ = 	snop  }
0x4: {  	_ = 	snop  }
0x5: {  	_ = 	snop  }
0x6: {  	_ = 	snop  }
0x7: {  	_ = 	snop  }
__scs_overlays_trampoline_lowered:
0x8: {  	[smem:$0x3FA8] =	sst s0  }
0x9: {  	[smem:$0x3FA9] =	sst s1  }
0xa: {  	[smem:$0x3FAA] =	sst s2  }
0xb: {  	[smem:$0x3FAB] =	sst s3  }
0xc: {  	[smem:$0x3FAC] =	sst s4  }
0xd: {  	[smem:$0x3FAD] =	sst s5  }
0xe: {  	[smem:$0x3FAE] =	sst s6  }
0xf: {  	[smem:$0x3FAF] =	sst s7  }
0x10: {  	[smem:$0x3FB0] =	sst s8  }
0x11: {  	[smem:$0x3FB1] =	sst s9;
	s0 =	simm.s32 @!p0 $0x0  }
0x12: {  	s1 =	sld [smem:$0x3F97];
	s0 =	simm.s32 @p0 $0x1  }
0x13: {  	[smem:$0x3FB2] =	sst s0;
	s0 =	simm.s32 @!p1 $0x0  }
0x14: {  	s2 =	sld [smem:$0x3F96];
	s0 =	simm.s32 @p1 $0x1  }
0x15: {  	[smem:$0x3FB3] =	sst s0;
	s0 =	simm.s32 @!p2 $0x0  }
0x16: {  	s3 =	sld [smem:$0x3FDB];
	s0 =	simm.s32 @p2 $0x1  }
0x17: {  	s4 =	simm.s32 $0x1BF5;
	[smem:$0x3FB5] =	sst s0  }
0x18: {  	s0 =	sld [smem:$0x3F98];
	_ =	swait.ge [sflag:s4], $0x0  }
0x19: {  	s7 =	sld [smem:$0x3F99]  }
0x1a: {  	s8 =	sadd.s32 $0xFFFFE003, lr  }
0x1b: {  	s9 =	sadd.s32 $0xFFFFFEF7, lr;
	s5 =	simm.s32 $0xFFFFFFFF;
	p2 =	slt.u32 s8, $0xFFFFF086  }
0x1c: {  	p1 =	slt.u32 s9, $0xF7A;
	s5 =	simm.s32 @!p2 $0x0  }
0x1d: {  	s5 =	simm.s32 @p1 $0x1;
	p0 =	seq.s32 s7, s2  }
0x1e: {  	s7 =	smul.u32 @!p0 $0xF7A, s2;
	p2 =	seq.s32 @!p0 s5, $0x0  }
0x1f: {  	s9 =	smul.u32 $0xF7A, s1;
	s8 =	simm.s32 @!p0 $0x1BF5;
	p2 =	por !p2, p0  }
0x20: {  	[sflag:s8] =	ssyncset.s32 @!p0 $0xFFFFF086;
	s6 =	sadd.s32 @!p0 s3, s7;
	s7 =	simm.s32 @!p0 $0x108  }
0x21: {  	s3 =	sadd.s32 s3, s9;
	s6 =	sadd.s32 @!p0 $0x88, s6;
	s7 =	simm.s32 @p2 $0x1082  }
0x22: {  	[simem:s7], [sflag:s8] =	dma.local @!p0 [hbm:s6], $0xF7A  }
0x23: {  	s9 =	sor.u32 $0xD0000000, s2;
	s6 =	simm.s32 $0x108;
	_ =	swait.ge @!p0 [sflag:s8], $0x0  }
0x24: {  	s3 =	sadd.s32 $0x88, s3;
	s6 =	simm.s32 @!p1 $0x1082;
	[sflag:s4] =	ssyncset.s32 $0xFFFFF086  }
0x25: {  	[simem:s6], [sflag:s4] =	dma.local [hbm:s3], $0xF7A  }
0x26: {  	[smem:$0x3F99] =	sst s1;
	(tag) =	ssettag s2;
	_ =	strace s9  }
0x27: {  	s1 =	sld [smem:$0x3FA9]  }
0x28: {  	s2 =	sld [smem:$0x3FAA]  }
0x29: {  	s4 =	sld [smem:$0x3FAC]  }
0x2a: {  	p0 =	seq.s32 s5, $0x0;
	s5 =	sld [smem:$0x3FAD]  }
0x2b: {  	s6 =	sld [smem:$0x3FAE]  }
0x2c: {  	s7 =	sld [smem:$0x3FAF]  }
0x2d: {  	s3 =	simm.s32 $0x108;
	s8 =	sld [smem:$0x3FB0]  }
0x2e: {  	s3 =	simm.s32 @!p0 $0x1082;
	s9 =	sld [smem:$0x3FB1]  }
0x2f: {  	lr =	sadd.s32 s0, s3;
	s0 =	sld [smem:$0x3FA8]  }
0x30: {  	s3 =	sld [smem:$0x3FAB]  }
0x31: {  	[smem:$0x3FB4] =	sst s10  }
0x32: {  	s10 =	sld [smem:$0x3FB2];
	_ =	sdelay $0x3  }
0x33: {  	p0 =	seq.s32 s10, $0x1;
	s10 =	sld [smem:$0x3FB4];
	_ =	sdelay $0x3  }
0x34: {  	[smem:$0x3FB4] =	sst s10  }
0x35: {  	s10 =	sld [smem:$0x3FB3];
	_ =	sdelay $0x3  }
0x36: {  	p1 =	seq.s32 s10, $0x1;
	s10 =	sld [smem:$0x3FB4];
	_ =	sdelay $0x3  }
0x37: {  	[smem:$0x3FB4] =	sst s10  }
0x38: {  	s10 =	sld [smem:$0x3FB5]  }
0x39: {  	_ = 	snop;
	(pc) =	sbr.ind lr, $3  }
0x3a: {  	_ = 	snop  }
0x3b: {  	_ = 	snop  }
0x3c: {  	p2 =	seq.s32 s10, $0x1;
	s10 =	sld [smem:$0x3FB4]  }
0x3d: {  	_ =	shalt  }
0x3e: {  	_ =	shalt  }
0x3f: {  	_ =	shalt  }
0x40: {  	_ =	shalt  }
0x41: {  	_ =	shalt  }
0x42: {  	_ =	shalt  }
0x43: {  	_ =	shalt  }
0x44: {  	_ =	shalt  }
0x45: {  	_ =	shalt  }
0x46: {  	_ =	shalt  }
0x47: {  	_ =	shalt  }
0x48: {  	_ =	shalt  }
0x49: {  	_ =	shalt  }
0x4a: {  	_ =	shalt  }
0x4b: {  	_ =	shalt  }
0x4c: {  	_ =	shalt  }
0x4d: {  	_ =	shalt  }
0x4e: {  	_ =	shalt  }
0x4f: {  	_ =	shalt  }
0x50: {  	_ =	shalt  }
0x51: {  	_ =	shalt  }
0x52: {  	_ =	shalt  }
0x53: {  	_ =	shalt  }
0x54: {  	_ =	shalt  }
0x55: {  	_ =	shalt  }
0x56: {  	_ =	shalt  }
0x57: {  	_ =	shalt  }
0x58: {  	_ =	shalt  }
0x59: {  	_ =	shalt  }
0x5a: {  	_ =	shalt  }
0x5b: {  	_ =	shalt  }
0x5c: {  	_ =	shalt  }
0x5d: {  	_ =	shalt  }
0x5e: {  	_ =	shalt  }
0x5f: {  	_ =	shalt  }
0x60: {  	_ =	shalt  }
0x61: {  	_ =	shalt  }
0x62: {  	_ =	shalt  }
0x63: {  	_ =	shalt  }
0x64: {  	_ =	shalt  }
0x65: {  	_ =	shalt  }
0x66: {  	_ =	shalt  }
0x67: {  	_ =	shalt  }
0x68: {  	_ =	shalt  }
0x69: {  	_ =	shalt  }
0x6a: {  	_ =	shalt  }
0x6b: {  	_ =	shalt  }
0x6c: {  	_ =	shalt  }
0x6d: {  	_ =	shalt  }
0x6e: {  	_ =	shalt  }
0x6f: {  	_ =	shalt  }
0x70: {  	_ =	shalt  }
0x71: {  	_ =	shalt  }
0x72: {  	_ =	shalt  }
0x73: {  	_ =	shalt  }
0x74: {  	_ =	shalt  }
0x75: {  	_ =	shalt  }
0x76: {  	_ =	shalt  }
0x77: {  	_ =	shalt  }
0x78: {  	_ =	shalt  }
0x79: {  	_ =	shalt  }
0x7a: {  	_ =	shalt  }
0x7b: {  	_ =	shalt  }
0x7c: {  	_ =	shalt  }
0x7d: {  	_ =	shalt  }
0x7e: {  	_ =	shalt  }
0x7f: {  	_ =	shalt  }
0x80: {  	_ =	shalt  }
0x81: {  	_ =	shalt  }
0x82: {  	_ =	shalt  }
0x83: {  	_ =	shalt  }
0x84: {  	_ =	shalt  }
0x85: {  	_ =	shalt  }
0x86: {  	_ =	shalt  }
0x87: {  	_ =	shalt  }
.Lfunc_end0:
.L_simem_size_0:
called_computation_lowered:
.L_overlay_start_0:
0x88: {  	s2 =	sld [smem:$0x3FD9]  }
0x89: {  	s3 =	sld [smem:$0x3FFE];
	_ =	sdelay $0x1  }
0x8a: {  	s1 =	srdreg.scid  }
0x8b: {  	s0 =	sand.u32 $0x1, s1  }
0x8c: {  	s17 =	sshll.u32 s0, $0xA;
	s2 =	sadd.s32 s3, s2  }
0x8d: {  	s2 =	sadd.s32 s2, s17  }
0x8e: {  	[smem:$0x3FC0] =	sst s2  }
0x8f: {  	_ = 	snop  }
0x90: {  	s2 =	sld [smem:$0x3FC8]  }
0x91: {  	s18 =	sld [smem:$0x3FD0];
	(tm) =	ssettm $0x1  }
0x92: {  	s4 =	sld [smem:$0x3FFB];
	_ =	sdelay $0x3  }
0x93: {  	_ =	strace s4  }
0x94: {  	s4 =	sld [smem:$0x3FFC];
	_ =	sdelay $0x3  }
0x95: {  	_ =	strace s4  }
0x96: {  	s4 =	sld [smem:$0x3FFD];
	_ =	sdelay $0x3  }
0x97: {  	_ =	strace s4  }
0x98: {  	_ =	strace $0x8FFFFFFF  }
0x99: {  	s19 =	sld [smem:$0x3FDB];
	_ =	sdelay $0x1  }
0x9a: {  	s5 =	simm.s32 $_scs_section_size  }
0x9b: {  	s6 =	simm.s32 $_size__tile_overlayer_lowered;
	s7 =	simm.s32 $_tile_overlayer_lowered  }
0x9c: {  	s22 =	simm.s32 $0x1BFF;
	s21 =	sshll.u32 s7, $0x1;
	s4 =	sadd.s32 s5, s19  }
0x9d: {  	s8 =	simm.s32 $0x0;
	s20 =	sshll.u32 s6, $0x1;
	s6 =	sadd.s32 s21, s4  }
0x9e: {  	[timem:s8], [sflag:s22] =	dma.local [hbm:s6], s20  }
0x9f: {  	_ =	swait.ge [sflag:s22], s20  }
0xa0: {  	s5 =	ssub.s32 $0x0, s20;
	[sflag:s22] =	ssyncset.done $0x0  }
0xa1: {  	[sflag:s22] =	ssyncadd.s32 s5;
	_ =	sdelay $0x1  }
0xa2: {  	s23 =	simm.s32 $0x1B8B  }
0xa3: {  	_ =	swait.ge [sflag:s23], $0x1  }
0xa4: {  	[sflag:s23] =	ssyncset.done $0x0  }
0xa5: {  	s25 =	simm.s32 $0x1B8E;
	s24 =	sld [smem:$0x3FFE];
	[sflag:s23] =	ssyncadd.s32 $0xFFFFFFFF  }
0xa6: {  	s26 =	simm.s32 $execute0_lowered;
	[smem:$0x3FD2] =	sst s25  }
0xa7: {  	s6 =	sshll.u32 s26, $0x1;
	_ =	strace $0x80000046;
	[dreg:$0x1] =	wrdreg $0xFFFFFFFF  }
0xa8: {  	s28 =	simm.s32 $_size_execute0_lowered;
	s4 =	sadd.s32 s4, s6;
	[dreg:$0x0] =	wrdreg $0x0  }
0xa9: {  	s6 =	sshll.u32 s28, $0x1;
	[dreg:$0x2] =	wrdreg s4  }
0xaa: {  	[dreg:$0x3] =	wrdreg s6  }
0xab: {  	[dreg:$0x4] =	wrdreg $0xC0  }
0xac: {  	_ =	task [dreg:s8], $0x5FFFF  }
0xad: {  	[dreg:$0x1] =	wrdreg $0xFFFFFFFF  }
0xae: {  	[dreg:$0x0] =	wrdreg $0x60  }
0xaf: {  	[dreg:$0x2] =	wrdreg s24  }
0xb0: {  	[dreg:$0x3] =	wrdreg s2  }
0xb1: {  	[dreg:$0x4] =	wrdreg s18  }
0xb2: {  	[dreg:$0x5] =	wrdreg $0x9  }
0xb3: {  	_ =	task.clear_ibuf [dreg:s8], $0x6FFFF;
	_ =	strace $0x90000046  }
0xb4: {  	s29 =	simm.s32 $0x9;
	_ =	strace $0x80000048  }
0xb5: {  	_ =	swait.ge [sflag:s29], $0x1  }
0xb6: {  	[sflag:s29] =	ssyncadd.s32 $0xFFFFFFFF  }
0xb7: {  	_ =	strace $0x90000048  }
0xb8: {  	_ =	sfence  }
0xb9: {  	s30 =	sld [smem:$0x0];
	_ =	sdelay $0x2  }
0xba: {  	s31 =	sshll.u32 s1, $0xD;
	s1 =	sshrl.u32 s1, $0x2  }
0xbb: {  	s3 =	sand.u32 $0x4000, s31;
	s1 =	sadd.s32 s1, s30  }
0xbc: {  	s0 =	sor.u32 s3, s0;
	s1 =	sshll.u32 s1, $0x11  }
0xbd: {  	s0 =	sor.u32 s1, s0  }
0xbe: {  	s0 =	sadd.s32 $0x8F2B, s0  }
0xbf: {  	[sflag:s0] =	ssyncadd.remote.s32 $0x1  }
0xc0: {  	_ =	sfence.sel $0xFFFF  }
0xc1: {  	[dreg:$0x0] =	wrdreg $0xFFFFFFFF;
	(pc) =	sbr.abs _section_cstart, $3  }
0xc2: {  	[dreg:$0x1] =	wrdreg $0xFFFFFFFF  }
0xc3: {  	_ =	task.clear_ibuf [dreg:s8], $0x2FFFF;
	_ =	strace $0x9FFFFFFF  }
0xc4: {  	(tm) =	ssettm $0x7FFFFFFF  }
0xc5: {  	_ =	shalt  }
tec
execute0_lowered:
.L_overlay_start_1:
0x0: {  	(tag) =	ssettag $0x1  }
0x1: {  	s0 =	rddreg [dreg:$0x0]  }
0x2: {  	s1 =	rddreg [dreg:$0x1]  }
0x3: {  	s2 =	rddreg [dreg:$0x2]  }
0x4: {  	s10 =	simm.s32 $0x0;
	s3 =	srdreg.scid;
	s4 =	stileid.u32  }
0x5: {  	s11 =	simm.s32 $0x3;
	s14 =	simm.s32 $0x1;
	s15 =	simm.s32 $0xE80  }
0x6: {  	s16 =	simm.s32 $0x1300;
	s17 =	simm.s32 $0x1780;
	s18 =	simm.s32 $0x1C00  }
0x7: {  	s19 =	simm.s32 $0x3280;
	s20 =	simm.s32 $0x3700;
	s21 =	simm.s32 $0x3B80  }
0x8: {  	s22 =	simm.s32 $0x4000;
	s29 =	simm.s32 $0x4900;
	s30 =	simm.s32 $0x4D80  }
0x9: {  	s31 =	simm.s32 $0x5200;
	s13 =	simm.s32 $0xB880;
	[smem:$0x7FF] =	sst s10  }
0xa: {  	s6 =	sshll.u32 s4, $0x1;
	s4 =	sadd.s32 $0xC4800, s0;
	s5 =	sadd.s32 $0x62C00, s0  }
0xb: {  	s3 =	sand.u32 $0x1, s3;
	s9 =	sadd.s32 $0x126600, s0;
	_ =	strace $0x80000047  }
0xc: {  	s7 =	sor.u32 s3, s6;
	s6 =	sadd.s32 $0x1000, s0;
	s3 =	ssub.s32 $0x2, s3  }
0xd: {  	[dreg:$0x4] =	wrdreg s9;
	s0 =	sadd.s32 $0x126400, s0;
	s8 =	smul.u32 $0xC35, s7  }
0xe: {  	s9 =	simm.s32 $0x0;
	s23 =	sshrl.u32 s3, $0x1;
	s7 =	smul.u32 $0x186A, s7  }
0xf: {  	[dreg:$0x5] =	wrdreg s0;
	s24 =	ssub.s32 s3, s23;
	s25 =	sadd.s32 $0x61B, s8  }
0x10: {  	s26 =	sadd.s32 $0xC35, s8;
	s7 =	sadd.s32 s2, s7;
	s0 =	smax.u32 s24, $0x1  }
0x11: {  	v0 =	vmov s8;
	s8 =	simm.s32 $0x2;
	[dreg:$0x6] =	wrdreg s7;
	s28 =	sshll.u32 s25, $0x1  }
0x12: {  	v3 =	vimm.f32 $0.0e+00;
	v4 =	vimm.s32 $0x0;
	[dreg:$0x8] =	wrdreg s0;
	s0 =	simm.s32 $0x5680;
	s2 =	sadd.s32 s2, s28  }
0x13: {  	v5 =	vlaneseq.u32;
	v1 =	vmov s25;
	v2 =	vmov s26;
	s7 =	simm.s32 $0x17C80;
	[dreg:$0x7] =	wrdreg s2;
	s2 =	simm.s32 $0x11A80  }
.LBB2_1:
0x14: {  	[dreg:$0x9] =	wrdreg s9  }
0x15: {  	s3 =	rddreg [dreg:$0x4]  }
0x16: {  	[tilespmem:s10], [sflag:$0x3] =	stream.linear.gather [hbm4b:s3+s10], $0xC80, $0x38;
	[tilespmem:$0x1DE80] =	vst v63  }
0x17: {  	_ =	swait.ge [sflag:s11], $0xC80  }
0x18: {  	[sflag:s11] =	ssyncset.done $0x0  }
0x19: {  	s28 =	simm.s32 $0xC80;
	s26 =	rddreg [dreg:$0x5];
	[sflag:s11] =	ssyncadd.s32 $0xFFFFF380  }
0x1a: {  	[tilespmem:s28], [sflag:$0x3] =	stream.linear.gather [hbm4b:s26+s10], $0x200, $0x38;
	[tilespmem:$0x1DE80] =	vst v63  }
0x1b: {  	_ =	swait.ge [sflag:s11], $0x200  }
0x1c: {  	[sflag:s11] =	ssyncset.done $0x0  }
0x1d: {  	[sflag:s11] =	ssyncadd.s32 $0xFFFFFE00  }
0x1e: {  	v6 =	vld [tilespmem:$0xC80]  }
0x1f: {  	v7 =	vld [tilespmem:$0xD00]  }
0x20: {  	v8 =	vld [tilespmem:$0xD80]  }
0x21: {  	s9 =	simm.s32 $0x100;
	s3 =	simm.s32 $0x0;
	v9 =	vld [tilespmem:$0xE00]  }
.LBB2_2:
0x22: {  	p0 =	sne.s32 s9, $0x18700;
	[tilespmem:s3+$0x17CB0] =	vst v3  }
0x23: {  	[tilespmem:s3+$0x5680] =	vst v3  }
0x24: {  	[tilespmem:s3+$0xB880] =	vst v3  }
0x25: {  	[tilespmem:s3+$0x11A80] =	vst v3  }
0x26: {  	[tilespmem:s3+$0x17C80] =	vst v3  }
0x27: {  	[tilespmem:s3+$0x5690] =	vst v3  }
0x28: {  	[tilespmem:s3+$0xB890] =	vst v3  }
0x29: {  	[tilespmem:s3+$0x11A90] =	vst v3  }
0x2a: {  	[tilespmem:s3+$0x17C90] =	vst v3  }
0x2b: {  	[tilespmem:s3+$0x56A0] =	vst v3  }
0x2c: {  	[tilespmem:s3+$0xB8A0] =	vst v3  }
.Ltmp0:
0x2d: {  	[tilespmem:s3+$0x11AA0] =	vst v3;
	(pc) =	sbr.rel @p0 .LBB2_2-.Ltmp0, $4  }
0x2e: {  	[tilespmem:s3+$0x17CA0] =	vst v3  }
0x2f: {  	[tilespmem:s3+$0x56B0] =	vst v3  }
0x30: {  	[tilespmem:s3+$0xB8B0] =	vst v3  }
0x31: {  	[tilespmem:s3+$0x11AB0] =	vst v3;
	s3 =	sshra.s32 s9, $0x2;
	s9 =	sadd.s32 $0x100, s9  }
0x32: {  	[tilespmem:s3+$0x17CB0] =	vst v3  }
0x33: {  	[tilespmem:s3+$0x5680] =	vst v3  }
0x34: {  	[tilespmem:s3+$0xB880] =	vst v3  }
0x35: {  	[tilespmem:s3+$0x11A80] =	vst v3  }
0x36: {  	[tilespmem:s3+$0x17C80] =	vst v3  }
0x37: {  	[tilespmem:s3+$0x5690] =	vst v3  }
0x38: {  	[tilespmem:s3+$0xB890] =	vst v3  }
0x39: {  	[tilespmem:s3+$0x11A90] =	vst v3  }
0x3a: {  	[tilespmem:s3+$0x17C90] =	vst v3  }
0x3b: {  	[tilespmem:s3+$0x56A0] =	vst v3  }
0x3c: {  	[tilespmem:s3+$0xB8A0] =	vst v3  }
0x3d: {  	[tilespmem:s3+$0x11AA0] =	vst v3  }
0x3e: {  	[tilespmem:s3+$0x17CA0] =	vst v3  }
0x3f: {  	[tilespmem:s3+$0x56B0] =	vst v3  }
0x40: {  	[tilespmem:s3+$0xB8B0] =	vst v3  }
0x41: {  	[tilespmem:s3+$0x11AB0] =	vst v3;
	s9 =	simm.s32 $0x0  }
0x42: {  	v11 =	vld [tilespmem:s9+$0x0]  }
0x43: {  	v12 =	vimm.s32 $0x0;
	s3 =	simm.s32 $0x40;
	v13 =	vimm.s32 $0x0;
	v10 =	vimm.s32 $0x0  }
.LBB2_4:
0x44: {  	p0 =	sne.s32 s3, $0x31C0  }
.Ltmp1:
0x45: {  	_ = 	snop;
	(pc) =	sbr.rel @p0 .LBB2_4-.Ltmp1, $4  }
0x46: {  	_ = 	snop  }
0x47: {  	s9 =	sshra.s32 s3, $0x2;
	s3 =	sadd.s32 $0x40, s3;
	vm0 =	vlt.s32 v11, v0;
	vm1 =	vlt.s32 v11, v1;
	vm2 =	vlt.s32 v11, v2  }
0x48: {  	v11 =	vld [tilespmem:s9+$0x0];
	v14 =	vsel vm0, $0x1, v4;
	v15 =	vsel vm1, $0x1, v4;
	v16 =	vsel vm2, $0x1, v4  }
0x49: {  	v12 =	vadd.s32 v14, v12;
	v13 =	vadd.s32 v15, v13;
	v10 =	vadd.s32 v16, v10  }
0x4a: {  	_ =	sdelay $0x2  }
0x4b: {  	vm0 =	vlt.s32 v11, v0  }
0x4c: {  	v14 =	vsel vm0, $0x1, v4  }
0x4d: {  	vm1 =	vlt.s32 v11, v1;
	v12 =	vadd.s32 v14, v12  }
0x4e: {  	v15 =	vsel vm1, $0x1, v4;
	(xrf0) =	vadd.scan.msk.s32 $0xffff, v12  }
0x4f: {  	v13 =	vadd.s32 v15, v13  }
0x50: {  	vm15 =	vlt.s32 v11, v2;
	(xrf0) =	vadd.scan.msk.s32 $0xffff, v13  }
0x51: {  	v11 =	vsel vm15, $0x1, v4;
	_ =	sdelay $0x1  }
0x52: {  	v10 =	vadd.s32 v11, v10  }
0x53: {  	v11, _, _ =	vpop (xrf0);
	(xrf0) =	vadd.scan.msk.s32 $0xffff, v10;
	_ =	sdelay $0x1  }
0x54: {  	v10, _, _ =	vpop (xrf0);
	(v2sf) =	vpush v11, $0xF  }
0x55: {  	(v2sf) =	vpush v10, $0xF;
	_ =	sdelay $0x2  }
0x56: {  	v10, _, _ =	vpop (xrf0)  }
0x57: {  	(v2sf) =	vpush v10, $0xF;
	_ =	sdelay $0x9  }
0x58: {  	s3 =	spop (v2sf)  }
0x59: {  	s9 =	spop (v2sf);
	s3 =	sadd.s32 $0xFFFFFFFF, s3  }
0x5a: {  	p0 =	sgt.s32 s3, $0x0;
	s11 =	sshll.u32 s9, $0xA  }
0x5b: {  	s3 =	simm.s32 @!p0 $0x0;
	p0 =	slt.s32 s11, $0x30D400  }
0x5c: {  	s10 =	sshll.u32 s3, $0xA;
	s11 =	simm.s32 @!p0 $0x30D400  }
0x5d: {  	s3 =	sadd.s32 $0xFFFFFFFF, s9;
	s28 =	ssub.s32 s11, s10;
	s23 =	spop (v2sf)  }
0x5e: {  	p0 =	sgt.s32 s3, $0x0;
	s12 =	sshra.s32 s28, $0x1F;
	s23 =	sshll.u32 s23, $0xA  }
0x5f: {  	s3 =	simm.s32 @!p0 $0x0;
	s9 =	sxor.u32 $0xFFFFFFFF, s28;
	p0 =	slt.s32 s23, $0x30D400  }
0x60: {  	s24 =	sshrl.u32 s12, $0x16;
	s11 =	sshll.u32 s3, $0xA;
	s23 =	simm.s32 @!p0 $0x30D400  }
0x61: {  	s9 =	sshrl.u32 s9, $0x1F;
	s24 =	sor.u32 s28, s24;
	s23 =	ssub.s32 s23, s11  }
0x62: {  	s9 =	sadd.s32 s9, s12;
	s3 =	sadd.s32 $0x3FF, s24;
	s25 =	sshra.s32 s23, $0x1F  }
0x63: {  	p0 =	sne.s32 s9, $0x1;
	s26 =	sxor.u32 $0xFFFFFFFF, s23;
	s28 =	sshrl.u32 s25, $0x16  }
0x64: {  	s3 =	sshra.s32 s3, $0xA;
	s24 =	sshrl.u32 s26, $0x1F;
	s9 =	sor.u32 s23, s28  }
0x65: {  	s23 =	simm.s32 $0x1;
	s12 =	sadd.s32 s24, s25;
	s9 =	sadd.s32 $0x3FF, s9  }
0x66: {  	p1 =	sne.s32 s12, $0x1;
	s12 =	simm.s32 $0x1;
	s23 =	simm.s32 @!p0 $0x0  }
0x67: {  	s9 =	sshra.s32 s9, $0xA;
	s12 =	simm.s32 @!p1 $0x0;
	s3 =	ssub.s32 s3, s23  }
0x68: {  	p1 =	slt.s32 s10, $0x30D000;
	s9 =	ssub.s32 s9, s12;
	s12 =	smov.u32 s10  }
0x69: {  	s24 =	smov.u32 s11;
	p0 =	sgt.s32 s3, s9;
	s12 =	simm.s32 @!p1 $0x30D000  }
0x6a: {  	p1 =	slt.s32 s11, $0x30D000;
	s9 =	smov.u32 @p0 s3;
	s3 =	simm.s32 $0x0  }
0x6b: {  	s24 =	simm.s32 @!p1 $0x30D000;
	s23 =	sadd.s32 $0x1, s9;
	p0 =	slt.u32 s9, $0x7FFFFFFF  }
0x6c: {  	s9 =	sshrl.u32 s12, $0x3;
	s12 =	simm.s32 $0x1;
	s24 =	sshrl.u32 s24, $0x3  }
0x6d: {  	s25 =	sadd.s32 s4, s9;
	s12 =	simm.s32 @!p0 $0x0;
	s26 =	sshra.s32 s23, $0x1F  }
0x6e: {  	[tilespmem:s15], [sflag:$0x1] =	stream.linear.gather [hbm4b:s25+s3], $0x400, $0x38;
	[tilespmem:$0x1DE80] =	vst v63  }
0x6f: {  	s28 =	sadd.s32 s5, s9;
	s12 =	sadd.s32 s12, s26;
	s26 =	sand.u32 $0x1, s23  }
0x70: {  	[tilespmem:s16], [sflag:$0x1] =	stream.linear.gather [hbm4b:s28+s3], $0x400, $0x38;
	[tilespmem:$0x1DE80] =	vst v63  }
0x71: {  	s25 =	sadd.s32 s6, s9;
	p5 =	sne.s32 s12, $0x1;
	p6 =	seq.s32 s26, $0x1  }
0x72: {  	[tilespmem:s17], [sflag:$0x1] =	stream.linear.gather [hbm4b:s25+s3], $0x400, $0x38;
	[tilespmem:$0x1DE80] =	vst v63  }
0x73: {  	s9 =	sadd.s32 s1, s9;
	s28 =	sshrl.u32 s23, $0x1F;
	p0 =	por !p5, !p6  }
0x74: {  	[tilespmem:s18], [sflag:$0x1] =	stream.linear.gather [hbm4b:s9+s3], $0x400, $0x38;
	[tilespmem:$0x1DE80] =	vst v63  }
0x75: {  	s12 =	simm.s32 $0x1;
	p0 =	por !p0, !p0;
	s9 =	sadd.s32 s28, s23  }
0x76: {  	s12 =	simm.s32 @!p0 $0x0;
	s23 =	sadd.s32 s4, s24;
	s9 =	sshra.s32 s9, $0x1  }
0x77: {  	[tilespmem:s19], [sflag:$0x1] =	stream.linear.gather [hbm4b:s23+s3], $0x400, $0x38;
	[tilespmem:$0x1DE80] =	vst v63  }
0x78: {  	s12 =	ssub.s32 s9, s12  }
0x79: {  	s25 =	sadd.s32 s5, s24;
	p0 =	slt.s32 s12, $0x1  }
0x7a: {  	[tilespmem:s20], [sflag:$0x1] =	stream.linear.gather [hbm4b:s25+s3], $0x400, $0x38;
	[tilespmem:$0x1DE80] =	vst v63  }
.Ltmp2:
0x7b: {  	_ = 	snop;
	(pc) =	sbr.rel @p0 .LBB2_11-.Ltmp2, $4  }
0x7c: {  	s26 =	sadd.s32 s6, s24  }
0x7d: {  	[tilespmem:s21], [sflag:$0x1] =	stream.linear.gather [hbm4b:s26+s3], $0x400, $0x38;
	[tilespmem:$0x1DE80] =	vst v63  }
0x7e: {  	s28 =	sadd.s32 s1, s24;
	s9 =	simm.s32 $0x0  }
0x7f: {  	[tilespmem:s22], [sflag:$0x1] =	stream.linear.gather [hbm4b:s28+s3], $0x400, $0x38;
	[tilespmem:$0x1DE80] =	vst v63  }
.LBB2_6:
0x80: {  	s23 =	sshll.u32 s9, $0xB  }
0x81: {  	s24 =	sor.u32 $0x400, s23  }
0x82: {  	s25 =	sadd.s32 s10, s24  }
0x83: {  	p0 =	slt.s32 s25, $0x30D000  }
0x84: {  	s25 =	simm.s32 @!p0 $0x30D000  }
0x85: {  	s25 =	sshrl.u32 s25, $0x3  }
0x86: {  	s28 =	simm.s32 $0x2080;
	s24 =	sadd.s32 s11, s24;
	s26 =	sadd.s32 s4, s25  }
0x87: {  	[tilespmem:s28], [sflag:$0x2] =	stream.linear.gather [hbm4b:s26+s3], $0x400, $0x38;
	[tilespmem:$0x1DE80] =	vst v63  }
0x88: {  	p0 =	slt.s32 s24, $0x30D000;
	s26 =	sadd.s32 s5, s25;
	s28 =	simm.s32 $0x2500  }
0x89: {  	[tilespmem:s28], [sflag:$0x2] =	stream.linear.gather [hbm4b:s26+s3], $0x400, $0x38;
	[tilespmem:$0x1DE80] =	vst v63  }
0x8a: {  	s24 =	simm.s32 @!p0 $0x30D000;
	s26 =	sadd.s32 s6, s25;
	s28 =	simm.s32 $0x2980  }
0x8b: {  	[tilespmem:s28], [sflag:$0x2] =	stream.linear.gather [hbm4b:s26+s3], $0x400, $0x38;
	[tilespmem:$0x1DE80] =	vst v63  }
0x8c: {  	s24 =	sshrl.u32 s24, $0x3;
	s25 =	sadd.s32 s1, s25;
	s28 =	simm.s32 $0x2E00  }
0x8d: {  	[tilespmem:s28], [sflag:$0x2] =	stream.linear.gather [hbm4b:s25+s3], $0x400, $0x38;
	[tilespmem:$0x1DE80] =	vst v63  }
0x8e: {  	s26 =	sadd.s32 s4, s24;
	s28 =	simm.s32 $0x4480  }
0x8f: {  	[tilespmem:s28], [sflag:$0x2] =	stream.linear.gather [hbm4b:s26+s3], $0x400, $0x38;
	[tilespmem:$0x1DE80] =	vst v63  }
0x90: {  	s26 =	sadd.s32 s5, s24  }
0x91: {  	[tilespmem:s29], [sflag:$0x2] =	stream.linear.gather [hbm4b:s26+s3], $0x400, $0x38;
	[tilespmem:$0x1DE80] =	vst v63  }
0x92: {  	s28 =	sadd.s32 s6, s24  }
0x93: {  	[tilespmem:s30], [sflag:$0x2] =	stream.linear.gather [hbm4b:s28+s3], $0x400, $0x38;
	[tilespmem:$0x1DE80] =	vst v63  }
0x94: {  	s24 =	sadd.s32 s1, s24  }
0x95: {  	[tilespmem:s31], [sflag:$0x2] =	stream.linear.gather [hbm4b:s24+s3], $0x400, $0x38;
	[tilespmem:$0x1DE80] =	vst v63  }
0x96: {  	_ =	swait.ge [sflag:s14], $0x400  }
0x97: {  	[sflag:s14] =	ssyncset.done $0x0  }
0x98: {  	[sflag:s14] =	ssyncadd.s32 $0xFFFFFC00  }
0x99: {  	_ =	swait.ge [sflag:s14], $0x400  }
0x9a: {  	[sflag:s14] =	ssyncset.done $0x0  }
0x9b: {  	[sflag:s14] =	ssyncadd.s32 $0xFFFFFC00  }
0x9c: {  	_ =	swait.ge [sflag:s14], $0x400  }
0x9d: {  	[sflag:s14] =	ssyncset.done $0x0  }
0x9e: {  	[sflag:s14] =	ssyncadd.s32 $0xFFFFFC00  }
0x9f: {  	_ =	swait.ge [sflag:s14], $0x400  }
0xa0: {  	[sflag:s14] =	ssyncset.done $0x0  }
0xa1: {  	[sflag:s14] =	ssyncadd.s32 $0xFFFFFC00  }
0xa2: {  	_ =	swait.ge [sflag:s14], $0x400  }
0xa3: {  	[sflag:s14] =	ssyncset.done $0x0  }
0xa4: {  	[sflag:s14] =	ssyncadd.s32 $0xFFFFFC00  }
0xa5: {  	_ =	swait.ge [sflag:s14], $0x400  }
0xa6: {  	[sflag:s14] =	ssyncset.done $0x0  }
0xa7: {  	[sflag:s14] =	ssyncadd.s32 $0xFFFFFC00  }
0xa8: {  	_ =	swait.ge [sflag:s14], $0x400  }
0xa9: {  	[sflag:s14] =	ssyncset.done $0x0  }
0xaa: {  	[sflag:s14] =	ssyncadd.s32 $0xFFFFFC00  }
0xab: {  	_ =	swait.ge [sflag:s14], $0x400  }
0xac: {  	[sflag:s14] =	ssyncset.done $0x0  }
0xad: {  	s24 =	simm.s32 $0x0;
	[sflag:s14] =	ssyncadd.s32 $0xFFFFFC00  }
.LBB2_7:
0xae: {  	s25 =	sshra.s32 s24, $0x2  }
0xaf: {  	v10 =	vld [tilespmem:s25+$0x1C00];
	_ =	sdelay $0x3  }
0xb0: {  	v11 =	vld [tilespmem:s25+$0xE80]  }
0xb1: {  	v12 =	vld [tilespmem:s25+$0x1300];
	v10 =	vsub.s32 v10, v0  }
0xb2: {  	v14 =	vld [tilespmem:s25+$0x1780];
	vm0 =	vlt.u32 v10, $0x61B;
	v10 =	vshll.u32 v10, $0x4  }
0xb3: {  	v17 =	vnsel vm0, $0x61F0, v10;
	v10 =	vld [tilespmem:s25+$0x4000]  }
0xb4: {  	v13 =	vbroadcast v17, $0x0;
	_ =	sdelay $0x1  }
0xb5: {  	v15 =	vbroadcast v11, $0x0;
	v18 =	vor.u32 v5, v13  }
0xb6: {  	v19 =	vbroadcast v12, $0x0  }
0xb7: {  	v20 =	vbroadcast v14, $0x0;
	v21 =	vmul.f32 v15, v6;
	v15 =	vld [tilespmem:s25+$0x3B80];
	v39 =	vsub.s32 v10, v1  }
0xb8: {  	v13 =	vld [tilespmem:s25+$0x3700];
	vm15 =	vlt.u32 v39, $0x61A;
	v16 =	vshll.u32 v39, $0x4  }
0xb9: {  	v19 =	vmul.f32 v19, v7;
	v20 =	vmul.f32 v20, v8;
	v10 =	vld [tilespmem:s25+$0x3280];
	v16 =	vnsel vm15, $0x61F0, v16  }
0xba: {  	v22 =	vbroadcast v16, $0x0;
	v23 =	vld.idx.msk [tilespmem:v18+s0+$0x0], $0xffff  }
0xbb: {  	v19 =	vadd.f32 v19, v21;
	v20 =	vadd.f32 v20, v9  }
0xbc: {  	v40 =	vor.u32 v5, v22  }
0xbd: {  	v19 =	vadd.f32 v20, v19;
	v24 =	vbroadcast v15, $0x0  }
0xbe: {  	v42 =	vbroadcast v13, $0x0;
	v41 =	vbroadcast v10, $0x0  }
0xbf: {  	v43 =	vmul.f32 v24, v8;
	v19 =	vmax.f32 v23, v19  }
0xc0: {  	v22 =	vmul.f32 v42, v7;
	v20 =	vmul.f32 v41, v6;
	[tilespmem:v18+s0+$0x0] =	vst.idx.msk $0xffff, v19  }
0xc1: {  	v44 =	vbroadcast v17, $0x1;
	v19 =	vld.idx.msk [tilespmem:v40+s2+$0x0], $0xffff  }
0xc2: {  	v45 =	vadd.f32 v43, v9;
	v20 =	vadd.f32 v22, v20  }
0xc3: {  	v18 =	vor.u32 v5, v44  }
0xc4: {  	v47 =	vbroadcast v12, $0x1;
	v20 =	vadd.f32 v45, v20  }
0xc5: {  	v46 =	vbroadcast v11, $0x1;
	v48 =	vbroadcast v14, $0x1  }
0xc6: {  	v49 =	vmul.f32 v47, v7;
	v19 =	vmax.f32 v19, v20  }
0xc7: {  	v50 =	vmul.f32 v48, v8;
	v22 =	vmul.f32 v46, v6;
	[tilespmem:v40+s2+$0x0] =	vst.idx.msk $0xffff, v19  }
0xc8: {  	v51 =	vbroadcast v16, $0x1;
	v21 =	vld.idx.msk [tilespmem:v18+s13+$0x0], $0xffff  }
0xc9: {  	v52 =	vadd.f32 v50, v9;
	v20 =	vadd.f32 v49, v22  }
0xca: {  	v19 =	vor.u32 v5, v51  }
0xcb: {  	v55 =	vbroadcast v15, $0x1;
	v20 =	vadd.f32 v52, v20  }
0xcc: {  	v54 =	vbroadcast v13, $0x1;
	v53 =	vbroadcast v10, $0x1  }
0xcd: {  	v57 =	vmul.f32 v55, v8;
	v20 =	vmax.f32 v21, v20  }
0xce: {  	v56 =	vmul.f32 v54, v7;
	v22 =	vmul.f32 v53, v6;
	[tilespmem:v18+s13+$0x0] =	vst.idx.msk $0xffff, v20  }
0xcf: {  	v58 =	vbroadcast v17, $0x2;
	v20 =	vld.idx.msk [tilespmem:v19+s7+$0x0], $0xffff  }
0xd0: {  	v59 =	vadd.f32 v57, v9;
	v21 =	vadd.f32 v56, v22  }
0xd1: {  	v18 =	vor.u32 v5, v58  }
0xd2: {  	v61 =	vbroadcast v12, $0x2;
	v21 =	vadd.f32 v59, v21  }
0xd3: {  	v60 =	vbroadcast v11, $0x2;
	v62 =	vbroadcast v14, $0x2  }
0xd4: {  	v63 =	vmul.f32 v61, v7;
	v20 =	vmax.f32 v20, v21  }
0xd5: {  	v25 =	vmul.f32 v62, v8;
	v22 =	vmul.f32 v60, v6;
	[tilespmem:v19+s7+$0x0] =	vst.idx.msk $0xffff, v20  }
0xd6: {  	v26 =	vbroadcast v16, $0x2;
	v20 =	vld.idx.msk [tilespmem:v18+s0+$0x0], $0xffff  }
0xd7: {  	v27 =	vadd.f32 v25, v9;
	v21 =	vadd.f32 v63, v22  }
0xd8: {  	v19 =	vor.u32 v5, v26  }
0xd9: {  	v30 =	vbroadcast v15, $0x2;
	v21 =	vadd.f32 v27, v21  }
0xda: {  	v29 =	vbroadcast v13, $0x2;
	v28 =	vbroadcast v10, $0x2  }
0xdb: {  	v32 =	vmul.f32 v30, v8;
	v20 =	vmax.f32 v20, v21  }
0xdc: {  	v31 =	vmul.f32 v29, v7;
	v22 =	vmul.f32 v28, v6;
	[tilespmem:v18+s0+$0x0] =	vst.idx.msk $0xffff, v20  }
0xdd: {  	v33 =	vbroadcast v17, $0x3;
	v20 =	vld.idx.msk [tilespmem:v19+s2+$0x0], $0xffff  }
0xde: {  	v34 =	vadd.f32 v32, v9;
	v21 =	vadd.f32 v31, v22  }
0xdf: {  	v18 =	vor.u32 v5, v33  }
0xe0: {  	v36 =	vbroadcast v12, $0x3;
	v21 =	vadd.f32 v34, v21  }
0xe1: {  	v35 =	vbroadcast v11, $0x3;
	v37 =	vbroadcast v14, $0x3  }
0xe2: {  	v38 =	vmul.f32 v36, v7;
	v20 =	vmax.f32 v20, v21  }
0xe3: {  	v39 =	vmul.f32 v37, v8;
	v22 =	vmul.f32 v35, v6;
	[tilespmem:v19+s2+$0x0] =	vst.idx.msk $0xffff, v20  }
0xe4: {  	v40 =	vbroadcast v16, $0x3;
	v20 =	vld.idx.msk [tilespmem:v18+s13+$0x0], $0xffff  }
0xe5: {  	v41 =	vadd.f32 v39, v9;
	v21 =	vadd.f32 v38, v22  }
0xe6: {  	v19 =	vor.u32 v5, v40  }
0xe7: {  	v43 =	vbroadcast v13, $0x3;
	v21 =	vadd.f32 v41, v21  }
0xe8: {  	v42 =	vbroadcast v10, $0x3;
	v44 =	vbroadcast v15, $0x3  }
0xe9: {  	v45 =	vmul.f32 v43, v7;
	v20 =	vmax.f32 v20, v21  }
0xea: {  	v46 =	vmul.f32 v44, v8;
	v22 =	vmul.f32 v42, v6;
	[tilespmem:v18+s13+$0x0] =	vst.idx.msk $0xffff, v20  }
0xeb: {  	v47 =	vbroadcast v17, $0x4;
	v20 =	vld.idx.msk [tilespmem:v19+s7+$0x0], $0xffff  }
0xec: {  	v48 =	vadd.f32 v46, v9;
	v21 =	vadd.f32 v45, v22  }
0xed: {  	v18 =	vor.u32 v5, v47  }
0xee: {  	v50 =	vbroadcast v12, $0x4;
	v21 =	vadd.f32 v48, v21  }
0xef: {  	v49 =	vbroadcast v11, $0x4;
	v51 =	vbroadcast v14, $0x4  }
0xf0: {  	v52 =	vmul.f32 v50, v7;
	v20 =	vmax.f32 v20, v21  }
0xf1: {  	v53 =	vmul.f32 v51, v8;
	v22 =	vmul.f32 v49, v6;
	[tilespmem:v19+s7+$0x0] =	vst.idx.msk $0xffff, v20  }
0xf2: {  	v54 =	vbroadcast v16, $0x4;
	v20 =	vld.idx.msk [tilespmem:v18+s0+$0x0], $0xffff  }
0xf3: {  	v55 =	vadd.f32 v53, v9;
	v21 =	vadd.f32 v52, v22  }
0xf4: {  	v19 =	vor.u32 v5, v54  }
0xf5: {  	v57 =	vbroadcast v13, $0x4;
	v21 =	vadd.f32 v55, v21  }
0xf6: {  	v56 =	vbroadcast v10, $0x4;
	v58 =	vbroadcast v15, $0x4  }
0xf7: {  	v59 =	vmul.f32 v57, v7;
	v20 =	vmax.f32 v20, v21  }
0xf8: {  	v60 =	vmul.f32 v58, v8;
	v22 =	vmul.f32 v56, v6;
	[tilespmem:v18+s0+$0x0] =	vst.idx.msk $0xffff, v20  }
0xf9: {  	v61 =	vbroadcast v17, $0x5;
	v20 =	vld.idx.msk [tilespmem:v19+s2+$0x0], $0xffff  }
0xfa: {  	v62 =	vadd.f32 v60, v9;
	v21 =	vadd.f32 v59, v22  }
0xfb: {  	v18 =	vor.u32 v5, v61  }
0xfc: {  	v28 =	vbroadcast v12, $0x5;
	v21 =	vadd.f32 v62, v21  }
0xfd: {  	v29 =	vbroadcast v14, $0x5;
	v63 =	vbroadcast v11, $0x5  }
0xfe: {  	v30 =	vmul.f32 v28, v7;
	v20 =	vmax.f32 v20, v21  }
0xff: {  	v31 =	vmul.f32 v29, v8;
	v22 =	vmul.f32 v63, v6;
	[tilespmem:v19+s2+$0x0] =	vst.idx.msk $0xffff, v20  }
0x100: {  	v32 =	vbroadcast v16, $0x5;
	v20 =	vld.idx.msk [tilespmem:v18+s13+$0x0], $0xffff  }
0x101: {  	v33 =	vadd.f32 v31, v9;
	v21 =	vadd.f32 v30, v22  }
0x102: {  	v19 =	vor.u32 v5, v32  }
0x103: {  	v35 =	vbroadcast v13, $0x5;
	v21 =	vadd.f32 v33, v21  }
0x104: {  	v36 =	vbroadcast v15, $0x5;
	v34 =	vbroadcast v10, $0x5  }
0x105: {  	v37 =	vmul.f32 v35, v7;
	v20 =	vmax.f32 v20, v21  }
0x106: {  	v38 =	vmul.f32 v36, v8;
	v22 =	vmul.f32 v34, v6;
	[tilespmem:v18+s13+$0x0] =	vst.idx.msk $0xffff, v20  }
0x107: {  	v39 =	vbroadcast v17, $0x6;
	v20 =	vld.idx.msk [tilespmem:v19+s7+$0x0], $0xffff  }
0x108: {  	v40 =	vadd.f32 v38, v9;
	v21 =	vadd.f32 v37, v22  }
0x109: {  	v18 =	vor.u32 v5, v39  }
0x10a: {  	v42 =	vbroadcast v12, $0x6;
	v21 =	vadd.f32 v40, v21  }
0x10b: {  	v43 =	vbroadcast v14, $0x6;
	v41 =	vbroadcast v11, $0x6  }
0x10c: {  	v44 =	vmul.f32 v42, v7;
	v20 =	vmax.f32 v20, v21  }
0x10d: {  	v45 =	vmul.f32 v43, v8;
	v22 =	vmul.f32 v41, v6;
	[tilespmem:v19+s7+$0x0] =	vst.idx.msk $0xffff, v20  }
0x10e: {  	v46 =	vbroadcast v16, $0x6;
	v20 =	vld.idx.msk [tilespmem:v18+s0+$0x0], $0xffff  }
0x10f: {  	v47 =	vadd.f32 v45, v9;
	v21 =	vadd.f32 v44, v22  }
0x110: {  	v19 =	vor.u32 v5, v46  }
0x111: {  	v49 =	vbroadcast v13, $0x6;
	v21 =	vadd.f32 v47, v21  }
0x112: {  	v50 =	vbroadcast v15, $0x6;
	v48 =	vbroadcast v10, $0x6  }
0x113: {  	v51 =	vmul.f32 v49, v7;
	v20 =	vmax.f32 v20, v21  }
0x114: {  	v52 =	vmul.f32 v50, v8;
	v22 =	vmul.f32 v48, v6;
	[tilespmem:v18+s0+$0x0] =	vst.idx.msk $0xffff, v20  }
0x115: {  	v53 =	vbroadcast v17, $0x7;
	v20 =	vld.idx.msk [tilespmem:v19+s2+$0x0], $0xffff  }
0x116: {  	v54 =	vadd.f32 v52, v9;
	v21 =	vadd.f32 v51, v22  }
0x117: {  	v18 =	vor.u32 v5, v53  }
0x118: {  	v56 =	vbroadcast v12, $0x7;
	v21 =	vadd.f32 v54, v21  }
0x119: {  	v57 =	vbroadcast v14, $0x7;
	v55 =	vbroadcast v11, $0x7  }
0x11a: {  	v58 =	vmul.f32 v56, v7;
	v20 =	vmax.f32 v20, v21  }
0x11b: {  	v59 =	vmul.f32 v57, v8;
	v22 =	vmul.f32 v55, v6;
	[tilespmem:v19+s2+$0x0] =	vst.idx.msk $0xffff, v20  }
0x11c: {  	v60 =	vbroadcast v16, $0x7;
	v20 =	vld.idx.msk [tilespmem:v18+s13+$0x0], $0xffff  }
0x11d: {  	v61 =	vadd.f32 v59, v9;
	v21 =	vadd.f32 v58, v22  }
0x11e: {  	v19 =	vor.u32 v5, v60  }
0x11f: {  	v63 =	vbroadcast v13, $0x7;
	v21 =	vadd.f32 v61, v21  }
0x120: {  	v28 =	vbroadcast v15, $0x7;
	v62 =	vbroadcast v10, $0x7  }
0x121: {  	v29 =	vmul.f32 v63, v7;
	v20 =	vmax.f32 v20, v21  }
0x122: {  	v30 =	vmul.f32 v28, v8;
	v22 =	vmul.f32 v62, v6;
	[tilespmem:v18+s13+$0x0] =	vst.idx.msk $0xffff, v20  }
0x123: {  	v31 =	vbroadcast v17, $0x8;
	v18 =	vld.idx.msk [tilespmem:v19+s7+$0x0], $0xffff  }
0x124: {  	v32 =	vadd.f32 v30, v9;
	v21 =	vadd.f32 v29, v22  }
0x125: {  	v20 =	vor.u32 v5, v31  }
0x126: {  	v35 =	vbroadcast v14, $0x8;
	v21 =	vadd.f32 v32, v21  }
0x127: {  	v34 =	vbroadcast v12, $0x8;
	v33 =	vbroadcast v11, $0x8  }
0x128: {  	v38 =	vmul.f32 v35, v8;
	v18 =	vmax.f32 v18, v21  }
0x129: {  	v36 =	vmul.f32 v33, v6;
	v37 =	vmul.f32 v34, v7;
	[tilespmem:v19+s7+$0x0] =	vst.idx.msk $0xffff, v18  }
0x12a: {  	v39 =	vbroadcast v16, $0x8;
	v40 =	vld.idx.msk [tilespmem:v20+s0+$0x0], $0xffff  }
0x12b: {  	v18 =	vadd.f32 v37, v36;
	v19 =	vadd.f32 v38, v9  }
0x12c: {  	v41 =	vor.u32 v5, v39  }
0x12d: {  	v44 =	vbroadcast v15, $0x8;
	v18 =	vadd.f32 v19, v18  }
0x12e: {  	v42 =	vbroadcast v10, $0x8;
	v43 =	vbroadcast v13, $0x8  }
0x12f: {  	v45 =	vmul.f32 v44, v8;
	v18 =	vmax.f32 v40, v18  }
0x130: {  	v22 =	vmul.f32 v43, v7;
	v19 =	vmul.f32 v42, v6;
	[tilespmem:v20+s0+$0x0] =	vst.idx.msk $0xffff, v18  }
0x131: {  	v46 =	vbroadcast v17, $0x9;
	v20 =	vld.idx.msk [tilespmem:v41+s2+$0x0], $0xffff  }
0x132: {  	v47 =	vadd.f32 v45, v9;
	v19 =	vadd.f32 v22, v19  }
0x133: {  	v18 =	vor.u32 v5, v46  }
0x134: {  	v50 =	vbroadcast v14, $0x9;
	v19 =	vadd.f32 v47, v19  }
0x135: {  	v49 =	vbroadcast v12, $0x9;
	v48 =	vbroadcast v11, $0x9  }
0x136: {  	v52 =	vmul.f32 v50, v8;
	v19 =	vmax.f32 v20, v19  }
0x137: {  	v51 =	vmul.f32 v49, v7;
	v22 =	vmul.f32 v48, v6;
	[tilespmem:v41+s2+$0x0] =	vst.idx.msk $0xffff, v19  }
0x138: {  	v53 =	vbroadcast v16, $0x9;
	v21 =	vld.idx.msk [tilespmem:v18+s13+$0x0], $0xffff  }
0x139: {  	v54 =	vadd.f32 v52, v9;
	v20 =	vadd.f32 v51, v22  }
0x13a: {  	v19 =	vor.u32 v5, v53  }
0x13b: {  	v57 =	vbroadcast v15, $0x9;
	v20 =	vadd.f32 v54, v20  }
0x13c: {  	v56 =	vbroadcast v13, $0x9;
	v55 =	vbroadcast v10, $0x9  }
0x13d: {  	v59 =	vmul.f32 v57, v8;
	v20 =	vmax.f32 v21, v20  }
0x13e: {  	v58 =	vmul.f32 v56, v7;
	v22 =	vmul.f32 v55, v6;
	[tilespmem:v18+s13+$0x0] =	vst.idx.msk $0xffff, v20  }
0x13f: {  	v60 =	vbroadcast v17, $0xA;
	v20 =	vld.idx.msk [tilespmem:v19+s7+$0x0], $0xffff  }
0x140: {  	v61 =	vadd.f32 v59, v9;
	v21 =	vadd.f32 v58, v22  }
0x141: {  	v18 =	vor.u32 v5, v60  }
0x142: {  	v28 =	vbroadcast v14, $0xA;
	v21 =	vadd.f32 v61, v21  }
0x143: {  	v63 =	vbroadcast v12, $0xA;
	v62 =	vbroadcast v11, $0xA  }
0x144: {  	v30 =	vmul.f32 v28, v8;
	v20 =	vmax.f32 v20, v21  }
0x145: {  	v29 =	vmul.f32 v63, v7;
	v22 =	vmul.f32 v62, v6;
	[tilespmem:v19+s7+$0x0] =	vst.idx.msk $0xffff, v20  }
0x146: {  	v31 =	vbroadcast v16, $0xA;
	v20 =	vld.idx.msk [tilespmem:v18+s0+$0x0], $0xffff  }
0x147: {  	v32 =	vadd.f32 v30, v9;
	v21 =	vadd.f32 v29, v22  }
0x148: {  	v19 =	vor.u32 v5, v31  }
0x149: {  	v34 =	vbroadcast v13, $0xA;
	v21 =	vadd.f32 v32, v21  }
0x14a: {  	v35 =	vbroadcast v15, $0xA;
	v33 =	vbroadcast v10, $0xA  }
0x14b: {  	v36 =	vmul.f32 v34, v7;
	v20 =	vmax.f32 v20, v21  }
0x14c: {  	v37 =	vmul.f32 v35, v8;
	v22 =	vmul.f32 v33, v6;
	[tilespmem:v18+s0+$0x0] =	vst.idx.msk $0xffff, v20  }
0x14d: {  	v38 =	vbroadcast v17, $0xB;
	v20 =	vld.idx.msk [tilespmem:v19+s2+$0x0], $0xffff  }
0x14e: {  	v39 =	vadd.f32 v37, v9;
	v21 =	vadd.f32 v36, v22  }
0x14f: {  	v18 =	vor.u32 v5, v38  }
0x150: {  	v42 =	vbroadcast v14, $0xB;
	v21 =	vadd.f32 v39, v21  }
0x151: {  	v40 =	vbroadcast v11, $0xB;
	v41 =	vbroadcast v12, $0xB  }
0x152: {  	v44 =	vmul.f32 v42, v8;
	v20 =	vmax.f32 v20, v21  }
0x153: {  	v43 =	vmul.f32 v41, v7;
	v22 =	vmul.f32 v40, v6;
	[tilespmem:v19+s2+$0x0] =	vst.idx.msk $0xffff, v20  }
0x154: {  	v45 =	vbroadcast v16, $0xB;
	v20 =	vld.idx.msk [tilespmem:v18+s13+$0x0], $0xffff  }
0x155: {  	v46 =	vadd.f32 v44, v9;
	v21 =	vadd.f32 v43, v22  }
0x156: {  	v19 =	vor.u32 v5, v45  }
0x157: {  	v48 =	vbroadcast v13, $0xB;
	v21 =	vadd.f32 v46, v21  }
0x158: {  	v49 =	vbroadcast v15, $0xB;
	v47 =	vbroadcast v10, $0xB  }
0x159: {  	v50 =	vmul.f32 v48, v7;
	v20 =	vmax.f32 v20, v21  }
0x15a: {  	v51 =	vmul.f32 v49, v8;
	v22 =	vmul.f32 v47, v6;
	[tilespmem:v18+s13+$0x0] =	vst.idx.msk $0xffff, v20  }
0x15b: {  	v52 =	vbroadcast v17, $0xC;
	v20 =	vld.idx.msk [tilespmem:v19+s7+$0x0], $0xffff  }
0x15c: {  	v53 =	vadd.f32 v51, v9;
	v21 =	vadd.f32 v50, v22  }
0x15d: {  	v18 =	vor.u32 v5, v52  }
0x15e: {  	v55 =	vbroadcast v12, $0xC;
	v21 =	vadd.f32 v53, v21  }
0x15f: {  	v56 =	vbroadcast v14, $0xC;
	v54 =	vbroadcast v11, $0xC  }
0x160: {  	v57 =	vmul.f32 v55, v7;
	v20 =	vmax.f32 v20, v21  }
0x161: {  	v58 =	vmul.f32 v56, v8;
	v22 =	vmul.f32 v54, v6;
	[tilespmem:v19+s7+$0x0] =	vst.idx.msk $0xffff, v20  }
0x162: {  	v59 =	vbroadcast v16, $0xC;
	v20 =	vld.idx.msk [tilespmem:v18+s0+$0x0], $0xffff  }
0x163: {  	v60 =	vadd.f32 v58, v9;
	v21 =	vadd.f32 v57, v22  }
0x164: {  	v19 =	vor.u32 v5, v59  }
0x165: {  	v63 =	vbroadcast v15, $0xC;
	v21 =	vadd.f32 v60, v21  }
0x166: {  	v62 =	vbroadcast v13, $0xC;
	v61 =	vbroadcast v10, $0xC  }
0x167: {  	v28 =	vmul.f32 v63, v8;
	v20 =	vmax.f32 v20, v21  }
0x168: {  	v27 =	vmul.f32 v62, v7;
	v22 =	vmul.f32 v61, v6;
	[tilespmem:v18+s0+$0x0] =	vst.idx.msk $0xffff, v20  }
0x169: {  	v29 =	vbroadcast v17, $0xD;
	v20 =	vld.idx.msk [tilespmem:v19+s2+$0x0], $0xffff  }
0x16a: {  	v30 =	vadd.f32 v28, v9;
	v21 =	vadd.f32 v27, v22  }
0x16b: {  	v18 =	vor.u32 v5, v29  }
0x16c: {  	v33 =	vbroadcast v14, $0xD;
	v21 =	vadd.f32 v30, v21  }
0x16d: {  	v31 =	vbroadcast v11, $0xD;
	v32 =	vbroadcast v12, $0xD  }
0x16e: {  	v35 =	vmul.f32 v33, v8;
	v20 =	vmax.f32 v20, v21  }
0x16f: {  	v34 =	vmul.f32 v32, v7;
	v22 =	vmul.f32 v31, v6;
	[tilespmem:v19+s2+$0x0] =	vst.idx.msk $0xffff, v20  }
0x170: {  	v36 =	vbroadcast v16, $0xD;
	v20 =	vld.idx.msk [tilespmem:v18+s13+$0x0], $0xffff  }
0x171: {  	v37 =	vadd.f32 v35, v9;
	v21 =	vadd.f32 v34, v22  }
0x172: {  	v19 =	vor.u32 v5, v36  }
0x173: {  	v40 =	vbroadcast v15, $0xD;
	v21 =	vadd.f32 v37, v21  }
0x174: {  	v38 =	vbroadcast v10, $0xD;
	v39 =	vbroadcast v13, $0xD  }
0x175: {  	v42 =	vmul.f32 v40, v8;
	v20 =	vmax.f32 v20, v21  }
0x176: {  	v41 =	vmul.f32 v39, v7;
	v22 =	vmul.f32 v38, v6;
	[tilespmem:v18+s13+$0x0] =	vst.idx.msk $0xffff, v20  }
0x177: {  	v43 =	vbroadcast v17, $0xE;
	v20 =	vld.idx.msk [tilespmem:v19+s7+$0x0], $0xffff  }
0x178: {  	v44 =	vadd.f32 v42, v9;
	v21 =	vadd.f32 v41, v22  }
0x179: {  	v18 =	vor.u32 v5, v43  }
0x17a: {  	v47 =	vbroadcast v14, $0xE;
	v21 =	vadd.f32 v44, v21  }
0x17b: {  	v45 =	vbroadcast v11, $0xE;
	v46 =	vbroadcast v12, $0xE  }
0x17c: {  	v49 =	vmul.f32 v47, v8;
	v20 =	vmax.f32 v20, v21  }
0x17d: {  	v48 =	vmul.f32 v46, v7;
	v22 =	vmul.f32 v45, v6;
	[tilespmem:v19+s7+$0x0] =	vst.idx.msk $0xffff, v20  }
0x17e: {  	v50 =	vbroadcast v16, $0xE;
	v20 =	vld.idx.msk [tilespmem:v18+s0+$0x0], $0xffff  }
0x17f: {  	v51 =	vadd.f32 v49, v9;
	v21 =	vadd.f32 v48, v22  }
0x180: {  	v19 =	vor.u32 v5, v50  }
0x181: {  	v54 =	vbroadcast v15, $0xE;
	v21 =	vadd.f32 v51, v21  }
0x182: {  	v52 =	vbroadcast v10, $0xE;
	v53 =	vbroadcast v13, $0xE  }
0x183: {  	v56 =	vmul.f32 v54, v8;
	v20 =	vmax.f32 v20, v21  }
0x184: {  	v55 =	vmul.f32 v53, v7;
	v22 =	vmul.f32 v52, v6;
	[tilespmem:v18+s0+$0x0] =	vst.idx.msk $0xffff, v20  }
0x185: {  	v17 =	vbroadcast v17, $0xF;
	v18 =	vld.idx.msk [tilespmem:v19+s2+$0x0], $0xffff  }
0x186: {  	v58 =	vadd.f32 v56, v9;
	v57 =	vadd.f32 v55, v22  }
0x187: {  	v17 =	vor.u32 v5, v17  }
0x188: {  	v14 =	vbroadcast v14, $0xF;
	v20 =	vadd.f32 v58, v57  }
0x189: {  	v11 =	vbroadcast v11, $0xF;
	v12 =	vbroadcast v12, $0xF  }
0x18a: {  	v14 =	vmul.f32 v14, v8;
	v18 =	vmax.f32 v18, v20  }
0x18b: {  	v11 =	vmul.f32 v11, v6;
	v12 =	vmul.f32 v12, v7;
	[tilespmem:v19+s2+$0x0] =	vst.idx.msk $0xffff, v18  }
0x18c: {  	v16 =	vbroadcast v16, $0xF;
	v18 =	vld.idx.msk [tilespmem:v17+s13+$0x0], $0xffff  }
0x18d: {  	v11 =	vadd.f32 v12, v11;
	v59 =	vadd.f32 v14, v9  }
0x18e: {  	v60 =	vor.u32 v5, v16  }
0x18f: {  	v10 =	vbroadcast v10, $0xF;
	v11 =	vadd.f32 v59, v11  }
0x190: {  	v62 =	vbroadcast v15, $0xF;
	v61 =	vbroadcast v13, $0xF  }
0x191: {  	v10 =	vmul.f32 v10, v6;
	v11 =	vmax.f32 v18, v11  }
0x192: {  	v13 =	vmul.f32 v62, v8;
	v12 =	vmul.f32 v61, v7;
	[tilespmem:v17+s13+$0x0] =	vst.idx.msk $0xffff, v11  }
0x193: {  	v11 =	vld.idx.msk [tilespmem:v60+s7+$0x0], $0xffff  }
0x194: {  	p0 =	sne.s32 s24, $0xFC0;
	v63 =	vadd.f32 v13, v9;
	v10 =	vadd.f32 v12, v10  }
.Ltmp3:
0x195: {  	_ = 	snop;
	(pc) =	sbr.rel @p0 .LBB2_7-.Ltmp3, $3  }
0x196: {  	v10 =	vadd.f32 v63, v10;
	_ =	sdelay $0x1  }
0x197: {  	v10 =	vmax.f32 v11, v10  }
0x198: {  	s24 =	sadd.s32 $0x40, s24;
	[tilespmem:v60+s7+$0x0] =	vst.idx.msk $0xffff, v10  }
0x199: {  	s24 =	sadd.s32 $0x800, s23  }
0x19a: {  	s23 =	sadd.s32 s10, s24  }
0x19b: {  	p0 =	slt.s32 s23, $0x30D000  }
0x19c: {  	s23 =	simm.s32 @!p0 $0x30D000  }
0x19d: {  	s25 =	sshrl.u32 s23, $0x3  }
0x19e: {  	s24 =	sadd.s32 s11, s24;
	s23 =	simm.s32 $0x0;
	s26 =	sadd.s32 s4, s25  }
0x19f: {  	[tilespmem:s15], [sflag:$0x1] =	stream.linear.gather [hbm4b:s26+s23], $0x400, $0x38;
	[tilespmem:$0x1DE80] =	vst v63  }
0x1a0: {  	p0 =	slt.s32 s24, $0x30D000;
	s28 =	sadd.s32 s5, s25  }
0x1a1: {  	[tilespmem:s16], [sflag:$0x1] =	stream.linear.gather [hbm4b:s28+s23], $0x400, $0x38;
	[tilespmem:$0x1DE80] =	vst v63  }
0x1a2: {  	s24 =	simm.s32 @!p0 $0x30D000;
	s28 =	sadd.s32 s6, s25  }
0x1a3: {  	[tilespmem:s17], [sflag:$0x1] =	stream.linear.gather [hbm4b:s28+s23], $0x400, $0x38;
	[tilespmem:$0x1DE80] =	vst v63  }
0x1a4: {  	s24 =	sshrl.u32 s24, $0x3;
	s25 =	sadd.s32 s1, s25  }
0x1a5: {  	[tilespmem:s18], [sflag:$0x1] =	stream.linear.gather [hbm4b:s25+s23], $0x400, $0x38;
	[tilespmem:$0x1DE80] =	vst v63  }
0x1a6: {  	s28 =	sadd.s32 s4, s24  }
0x1a7: {  	[tilespmem:s19], [sflag:$0x1] =	stream.linear.gather [hbm4b:s28+s23], $0x400, $0x38;
	[tilespmem:$0x1DE80] =	vst v63  }
0x1a8: {  	s26 =	sadd.s32 s5, s24  }
0x1a9: {  	[tilespmem:s20], [sflag:$0x1] =	stream.linear.gather [hbm4b:s26+s23], $0x400, $0x38;
	[tilespmem:$0x1DE80] =	vst v63  }
0x1aa: {  	s28 =	sadd.s32 s6, s24  }
0x1ab: {  	[tilespmem:s21], [sflag:$0x1] =	stream.linear.gather [hbm4b:s28+s23], $0x400, $0x38;
	[tilespmem:$0x1DE80] =	vst v63  }
0x1ac: {  	s24 =	sadd.s32 s1, s24  }
0x1ad: {  	[tilespmem:s22], [sflag:$0x1] =	stream.linear.gather [hbm4b:s24+s23], $0x400, $0x38;
	[tilespmem:$0x1DE80] =	vst v63  }
0x1ae: {  	_ =	swait.ge [sflag:s8], $0x400  }
0x1af: {  	[sflag:s8] =	ssyncset.done $0x0  }
0x1b0: {  	[sflag:s8] =	ssyncadd.s32 $0xFFFFFC00  }
0x1b1: {  	_ =	swait.ge [sflag:s8], $0x400  }
0x1b2: {  	[sflag:s8] =	ssyncset.done $0x0  }
0x1b3: {  	[sflag:s8] =	ssyncadd.s32 $0xFFFFFC00  }
0x1b4: {  	_ =	swait.ge [sflag:s8], $0x400  }
0x1b5: {  	[sflag:s8] =	ssyncset.done $0x0  }
0x1b6: {  	[sflag:s8] =	ssyncadd.s32 $0xFFFFFC00  }
0x1b7: {  	_ =	swait.ge [sflag:s8], $0x400  }
0x1b8: {  	[sflag:s8] =	ssyncset.done $0x0  }
0x1b9: {  	[sflag:s8] =	ssyncadd.s32 $0xFFFFFC00  }
0x1ba: {  	_ =	swait.ge [sflag:s8], $0x400  }
0x1bb: {  	[sflag:s8] =	ssyncset.done $0x0  }
0x1bc: {  	[sflag:s8] =	ssyncadd.s32 $0xFFFFFC00  }
0x1bd: {  	_ =	swait.ge [sflag:s8], $0x400  }
0x1be: {  	[sflag:s8] =	ssyncset.done $0x0  }
0x1bf: {  	[sflag:s8] =	ssyncadd.s32 $0xFFFFFC00  }
0x1c0: {  	_ =	swait.ge [sflag:s8], $0x400  }
0x1c1: {  	[sflag:s8] =	ssyncset.done $0x0  }
0x1c2: {  	[sflag:s8] =	ssyncadd.s32 $0xFFFFFC00  }
0x1c3: {  	_ =	swait.ge [sflag:s8], $0x400  }
0x1c4: {  	[sflag:s8] =	ssyncset.done $0x0  }
0x1c5: {  	[sflag:s8] =	ssyncadd.s32 $0xFFFFFC00  }
.LBB2_9:
0x1c6: {  	s24 =	sshra.s32 s23, $0x2  }
0x1c7: {  	v10 =	vld [tilespmem:s24+$0x2E00];
	_ =	sdelay $0x3  }
0x1c8: {  	v11 =	vld [tilespmem:s24+$0x2080]  }
0x1c9: {  	v12 =	vld [tilespmem:s24+$0x2500];
	v10 =	vsub.s32 v10, v0  }
0x1ca: {  	v14 =	vld [tilespmem:s24+$0x2980];
	vm0 =	vlt.u32 v10, $0x61B;
	v10 =	vshll.u32 v10, $0x4  }
0x1cb: {  	v17 =	vnsel vm0, $0x61F0, v10;
	v10 =	vld [tilespmem:s24+$0x5200]  }
0x1cc: {  	v13 =	vbroadcast v17, $0x0;
	_ =	sdelay $0x1  }
0x1cd: {  	v15 =	vbroadcast v11, $0x0;
	v18 =	vor.u32 v5, v13  }
0x1ce: {  	v19 =	vbroadcast v12, $0x0  }
0x1cf: {  	v20 =	vbroadcast v14, $0x0;
	v21 =	vmul.f32 v15, v6;
	v15 =	vld [tilespmem:s24+$0x4D80];
	v39 =	vsub.s32 v10, v1  }
0x1d0: {  	v13 =	vld [tilespmem:s24+$0x4900];
	vm15 =	vlt.u32 v39, $0x61A;
	v16 =	vshll.u32 v39, $0x4  }
0x1d1: {  	v19 =	vmul.f32 v19, v7;
	v20 =	vmul.f32 v20, v8;
	v10 =	vld [tilespmem:s24+$0x4480];
	v16 =	vnsel vm15, $0x61F0, v16  }
0x1d2: {  	v22 =	vbroadcast v16, $0x0;
	v23 =	vld.idx.msk [tilespmem:v18+s0+$0x0], $0xffff  }
0x1d3: {  	v19 =	vadd.f32 v19, v21;
	v20 =	vadd.f32 v20, v9  }
0x1d4: {  	v40 =	vor.u32 v5, v22  }
0x1d5: {  	v19 =	vadd.f32 v20, v19;
	v24 =	vbroadcast v15, $0x0  }
0x1d6: {  	v42 =	vbroadcast v13, $0x0;
	v41 =	vbroadcast v10, $0x0  }
0x1d7: {  	v43 =	vmul.f32 v24, v8;
	v19 =	vmax.f32 v23, v19  }
0x1d8: {  	v22 =	vmul.f32 v42, v7;
	v20 =	vmul.f32 v41, v6;
	[tilespmem:v18+s0+$0x0] =	vst.idx.msk $0xffff, v19  }
0x1d9: {  	v44 =	vbroadcast v17, $0x1;
	v19 =	vld.idx.msk [tilespmem:v40+s2+$0x0], $0xffff  }
0x1da: {  	v45 =	vadd.f32 v43, v9;
	v20 =	vadd.f32 v22, v20  }
0x1db: {  	v18 =	vor.u32 v5, v44  }
0x1dc: {  	v47 =	vbroadcast v12, $0x1;
	v20 =	vadd.f32 v45, v20  }
0x1dd: {  	v46 =	vbroadcast v11, $0x1;
	v48 =	vbroadcast v14, $0x1  }
0x1de: {  	v49 =	vmul.f32 v47, v7;
	v19 =	vmax.f32 v19, v20  }
0x1df: {  	v50 =	vmul.f32 v48, v8;
	v22 =	vmul.f32 v46, v6;
	[tilespmem:v40+s2+$0x0] =	vst.idx.msk $0xffff, v19  }
0x1e0: {  	v51 =	vbroadcast v16, $0x1;
	v21 =	vld.idx.msk [tilespmem:v18+s13+$0x0], $0xffff  }
0x1e1: {  	v52 =	vadd.f32 v50, v9;
	v20 =	vadd.f32 v49, v22  }
0x1e2: {  	v19 =	vor.u32 v5, v51  }
0x1e3: {  	v55 =	vbroadcast v15, $0x1;
	v20 =	vadd.f32 v52, v20  }
0x1e4: {  	v54 =	vbroadcast v13, $0x1;
	v53 =	vbroadcast v10, $0x1  }
0x1e5: {  	v57 =	vmul.f32 v55, v8;
	v20 =	vmax.f32 v21, v20  }
0x1e6: {  	v56 =	vmul.f32 v54, v7;
	v22 =	vmul.f32 v53, v6;
	[tilespmem:v18+s13+$0x0] =	vst.idx.msk $0xffff, v20  }
0x1e7: {  	v58 =	vbroadcast v17, $0x2;
	v20 =	vld.idx.msk [tilespmem:v19+s7+$0x0], $0xffff  }
0x1e8: {  	v59 =	vadd.f32 v57, v9;
	v21 =	vadd.f32 v56, v22  }
0x1e9: {  	v18 =	vor.u32 v5, v58  }
0x1ea: {  	v61 =	vbroadcast v12, $0x2;
	v21 =	vadd.f32 v59, v21  }
0x1eb: {  	v60 =	vbroadcast v11, $0x2;
	v62 =	vbroadcast v14, $0x2  }
0x1ec: {  	v63 =	vmul.f32 v61, v7;
	v20 =	vmax.f32 v20, v21  }
0x1ed: {  	v25 =	vmul.f32 v62, v8;
	v22 =	vmul.f32 v60, v6;
	[tilespmem:v19+s7+$0x0] =	vst.idx.msk $0xffff, v20  }
0x1ee: {  	v26 =	vbroadcast v16, $0x2;
	v20 =	vld.idx.msk [tilespmem:v18+s0+$0x0], $0xffff  }
0x1ef: {  	v27 =	vadd.f32 v25, v9;
	v21 =	vadd.f32 v63, v22  }
0x1f0: {  	v19 =	vor.u32 v5, v26  }
0x1f1: {  	v30 =	vbroadcast v15, $0x2;
	v21 =	vadd.f32 v27, v21  }
0x1f2: {  	v29 =	vbroadcast v13, $0x2;
	v28 =	vbroadcast v10, $0x2  }
0x1f3: {  	v32 =	vmul.f32 v30, v8;
	v20 =	vmax.f32 v20, v21  }
0x1f4: {  	v31 =	vmul.f32 v29, v7;
	v22 =	vmul.f32 v28, v6;
	[tilespmem:v18+s0+$0x0] =	vst.idx.msk $0xffff, v20  }
0x1f5: {  	v33 =	vbroadcast v17, $0x3;
	v20 =	vld.idx.msk [tilespmem:v19+s2+$0x0], $0xffff  }
0x1f6: {  	v34 =	vadd.f32 v32, v9;
	v21 =	vadd.f32 v31, v22  }
0x1f7: {  	v18 =	vor.u32 v5, v33  }
0x1f8: {  	v36 =	vbroadcast v12, $0x3;
	v21 =	vadd.f32 v34, v21  }
0x1f9: {  	v35 =	vbroadcast v11, $0x3;
	v37 =	vbroadcast v14, $0x3  }
0x1fa: {  	v38 =	vmul.f32 v36, v7;
	v20 =	vmax.f32 v20, v21  }
0x1fb: {  	v39 =	vmul.f32 v37, v8;
	v22 =	vmul.f32 v35, v6;
	[tilespmem:v19+s2+$0x0] =	vst.idx.msk $0xffff, v20  }
0x1fc: {  	v40 =	vbroadcast v16, $0x3;
	v20 =	vld.idx.msk [tilespmem:v18+s13+$0x0], $0xffff  }
0x1fd: {  	v41 =	vadd.f32 v39, v9;
	v21 =	vadd.f32 v38, v22  }
0x1fe: {  	v19 =	vor.u32 v5, v40  }
0x1ff: {  	v43 =	vbroadcast v13, $0x3;
	v21 =	vadd.f32 v41, v21  }
0x200: {  	v42 =	vbroadcast v10, $0x3;
	v44 =	vbroadcast v15, $0x3  }
0x201: {  	v45 =	vmul.f32 v43, v7;
	v20 =	vmax.f32 v20, v21  }
0x202: {  	v46 =	vmul.f32 v44, v8;
	v22 =	vmul.f32 v42, v6;
	[tilespmem:v18+s13+$0x0] =	vst.idx.msk $0xffff, v20  }
0x203: {  	v47 =	vbroadcast v17, $0x4;
	v20 =	vld.idx.msk [tilespmem:v19+s7+$0x0], $0xffff  }
0x204: {  	v48 =	vadd.f32 v46, v9;
	v21 =	vadd.f32 v45, v22  }
0x205: {  	v18 =	vor.u32 v5, v47  }
0x206: {  	v50 =	vbroadcast v12, $0x4;
	v21 =	vadd.f32 v48, v21  }
0x207: {  	v49 =	vbroadcast v11, $0x4;
	v51 =	vbroadcast v14, $0x4  }
0x208: {  	v52 =	vmul.f32 v50, v7;
	v20 =	vmax.f32 v20, v21  }
0x209: {  	v53 =	vmul.f32 v51, v8;
	v22 =	vmul.f32 v49, v6;
	[tilespmem:v19+s7+$0x0] =	vst.idx.msk $0xffff, v20  }
0x20a: {  	v54 =	vbroadcast v16, $0x4;
	v20 =	vld.idx.msk [tilespmem:v18+s0+$0x0], $0xffff  }
0x20b: {  	v55 =	vadd.f32 v53, v9;
	v21 =	vadd.f32 v52, v22  }
0x20c: {  	v19 =	vor.u32 v5, v54  }
0x20d: {  	v57 =	vbroadcast v13, $0x4;
	v21 =	vadd.f32 v55, v21  }
0x20e: {  	v56 =	vbroadcast v10, $0x4;
	v58 =	vbroadcast v15, $0x4  }
0x20f: {  	v59 =	vmul.f32 v57, v7;
	v20 =	vmax.f32 v20, v21  }
0x210: {  	v60 =	vmul.f32 v58, v8;
	v22 =	vmul.f32 v56, v6;
	[tilespmem:v18+s0+$0x0] =	vst.idx.msk $0xffff, v20  }
0x211: {  	v61 =	vbroadcast v17, $0x5;
	v20 =	vld.idx.msk [tilespmem:v19+s2+$0x0], $0xffff  }
0x212: {  	v62 =	vadd.f32 v60, v9;
	v21 =	vadd.f32 v59, v22  }
0x213: {  	v18 =	vor.u32 v5, v61  }
0x214: {  	v28 =	vbroadcast v12, $0x5;
	v21 =	vadd.f32 v62, v21  }
0x215: {  	v29 =	vbroadcast v14, $0x5;
	v63 =	vbroadcast v11, $0x5  }
0x216: {  	v30 =	vmul.f32 v28, v7;
	v20 =	vmax.f32 v20, v21  }
0x217: {  	v31 =	vmul.f32 v29, v8;
	v22 =	vmul.f32 v63, v6;
	[tilespmem:v19+s2+$0x0] =	vst.idx.msk $0xffff, v20  }
0x218: {  	v32 =	vbroadcast v16, $0x5;
	v20 =	vld.idx.msk [tilespmem:v18+s13+$0x0], $0xffff  }
0x219: {  	v33 =	vadd.f32 v31, v9;
	v21 =	vadd.f32 v30, v22  }
0x21a: {  	v19 =	vor.u32 v5, v32  }
0x21b: {  	v35 =	vbroadcast v13, $0x5;
	v21 =	vadd.f32 v33, v21  }
0x21c: {  	v36 =	vbroadcast v15, $0x5;
	v34 =	vbroadcast v10, $0x5  }
0x21d: {  	v37 =	vmul.f32 v35, v7;
	v20 =	vmax.f32 v20, v21  }
0x21e: {  	v38 =	vmul.f32 v36, v8;
	v22 =	vmul.f32 v34, v6;
	[tilespmem:v18+s13+$0x0] =	vst.idx.msk $0xffff, v20  }
0x21f: {  	v39 =	vbroadcast v17, $0x6;
	v20 =	vld.idx.msk [tilespmem:v19+s7+$0x0], $0xffff  }
0x220: {  	v40 =	vadd.f32 v38, v9;
	v21 =	vadd.f32 v37, v22  }
0x221: {  	v18 =	vor.u32 v5, v39  }
0x222: {  	v42 =	vbroadcast v12, $0x6;
	v21 =	vadd.f32 v40, v21  }
0x223: {  	v43 =	vbroadcast v14, $0x6;
	v41 =	vbroadcast v11, $0x6  }
0x224: {  	v44 =	vmul.f32 v42, v7;
	v20 =	vmax.f32 v20, v21  }
0x225: {  	v45 =	vmul.f32 v43, v8;
	v22 =	vmul.f32 v41, v6;
	[tilespmem:v19+s7+$0x0] =	vst.idx.msk $0xffff, v20  }
0x226: {  	v46 =	vbroadcast v16, $0x6;
	v20 =	vld.idx.msk [tilespmem:v18+s0+$0x0], $0xffff  }
0x227: {  	v47 =	vadd.f32 v45, v9;
	v21 =	vadd.f32 v44, v22  }
0x228: {  	v19 =	vor.u32 v5, v46  }
0x229: {  	v49 =	vbroadcast v13, $0x6;
	v21 =	vadd.f32 v47, v21  }
0x22a: {  	v50 =	vbroadcast v15, $0x6;
	v48 =	vbroadcast v10, $0x6  }
0x22b: {  	v51 =	vmul.f32 v49, v7;
	v20 =	vmax.f32 v20, v21  }
0x22c: {  	v52 =	vmul.f32 v50, v8;
	v22 =	vmul.f32 v48, v6;
	[tilespmem:v18+s0+$0x0] =	vst.idx.msk $0xffff, v20  }
0x22d: {  	v53 =	vbroadcast v17, $0x7;
	v20 =	vld.idx.msk [tilespmem:v19+s2+$0x0], $0xffff  }
0x22e: {  	v54 =	vadd.f32 v52, v9;
	v21 =	vadd.f32 v51, v22  }
0x22f: {  	v18 =	vor.u32 v5, v53  }
0x230: {  	v56 =	vbroadcast v12, $0x7;
	v21 =	vadd.f32 v54, v21  }
0x231: {  	v57 =	vbroadcast v14, $0x7;
	v55 =	vbroadcast v11, $0x7  }
0x232: {  	v58 =	vmul.f32 v56, v7;
	v20 =	vmax.f32 v20, v21  }
0x233: {  	v59 =	vmul.f32 v57, v8;
	v22 =	vmul.f32 v55, v6;
	[tilespmem:v19+s2+$0x0] =	vst.idx.msk $0xffff, v20  }
0x234: {  	v60 =	vbroadcast v16, $0x7;
	v20 =	vld.idx.msk [tilespmem:v18+s13+$0x0], $0xffff  }
0x235: {  	v61 =	vadd.f32 v59, v9;
	v21 =	vadd.f32 v58, v22  }
0x236: {  	v19 =	vor.u32 v5, v60  }
0x237: {  	v63 =	vbroadcast v13, $0x7;
	v21 =	vadd.f32 v61, v21  }
0x238: {  	v28 =	vbroadcast v15, $0x7;
	v62 =	vbroadcast v10, $0x7  }
0x239: {  	v29 =	vmul.f32 v63, v7;
	v20 =	vmax.f32 v20, v21  }
0x23a: {  	v30 =	vmul.f32 v28, v8;
	v22 =	vmul.f32 v62, v6;
	[tilespmem:v18+s13+$0x0] =	vst.idx.msk $0xffff, v20  }
0x23b: {  	v31 =	vbroadcast v17, $0x8;
	v18 =	vld.idx.msk [tilespmem:v19+s7+$0x0], $0xffff  }
0x23c: {  	v32 =	vadd.f32 v30, v9;
	v21 =	vadd.f32 v29, v22  }
0x23d: {  	v20 =	vor.u32 v5, v31  }
0x23e: {  	v35 =	vbroadcast v14, $0x8;
	v21 =	vadd.f32 v32, v21  }
0x23f: {  	v34 =	vbroadcast v12, $0x8;
	v33 =	vbroadcast v11, $0x8  }
0x240: {  	v38 =	vmul.f32 v35, v8;
	v18 =	vmax.f32 v18, v21  }
0x241: {  	v36 =	vmul.f32 v33, v6;
	v37 =	vmul.f32 v34, v7;
	[tilespmem:v19+s7+$0x0] =	vst.idx.msk $0xffff, v18  }
0x242: {  	v39 =	vbroadcast v16, $0x8;
	v40 =	vld.idx.msk [tilespmem:v20+s0+$0x0], $0xffff  }
0x243: {  	v18 =	vadd.f32 v37, v36;
	v19 =	vadd.f32 v38, v9  }
0x244: {  	v41 =	vor.u32 v5, v39  }
0x245: {  	v44 =	vbroadcast v15, $0x8;
	v18 =	vadd.f32 v19, v18  }
0x246: {  	v42 =	vbroadcast v10, $0x8;
	v43 =	vbroadcast v13, $0x8  }
0x247: {  	v45 =	vmul.f32 v44, v8;
	v18 =	vmax.f32 v40, v18  }
0x248: {  	v22 =	vmul.f32 v43, v7;
	v19 =	vmul.f32 v42, v6;
	[tilespmem:v20+s0+$0x0] =	vst.idx.msk $0xffff, v18  }
0x249: {  	v46 =	vbroadcast v17, $0x9;
	v20 =	vld.idx.msk [tilespmem:v41+s2+$0x0], $0xffff  }
0x24a: {  	v47 =	vadd.f32 v45, v9;
	v19 =	vadd.f32 v22, v19  }
0x24b: {  	v18 =	vor.u32 v5, v46  }
0x24c: {  	v50 =	vbroadcast v14, $0x9;
	v19 =	vadd.f32 v47, v19  }
0x24d: {  	v49 =	vbroadcast v12, $0x9;
	v48 =	vbroadcast v11, $0x9  }
0x24e: {  	v52 =	vmul.f32 v50, v8;
	v19 =	vmax.f32 v20, v19  }
0x24f: {  	v51 =	vmul.f32 v49, v7;
	v22 =	vmul.f32 v48, v6;
	[tilespmem:v41+s2+$0x0] =	vst.idx.msk $0xffff, v19  }
0x250: {  	v53 =	vbroadcast v16, $0x9;
	v21 =	vld.idx.msk [tilespmem:v18+s13+$0x0], $0xffff  }
0x251: {  	v54 =	vadd.f32 v52, v9;
	v20 =	vadd.f32 v51, v22  }
0x252: {  	v19 =	vor.u32 v5, v53  }
0x253: {  	v57 =	vbroadcast v15, $0x9;
	v20 =	vadd.f32 v54, v20  }
0x254: {  	v56 =	vbroadcast v13, $0x9;
	v55 =	vbroadcast v10, $0x9  }
0x255: {  	v59 =	vmul.f32 v57, v8;
	v20 =	vmax.f32 v21, v20  }
0x256: {  	v58 =	vmul.f32 v56, v7;
	v22 =	vmul.f32 v55, v6;
	[tilespmem:v18+s13+$0x0] =	vst.idx.msk $0xffff, v20  }
0x257: {  	v60 =	vbroadcast v17, $0xA;
	v20 =	vld.idx.msk [tilespmem:v19+s7+$0x0], $0xffff  }
0x258: {  	v61 =	vadd.f32 v59, v9;
	v21 =	vadd.f32 v58, v22  }
0x259: {  	v18 =	vor.u32 v5, v60  }
0x25a: {  	v28 =	vbroadcast v14, $0xA;
	v21 =	vadd.f32 v61, v21  }
0x25b: {  	v63 =	vbroadcast v12, $0xA;
	v62 =	vbroadcast v11, $0xA  }
0x25c: {  	v30 =	vmul.f32 v28, v8;
	v20 =	vmax.f32 v20, v21  }
0x25d: {  	v29 =	vmul.f32 v63, v7;
	v22 =	vmul.f32 v62, v6;
	[tilespmem:v19+s7+$0x0] =	vst.idx.msk $0xffff, v20  }
0x25e: {  	v31 =	vbroadcast v16, $0xA;
	v20 =	vld.idx.msk [tilespmem:v18+s0+$0x0], $0xffff  }
0x25f: {  	v32 =	vadd.f32 v30, v9;
	v21 =	vadd.f32 v29, v22  }
0x260: {  	v19 =	vor.u32 v5, v31  }
0x261: {  	v34 =	vbroadcast v13, $0xA;
	v21 =	vadd.f32 v32, v21  }
0x262: {  	v35 =	vbroadcast v15, $0xA;
	v33 =	vbroadcast v10, $0xA  }
0x263: {  	v36 =	vmul.f32 v34, v7;
	v20 =	vmax.f32 v20, v21  }
0x264: {  	v37 =	vmul.f32 v35, v8;
	v22 =	vmul.f32 v33, v6;
	[tilespmem:v18+s0+$0x0] =	vst.idx.msk $0xffff, v20  }
0x265: {  	v38 =	vbroadcast v17, $0xB;
	v20 =	vld.idx.msk [tilespmem:v19+s2+$0x0], $0xffff  }
0x266: {  	v39 =	vadd.f32 v37, v9;
	v21 =	vadd.f32 v36, v22  }
0x267: {  	v18 =	vor.u32 v5, v38  }
0x268: {  	v42 =	vbroadcast v14, $0xB;
	v21 =	vadd.f32 v39, v21  }
0x269: {  	v40 =	vbroadcast v11, $0xB;
	v41 =	vbroadcast v12, $0xB  }
0x26a: {  	v44 =	vmul.f32 v42, v8;
	v20 =	vmax.f32 v20, v21  }
0x26b: {  	v43 =	vmul.f32 v41, v7;
	v22 =	vmul.f32 v40, v6;
	[tilespmem:v19+s2+$0x0] =	vst.idx.msk $0xffff, v20  }
0x26c: {  	v45 =	vbroadcast v16, $0xB;
	v20 =	vld.idx.msk [tilespmem:v18+s13+$0x0], $0xffff  }
0x26d: {  	v46 =	vadd.f32 v44, v9;
	v21 =	vadd.f32 v43, v22  }
0x26e: {  	v19 =	vor.u32 v5, v45  }
0x26f: {  	v48 =	vbroadcast v13, $0xB;
	v21 =	vadd.f32 v46, v21  }
0x270: {  	v49 =	vbroadcast v15, $0xB;
	v47 =	vbroadcast v10, $0xB  }
0x271: {  	v50 =	vmul.f32 v48, v7;
	v20 =	vmax.f32 v20, v21  }
0x272: {  	v51 =	vmul.f32 v49, v8;
	v22 =	vmul.f32 v47, v6;
	[tilespmem:v18+s13+$0x0] =	vst.idx.msk $0xffff, v20  }
0x273: {  	v52 =	vbroadcast v17, $0xC;
	v20 =	vld.idx.msk [tilespmem:v19+s7+$0x0], $0xffff  }
0x274: {  	v53 =	vadd.f32 v51, v9;
	v21 =	vadd.f32 v50, v22  }
0x275: {  	v18 =	vor.u32 v5, v52  }
0x276: {  	v55 =	vbroadcast v12, $0xC;
	v21 =	vadd.f32 v53, v21  }
0x277: {  	v56 =	vbroadcast v14, $0xC;
	v54 =	vbroadcast v11, $0xC  }
0x278: {  	v57 =	vmul.f32 v55, v7;
	v20 =	vmax.f32 v20, v21  }
0x279: {  	v58 =	vmul.f32 v56, v8;
	v22 =	vmul.f32 v54, v6;
	[tilespmem:v19+s7+$0x0] =	vst.idx.msk $0xffff, v20  }
0x27a: {  	v59 =	vbroadcast v16, $0xC;
	v20 =	vld.idx.msk [tilespmem:v18+s0+$0x0], $0xffff  }
0x27b: {  	v60 =	vadd.f32 v58, v9;
	v21 =	vadd.f32 v57, v22  }
0x27c: {  	v19 =	vor.u32 v5, v59  }
0x27d: {  	v63 =	vbroadcast v15, $0xC;
	v21 =	vadd.f32 v60, v21  }
0x27e: {  	v62 =	vbroadcast v13, $0xC;
	v61 =	vbroadcast v10, $0xC  }
0x27f: {  	v28 =	vmul.f32 v63, v8;
	v20 =	vmax.f32 v20, v21  }
0x280: {  	v27 =	vmul.f32 v62, v7;
	v22 =	vmul.f32 v61, v6;
	[tilespmem:v18+s0+$0x0] =	vst.idx.msk $0xffff, v20  }
0x281: {  	v29 =	vbroadcast v17, $0xD;
	v20 =	vld.idx.msk [tilespmem:v19+s2+$0x0], $0xffff  }
0x282: {  	v30 =	vadd.f32 v28, v9;
	v21 =	vadd.f32 v27, v22  }
0x283: {  	v18 =	vor.u32 v5, v29  }
0x284: {  	v33 =	vbroadcast v14, $0xD;
	v21 =	vadd.f32 v30, v21  }
0x285: {  	v31 =	vbroadcast v11, $0xD;
	v32 =	vbroadcast v12, $0xD  }
0x286: {  	v35 =	vmul.f32 v33, v8;
	v20 =	vmax.f32 v20, v21  }
0x287: {  	v34 =	vmul.f32 v32, v7;
	v22 =	vmul.f32 v31, v6;
	[tilespmem:v19+s2+$0x0] =	vst.idx.msk $0xffff, v20  }
0x288: {  	v36 =	vbroadcast v16, $0xD;
	v20 =	vld.idx.msk [tilespmem:v18+s13+$0x0], $0xffff  }
0x289: {  	v37 =	vadd.f32 v35, v9;
	v21 =	vadd.f32 v34, v22  }
0x28a: {  	v19 =	vor.u32 v5, v36  }
0x28b: {  	v40 =	vbroadcast v15, $0xD;
	v21 =	vadd.f32 v37, v21  }
0x28c: {  	v38 =	vbroadcast v10, $0xD;
	v39 =	vbroadcast v13, $0xD  }
0x28d: {  	v42 =	vmul.f32 v40, v8;
	v20 =	vmax.f32 v20, v21  }
0x28e: {  	v41 =	vmul.f32 v39, v7;
	v22 =	vmul.f32 v38, v6;
	[tilespmem:v18+s13+$0x0] =	vst.idx.msk $0xffff, v20  }
0x28f: {  	v43 =	vbroadcast v17, $0xE;
	v20 =	vld.idx.msk [tilespmem:v19+s7+$0x0], $0xffff  }
0x290: {  	v44 =	vadd.f32 v42, v9;
	v21 =	vadd.f32 v41, v22  }
0x291: {  	v18 =	vor.u32 v5, v43  }
0x292: {  	v47 =	vbroadcast v14, $0xE;
	v21 =	vadd.f32 v44, v21  }
0x293: {  	v45 =	vbroadcast v11, $0xE;
	v46 =	vbroadcast v12, $0xE  }
0x294: {  	v49 =	vmul.f32 v47, v8;
	v20 =	vmax.f32 v20, v21  }
0x295: {  	v48 =	vmul.f32 v46, v7;
	v22 =	vmul.f32 v45, v6;
	[tilespmem:v19+s7+$0x0] =	vst.idx.msk $0xffff, v20  }
0x296: {  	v50 =	vbroadcast v16, $0xE;
	v20 =	vld.idx.msk [tilespmem:v18+s0+$0x0], $0xffff  }
0x297: {  	v51 =	vadd.f32 v49, v9;
	v21 =	vadd.f32 v48, v22  }
0x298: {  	v19 =	vor.u32 v5, v50  }
0x299: {  	v54 =	vbroadcast v15, $0xE;
	v21 =	vadd.f32 v51, v21  }
0x29a: {  	v52 =	vbroadcast v10, $0xE;
	v53 =	vbroadcast v13, $0xE  }
0x29b: {  	v56 =	vmul.f32 v54, v8;
	v20 =	vmax.f32 v20, v21  }
0x29c: {  	v55 =	vmul.f32 v53, v7;
	v22 =	vmul.f32 v52, v6;
	[tilespmem:v18+s0+$0x0] =	vst.idx.msk $0xffff, v20  }
0x29d: {  	v17 =	vbroadcast v17, $0xF;
	v18 =	vld.idx.msk [tilespmem:v19+s2+$0x0], $0xffff  }
0x29e: {  	v58 =	vadd.f32 v56, v9;
	v57 =	vadd.f32 v55, v22  }
0x29f: {  	v17 =	vor.u32 v5, v17  }
0x2a0: {  	v14 =	vbroadcast v14, $0xF;
	v20 =	vadd.f32 v58, v57  }
0x2a1: {  	v11 =	vbroadcast v11, $0xF;
	v12 =	vbroadcast v12, $0xF  }
0x2a2: {  	v14 =	vmul.f32 v14, v8;
	v18 =	vmax.f32 v18, v20  }
0x2a3: {  	v11 =	vmul.f32 v11, v6;
	v12 =	vmul.f32 v12, v7;
	[tilespmem:v19+s2+$0x0] =	vst.idx.msk $0xffff, v18  }
0x2a4: {  	v16 =	vbroadcast v16, $0xF;
	v18 =	vld.idx.msk [tilespmem:v17+s13+$0x0], $0xffff  }
0x2a5: {  	v11 =	vadd.f32 v12, v11;
	v59 =	vadd.f32 v14, v9  }
0x2a6: {  	v60 =	vor.u32 v5, v16  }
0x2a7: {  	v10 =	vbroadcast v10, $0xF;
	v11 =	vadd.f32 v59, v11  }
0x2a8: {  	v62 =	vbroadcast v15, $0xF;
	v61 =	vbroadcast v13, $0xF  }
0x2a9: {  	v10 =	vmul.f32 v10, v6;
	v11 =	vmax.f32 v18, v11  }
0x2aa: {  	v13 =	vmul.f32 v62, v8;
	v12 =	vmul.f32 v61, v7;
	[tilespmem:v17+s13+$0x0] =	vst.idx.msk $0xffff, v11  }
0x2ab: {  	v11 =	vld.idx.msk [tilespmem:v60+s7+$0x0], $0xffff  }
0x2ac: {  	p0 =	sne.s32 s23, $0xFC0;
	v63 =	vadd.f32 v13, v9;
	v10 =	vadd.f32 v12, v10  }
.Ltmp4:
0x2ad: {  	_ = 	snop;
	(pc) =	sbr.rel @p0 .LBB2_9-.Ltmp4, $3  }
0x2ae: {  	v10 =	vadd.f32 v63, v10;
	_ =	sdelay $0x1  }
0x2af: {  	v10 =	vmax.f32 v11, v10  }
0x2b0: {  	s23 =	sadd.s32 $0x40, s23;
	[tilespmem:v60+s7+$0x0] =	vst.idx.msk $0xffff, v10  }
0x2b1: {  	s9 =	sadd.s32 $0x1, s9  }
0x2b2: {  	p0 =	sne.s32 s9, s12  }
.Ltmp5:
0x2b3: {  	_ = 	snop;
	(pc) =	sbr.rel @p0 .LBB2_6-.Ltmp5, $1  }
0x2b4: {  	_ =	sdelay $0x3  }
.LBB2_11:
0x2b5: {  	_ =	swait.ge [sflag:s14], $0x400  }
0x2b6: {  	[sflag:s14] =	ssyncset.done $0x0  }
0x2b7: {  	[sflag:s14] =	ssyncadd.s32 $0xFFFFFC00  }
0x2b8: {  	_ =	swait.ge [sflag:s14], $0x400  }
0x2b9: {  	[sflag:s14] =	ssyncset.done $0x0  }
0x2ba: {  	[sflag:s14] =	ssyncadd.s32 $0xFFFFFC00  }
0x2bb: {  	_ =	swait.ge [sflag:s14], $0x400  }
0x2bc: {  	[sflag:s14] =	ssyncset.done $0x0  }
0x2bd: {  	[sflag:s14] =	ssyncadd.s32 $0xFFFFFC00  }
0x2be: {  	_ =	swait.ge [sflag:s14], $0x400  }
0x2bf: {  	[sflag:s14] =	ssyncset.done $0x0  }
0x2c0: {  	[sflag:s14] =	ssyncadd.s32 $0xFFFFFC00  }
0x2c1: {  	_ =	swait.ge [sflag:s14], $0x400  }
0x2c2: {  	[sflag:s14] =	ssyncset.done $0x0  }
0x2c3: {  	[sflag:s14] =	ssyncadd.s32 $0xFFFFFC00  }
0x2c4: {  	_ =	swait.ge [sflag:s14], $0x400  }
0x2c5: {  	[sflag:s14] =	ssyncset.done $0x0  }
0x2c6: {  	[sflag:s14] =	ssyncadd.s32 $0xFFFFFC00  }
0x2c7: {  	_ =	swait.ge [sflag:s14], $0x400  }
0x2c8: {  	[sflag:s14] =	ssyncset.done $0x0  }
0x2c9: {  	[sflag:s14] =	ssyncadd.s32 $0xFFFFFC00  }
0x2ca: {  	_ =	swait.ge [sflag:s14], $0x400  }
0x2cb: {  	[sflag:s14] =	ssyncset.done $0x0  }
0x2cc: {  	s3 =	simm.s32 $0x0;
	[sflag:s14] =	ssyncadd.s32 $0xFFFFFC00  }
0x2cd: {  	v12 =	vld [tilespmem:s3+$0xB880]  }
0x2ce: {  	v14 =	vld [tilespmem:s3+$0x17C80]  }
0x2cf: {  	v11 =	vld [tilespmem:s3+$0xB890]  }
0x2d0: {  	v10 =	vld [tilespmem:s3+$0x17C90]  }
0x2d1: {  	v9 =	vld [tilespmem:s3+$0xB8A0]  }
0x2d2: {  	v8 =	vld [tilespmem:s3+$0x17CA0]  }
0x2d3: {  	v7 =	vld [tilespmem:s3+$0xB8B0]  }
0x2d4: {  	v6 =	vld [tilespmem:s3+$0x17CB0]  }
0x2d5: {  	v17 =	vld [tilespmem:s3+$0x5680]  }
0x2d6: {  	v18 =	vld [tilespmem:s3+$0x11A80]  }
0x2d7: {  	v16 =	vld [tilespmem:s3+$0x5690]  }
0x2d8: {  	v15 =	vld [tilespmem:s3+$0x11A90]  }
0x2d9: {  	v13 =	vld [tilespmem:s3+$0x56A0]  }
0x2da: {  	v17 =	vmax.f32 v17, v12;
	v12 =	vld [tilespmem:s3+$0x11AA0]  }
0x2db: {  	s9 =	simm.s32 $0x100;
	[tilespmem:s3+$0x5680] =	vst v17;
	v17 =	vmax.f32 v18, v14;
	v14 =	vld [tilespmem:s3+$0x56B0]  }
.LBB2_12:
0x2dc: {  	s10 =	sshra.s32 s9, $0x2;
	p0 =	sne.s32 s9, $0x18700;
	[tilespmem:s3+$0x11A80] =	vst v17;
	v11 =	vmax.f32 v16, v11;
	v16 =	vld [tilespmem:s3+$0x11AB0]  }
0x2dd: {  	v17 =	vld [tilespmem:s10+$0xB880];
	[tilespmem:s3+$0x5690] =	vst v11;
	v10 =	vmax.f32 v15, v10  }
0x2de: {  	v18 =	vld [tilespmem:s10+$0x17C80];
	[tilespmem:s3+$0x11A90] =	vst v10;
	v9 =	vmax.f32 v13, v9  }
0x2df: {  	v11 =	vld [tilespmem:s10+$0xB890];
	[tilespmem:s3+$0x56A0] =	vst v9;
	v8 =	vmax.f32 v12, v8  }
0x2e0: {  	v10 =	vld [tilespmem:s10+$0x17C90];
	[tilespmem:s3+$0x11AA0] =	vst v8;
	v7 =	vmax.f32 v14, v7  }
0x2e1: {  	v9 =	vld [tilespmem:s10+$0xB8A0];
	[tilespmem:s3+$0x56B0] =	vst v7;
	v6 =	vmax.f32 v16, v6  }
0x2e2: {  	v8 =	vld [tilespmem:s10+$0x17CA0];
	[tilespmem:s3+$0x11AB0] =	vst v6;
	s3 =	smov.u32 s10  }
0x2e3: {  	v7 =	vld [tilespmem:s3+$0xB8B0]  }
0x2e4: {  	v6 =	vld [tilespmem:s3+$0x17CB0]  }
0x2e5: {  	v12 =	vld [tilespmem:s3+$0x5680]  }
0x2e6: {  	v14 =	vld [tilespmem:s3+$0x11A80]  }
.Ltmp6:
0x2e7: {  	v16 =	vld [tilespmem:s3+$0x5690];
	(pc) =	sbr.rel @p0 .LBB2_12-.Ltmp6, $4  }
0x2e8: {  	v15 =	vld [tilespmem:s3+$0x11A90]  }
0x2e9: {  	v13 =	vld [tilespmem:s3+$0x56A0]  }
0x2ea: {  	v17 =	vmax.f32 v12, v17;
	v12 =	vld [tilespmem:s3+$0x11AA0]  }
0x2eb: {  	s9 =	sadd.s32 $0x100, s9;
	[tilespmem:s3+$0x5680] =	vst v17;
	v17 =	vmax.f32 v14, v18;
	v14 =	vld [tilespmem:s3+$0x56B0]  }
0x2ec: {  	[tilespmem:s3+$0x11A80] =	vst v17;
	v11 =	vmax.f32 v16, v11;
	v63 =	vld [tilespmem:s3+$0x11AB0]  }
0x2ed: {  	[tilespmem:s3+$0x5690] =	vst v11;
	v10 =	vmax.f32 v15, v10  }
0x2ee: {  	[tilespmem:s3+$0x11A90] =	vst v10;
	v9 =	vmax.f32 v13, v9  }
0x2ef: {  	[tilespmem:s3+$0x56A0] =	vst v9;
	v8 =	vmax.f32 v12, v8  }
0x2f0: {  	[tilespmem:s3+$0x11AA0] =	vst v8;
	v7 =	vmax.f32 v14, v7  }
0x2f1: {  	[tilespmem:s3+$0x56B0] =	vst v7;
	v6 =	vmax.f32 v63, v6  }
0x2f2: {  	s10 =	simm.s32 $0x0;
	s25 =	rddreg [dreg:$0x6];
	s11 =	simm.s32 $0x3;
	[tilespmem:s3+$0x11AB0] =	vst v6  }
0x2f3: {  	[hbm4b:s25+s10] =	stream.linear.scatter [tilespmem:s0], [sflag:$0x3], $0x61B0, $0x38;
	[tilespmem:$0x1DE80] =	vst v63  }
0x2f4: {  	_ =	swait.ge [sflag:s11], $0x61B0  }
0x2f5: {  	[sflag:s11] =	ssyncset.done $0x0  }
0x2f6: {  	s26 =	rddreg [dreg:$0x7];
	[sflag:s11] =	ssyncadd.s32 $0xFFFF9E50  }
0x2f7: {  	[hbm4b:s26+s10] =	stream.linear.scatter [tilespmem:s2], [sflag:$0x3], $0x61A0, $0x38;
	[tilespmem:$0x1DE80] =	vst v63  }
0x2f8: {  	_ =	swait.ge [sflag:s11], $0x61A0  }
0x2f9: {  	s9 =	rddreg [dreg:$0x9]  }
0x2fa: {  	s28 =	rddreg [dreg:$0x8];
	s9 =	sadd.s32 $0x1, s9  }
0x2fb: {  	p0 =	sne.s32 s9, s28  }
.Ltmp7:
0x2fc: {  	_ = 	snop;
	(pc) =	sbr.rel @p0 .LBB2_1-.Ltmp7, $3  }
0x2fd: {  	_ =	sdelay $0x1  }
0x2fe: {  	[sflag:s11] =	ssyncset.done $0x0  }
0x2ff: {  	[sflag:s11] =	ssyncadd.s32 $0xFFFF9E60  }
0x300: {  	_ =	sfence.sel $0x180000  }
0x301: {  	[bflag:$0x0] =	sbarrier.arrive $0xFFFF  }
0x302: {  	_ =	strace $0x90000047  }
0x303: {  	s0 =	stileid.u32;
	[bflag:$0x2] =	sbarrier.arrive $0xFFFF  }
0x304: {  	p0 =	sne.s32 s0, $0x0;
	s0 =	rddreg [dreg:$0x3]  }
0x305: {  	s0 =	sadd.s32 @!p0 $0x100000, s0  }
0x306: {  	[sflag:s0] =	ssyncadd.tile.s32 @!p0 $0x1;
	_ =	shalt  }
.Lfunc_end2:
_tile_overlayer_lowered:
.L_overlay_start_2:
0x307: {  	(tag) =	ssettag $0x2  }
0x308: {  	s0 =	rddreg [dreg:$0x0];
	s2 =	stileid.u32  }
0x309: {  	s1 =	rddreg [dreg:$0x1];
	p0 =	sne.s32 s2, $0x0  }
0x30a: {  	s3 =	rddreg [dreg:$0x2];
	[bflag:$0x3] =	sbarrier.arrive $0xFFFF;
	s2 =	simm.s32 @!p0 $0x1C03  }
0x30b: {  	[timem:s3], [sflag:s2] =	dma.local @!p0 [hbm:s0], s1  }
0x30c: {  	s0 =	simm.s32 @!p0 $0x3  }
0x30d: {  	_ =	swait.ge @!p0 [sflag:s0], s1  }
0x30e: {  	s1 =	ssub.s32 @!p0 $0x0, s1;
	[sflag:s0] =	ssyncset.done @!p0 $0x0  }
0x30f: {  	[sflag:s0] =	ssyncadd.s32 @!p0 s1  }
0x310: {  	[bflag:$0x3] =	sbarrier.arrive $0xFFFF  }
0x311: {  	_ =	shalt  }

</sc_bundles>
